<compile_context>
chip_gen: v7x
topology: tpu7x:2x2x1
jax: 0.10.2.dev20260603
libtpu: 0.0.44.dev20260713+nightly
codegen_flags: <defaults>
</compile_context>

<pallas_src>
import functools

import jax
import jax.numpy as jnp
from jax import lax
from jax.experimental import pallas as pl
from jax.experimental.pallas import tpu as pltpu
from jax.experimental.pallas import tpu_sc as plsc

N = 10000
D = 128
E = 320000
L = 3

NUM_SC = 2
NUM_TILES = 16

CH = 80
K = 2
R0 = 64
R1 = 64
RTOT = R0 + R1
E_PAD = NUM_TILES * RTOT * K * CH
N_PAD = 10112
RPT = N_PAD // NUM_TILES
NZF = RPT // CH
NZT = RPT - NZF * CH


def _sc_segment_sum(m, idx5):
    mesh = plsc.VectorSubcoreMesh(core_axis_name="c", subcore_axis_name="s")

    @functools.partial(
        pl.kernel,
        out_type=jax.ShapeDtypeStruct((NUM_SC, N_PAD, D), jnp.float32),
        mesh=mesh,
        scratch_types=[
            [pltpu.VMEM((2, K, CH), jnp.int32) for _ in range(4)],
            [pltpu.VMEM((CH, D), jnp.float32) for _ in range(2 * K)],
            pltpu.VMEM_SHARED((N_PAD, D), jnp.float32),
            [pltpu.SemaphoreType.DMA for _ in range(2 * K)],
            [pltpu.SemaphoreType.DMA for _ in range(2 * K)],
            [pltpu.SemaphoreType.DMA for _ in range(4)],
            pltpu.SemaphoreType.DMA,
        ],
    )
    def kernel_fn(m_hbm, idx_hbm, out_hbm, irb, rows, acc, gs, ss, isem, zsem):
        cid = lax.axis_index("c")
        sid = lax.axis_index("s")
        rbase = cid * R0
        nrounds = jnp.where(cid == 0, R0, R1)

        pltpu.async_copy(idx_hbm.at[sid, rbase + 0], irb[0], isem[0])
        pltpu.async_copy(idx_hbm.at[sid, rbase + 1], irb[1], isem[1])

        zbuf = rows[K]
        @pl.loop(0, CH)
        def _(r):
            @pl.loop(0, D, step=16)
            def _(c):
                zbuf[r, pl.ds(c, 16)] = jnp.zeros((16,), jnp.float32)

        for z in range(NZF):
            pltpu.async_copy(zbuf, acc.at[pl.ds(sid * RPT + z * CH, CH)], zsem)
        pltpu.async_copy(zbuf.at[pl.ds(0, NZT)],
                         acc.at[pl.ds(sid * RPT + NZF * CH, NZT)], zsem)

        pltpu.make_async_copy(idx_hbm.at[sid, rbase + 0], irb[0], isem[0]).wait()
        for k in range(K):
            pltpu.async_copy(m_hbm.at[irb[0].at[0, k]], rows[k], gs[k])

        for z in range(NZF):
            pltpu.make_async_copy(
                zbuf, acc.at[pl.ds(sid * RPT + z * CH, CH)], zsem).wait()
        pltpu.make_async_copy(zbuf.at[pl.ds(0, NZT)],
                              acc.at[pl.ds(sid * RPT + NZF * CH, NZT)],
                              zsem).wait()
        plsc.subcore_barrier()

        def round_body(jj, u):
            cur = (u % 2) * K
            nxt = K - cur
            ir_cur = u % 4
            ir_nxt = (u + 1) % 4
            ir_prev = (u + 3) % 4
            ir_load = (u + 2) % 4

            for k in range(K):
                pltpu.make_async_copy(
                    m_hbm.at[irb[ir_cur].at[0, k]], rows[cur + k],
                    gs[cur + k]).wait()
                pltpu.async_copy(rows[cur + k],
                                 acc.at[irb[ir_cur].at[1, k]],
                                 ss[cur + k], add=True)

            @pl.when(jj + 2 <= nrounds - 1)
            def _():
                pltpu.async_copy(idx_hbm.at[sid, rbase + jj + 2], irb[ir_load],
                                 isem[ir_load])

            @pl.when(jj >= 1)
            def _():
                for k in range(K):
                    pltpu.make_async_copy(
                        rows[nxt + k], acc.at[irb[ir_prev].at[1, k]],
                        ss[nxt + k]).wait()

            @pl.when(jj + 1 <= nrounds - 1)
            def _():
                pltpu.make_async_copy(idx_hbm.at[sid, rbase + jj + 1],
                                      irb[ir_nxt], isem[ir_nxt]).wait()
                for k in range(K):
                    pltpu.async_copy(m_hbm.at[irb[ir_nxt].at[0, k]],
                                     rows[nxt + k], gs[nxt + k])

        @pl.loop(0, nrounds, step=4)
        def _(j):
            for u in range(4):
                round_body(j + u, u)

        for k in range(K):
            pltpu.make_async_copy(
                rows[K + k], acc.at[irb[3].at[1, k]], ss[K + k]).wait()

        plsc.subcore_barrier()

        pltpu.sync_copy(
            acc.at[pl.ds(sid * RPT, RPT)],
            out_hbm.at[cid, pl.ds(sid * RPT, RPT)])

    return kernel_fn(m, idx5)


def _mm_body(h_ref, w_ref, o_ref):
    o_ref[...] = jnp.dot(h_ref[...], w_ref[...],
                         preferred_element_type=jnp.float32)


def _matmul(h, w):
    blk = 1000
    return pl.pallas_call(
        _mm_body,
        grid=(N // blk,),
        in_specs=[
            pl.BlockSpec((blk, D), lambda i: (i, 0)),
            pl.BlockSpec((D, D), lambda i: (0, 0)),
        ],
        out_specs=pl.BlockSpec((blk, D), lambda i: (i, 0)),
        out_shape=jax.ShapeDtypeStruct((N, D), jnp.float32),
    )(h, w)


def _gh_body(h_ref, whh_ref, bhh_ref, o_ref):
    o_ref[...] = jnp.dot(h_ref[...], whh_ref[...],
                         preferred_element_type=jnp.float32) + bhh_ref[...]


def _gh(h, w_hh_t, b_hh2):
    blk = 1000
    return pl.pallas_call(
        _gh_body,
        grid=(N // blk,),
        in_specs=[
            pl.BlockSpec((blk, D), lambda i: (i, 0)),
            pl.BlockSpec((D, 3 * D), lambda i: (0, 0)),
            pl.BlockSpec((1, 3 * D), lambda i: (0, 0)),
        ],
        out_specs=pl.BlockSpec((blk, 3 * D), lambda i: (i, 0)),
        out_shape=jax.ShapeDtypeStruct((N, 3 * D), jnp.float32),
    )(h, w_hh_t, b_hh2)


def _gru_body(p_ref, h_ref, gh_ref, wih_ref, bih_ref, o_ref):
    agg = p_ref[0] + p_ref[1]
    h = h_ref[...]
    gh = gh_ref[...]
    gi = jnp.dot(agg, wih_ref[...],
                 preferred_element_type=jnp.float32) + bih_ref[...]
    r = jax.nn.sigmoid(gi[:, 0:D] + gh[:, 0:D])
    z = jax.nn.sigmoid(gi[:, D:2 * D] + gh[:, D:2 * D])
    n = jnp.tanh(gi[:, 2 * D:3 * D] + r * gh[:, 2 * D:3 * D])
    o_ref[...] = (1.0 - z) * n + z * h


def _gru(partials, h, gh, w_ih_t, b_ih2):
    blk = 1000
    return pl.pallas_call(
        _gru_body,
        grid=(N // blk,),
        in_specs=[
            pl.BlockSpec((NUM_SC, blk, D), lambda i: (0, i, 0)),
            pl.BlockSpec((blk, D), lambda i: (i, 0)),
            pl.BlockSpec((blk, 3 * D), lambda i: (i, 0)),
            pl.BlockSpec((D, 3 * D), lambda i: (0, 0)),
            pl.BlockSpec((1, 3 * D), lambda i: (0, 0)),
        ],
        out_specs=pl.BlockSpec((blk, D), lambda i: (i, 0)),
        out_shape=jax.ShapeDtypeStruct((N, D), jnp.float32),
    )(partials, h, gh, w_ih_t, b_ih2)


def kernel(x, edge_index, weight, w_ih, w_hh, b_ih, b_hh):
    src = edge_index[0].astype(jnp.int32)
    dst = edge_index[1].astype(jnp.int32)
    pad = E_PAD - E
    pad_iota = jnp.arange(pad, dtype=jnp.int32)
    src_p = jnp.concatenate([src, pad_iota % N])
    dst_p = jnp.concatenate([dst, N + pad_iota % (N_PAD - N)])
    idx5 = jnp.stack([src_p, dst_p]).reshape(2, NUM_TILES, RTOT, K, CH)
    idx5 = jnp.transpose(idx5, (1, 2, 0, 3, 4))

    w_ih_t = w_ih.T
    w_hh_t = w_hh.T
    b_ih2 = b_ih.reshape(1, 3 * D)
    b_hh2 = b_hh.reshape(1, 3 * D)

    h = x
    for i in range(L):
        m = _matmul(h, weight[i])
        gh = _gh(h, w_hh_t, b_hh2)
        partials = _sc_segment_sum(m, idx5)
        h = _gru(partials, h, gh, w_ih_t, b_ih2)
    return h

# --- scband reference (transcript-rebuilt; emitter-appended) ---
"""Pipeline reference for scband-ggneural-net-5093831213300 (READ-ONLY COPY).

The authoritative reference and input builder live on the scoring server;
editing this copy changes nothing except your own understanding.
"""

import jax, jax.numpy as jnp
import numpy as np

N = 10000
D = 128
E = 320000
L = 3


def setup_inputs(seed: int = 0) -> dict:
    key = jax.random.key(seed)
    ks = jax.random.split(key, 7)
    x = jax.random.normal(ks[0], (N, D), dtype=jnp.float32)
    edge_index = jax.random.randint(ks[1], (2, E), 0, N)
    scale = 1.0 / np.sqrt(D)
    weight = jax.random.normal(ks[2], (L, D, D), dtype=jnp.float32) * scale
    w_ih = jax.random.normal(ks[3], (3 * D, D), dtype=jnp.float32) * scale
    w_hh = jax.random.normal(ks[4], (3 * D, D), dtype=jnp.float32) * scale
    b_ih = jax.random.normal(ks[5], (3 * D,), dtype=jnp.float32) * scale
    b_hh = jax.random.normal(ks[6], (3 * D,), dtype=jnp.float32) * scale
    return {"x": x, "edge_index": edge_index, "weight": weight,
            "w_ih": w_ih, "w_hh": w_hh, "b_ih": b_ih, "b_hh": b_hh}


def _gru_cell(inp, h, w_ih, w_hh, b_ih, b_hh):
    # torch.nn.GRUCell semantics
    gi = inp @ w_ih.T + b_ih
    gh = h @ w_hh.T + b_hh
    i_r, i_z, i_n = jnp.split(gi, 3, axis=-1)
    h_r, h_z, h_n = jnp.split(gh, 3, axis=-1)
    r = jax.nn.sigmoid(i_r + h_r)
    z = jax.nn.sigmoid(i_z + h_z)
    n = jnp.tanh(i_n + r * h_n)
    return (1.0 - z) * n + z * h


def reference(x, edge_index, weight, w_ih, w_hh, b_ih, b_hh):
    # GatedGraphConv: out_channels == in_channels == D, num_edge_types=1, aggr='add'
    src = edge_index[0]
    dst = edge_index[1]
    h = x
    for i in range(L):
        m = h @ weight[i]                    # [N, D] transform per layer
        msgs = jnp.take(m, src, axis=0)      # gather messages at source nodes
        agg = jax.ops.segment_sum(msgs, dst, num_segments=N)  # scatter-add to dst
        h = _gru_cell(agg, h, w_ih, w_hh, b_ih, b_hh)
    return h

if __name__ == "__main__":
    import jax
    _d = setup_inputs()
    print(jax.jit(kernel)(*tuple(_d.values())))

</pallas_src>

<mosaic_0001>
#map = affine_map<(d0, d1) -> (0, 0)>
#map1 = affine_map<(d0, d1) -> (0, 0, 0, 0, 0)>
#map2 = affine_map<(d0, d1) -> (0, 0, 0)>
module attributes {stable_mosaic.version = 14 : i64} {
  func.func @kernel_fn(%arg0: i32, %arg1: i32, %arg2: memref<10000x128xf32, #tpu.memory_space<hbm>>, %arg3: memref<16x128x2x2x80xi32, #tpu.memory_space<hbm>>, %arg4: memref<2x10112x128xf32, #tpu.memory_space<hbm>>, %arg5: memref<2x2x80xi32, #tpu.memory_space<vmem>>, %arg6: memref<2x2x80xi32, #tpu.memory_space<vmem>>, %arg7: memref<2x2x80xi32, #tpu.memory_space<vmem>>, %arg8: memref<2x2x80xi32, #tpu.memory_space<vmem>>, %arg9: memref<80x128xf32, #tpu.memory_space<vmem>>, %arg10: memref<80x128xf32, #tpu.memory_space<vmem>>, %arg11: memref<80x128xf32, #tpu.memory_space<vmem>>, %arg12: memref<80x128xf32, #tpu.memory_space<vmem>>, %arg13: memref<10112x128xf32, #tpu.memory_space<vmem_shared>>, %arg14: memref<!tpu.dma_semaphore, #tpu.memory_space<semaphore_mem>>, %arg15: memref<!tpu.dma_semaphore, #tpu.memory_space<semaphore_mem>>, %arg16: memref<!tpu.dma_semaphore, #tpu.memory_space<semaphore_mem>>, %arg17: memref<!tpu.dma_semaphore, #tpu.memory_space<semaphore_mem>>, %arg18: memref<!tpu.dma_semaphore, #tpu.memory_space<semaphore_mem>>, %arg19: memref<!tpu.dma_semaphore, #tpu.memory_space<semaphore_mem>>, %arg20: memref<!tpu.dma_semaphore, #tpu.memory_space<semaphore_mem>>, %arg21: memref<!tpu.dma_semaphore, #tpu.memory_space<semaphore_mem>>, %arg22: memref<!tpu.dma_semaphore, #tpu.memory_space<semaphore_mem>>, %arg23: memref<!tpu.dma_semaphore, #tpu.memory_space<semaphore_mem>>, %arg24: memref<!tpu.dma_semaphore, #tpu.memory_space<semaphore_mem>>, %arg25: memref<!tpu.dma_semaphore, #tpu.memory_space<semaphore_mem>>, %arg26: memref<!tpu.dma_semaphore, #tpu.memory_space<semaphore_mem>>) attributes {dimension_semantics = [#tpu.dimension_semantics<core_parallel>, #tpu.dimension_semantics<subcore_parallel>], iteration_bounds = array<i64: 2, 16>, scalar_prefetch = 0 : i64, scratch_operands = 22 : i64, tpu.core_type = #tpu.core_type<sc_vector_subcore>, window_params = [{transform_indices = #map}, {transform_indices = #map1}, {transform_indices = #map2}]} {
    %mul3A = arith.constant 64 : i32
    %mul3A_0 = arith.muli %arg0, %mul3A : i32
    %eq3A = arith.constant 0 : i32
    %eq3A_1 = arith.cmpi eq, %arg0, %eq3A : i32
    %jit3A = arith.constant 64 : i32
    %jit3A_2 = arith.constant 64 : i32
    %select_n3A = arith.select %eq3A_1, %jit3A, %jit3A_2 : i32
    %add3A = arith.constant 0 : i32
    %add3A_3 = arith.addi %mul3A_0, %add3A : i32
    %dma_start3A = arith.constant 0 : i32
    %dma_start3A_4 = arith.constant 0 : i32
    %dma_start3A_5 = arith.constant 0 : i32
    %dma_start3A_6 = tpu.memref_slice %arg3[%arg1, %add3A_3, %dma_start3A, %dma_start3A_4, %dma_start3A_5] : memref<16x128x2x2x80xi32, #tpu.memory_space<hbm>> -> memref<1x1x2x2x80xi32, #tpu.memory_space<hbm>>
    %dma_start3A_7 = tpu.memref_squeeze %dma_start3A_6 : memref<1x1x2x2x80xi32, #tpu.memory_space<hbm>> -> memref<2x2x80xi32, #tpu.memory_space<hbm>>
    %dma_start3A_8 = arith.constant 0 : i32
    %dma_start3A_9 = arith.constant 0 : i32
    %dma_start3A_10 = arith.constant 0 : i32
    %dma_start3A_11 = tpu.memref_slice %arg3[%arg1, %add3A_3, %dma_start3A_8, %dma_start3A_9, %dma_start3A_10] : memref<16x128x2x2x80xi32, #tpu.memory_space<hbm>> -> memref<1x1x2x2x80xi32, #tpu.memory_space<hbm>>
    %dma_start3A_12 = tpu.memref_squeeze %dma_start3A_11 : memref<1x1x2x2x80xi32, #tpu.memory_space<hbm>> -> memref<2x2x80xi32, #tpu.memory_space<hbm>>
    tpu.enqueue_dma source(%dma_start3A_12 : memref<2x2x80xi32, #tpu.memory_space<hbm>>) target(%arg5 : memref<2x2x80xi32, #tpu.memory_space<vmem>>) target_semaphore(%arg22 : memref<!tpu.dma_semaphore, #tpu.memory_space<semaphore_mem>>)
    %add3A_13 = arith.constant 1 : i32
    %add3A_14 = arith.addi %mul3A_0, %add3A_13 : i32
    %dma_start3A_15 = arith.constant 0 : i32
    %dma_start3A_16 = arith.constant 0 : i32
    %dma_start3A_17 = arith.constant 0 : i32
    %dma_start3A_18 = tpu.memref_slice %arg3[%arg1, %add3A_14, %dma_start3A_15, %dma_start3A_16, %dma_start3A_17] : memref<16x128x2x2x80xi32, #tpu.memory_space<hbm>> -> memref<1x1x2x2x80xi32, #tpu.memory_space<hbm>>
    %dma_start3A_19 = tpu.memref_squeeze %dma_start3A_18 : memref<1x1x2x2x80xi32, #tpu.memory_space<hbm>> -> memref<2x2x80xi32, #tpu.memory_space<hbm>>
    %dma_start3A_20 = arith.constant 0 : i32
    %dma_start3A_21 = arith.constant 0 : i32
    %dma_start3A_22 = arith.constant 0 : i32
    %dma_start3A_23 = tpu.memref_slice %arg3[%arg1, %add3A_14, %dma_start3A_20, %dma_start3A_21, %dma_start3A_22] : memref<16x128x2x2x80xi32, #tpu.memory_space<hbm>> -> memref<1x1x2x2x80xi32, #tpu.memory_space<hbm>>
    %dma_start3A_24 = tpu.memref_squeeze %dma_start3A_23 : memref<1x1x2x2x80xi32, #tpu.memory_space<hbm>> -> memref<2x2x80xi32, #tpu.memory_space<hbm>>
    tpu.enqueue_dma source(%dma_start3A_24 : memref<2x2x80xi32, #tpu.memory_space<hbm>>) target(%arg6 : memref<2x2x80xi32, #tpu.memory_space<vmem>>) target_semaphore(%arg23 : memref<!tpu.dma_semaphore, #tpu.memory_space<semaphore_mem>>)
    %scan3A = arith.constant 0 : i32
    %scan3A_25 = arith.constant 80 : i32
    %scan3A_26 = arith.addi %scan3A, %scan3A_25 : i32
    %scan3A_27 = arith.constant 1 : i32
    scf.for %scan3A_233 = %scan3A to %scan3A_26 step %scan3A_27  : i32 {
      %mul3A_234 = arith.constant 1 : i32
      %mul3A_235 = arith.muli %scan3A_233, %mul3A_234 : i32
      %add3A_236 = arith.constant 0 : i32
      %add3A_237 = arith.addi %add3A_236, %mul3A_235 : i32
      %scan3A_238 = arith.constant 0 : i32
      %scan3A_239 = arith.constant 8 : i32
      %scan3A_240 = arith.addi %scan3A_238, %scan3A_239 : i32
      %scan3A_241 = arith.constant 1 : i32
      scf.for %scan3A_243 = %scan3A_238 to %scan3A_240 step %scan3A_241  : i32 {
        %mul3A_244 = arith.constant 16 : i32
        %mul3A_245 = arith.muli %scan3A_243, %mul3A_244 : i32
        %add3A_246 = arith.constant 0 : i32
        %add3A_247 = arith.addi %add3A_246, %mul3A_245 : i32
        %broadcast_in_dim3A = arith.constant 0.000000e+00 : f32
        %broadcast_in_dim3A_248 = vector.broadcast %broadcast_in_dim3A : f32 to vector<16xf32>
        %swap3A = arith.index_cast %add3A_237 : i32 to index
        %swap3A_249 = arith.index_cast %add3A_247 : i32 to index
        %swap3A_250 = tpu.vector_load %arg11[%swap3A, %swap3A_249] {strides = array<i32>} : memref<80x128xf32, #tpu.memory_space<vmem>>, vector<1x16xf32>,
        %swap3A_251 = vector.shape_cast %swap3A_250 : vector<1x16xf32> to vector<16xf32>
        %swap3A_252 = vector.shape_cast %broadcast_in_dim3A_248 : vector<16xf32> to vector<1x16xf32>
        tpu.vector_store %arg11[%swap3A, %swap3A_249], %swap3A_252 {strides = array<i32>} : memref<80x128xf32, #tpu.memory_space<vmem>>, vector<1x16xf32>,
      }
      %scan3A_242 = arith.constant 8 : i32
    }
    %scan3A_28 = arith.constant 80 : i32
    %mul3A_29 = arith.constant 632 : i32
    %mul3A_30 = arith.muli %arg1, %mul3A_29 : i32
    %add3A_31 = arith.constant 0 : i32
    %add3A_32 = arith.addi %mul3A_30, %add3A_31 : i32
    %dma_start3A_33 = arith.constant 0 : i32
    %dma_start3A_34 = tpu.memref_slice %arg13[%add3A_32, %dma_start3A_33] : memref<10112x128xf32, #tpu.memory_space<vmem_shared>> -> memref<80x128xf32, #tpu.memory_space<vmem_shared>>
    %dma_start3A_35 = arith.constant 0 : i32
    %dma_start3A_36 = tpu.memref_slice %arg13[%add3A_32, %dma_start3A_35] : memref<10112x128xf32, #tpu.memory_space<vmem_shared>> -> memref<80x128xf32, #tpu.memory_space<vmem_shared>>
    tpu.enqueue_dma source(%arg11 : memref<80x128xf32, #tpu.memory_space<vmem>>) target(%dma_start3A_36 : memref<80x128xf32, #tpu.memory_space<vmem_shared>>) target_semaphore(%arg26 : memref<!tpu.dma_semaphore, #tpu.memory_space<semaphore_mem>>)
    %mul3A_37 = arith.constant 632 : i32
    %mul3A_38 = arith.muli %arg1, %mul3A_37 : i32
    %add3A_39 = arith.constant 80 : i32
    %add3A_40 = arith.addi %mul3A_38, %add3A_39 : i32
    %dma_start3A_41 = arith.constant 0 : i32
    %dma_start3A_42 = tpu.memref_slice %arg13[%add3A_40, %dma_start3A_41] : memref<10112x128xf32, #tpu.memory_space<vmem_shared>> -> memref<80x128xf32, #tpu.memory_space<vmem_shared>>
    %dma_start3A_43 = arith.constant 0 : i32
    %dma_start3A_44 = tpu.memref_slice %arg13[%add3A_40, %dma_start3A_43] : memref<10112x128xf32, #tpu.memory_space<vmem_shared>> -> memref<80x128xf32, #tpu.memory_space<vmem_shared>>
    tpu.enqueue_dma source(%arg11 : memref<80x128xf32, #tpu.memory_space<vmem>>) target(%dma_start3A_44 : memref<80x128xf32, #tpu.memory_space<vmem_shared>>) target_semaphore(%arg26 : memref<!tpu.dma_semaphore, #tpu.memory_space<semaphore_mem>>)
    %mul3A_45 = arith.constant 632 : i32
    %mul3A_46 = arith.muli %arg1, %mul3A_45 : i32
    %add3A_47 = arith.constant 160 : i32
    %add3A_48 = arith.addi %mul3A_46, %add3A_47 : i32
    %dma_start3A_49 = arith.constant 0 : i32
    %dma_start3A_50 = tpu.memref_slice %arg13[%add3A_48, %dma_start3A_49] : memref<10112x128xf32, #tpu.memory_space<vmem_shared>> -> memref<80x128xf32, #tpu.memory_space<vmem_shared>>
    %dma_start3A_51 = arith.constant 0 : i32
    %dma_start3A_52 = tpu.memref_slice %arg13[%add3A_48, %dma_start3A_51] : memref<10112x128xf32, #tpu.memory_space<vmem_shared>> -> memref<80x128xf32, #tpu.memory_space<vmem_shared>>
    tpu.enqueue_dma source(%arg11 : memref<80x128xf32, #tpu.memory_space<vmem>>) target(%dma_start3A_52 : memref<80x128xf32, #tpu.memory_space<vmem_shared>>) target_semaphore(%arg26 : memref<!tpu.dma_semaphore, #tpu.memory_space<semaphore_mem>>)
    %mul3A_53 = arith.constant 632 : i32
    %mul3A_54 = arith.muli %arg1, %mul3A_53 : i32
    %add3A_55 = arith.constant 240 : i32
    %add3A_56 = arith.addi %mul3A_54, %add3A_55 : i32
    %dma_start3A_57 = arith.constant 0 : i32
    %dma_start3A_58 = tpu.memref_slice %arg13[%add3A_56, %dma_start3A_57] : memref<10112x128xf32, #tpu.memory_space<vmem_shared>> -> memref<80x128xf32, #tpu.memory_space<vmem_shared>>
    %dma_start3A_59 = arith.constant 0 : i32
    %dma_start3A_60 = tpu.memref_slice %arg13[%add3A_56, %dma_start3A_59] : memref<10112x128xf32, #tpu.memory_space<vmem_shared>> -> memref<80x128xf32, #tpu.memory_space<vmem_shared>>
    tpu.enqueue_dma source(%arg11 : memref<80x128xf32, #tpu.memory_space<vmem>>) target(%dma_start3A_60 : memref<80x128xf32, #tpu.memory_space<vmem_shared>>) target_semaphore(%arg26 : memref<!tpu.dma_semaphore, #tpu.memory_space<semaphore_mem>>)
    %mul3A_61 = arith.constant 632 : i32
    %mul3A_62 = arith.muli %arg1, %mul3A_61 : i32
    %add3A_63 = arith.constant 320 : i32
    %add3A_64 = arith.addi %mul3A_62, %add3A_63 : i32
    %dma_start3A_65 = arith.constant 0 : i32
    %dma_start3A_66 = tpu.memref_slice %arg13[%add3A_64, %dma_start3A_65] : memref<10112x128xf32, #tpu.memory_space<vmem_shared>> -> memref<80x128xf32, #tpu.memory_space<vmem_shared>>
    %dma_start3A_67 = arith.constant 0 : i32
    %dma_start3A_68 = tpu.memref_slice %arg13[%add3A_64, %dma_start3A_67] : memref<10112x128xf32, #tpu.memory_space<vmem_shared>> -> memref<80x128xf32, #tpu.memory_space<vmem_shared>>
    tpu.enqueue_dma source(%arg11 : memref<80x128xf32, #tpu.memory_space<vmem>>) target(%dma_start3A_68 : memref<80x128xf32, #tpu.memory_space<vmem_shared>>) target_semaphore(%arg26 : memref<!tpu.dma_semaphore, #tpu.memory_space<semaphore_mem>>)
    %mul3A_69 = arith.constant 632 : i32
    %mul3A_70 = arith.muli %arg1, %mul3A_69 : i32
    %add3A_71 = arith.constant 400 : i32
    %add3A_72 = arith.addi %mul3A_70, %add3A_71 : i32
    %dma_start3A_73 = arith.constant 0 : i32
    %dma_start3A_74 = tpu.memref_slice %arg13[%add3A_72, %dma_start3A_73] : memref<10112x128xf32, #tpu.memory_space<vmem_shared>> -> memref<80x128xf32, #tpu.memory_space<vmem_shared>>
    %dma_start3A_75 = arith.constant 0 : i32
    %dma_start3A_76 = tpu.memref_slice %arg13[%add3A_72, %dma_start3A_75] : memref<10112x128xf32, #tpu.memory_space<vmem_shared>> -> memref<80x128xf32, #tpu.memory_space<vmem_shared>>
    tpu.enqueue_dma source(%arg11 : memref<80x128xf32, #tpu.memory_space<vmem>>) target(%dma_start3A_76 : memref<80x128xf32, #tpu.memory_space<vmem_shared>>) target_semaphore(%arg26 : memref<!tpu.dma_semaphore, #tpu.memory_space<semaphore_mem>>)
    %mul3A_77 = arith.constant 632 : i32
    %mul3A_78 = arith.muli %arg1, %mul3A_77 : i32
    %add3A_79 = arith.constant 480 : i32
    %add3A_80 = arith.addi %mul3A_78, %add3A_79 : i32
    %dma_start3A_81 = arith.constant 0 : i32
    %dma_start3A_82 = tpu.memref_slice %arg13[%add3A_80, %dma_start3A_81] : memref<10112x128xf32, #tpu.memory_space<vmem_shared>> -> memref<80x128xf32, #tpu.memory_space<vmem_shared>>
    %dma_start3A_83 = arith.constant 0 : i32
    %dma_start3A_84 = tpu.memref_slice %arg13[%add3A_80, %dma_start3A_83] : memref<10112x128xf32, #tpu.memory_space<vmem_shared>> -> memref<80x128xf32, #tpu.memory_space<vmem_shared>>
    tpu.enqueue_dma source(%arg11 : memref<80x128xf32, #tpu.memory_space<vmem>>) target(%dma_start3A_84 : memref<80x128xf32, #tpu.memory_space<vmem_shared>>) target_semaphore(%arg26 : memref<!tpu.dma_semaphore, #tpu.memory_space<semaphore_mem>>)
    %mul3A_85 = arith.constant 632 : i32
    %mul3A_86 = arith.muli %arg1, %mul3A_85 : i32
    %add3A_87 = arith.constant 560 : i32
    %add3A_88 = arith.addi %mul3A_86, %add3A_87 : i32
    %dma_start3A_89 = arith.constant 0 : i32
    %dma_start3A_90 = arith.constant 0 : i32
    %dma_start3A_91 = tpu.memref_slice %arg11[%dma_start3A_89, %dma_start3A_90] : memref<80x128xf32, #tpu.memory_space<vmem>> -> memref<72x128xf32, #tpu.memory_space<vmem>>
    %dma_start3A_92 = arith.constant 0 : i32
    %dma_start3A_93 = tpu.memref_slice %arg13[%add3A_88, %dma_start3A_92] : memref<10112x128xf32, #tpu.memory_space<vmem_shared>> -> memref<72x128xf32, #tpu.memory_space<vmem_shared>>
    %dma_start3A_94 = arith.constant 0 : i32
    %dma_start3A_95 = tpu.memref_slice %arg13[%add3A_88, %dma_start3A_94] : memref<10112x128xf32, #tpu.memory_space<vmem_shared>> -> memref<72x128xf32, #tpu.memory_space<vmem_shared>>
    %dma_start3A_96 = arith.constant 0 : i32
    %dma_start3A_97 = arith.constant 0 : i32
    %dma_start3A_98 = tpu.memref_slice %arg11[%dma_start3A_96, %dma_start3A_97] : memref<80x128xf32, #tpu.memory_space<vmem>> -> memref<72x128xf32, #tpu.memory_space<vmem>>
    tpu.enqueue_dma source(%dma_start3A_98 : memref<72x128xf32, #tpu.memory_space<vmem>>) target(%dma_start3A_95 : memref<72x128xf32, #tpu.memory_space<vmem_shared>>) target_semaphore(%arg26 : memref<!tpu.dma_semaphore, #tpu.memory_space<semaphore_mem>>)
    %add3A_99 = arith.constant 0 : i32
    %add3A_100 = arith.addi %mul3A_0, %add3A_99 : i32
    %dma_wait3A = arith.constant 0 : i32
    %dma_wait3A_101 = arith.constant 0 : i32
    %dma_wait3A_102 = arith.constant 0 : i32
    %dma_wait3A_103 = tpu.memref_slice %arg3[%arg1, %add3A_100, %dma_wait3A, %dma_wait3A_101, %dma_wait3A_102] : memref<16x128x2x2x80xi32, #tpu.memory_space<hbm>> -> memref<1x1x2x2x80xi32, #tpu.memory_space<hbm>>
    %dma_wait3A_104 = tpu.memref_squeeze %dma_wait3A_103 : memref<1x1x2x2x80xi32, #tpu.memory_space<hbm>> -> memref<2x2x80xi32, #tpu.memory_space<hbm>>
    %dma_wait3A_105 = arith.constant 0 : i32
    %dma_wait3A_106 = arith.constant 0 : i32
    %dma_wait3A_107 = arith.constant 0 : i32
    %dma_wait3A_108 = tpu.memref_slice %arg3[%arg1, %add3A_100, %dma_wait3A_105, %dma_wait3A_106, %dma_wait3A_107] : memref<16x128x2x2x80xi32, #tpu.memory_space<hbm>> -> memref<1x1x2x2x80xi32, #tpu.memory_space<hbm>>
    %dma_wait3A_109 = tpu.memref_squeeze %dma_wait3A_108 : memref<1x1x2x2x80xi32, #tpu.memory_space<hbm>> -> memref<2x2x80xi32, #tpu.memory_space<hbm>>
    tpu.wait_dma2 semaphore(%arg22 : memref<!tpu.dma_semaphore, #tpu.memory_space<semaphore_mem>>) src(%dma_wait3A_109 : memref<2x2x80xi32, #tpu.memory_space<hbm>>) dst(%arg5 : memref<2x2x80xi32, #tpu.memory_space<vmem>>)
    %dma_start3A_110 = arith.constant 0 : i32
    %dma_start3A_111 = arith.constant 0 : i32
    %dma_start3A_112 = arith.constant 0 : i32
    %dma_start3A_113 = tpu.memref_slice %arg5[%dma_start3A_110, %dma_start3A_111, %dma_start3A_112] : memref<2x2x80xi32, #tpu.memory_space<vmem>> -> memref<1x1x80xi32, #tpu.memory_space<vmem>>
    %dma_start3A_114 = tpu.memref_squeeze %dma_start3A_113 : memref<1x1x80xi32, #tpu.memory_space<vmem>> -> memref<80xi32, #tpu.memory_space<vmem>>
    %dma_start3A_115 = arith.constant 0 : i32
    %dma_start3A_116 = arith.constant 0 : i32
    %dma_start3A_117 = tpu.memref_slice %arg2[%dma_start3A_115, %dma_start3A_116] : memref<10000x128xf32, #tpu.memory_space<hbm>> -> memref<10000x128xf32, #tpu.memory_space<hbm>>
    tpu.enqueue_indirect_dma source(%dma_start3A_117 : memref<10000x128xf32, #tpu.memory_space<hbm>>) target(%arg9 : memref<80x128xf32, #tpu.memory_space<vmem>>) offsets(%dma_start3A_114 : memref<80xi32, #tpu.memory_space<vmem>>) semaphore(%arg14 : memref<!tpu.dma_semaphore, #tpu.memory_space<semaphore_mem>>)
    %dma_start3A_118 = arith.constant 0 : i32
    %dma_start3A_119 = arith.constant 1 : i32
    %dma_start3A_120 = arith.constant 0 : i32
    %dma_start3A_121 = tpu.memref_slice %arg5[%dma_start3A_118, %dma_start3A_119, %dma_start3A_120] : memref<2x2x80xi32, #tpu.memory_space<vmem>> -> memref<1x1x80xi32, #tpu.memory_space<vmem>>
    %dma_start3A_122 = tpu.memref_squeeze %dma_start3A_121 : memref<1x1x80xi32, #tpu.memory_space<vmem>> -> memref<80xi32, #tpu.memory_space<vmem>>
    %dma_start3A_123 = arith.constant 0 : i32
    %dma_start3A_124 = arith.constant 0 : i32
    %dma_start3A_125 = tpu.memref_slice %arg2[%dma_start3A_123, %dma_start3A_124] : memref<10000x128xf32, #tpu.memory_space<hbm>> -> memref<10000x128xf32, #tpu.memory_space<hbm>>
    tpu.enqueue_indirect_dma source(%dma_start3A_125 : memref<10000x128xf32, #tpu.memory_space<hbm>>) target(%arg10 : memref<80x128xf32, #tpu.memory_space<vmem>>) offsets(%dma_start3A_122 : memref<80xi32, #tpu.memory_space<vmem>>) semaphore(%arg15 : memref<!tpu.dma_semaphore, #tpu.memory_space<semaphore_mem>>)
    %mul3A_126 = arith.constant 632 : i32
    %mul3A_127 = arith.muli %arg1, %mul3A_126 : i32
    %add3A_128 = arith.constant 0 : i32
    %add3A_129 = arith.addi %mul3A_127, %add3A_128 : i32
    %dma_wait3A_130 = arith.constant 0 : i32
    %dma_wait3A_131 = tpu.memref_slice %arg13[%add3A_129, %dma_wait3A_130] : memref<10112x128xf32, #tpu.memory_space<vmem_shared>> -> memref<80x128xf32, #tpu.memory_space<vmem_shared>>
    %dma_wait3A_132 = arith.constant 0 : i32
    %dma_wait3A_133 = tpu.memref_slice %arg13[%add3A_129, %dma_wait3A_132] : memref<10112x128xf32, #tpu.memory_space<vmem_shared>> -> memref<80x128xf32, #tpu.memory_space<vmem_shared>>
    tpu.wait_dma2 semaphore(%arg26 : memref<!tpu.dma_semaphore, #tpu.memory_space<semaphore_mem>>) src(%arg11 : memref<80x128xf32, #tpu.memory_space<vmem>>) dst(%dma_wait3A_133 : memref<80x128xf32, #tpu.memory_space<vmem_shared>>)
    %mul3A_134 = arith.constant 632 : i32
    %mul3A_135 = arith.muli %arg1, %mul3A_134 : i32
    %add3A_136 = arith.constant 80 : i32
    %add3A_137 = arith.addi %mul3A_135, %add3A_136 : i32
    %dma_wait3A_138 = arith.constant 0 : i32
    %dma_wait3A_139 = tpu.memref_slice %arg13[%add3A_137, %dma_wait3A_138] : memref<10112x128xf32, #tpu.memory_space<vmem_shared>> -> memref<80x128xf32, #tpu.memory_space<vmem_shared>>
    %dma_wait3A_140 = arith.constant 0 : i32
    %dma_wait3A_141 = tpu.memref_slice %arg13[%add3A_137, %dma_wait3A_140] : memref<10112x128xf32, #tpu.memory_space<vmem_shared>> -> memref<80x128xf32, #tpu.memory_space<vmem_shared>>
    tpu.wait_dma2 semaphore(%arg26 : memref<!tpu.dma_semaphore, #tpu.memory_space<semaphore_mem>>) src(%arg11 : memref<80x128xf32, #tpu.memory_space<vmem>>) dst(%dma_wait3A_141 : memref<80x128xf32, #tpu.memory_space<vmem_shared>>)
    %mul3A_142 = arith.constant 632 : i32
    %mul3A_143 = arith.muli %arg1, %mul3A_142 : i32
    %add3A_144 = arith.constant 160 : i32
    %add3A_145 = arith.addi %mul3A_143, %add3A_144 : i32
    %dma_wait3A_146 = arith.constant 0 : i32
    %dma_wait3A_147 = tpu.memref_slice %arg13[%add3A_145, %dma_wait3A_146] : memref<10112x128xf32, #tpu.memory_space<vmem_shared>> -> memref<80x128xf32, #tpu.memory_space<vmem_shared>>
    %dma_wait3A_148 = arith.constant 0 : i32
    %dma_wait3A_149 = tpu.memref_slice %arg13[%add3A_145, %dma_wait3A_148] : memref<10112x128xf32, #tpu.memory_space<vmem_shared>> -> memref<80x128xf32, #tpu.memory_space<vmem_shared>>
    tpu.wait_dma2 semaphore(%arg26 : memref<!tpu.dma_semaphore, #tpu.memory_space<semaphore_mem>>) src(%arg11 : memref<80x128xf32, #tpu.memory_space<vmem>>) dst(%dma_wait3A_149 : memref<80x128xf32, #tpu.memory_space<vmem_shared>>)
    %mul3A_150 = arith.constant 632 : i32
    %mul3A_151 = arith.muli %arg1, %mul3A_150 : i32
    %add3A_152 = arith.constant 240 : i32
    %add3A_153 = arith.addi %mul3A_151, %add3A_152 : i32
    %dma_wait3A_154 = arith.constant 0 : i32
    %dma_wait3A_155 = tpu.memref_slice %arg13[%add3A_153, %dma_wait3A_154] : memref<10112x128xf32, #tpu.memory_space<vmem_shared>> -> memref<80x128xf32, #tpu.memory_space<vmem_shared>>
    %dma_wait3A_156 = arith.constant 0 : i32
    %dma_wait3A_157 = tpu.memref_slice %arg13[%add3A_153, %dma_wait3A_156] : memref<10112x128xf32, #tpu.memory_space<vmem_shared>> -> memref<80x128xf32, #tpu.memory_space<vmem_shared>>
    tpu.wait_dma2 semaphore(%arg26 : memref<!tpu.dma_semaphore, #tpu.memory_space<semaphore_mem>>) src(%arg11 : memref<80x128xf32, #tpu.memory_space<vmem>>) dst(%dma_wait3A_157 : memref<80x128xf32, #tpu.memory_space<vmem_shared>>)
    %mul3A_158 = arith.constant 632 : i32
    %mul3A_159 = arith.muli %arg1, %mul3A_158 : i32
    %add3A_160 = arith.constant 320 : i32
    %add3A_161 = arith.addi %mul3A_159, %add3A_160 : i32
    %dma_wait3A_162 = arith.constant 0 : i32
    %dma_wait3A_163 = tpu.memref_slice %arg13[%add3A_161, %dma_wait3A_162] : memref<10112x128xf32, #tpu.memory_space<vmem_shared>> -> memref<80x128xf32, #tpu.memory_space<vmem_shared>>
    %dma_wait3A_164 = arith.constant 0 : i32
    %dma_wait3A_165 = tpu.memref_slice %arg13[%add3A_161, %dma_wait3A_164] : memref<10112x128xf32, #tpu.memory_space<vmem_shared>> -> memref<80x128xf32, #tpu.memory_space<vmem_shared>>
    tpu.wait_dma2 semaphore(%arg26 : memref<!tpu.dma_semaphore, #tpu.memory_space<semaphore_mem>>) src(%arg11 : memref<80x128xf32, #tpu.memory_space<vmem>>) dst(%dma_wait3A_165 : memref<80x128xf32, #tpu.memory_space<vmem_shared>>)
    %mul3A_166 = arith.constant 632 : i32
    %mul3A_167 = arith.muli %arg1, %mul3A_166 : i32
    %add3A_168 = arith.constant 400 : i32
    %add3A_169 = arith.addi %mul3A_167, %add3A_168 : i32
    %dma_wait3A_170 = arith.constant 0 : i32
    %dma_wait3A_171 = tpu.memref_slice %arg13[%add3A_169, %dma_wait3A_170] : memref<10112x128xf32, #tpu.memory_space<vmem_shared>> -> memref<80x128xf32, #tpu.memory_space<vmem_shared>>
    %dma_wait3A_172 = arith.constant 0 : i32
    %dma_wait3A_173 = tpu.memref_slice %arg13[%add3A_169, %dma_wait3A_172] : memref<10112x128xf32, #tpu.memory_space<vmem_shared>> -> memref<80x128xf32, #tpu.memory_space<vmem_shared>>
    tpu.wait_dma2 semaphore(%arg26 : memref<!tpu.dma_semaphore, #tpu.memory_space<semaphore_mem>>) src(%arg11 : memref<80x128xf32, #tpu.memory_space<vmem>>) dst(%dma_wait3A_173 : memref<80x128xf32, #tpu.memory_space<vmem_shared>>)
    %mul3A_174 = arith.constant 632 : i32
    %mul3A_175 = arith.muli %arg1, %mul3A_174 : i32
    %add3A_176 = arith.constant 480 : i32
    %add3A_177 = arith.addi %mul3A_175, %add3A_176 : i32
    %dma_wait3A_178 = arith.constant 0 : i32
    %dma_wait3A_179 = tpu.memref_slice %arg13[%add3A_177, %dma_wait3A_178] : memref<10112x128xf32, #tpu.memory_space<vmem_shared>> -> memref<80x128xf32, #tpu.memory_space<vmem_shared>>
    %dma_wait3A_180 = arith.constant 0 : i32
    %dma_wait3A_181 = tpu.memref_slice %arg13[%add3A_177, %dma_wait3A_180] : memref<10112x128xf32, #tpu.memory_space<vmem_shared>> -> memref<80x128xf32, #tpu.memory_space<vmem_shared>>
    tpu.wait_dma2 semaphore(%arg26 : memref<!tpu.dma_semaphore, #tpu.memory_space<semaphore_mem>>) src(%arg11 : memref<80x128xf32, #tpu.memory_space<vmem>>) dst(%dma_wait3A_181 : memref<80x128xf32, #tpu.memory_space<vmem_shared>>)
    %mul3A_182 = arith.constant 632 : i32
    %mul3A_183 = arith.muli %arg1, %mul3A_182 : i32
    %add3A_184 = arith.constant 560 : i32
    %add3A_185 = arith.addi %mul3A_183, %add3A_184 : i32
    %dma_wait3A_186 = arith.constant 0 : i32
    %dma_wait3A_187 = arith.constant 0 : i32
    %dma_wait3A_188 = tpu.memref_slice %arg11[%dma_wait3A_186, %dma_wait3A_187] : memref<80x128xf32, #tpu.memory_space<vmem>> -> memref<72x128xf32, #tpu.memory_space<vmem>>
    %dma_wait3A_189 = arith.constant 0 : i32
    %dma_wait3A_190 = tpu.memref_slice %arg13[%add3A_185, %dma_wait3A_189] : memref<10112x128xf32, #tpu.memory_space<vmem_shared>> -> memref<72x128xf32, #tpu.memory_space<vmem_shared>>
    %dma_wait3A_191 = arith.constant 0 : i32
    %dma_wait3A_192 = tpu.memref_slice %arg13[%add3A_185, %dma_wait3A_191] : memref<10112x128xf32, #tpu.memory_space<vmem_shared>> -> memref<72x128xf32, #tpu.memory_space<vmem_shared>>
    %dma_wait3A_193 = arith.constant 0 : i32
    %dma_wait3A_194 = arith.constant 0 : i32
    %dma_wait3A_195 = tpu.memref_slice %arg11[%dma_wait3A_193, %dma_wait3A_194] : memref<80x128xf32, #tpu.memory_space<vmem>> -> memref<72x128xf32, #tpu.memory_space<vmem>>
    tpu.wait_dma2 semaphore(%arg26 : memref<!tpu.dma_semaphore, #tpu.memory_space<semaphore_mem>>) src(%dma_wait3A_195 : memref<72x128xf32, #tpu.memory_space<vmem>>) dst(%dma_wait3A_192 : memref<72x128xf32, #tpu.memory_space<vmem_shared>>)
    %barrier3A = arith.constant 0 : index
    tpu.barrier barrier_id(%barrier3A)
    %sub3A = arith.constant 0 : i32
    %sub3A_196 = arith.subi %select_n3A, %sub3A : i32
    %sub3A_197 = arith.constant 4 : i32
    %sub3A_198 = arith.constant 1 : i32
    %sub3A_199 = arith.subi %sub3A_197, %sub3A_198 : i32
    %add3A_200 = arith.addi %sub3A_196, %sub3A_199 : i32
    %div3A = arith.constant 4 : i32
    %div3A_201 = arith.divsi %add3A_200, %div3A : i32
    %while3A = arith.constant 4 : i32
    %while3A_202 = arith.constant 0 : i32
    %while3A_203 = arith.constant 0 : i32
    %while3A_204 = arith.subi %div3A_201, %while3A_203 : i32
    %while3A_205 = arith.addi %while3A_203, %while3A_204 : i32
    %while3A_206 = arith.constant 1 : i32
    %while3A_207 = arith.divsi %while3A_204, %while3A_206 : i32
    %while3A_208 = arith.muli %while3A_207, %while3A_206 : i32
    %while3A_209 = arith.addi %while3A_203, %while3A_208 : i32
    %while3A_210 = arith.constant 1 : i32
    scf.for %while3A_233 = %while3A_203 to %while3A_209 step %while3A_210  : i32 {
      %mul3A_234 = arith.muli %while3A_233, %while3A : i32
      %add3A_235 = arith.addi %while3A_202, %mul3A_234 : i32
      %add3A_236 = arith.constant 0 : i32
      %add3A_237 = arith.addi %add3A_235, %add3A_236 : i32
      %dma_wait3A_238 = arith.constant 0 : i32
      %dma_wait3A_239 = arith.constant 0 : i32
      %dma_wait3A_240 = arith.constant 0 : i32
      %dma_wait3A_241 = tpu.memref_slice %arg5[%dma_wait3A_238, %dma_wait3A_239, %dma_wait3A_240] : memref<2x2x80xi32, #tpu.memory_space<vmem>> -> memref<1x1x80xi32, #tpu.memory_space<vmem>>
      %dma_wait3A_242 = tpu.memref_squeeze %dma_wait3A_241 : memref<1x1x80xi32, #tpu.memory_space<vmem>> -> memref<80xi32, #tpu.memory_space<vmem>>
      %dma_wait3A_243 = arith.constant 0 : i32
      %dma_wait3A_244 = arith.constant 0 : i32
      %dma_wait3A_245 = tpu.memref_slice %arg2[%dma_wait3A_243, %dma_wait3A_244] : memref<10000x128xf32, #tpu.memory_space<hbm>> -> memref<10000x128xf32, #tpu.memory_space<hbm>>
      tpu.wait_indirect_dma semaphore(%arg14 : memref<!tpu.dma_semaphore, #tpu.memory_space<semaphore_mem>>) src(%dma_wait3A_245 : memref<10000x128xf32, #tpu.memory_space<hbm>>) dst(%arg9 : memref<80x128xf32, #tpu.memory_space<vmem>>)
      %dma_start3A_246 = arith.constant 1 : i32
      %dma_start3A_247 = arith.constant 0 : i32
      %dma_start3A_248 = arith.constant 0 : i32
      %dma_start3A_249 = tpu.memref_slice %arg5[%dma_start3A_246, %dma_start3A_247, %dma_start3A_248] : memref<2x2x80xi32, #tpu.memory_space<vmem>> -> memref<1x1x80xi32, #tpu.memory_space<vmem>>
      %dma_start3A_250 = tpu.memref_squeeze %dma_start3A_249 : memref<1x1x80xi32, #tpu.memory_space<vmem>> -> memref<80xi32, #tpu.memory_space<vmem>>
      %dma_start3A_251 = arith.constant 0 : i32
      %dma_start3A_252 = arith.constant 0 : i32
      %dma_start3A_253 = tpu.memref_slice %arg13[%dma_start3A_251, %dma_start3A_252] : memref<10112x128xf32, #tpu.memory_space<vmem_shared>> -> memref<10112x128xf32, #tpu.memory_space<vmem_shared>>
      tpu.enqueue_indirect_dma source(%arg9 : memref<80x128xf32, #tpu.memory_space<vmem>>) target(%dma_start3A_253 : memref<10112x128xf32, #tpu.memory_space<vmem_shared>>) offsets(%dma_start3A_250 : memref<80xi32, #tpu.memory_space<vmem>>) semaphore(%arg18 : memref<!tpu.dma_semaphore, #tpu.memory_space<semaphore_mem>>) {add = true}
      %dma_wait3A_254 = arith.constant 0 : i32
      %dma_wait3A_255 = arith.constant 1 : i32
      %dma_wait3A_256 = arith.constant 0 : i32
      %dma_wait3A_257 = tpu.memref_slice %arg5[%dma_wait3A_254, %dma_wait3A_255, %dma_wait3A_256] : memref<2x2x80xi32, #tpu.memory_space<vmem>> -> memref<1x1x80xi32, #tpu.memory_space<vmem>>
      %dma_wait3A_258 = tpu.memref_squeeze %dma_wait3A_257 : memref<1x1x80xi32, #tpu.memory_space<vmem>> -> memref<80xi32, #tpu.memory_space<vmem>>
      %dma_wait3A_259 = arith.constant 0 : i32
      %dma_wait3A_260 = arith.constant 0 : i32
      %dma_wait3A_261 = tpu.memref_slice %arg2[%dma_wait3A_259, %dma_wait3A_260] : memref<10000x128xf32, #tpu.memory_space<hbm>> -> memref<10000x128xf32, #tpu.memory_space<hbm>>
      tpu.wait_indirect_dma semaphore(%arg15 : memref<!tpu.dma_semaphore, #tpu.memory_space<semaphore_mem>>) src(%dma_wait3A_261 : memref<10000x128xf32, #tpu.memory_space<hbm>>) dst(%arg10 : memref<80x128xf32, #tpu.memory_space<vmem>>)
      %dma_start3A_262 = arith.constant 1 : i32
      %dma_start3A_263 = arith.constant 1 : i32
      %dma_start3A_264 = arith.constant 0 : i32
      %dma_start3A_265 = tpu.memref_slice %arg5[%dma_start3A_262, %dma_start3A_263, %dma_start3A_264] : memref<2x2x80xi32, #tpu.memory_space<vmem>> -> memref<1x1x80xi32, #tpu.memory_space<vmem>>
      %dma_start3A_266 = tpu.memref_squeeze %dma_start3A_265 : memref<1x1x80xi32, #tpu.memory_space<vmem>> -> memref<80xi32, #tpu.memory_space<vmem>>
      %dma_start3A_267 = arith.constant 0 : i32
      %dma_start3A_268 = arith.constant 0 : i32
      %dma_start3A_269 = tpu.memref_slice %arg13[%dma_start3A_267, %dma_start3A_268] : memref<10112x128xf32, #tpu.memory_space<vmem_shared>> -> memref<10112x128xf32, #tpu.memory_space<vmem_shared>>
      tpu.enqueue_indirect_dma source(%arg10 : memref<80x128xf32, #tpu.memory_space<vmem>>) target(%dma_start3A_269 : memref<10112x128xf32, #tpu.memory_space<vmem_shared>>) offsets(%dma_start3A_266 : memref<80xi32, #tpu.memory_space<vmem>>) semaphore(%arg19 : memref<!tpu.dma_semaphore, #tpu.memory_space<semaphore_mem>>) {add = true}
      %add3A_270 = arith.constant 2 : i32
      %add3A_271 = arith.addi %add3A_237, %add3A_270 : i32
      %sub3A_272 = arith.constant 1 : i32
      %sub3A_273 = arith.subi %select_n3A, %sub3A_272 : i32
      %le3A = arith.cmpi sle, %add3A_271, %sub3A_273 : i32
      %convert_element_type3A = arith.extui %le3A : i1 to i32
      %cond3A = arith.constant 0 : i32
      %cond3A_274 = arith.cmpi ne, %convert_element_type3A, %cond3A : i32
      scf.if %cond3A_274 {
        %add3A_452 = arith.addi %mul3A_0, %add3A_237 : i32
        %add3A_453 = arith.constant 2 : i32
        %add3A_454 = arith.addi %add3A_452, %add3A_453 : i32
        %dma_start3A_455 = arith.constant 0 : i32
        %dma_start3A_456 = arith.constant 0 : i32
        %dma_start3A_457 = arith.constant 0 : i32
        %dma_start3A_458 = tpu.memref_slice %arg3[%arg1, %add3A_454, %dma_start3A_455, %dma_start3A_456, %dma_start3A_457] : memref<16x128x2x2x80xi32, #tpu.memory_space<hbm>> -> memref<1x1x2x2x80xi32, #tpu.memory_space<hbm>>
        %dma_start3A_459 = tpu.memref_squeeze %dma_start3A_458 : memref<1x1x2x2x80xi32, #tpu.memory_space<hbm>> -> memref<2x2x80xi32, #tpu.memory_space<hbm>>
        %dma_start3A_460 = arith.constant 0 : i32
        %dma_start3A_461 = arith.constant 0 : i32
        %dma_start3A_462 = arith.constant 0 : i32
        %dma_start3A_463 = tpu.memref_slice %arg3[%arg1, %add3A_454, %dma_start3A_460, %dma_start3A_461, %dma_start3A_462] : memref<16x128x2x2x80xi32, #tpu.memory_space<hbm>> -> memref<1x1x2x2x80xi32, #tpu.memory_space<hbm>>
        %dma_start3A_464 = tpu.memref_squeeze %dma_start3A_463 : memref<1x1x2x2x80xi32, #tpu.memory_space<hbm>> -> memref<2x2x80xi32, #tpu.memory_space<hbm>>
        tpu.enqueue_dma source(%dma_start3A_464 : memref<2x2x80xi32, #tpu.memory_space<hbm>>) target(%arg7 : memref<2x2x80xi32, #tpu.memory_space<vmem>>) target_semaphore(%arg24 : memref<!tpu.dma_semaphore, #tpu.memory_space<semaphore_mem>>)
      } else {
      }
      %ge3A = arith.constant 1 : i32
      %ge3A_275 = arith.cmpi sge, %add3A_237, %ge3A : i32
      %convert_element_type3A_276 = arith.extui %ge3A_275 : i1 to i32
      %cond3A_277 = arith.constant 0 : i32
      %cond3A_278 = arith.cmpi ne, %convert_element_type3A_276, %cond3A_277 : i32
      scf.if %cond3A_278 {
        %dma_wait3A_452 = arith.constant 1 : i32
        %dma_wait3A_453 = arith.constant 0 : i32
        %dma_wait3A_454 = arith.constant 0 : i32
        %dma_wait3A_455 = tpu.memref_slice %arg8[%dma_wait3A_452, %dma_wait3A_453, %dma_wait3A_454] : memref<2x2x80xi32, #tpu.memory_space<vmem>> -> memref<1x1x80xi32, #tpu.memory_space<vmem>>
        %dma_wait3A_456 = tpu.memref_squeeze %dma_wait3A_455 : memref<1x1x80xi32, #tpu.memory_space<vmem>> -> memref<80xi32, #tpu.memory_space<vmem>>
        %dma_wait3A_457 = arith.constant 0 : i32
        %dma_wait3A_458 = arith.constant 0 : i32
        %dma_wait3A_459 = tpu.memref_slice %arg13[%dma_wait3A_457, %dma_wait3A_458] : memref<10112x128xf32, #tpu.memory_space<vmem_shared>> -> memref<10112x128xf32, #tpu.memory_space<vmem_shared>>
        tpu.wait_indirect_dma semaphore(%arg20 : memref<!tpu.dma_semaphore, #tpu.memory_space<semaphore_mem>>) src(%arg11 : memref<80x128xf32, #tpu.memory_space<vmem>>) dst(%dma_wait3A_459 : memref<10112x128xf32, #tpu.memory_space<vmem_shared>>)
        %dma_wait3A_460 = arith.constant 1 : i32
        %dma_wait3A_461 = arith.constant 1 : i32
        %dma_wait3A_462 = arith.constant 0 : i32
        %dma_wait3A_463 = tpu.memref_slice %arg8[%dma_wait3A_460, %dma_wait3A_461, %dma_wait3A_462] : memref<2x2x80xi32, #tpu.memory_space<vmem>> -> memref<1x1x80xi32, #tpu.memory_space<vmem>>
        %dma_wait3A_464 = tpu.memref_squeeze %dma_wait3A_463 : memref<1x1x80xi32, #tpu.memory_space<vmem>> -> memref<80xi32, #tpu.memory_space<vmem>>
        %dma_wait3A_465 = arith.constant 0 : i32
        %dma_wait3A_466 = arith.constant 0 : i32
        %dma_wait3A_467 = tpu.memref_slice %arg13[%dma_wait3A_465, %dma_wait3A_466] : memref<10112x128xf32, #tpu.memory_space<vmem_shared>> -> memref<10112x128xf32, #tpu.memory_space<vmem_shared>>
        tpu.wait_indirect_dma semaphore(%arg21 : memref<!tpu.dma_semaphore, #tpu.memory_space<semaphore_mem>>) src(%arg12 : memref<80x128xf32, #tpu.memory_space<vmem>>) dst(%dma_wait3A_467 : memref<10112x128xf32, #tpu.memory_space<vmem_shared>>)
      } else {
      }
      %add3A_279 = arith.constant 1 : i32
      %add3A_280 = arith.addi %add3A_237, %add3A_279 : i32
      %sub3A_281 = arith.constant 1 : i32
      %sub3A_282 = arith.subi %select_n3A, %sub3A_281 : i32
      %le3A_283 = arith.cmpi sle, %add3A_280, %sub3A_282 : i32
      %convert_element_type3A_284 = arith.extui %le3A_283 : i1 to i32
      %cond3A_285 = arith.constant 0 : i32
      %cond3A_286 = arith.cmpi ne, %convert_element_type3A_284, %cond3A_285 : i32
      scf.if %cond3A_286 {
        %add3A_452 = arith.addi %mul3A_0, %add3A_237 : i32
        %add3A_453 = arith.constant 1 : i32
        %add3A_454 = arith.addi %add3A_452, %add3A_453 : i32
        %dma_wait3A_455 = arith.constant 0 : i32
        %dma_wait3A_456 = arith.constant 0 : i32
        %dma_wait3A_457 = arith.constant 0 : i32
        %dma_wait3A_458 = tpu.memref_slice %arg3[%arg1, %add3A_454, %dma_wait3A_455, %dma_wait3A_456, %dma_wait3A_457] : memref<16x128x2x2x80xi32, #tpu.memory_space<hbm>> -> memref<1x1x2x2x80xi32, #tpu.memory_space<hbm>>
        %dma_wait3A_459 = tpu.memref_squeeze %dma_wait3A_458 : memref<1x1x2x2x80xi32, #tpu.memory_space<hbm>> -> memref<2x2x80xi32, #tpu.memory_space<hbm>>
        %dma_wait3A_460 = arith.constant 0 : i32
        %dma_wait3A_461 = arith.constant 0 : i32
        %dma_wait3A_462 = arith.constant 0 : i32
        %dma_wait3A_463 = tpu.memref_slice %arg3[%arg1, %add3A_454, %dma_wait3A_460, %dma_wait3A_461, %dma_wait3A_462] : memref<16x128x2x2x80xi32, #tpu.memory_space<hbm>> -> memref<1x1x2x2x80xi32, #tpu.memory_space<hbm>>
        %dma_wait3A_464 = tpu.memref_squeeze %dma_wait3A_463 : memref<1x1x2x2x80xi32, #tpu.memory_space<hbm>> -> memref<2x2x80xi32, #tpu.memory_space<hbm>>
        tpu.wait_dma2 semaphore(%arg23 : memref<!tpu.dma_semaphore, #tpu.memory_space<semaphore_mem>>) src(%dma_wait3A_464 : memref<2x2x80xi32, #tpu.memory_space<hbm>>) dst(%arg6 : memref<2x2x80xi32, #tpu.memory_space<vmem>>)
        %dma_start3A_465 = arith.constant 0 : i32
        %dma_start3A_466 = arith.constant 0 : i32
        %dma_start3A_467 = arith.constant 0 : i32
        %dma_start3A_468 = tpu.memref_slice %arg6[%dma_start3A_465, %dma_start3A_466, %dma_start3A_467] : memref<2x2x80xi32, #tpu.memory_space<vmem>> -> memref<1x1x80xi32, #tpu.memory_space<vmem>>
        %dma_start3A_469 = tpu.memref_squeeze %dma_start3A_468 : memref<1x1x80xi32, #tpu.memory_space<vmem>> -> memref<80xi32, #tpu.memory_space<vmem>>
        %dma_start3A_470 = arith.constant 0 : i32
        %dma_start3A_471 = arith.constant 0 : i32
        %dma_start3A_472 = tpu.memref_slice %arg2[%dma_start3A_470, %dma_start3A_471] : memref<10000x128xf32, #tpu.memory_space<hbm>> -> memref<10000x128xf32, #tpu.memory_space<hbm>>
        tpu.enqueue_indirect_dma source(%dma_start3A_472 : memref<10000x128xf32, #tpu.memory_space<hbm>>) target(%arg11 : memref<80x128xf32, #tpu.memory_space<vmem>>) offsets(%dma_start3A_469 : memref<80xi32, #tpu.memory_space<vmem>>) semaphore(%arg16 : memref<!tpu.dma_semaphore, #tpu.memory_space<semaphore_mem>>)
        %dma_start3A_473 = arith.constant 0 : i32
        %dma_start3A_474 = arith.constant 1 : i32
        %dma_start3A_475 = arith.constant 0 : i32
        %dma_start3A_476 = tpu.memref_slice %arg6[%dma_start3A_473, %dma_start3A_474, %dma_start3A_475] : memref<2x2x80xi32, #tpu.memory_space<vmem>> -> memref<1x1x80xi32, #tpu.memory_space<vmem>>
        %dma_start3A_477 = tpu.memref_squeeze %dma_start3A_476 : memref<1x1x80xi32, #tpu.memory_space<vmem>> -> memref<80xi32, #tpu.memory_space<vmem>>
        %dma_start3A_478 = arith.constant 0 : i32
        %dma_start3A_479 = arith.constant 0 : i32
        %dma_start3A_480 = tpu.memref_slice %arg2[%dma_start3A_478, %dma_start3A_479] : memref<10000x128xf32, #tpu.memory_space<hbm>> -> memref<10000x128xf32, #tpu.memory_space<hbm>>
        tpu.enqueue_indirect_dma source(%dma_start3A_480 : memref<10000x128xf32, #tpu.memory_space<hbm>>) target(%arg12 : memref<80x128xf32, #tpu.memory_space<vmem>>) offsets(%dma_start3A_477 : memref<80xi32, #tpu.memory_space<vmem>>) semaphore(%arg17 : memref<!tpu.dma_semaphore, #tpu.memory_space<semaphore_mem>>)
      } else {
      }
      %add3A_287 = arith.constant 1 : i32
      %add3A_288 = arith.addi %add3A_235, %add3A_287 : i32
      %dma_wait3A_289 = arith.constant 0 : i32
      %dma_wait3A_290 = arith.constant 0 : i32
      %dma_wait3A_291 = arith.constant 0 : i32
      %dma_wait3A_292 = tpu.memref_slice %arg6[%dma_wait3A_289, %dma_wait3A_290, %dma_wait3A_291] : memref<2x2x80xi32, #tpu.memory_space<vmem>> -> memref<1x1x80xi32, #tpu.memory_space<vmem>>
      %dma_wait3A_293 = tpu.memref_squeeze %dma_wait3A_292 : memref<1x1x80xi32, #tpu.memory_space<vmem>> -> memref<80xi32, #tpu.memory_space<vmem>>
      %dma_wait3A_294 = arith.constant 0 : i32
      %dma_wait3A_295 = arith.constant 0 : i32
      %dma_wait3A_296 = tpu.memref_slice %arg2[%dma_wait3A_294, %dma_wait3A_295] : memref<10000x128xf32, #tpu.memory_space<hbm>> -> memref<10000x128xf32, #tpu.memory_space<hbm>>
      tpu.wait_indirect_dma semaphore(%arg16 : memref<!tpu.dma_semaphore, #tpu.memory_space<semaphore_mem>>) src(%dma_wait3A_296 : memref<10000x128xf32, #tpu.memory_space<hbm>>) dst(%arg11 : memref<80x128xf32, #tpu.memory_space<vmem>>)
      %dma_start3A_297 = arith.constant 1 : i32
      %dma_start3A_298 = arith.constant 0 : i32
      %dma_start3A_299 = arith.constant 0 : i32
      %dma_start3A_300 = tpu.memref_slice %arg6[%dma_start3A_297, %dma_start3A_298, %dma_start3A_299] : memref<2x2x80xi32, #tpu.memory_space<vmem>> -> memref<1x1x80xi32, #tpu.memory_space<vmem>>
      %dma_start3A_301 = tpu.memref_squeeze %dma_start3A_300 : memref<1x1x80xi32, #tpu.memory_space<vmem>> -> memref<80xi32, #tpu.memory_space<vmem>>
      %dma_start3A_302 = arith.constant 0 : i32
      %dma_start3A_303 = arith.constant 0 : i32
      %dma_start3A_304 = tpu.memref_slice %arg13[%dma_start3A_302, %dma_start3A_303] : memref<10112x128xf32, #tpu.memory_space<vmem_shared>> -> memref<10112x128xf32, #tpu.memory_space<vmem_shared>>
      tpu.enqueue_indirect_dma source(%arg11 : memref<80x128xf32, #tpu.memory_space<vmem>>) target(%dma_start3A_304 : memref<10112x128xf32, #tpu.memory_space<vmem_shared>>) offsets(%dma_start3A_301 : memref<80xi32, #tpu.memory_space<vmem>>) semaphore(%arg20 : memref<!tpu.dma_semaphore, #tpu.memory_space<semaphore_mem>>) {add = true}
      %dma_wait3A_305 = arith.constant 0 : i32
      %dma_wait3A_306 = arith.constant 1 : i32
      %dma_wait3A_307 = arith.constant 0 : i32
      %dma_wait3A_308 = tpu.memref_slice %arg6[%dma_wait3A_305, %dma_wait3A_306, %dma_wait3A_307] : memref<2x2x80xi32, #tpu.memory_space<vmem>> -> memref<1x1x80xi32, #tpu.memory_space<vmem>>
      %dma_wait3A_309 = tpu.memref_squeeze %dma_wait3A_308 : memref<1x1x80xi32, #tpu.memory_space<vmem>> -> memref<80xi32, #tpu.memory_space<vmem>>
      %dma_wait3A_310 = arith.constant 0 : i32
      %dma_wait3A_311 = arith.constant 0 : i32
      %dma_wait3A_312 = tpu.memref_slice %arg2[%dma_wait3A_310, %dma_wait3A_311] : memref<10000x128xf32, #tpu.memory_space<hbm>> -> memref<10000x128xf32, #tpu.memory_space<hbm>>
      tpu.wait_indirect_dma semaphore(%arg17 : memref<!tpu.dma_semaphore, #tpu.memory_space<semaphore_mem>>) src(%dma_wait3A_312 : memref<10000x128xf32, #tpu.memory_space<hbm>>) dst(%arg12 : memref<80x128xf32, #tpu.memory_space<vmem>>)
      %dma_start3A_313 = arith.constant 1 : i32
      %dma_start3A_314 = arith.constant 1 : i32
      %dma_start3A_315 = arith.constant 0 : i32
      %dma_start3A_316 = tpu.memref_slice %arg6[%dma_start3A_313, %dma_start3A_314, %dma_start3A_315] : memref<2x2x80xi32, #tpu.memory_space<vmem>> -> memref<1x1x80xi32, #tpu.memory_space<vmem>>
      %dma_start3A_317 = tpu.memref_squeeze %dma_start3A_316 : memref<1x1x80xi32, #tpu.memory_space<vmem>> -> memref<80xi32, #tpu.memory_space<vmem>>
      %dma_start3A_318 = arith.constant 0 : i32
      %dma_start3A_319 = arith.constant 0 : i32
      %dma_start3A_320 = tpu.memref_slice %arg13[%dma_start3A_318, %dma_start3A_319] : memref<10112x128xf32, #tpu.memory_space<vmem_shared>> -> memref<10112x128xf32, #tpu.memory_space<vmem_shared>>
      tpu.enqueue_indirect_dma source(%arg12 : memref<80x128xf32, #tpu.memory_space<vmem>>) target(%dma_start3A_320 : memref<10112x128xf32, #tpu.memory_space<vmem_shared>>) offsets(%dma_start3A_317 : memref<80xi32, #tpu.memory_space<vmem>>) semaphore(%arg21 : memref<!tpu.dma_semaphore, #tpu.memory_space<semaphore_mem>>) {add = true}
      %add3A_321 = arith.constant 2 : i32
      %add3A_322 = arith.addi %add3A_288, %add3A_321 : i32
      %sub3A_323 = arith.constant 1 : i32
      %sub3A_324 = arith.subi %select_n3A, %sub3A_323 : i32
      %le3A_325 = arith.cmpi sle, %add3A_322, %sub3A_324 : i32
      %convert_element_type3A_326 = arith.extui %le3A_325 : i1 to i32
      %cond3A_327 = arith.constant 0 : i32
      %cond3A_328 = arith.cmpi ne, %convert_element_type3A_326, %cond3A_327 : i32
      scf.if %cond3A_328 {
        %add3A_452 = arith.addi %mul3A_0, %add3A_288 : i32
        %add3A_453 = arith.constant 2 : i32
        %add3A_454 = arith.addi %add3A_452, %add3A_453 : i32
        %dma_start3A_455 = arith.constant 0 : i32
        %dma_start3A_456 = arith.constant 0 : i32
        %dma_start3A_457 = arith.constant 0 : i32
        %dma_start3A_458 = tpu.memref_slice %arg3[%arg1, %add3A_454, %dma_start3A_455, %dma_start3A_456, %dma_start3A_457] : memref<16x128x2x2x80xi32, #tpu.memory_space<hbm>> -> memref<1x1x2x2x80xi32, #tpu.memory_space<hbm>>
        %dma_start3A_459 = tpu.memref_squeeze %dma_start3A_458 : memref<1x1x2x2x80xi32, #tpu.memory_space<hbm>> -> memref<2x2x80xi32, #tpu.memory_space<hbm>>
        %dma_start3A_460 = arith.constant 0 : i32
        %dma_start3A_461 = arith.constant 0 : i32
        %dma_start3A_462 = arith.constant 0 : i32
        %dma_start3A_463 = tpu.memref_slice %arg3[%arg1, %add3A_454, %dma_start3A_460, %dma_start3A_461, %dma_start3A_462] : memref<16x128x2x2x80xi32, #tpu.memory_space<hbm>> -> memref<1x1x2x2x80xi32, #tpu.memory_space<hbm>>
        %dma_start3A_464 = tpu.memref_squeeze %dma_start3A_463 : memref<1x1x2x2x80xi32, #tpu.memory_space<hbm>> -> memref<2x2x80xi32, #tpu.memory_space<hbm>>
        tpu.enqueue_dma source(%dma_start3A_464 : memref<2x2x80xi32, #tpu.memory_space<hbm>>) target(%arg8 : memref<2x2x80xi32, #tpu.memory_space<vmem>>) target_semaphore(%arg25 : memref<!tpu.dma_semaphore, #tpu.memory_space<semaphore_mem>>)
      } else {
      }
      %ge3A_329 = arith.constant 1 : i32
      %ge3A_330 = arith.cmpi sge, %add3A_288, %ge3A_329 : i32
      %convert_element_type3A_331 = arith.extui %ge3A_330 : i1 to i32
      %cond3A_332 = arith.constant 0 : i32
      %cond3A_333 = arith.cmpi ne, %convert_element_type3A_331, %cond3A_332 : i32
      scf.if %cond3A_333 {
        %dma_wait3A_452 = arith.constant 1 : i32
        %dma_wait3A_453 = arith.constant 0 : i32
        %dma_wait3A_454 = arith.constant 0 : i32
        %dma_wait3A_455 = tpu.memref_slice %arg5[%dma_wait3A_452, %dma_wait3A_453, %dma_wait3A_454] : memref<2x2x80xi32, #tpu.memory_space<vmem>> -> memref<1x1x80xi32, #tpu.memory_space<vmem>>
        %dma_wait3A_456 = tpu.memref_squeeze %dma_wait3A_455 : memref<1x1x80xi32, #tpu.memory_space<vmem>> -> memref<80xi32, #tpu.memory_space<vmem>>
        %dma_wait3A_457 = arith.constant 0 : i32
        %dma_wait3A_458 = arith.constant 0 : i32
        %dma_wait3A_459 = tpu.memref_slice %arg13[%dma_wait3A_457, %dma_wait3A_458] : memref<10112x128xf32, #tpu.memory_space<vmem_shared>> -> memref<10112x128xf32, #tpu.memory_space<vmem_shared>>
        tpu.wait_indirect_dma semaphore(%arg18 : memref<!tpu.dma_semaphore, #tpu.memory_space<semaphore_mem>>) src(%arg9 : memref<80x128xf32, #tpu.memory_space<vmem>>) dst(%dma_wait3A_459 : memref<10112x128xf32, #tpu.memory_space<vmem_shared>>)
        %dma_wait3A_460 = arith.constant 1 : i32
        %dma_wait3A_461 = arith.constant 1 : i32
        %dma_wait3A_462 = arith.constant 0 : i32
        %dma_wait3A_463 = tpu.memref_slice %arg5[%dma_wait3A_460, %dma_wait3A_461, %dma_wait3A_462] : memref<2x2x80xi32, #tpu.memory_space<vmem>> -> memref<1x1x80xi32, #tpu.memory_space<vmem>>
        %dma_wait3A_464 = tpu.memref_squeeze %dma_wait3A_463 : memref<1x1x80xi32, #tpu.memory_space<vmem>> -> memref<80xi32, #tpu.memory_space<vmem>>
        %dma_wait3A_465 = arith.constant 0 : i32
        %dma_wait3A_466 = arith.constant 0 : i32
        %dma_wait3A_467 = tpu.memref_slice %arg13[%dma_wait3A_465, %dma_wait3A_466] : memref<10112x128xf32, #tpu.memory_space<vmem_shared>> -> memref<10112x128xf32, #tpu.memory_space<vmem_shared>>
        tpu.wait_indirect_dma semaphore(%arg19 : memref<!tpu.dma_semaphore, #tpu.memory_space<semaphore_mem>>) src(%arg10 : memref<80x128xf32, #tpu.memory_space<vmem>>) dst(%dma_wait3A_467 : memref<10112x128xf32, #tpu.memory_space<vmem_shared>>)
      } else {
      }
      %add3A_334 = arith.constant 1 : i32
      %add3A_335 = arith.addi %add3A_288, %add3A_334 : i32
      %sub3A_336 = arith.constant 1 : i32
      %sub3A_337 = arith.subi %select_n3A, %sub3A_336 : i32
      %le3A_338 = arith.cmpi sle, %add3A_335, %sub3A_337 : i32
      %convert_element_type3A_339 = arith.extui %le3A_338 : i1 to i32
      %cond3A_340 = arith.constant 0 : i32
      %cond3A_341 = arith.cmpi ne, %convert_element_type3A_339, %cond3A_340 : i32
      scf.if %cond3A_341 {
        %add3A_452 = arith.addi %mul3A_0, %add3A_288 : i32
        %add3A_453 = arith.constant 1 : i32
        %add3A_454 = arith.addi %add3A_452, %add3A_453 : i32
        %dma_wait3A_455 = arith.constant 0 : i32
        %dma_wait3A_456 = arith.constant 0 : i32
        %dma_wait3A_457 = arith.constant 0 : i32
        %dma_wait3A_458 = tpu.memref_slice %arg3[%arg1, %add3A_454, %dma_wait3A_455, %dma_wait3A_456, %dma_wait3A_457] : memref<16x128x2x2x80xi32, #tpu.memory_space<hbm>> -> memref<1x1x2x2x80xi32, #tpu.memory_space<hbm>>
        %dma_wait3A_459 = tpu.memref_squeeze %dma_wait3A_458 : memref<1x1x2x2x80xi32, #tpu.memory_space<hbm>> -> memref<2x2x80xi32, #tpu.memory_space<hbm>>
        %dma_wait3A_460 = arith.constant 0 : i32
        %dma_wait3A_461 = arith.constant 0 : i32
        %dma_wait3A_462 = arith.constant 0 : i32
        %dma_wait3A_463 = tpu.memref_slice %arg3[%arg1, %add3A_454, %dma_wait3A_460, %dma_wait3A_461, %dma_wait3A_462] : memref<16x128x2x2x80xi32, #tpu.memory_space<hbm>> -> memref<1x1x2x2x80xi32, #tpu.memory_space<hbm>>
        %dma_wait3A_464 = tpu.memref_squeeze %dma_wait3A_463 : memref<1x1x2x2x80xi32, #tpu.memory_space<hbm>> -> memref<2x2x80xi32, #tpu.memory_space<hbm>>
        tpu.wait_dma2 semaphore(%arg24 : memref<!tpu.dma_semaphore, #tpu.memory_space<semaphore_mem>>) src(%dma_wait3A_464 : memref<2x2x80xi32, #tpu.memory_space<hbm>>) dst(%arg7 : memref<2x2x80xi32, #tpu.memory_space<vmem>>)
        %dma_start3A_465 = arith.constant 0 : i32
        %dma_start3A_466 = arith.constant 0 : i32
        %dma_start3A_467 = arith.constant 0 : i32
        %dma_start3A_468 = tpu.memref_slice %arg7[%dma_start3A_465, %dma_start3A_466, %dma_start3A_467] : memref<2x2x80xi32, #tpu.memory_space<vmem>> -> memref<1x1x80xi32, #tpu.memory_space<vmem>>
        %dma_start3A_469 = tpu.memref_squeeze %dma_start3A_468 : memref<1x1x80xi32, #tpu.memory_space<vmem>> -> memref<80xi32, #tpu.memory_space<vmem>>
        %dma_start3A_470 = arith.constant 0 : i32
        %dma_start3A_471 = arith.constant 0 : i32
        %dma_start3A_472 = tpu.memref_slice %arg2[%dma_start3A_470, %dma_start3A_471] : memref<10000x128xf32, #tpu.memory_space<hbm>> -> memref<10000x128xf32, #tpu.memory_space<hbm>>
        tpu.enqueue_indirect_dma source(%dma_start3A_472 : memref<10000x128xf32, #tpu.memory_space<hbm>>) target(%arg9 : memref<80x128xf32, #tpu.memory_space<vmem>>) offsets(%dma_start3A_469 : memref<80xi32, #tpu.memory_space<vmem>>) semaphore(%arg14 : memref<!tpu.dma_semaphore, #tpu.memory_space<semaphore_mem>>)
        %dma_start3A_473 = arith.constant 0 : i32
        %dma_start3A_474 = arith.constant 1 : i32
        %dma_start3A_475 = arith.constant 0 : i32
        %dma_start3A_476 = tpu.memref_slice %arg7[%dma_start3A_473, %dma_start3A_474, %dma_start3A_475] : memref<2x2x80xi32, #tpu.memory_space<vmem>> -> memref<1x1x80xi32, #tpu.memory_space<vmem>>
        %dma_start3A_477 = tpu.memref_squeeze %dma_start3A_476 : memref<1x1x80xi32, #tpu.memory_space<vmem>> -> memref<80xi32, #tpu.memory_space<vmem>>
        %dma_start3A_478 = arith.constant 0 : i32
        %dma_start3A_479 = arith.constant 0 : i32
        %dma_start3A_480 = tpu.memref_slice %arg2[%dma_start3A_478, %dma_start3A_479] : memref<10000x128xf32, #tpu.memory_space<hbm>> -> memref<10000x128xf32, #tpu.memory_space<hbm>>
        tpu.enqueue_indirect_dma source(%dma_start3A_480 : memref<10000x128xf32, #tpu.memory_space<hbm>>) target(%arg10 : memref<80x128xf32, #tpu.memory_space<vmem>>) offsets(%dma_start3A_477 : memref<80xi32, #tpu.memory_space<vmem>>) semaphore(%arg15 : memref<!tpu.dma_semaphore, #tpu.memory_space<semaphore_mem>>)
      } else {
      }
      %add3A_342 = arith.constant 2 : i32
      %add3A_343 = arith.addi %add3A_235, %add3A_342 : i32
      %dma_wait3A_344 = arith.constant 0 : i32
      %dma_wait3A_345 = arith.constant 0 : i32
      %dma_wait3A_346 = arith.constant 0 : i32
      %dma_wait3A_347 = tpu.memref_slice %arg7[%dma_wait3A_344, %dma_wait3A_345, %dma_wait3A_346] : memref<2x2x80xi32, #tpu.memory_space<vmem>> -> memref<1x1x80xi32, #tpu.memory_space<vmem>>
      %dma_wait3A_348 = tpu.memref_squeeze %dma_wait3A_347 : memref<1x1x80xi32, #tpu.memory_space<vmem>> -> memref<80xi32, #tpu.memory_space<vmem>>
      %dma_wait3A_349 = arith.constant 0 : i32
      %dma_wait3A_350 = arith.constant 0 : i32
      %dma_wait3A_351 = tpu.memref_slice %arg2[%dma_wait3A_349, %dma_wait3A_350] : memref<10000x128xf32, #tpu.memory_space<hbm>> -> memref<10000x128xf32, #tpu.memory_space<hbm>>
      tpu.wait_indirect_dma semaphore(%arg14 : memref<!tpu.dma_semaphore, #tpu.memory_space<semaphore_mem>>) src(%dma_wait3A_351 : memref<10000x128xf32, #tpu.memory_space<hbm>>) dst(%arg9 : memref<80x128xf32, #tpu.memory_space<vmem>>)
      %dma_start3A_352 = arith.constant 1 : i32
      %dma_start3A_353 = arith.constant 0 : i32
      %dma_start3A_354 = arith.constant 0 : i32
      %dma_start3A_355 = tpu.memref_slice %arg7[%dma_start3A_352, %dma_start3A_353, %dma_start3A_354] : memref<2x2x80xi32, #tpu.memory_space<vmem>> -> memref<1x1x80xi32, #tpu.memory_space<vmem>>
      %dma_start3A_356 = tpu.memref_squeeze %dma_start3A_355 : memref<1x1x80xi32, #tpu.memory_space<vmem>> -> memref<80xi32, #tpu.memory_space<vmem>>
      %dma_start3A_357 = arith.constant 0 : i32
      %dma_start3A_358 = arith.constant 0 : i32
      %dma_start3A_359 = tpu.memref_slice %arg13[%dma_start3A_357, %dma_start3A_358] : memref<10112x128xf32, #tpu.memory_space<vmem_shared>> -> memref<10112x128xf32, #tpu.memory_space<vmem_shared>>
      tpu.enqueue_indirect_dma source(%arg9 : memref<80x128xf32, #tpu.memory_space<vmem>>) target(%dma_start3A_359 : memref<10112x128xf32, #tpu.memory_space<vmem_shared>>) offsets(%dma_start3A_356 : memref<80xi32, #tpu.memory_space<vmem>>) semaphore(%arg18 : memref<!tpu.dma_semaphore, #tpu.memory_space<semaphore_mem>>) {add = true}
      %dma_wait3A_360 = arith.constant 0 : i32
      %dma_wait3A_361 = arith.constant 1 : i32
      %dma_wait3A_362 = arith.constant 0 : i32
      %dma_wait3A_363 = tpu.memref_slice %arg7[%dma_wait3A_360, %dma_wait3A_361, %dma_wait3A_362] : memref<2x2x80xi32, #tpu.memory_space<vmem>> -> memref<1x1x80xi32, #tpu.memory_space<vmem>>
      %dma_wait3A_364 = tpu.memref_squeeze %dma_wait3A_363 : memref<1x1x80xi32, #tpu.memory_space<vmem>> -> memref<80xi32, #tpu.memory_space<vmem>>
      %dma_wait3A_365 = arith.constant 0 : i32
      %dma_wait3A_366 = arith.constant 0 : i32
      %dma_wait3A_367 = tpu.memref_slice %arg2[%dma_wait3A_365, %dma_wait3A_366] : memref<10000x128xf32, #tpu.memory_space<hbm>> -> memref<10000x128xf32, #tpu.memory_space<hbm>>
      tpu.wait_indirect_dma semaphore(%arg15 : memref<!tpu.dma_semaphore, #tpu.memory_space<semaphore_mem>>) src(%dma_wait3A_367 : memref<10000x128xf32, #tpu.memory_space<hbm>>) dst(%arg10 : memref<80x128xf32, #tpu.memory_space<vmem>>)
      %dma_start3A_368 = arith.constant 1 : i32
      %dma_start3A_369 = arith.constant 1 : i32
      %dma_start3A_370 = arith.constant 0 : i32
      %dma_start3A_371 = tpu.memref_slice %arg7[%dma_start3A_368, %dma_start3A_369, %dma_start3A_370] : memref<2x2x80xi32, #tpu.memory_space<vmem>> -> memref<1x1x80xi32, #tpu.memory_space<vmem>>
      %dma_start3A_372 = tpu.memref_squeeze %dma_start3A_371 : memref<1x1x80xi32, #tpu.memory_space<vmem>> -> memref<80xi32, #tpu.memory_space<vmem>>
      %dma_start3A_373 = arith.constant 0 : i32
      %dma_start3A_374 = arith.constant 0 : i32
      %dma_start3A_375 = tpu.memref_slice %arg13[%dma_start3A_373, %dma_start3A_374] : memref<10112x128xf32, #tpu.memory_space<vmem_shared>> -> memref<10112x128xf32, #tpu.memory_space<vmem_shared>>
      tpu.enqueue_indirect_dma source(%arg10 : memref<80x128xf32, #tpu.memory_space<vmem>>) target(%dma_start3A_375 : memref<10112x128xf32, #tpu.memory_space<vmem_shared>>) offsets(%dma_start3A_372 : memref<80xi32, #tpu.memory_space<vmem>>) semaphore(%arg19 : memref<!tpu.dma_semaphore, #tpu.memory_space<semaphore_mem>>) {add = true}
      %add3A_376 = arith.constant 2 : i32
      %add3A_377 = arith.addi %add3A_343, %add3A_376 : i32
      %sub3A_378 = arith.constant 1 : i32
      %sub3A_379 = arith.subi %select_n3A, %sub3A_378 : i32
      %le3A_380 = arith.cmpi sle, %add3A_377, %sub3A_379 : i32
      %convert_element_type3A_381 = arith.extui %le3A_380 : i1 to i32
      %cond3A_382 = arith.constant 0 : i32
      %cond3A_383 = arith.cmpi ne, %convert_element_type3A_381, %cond3A_382 : i32
      scf.if %cond3A_383 {
        %add3A_452 = arith.addi %mul3A_0, %add3A_343 : i32
        %add3A_453 = arith.constant 2 : i32
        %add3A_454 = arith.addi %add3A_452, %add3A_453 : i32
        %dma_start3A_455 = arith.constant 0 : i32
        %dma_start3A_456 = arith.constant 0 : i32
        %dma_start3A_457 = arith.constant 0 : i32
        %dma_start3A_458 = tpu.memref_slice %arg3[%arg1, %add3A_454, %dma_start3A_455, %dma_start3A_456, %dma_start3A_457] : memref<16x128x2x2x80xi32, #tpu.memory_space<hbm>> -> memref<1x1x2x2x80xi32, #tpu.memory_space<hbm>>
        %dma_start3A_459 = tpu.memref_squeeze %dma_start3A_458 : memref<1x1x2x2x80xi32, #tpu.memory_space<hbm>> -> memref<2x2x80xi32, #tpu.memory_space<hbm>>
        %dma_start3A_460 = arith.constant 0 : i32
        %dma_start3A_461 = arith.constant 0 : i32
        %dma_start3A_462 = arith.constant 0 : i32
        %dma_start3A_463 = tpu.memref_slice %arg3[%arg1, %add3A_454, %dma_start3A_460, %dma_start3A_461, %dma_start3A_462] : memref<16x128x2x2x80xi32, #tpu.memory_space<hbm>> -> memref<1x1x2x2x80xi32, #tpu.memory_space<hbm>>
        %dma_start3A_464 = tpu.memref_squeeze %dma_start3A_463 : memref<1x1x2x2x80xi32, #tpu.memory_space<hbm>> -> memref<2x2x80xi32, #tpu.memory_space<hbm>>
        tpu.enqueue_dma source(%dma_start3A_464 : memref<2x2x80xi32, #tpu.memory_space<hbm>>) target(%arg5 : memref<2x2x80xi32, #tpu.memory_space<vmem>>) target_semaphore(%arg22 : memref<!tpu.dma_semaphore, #tpu.memory_space<semaphore_mem>>)
      } else {
      }
      %ge3A_384 = arith.constant 1 : i32
      %ge3A_385 = arith.cmpi sge, %add3A_343, %ge3A_384 : i32
      %convert_element_type3A_386 = arith.extui %ge3A_385 : i1 to i32
      %cond3A_387 = arith.constant 0 : i32
      %cond3A_388 = arith.cmpi ne, %convert_element_type3A_386, %cond3A_387 : i32
      scf.if %cond3A_388 {
        %dma_wait3A_452 = arith.constant 1 : i32
        %dma_wait3A_453 = arith.constant 0 : i32
        %dma_wait3A_454 = arith.constant 0 : i32
        %dma_wait3A_455 = tpu.memref_slice %arg6[%dma_wait3A_452, %dma_wait3A_453, %dma_wait3A_454] : memref<2x2x80xi32, #tpu.memory_space<vmem>> -> memref<1x1x80xi32, #tpu.memory_space<vmem>>
        %dma_wait3A_456 = tpu.memref_squeeze %dma_wait3A_455 : memref<1x1x80xi32, #tpu.memory_space<vmem>> -> memref<80xi32, #tpu.memory_space<vmem>>
        %dma_wait3A_457 = arith.constant 0 : i32
        %dma_wait3A_458 = arith.constant 0 : i32
        %dma_wait3A_459 = tpu.memref_slice %arg13[%dma_wait3A_457, %dma_wait3A_458] : memref<10112x128xf32, #tpu.memory_space<vmem_shared>> -> memref<10112x128xf32, #tpu.memory_space<vmem_shared>>
        tpu.wait_indirect_dma semaphore(%arg20 : memref<!tpu.dma_semaphore, #tpu.memory_space<semaphore_mem>>) src(%arg11 : memref<80x128xf32, #tpu.memory_space<vmem>>) dst(%dma_wait3A_459 : memref<10112x128xf32, #tpu.memory_space<vmem_shared>>)
        %dma_wait3A_460 = arith.constant 1 : i32
        %dma_wait3A_461 = arith.constant 1 : i32
        %dma_wait3A_462 = arith.constant 0 : i32
        %dma_wait3A_463 = tpu.memref_slice %arg6[%dma_wait3A_460, %dma_wait3A_461, %dma_wait3A_462] : memref<2x2x80xi32, #tpu.memory_space<vmem>> -> memref<1x1x80xi32, #tpu.memory_space<vmem>>
        %dma_wait3A_464 = tpu.memref_squeeze %dma_wait3A_463 : memref<1x1x80xi32, #tpu.memory_space<vmem>> -> memref<80xi32, #tpu.memory_space<vmem>>
        %dma_wait3A_465 = arith.constant 0 : i32
        %dma_wait3A_466 = arith.constant 0 : i32
        %dma_wait3A_467 = tpu.memref_slice %arg13[%dma_wait3A_465, %dma_wait3A_466] : memref<10112x128xf32, #tpu.memory_space<vmem_shared>> -> memref<10112x128xf32, #tpu.memory_space<vmem_shared>>
        tpu.wait_indirect_dma semaphore(%arg21 : memref<!tpu.dma_semaphore, #tpu.memory_space<semaphore_mem>>) src(%arg12 : memref<80x128xf32, #tpu.memory_space<vmem>>) dst(%dma_wait3A_467 : memref<10112x128xf32, #tpu.memory_space<vmem_shared>>)
      } else {
      }
      %add3A_389 = arith.constant 1 : i32
      %add3A_390 = arith.addi %add3A_343, %add3A_389 : i32
      %sub3A_391 = arith.constant 1 : i32
      %sub3A_392 = arith.subi %select_n3A, %sub3A_391 : i32
      %le3A_393 = arith.cmpi sle, %add3A_390, %sub3A_392 : i32
      %convert_element_type3A_394 = arith.extui %le3A_393 : i1 to i32
      %cond3A_395 = arith.constant 0 : i32
      %cond3A_396 = arith.cmpi ne, %convert_element_type3A_394, %cond3A_395 : i32
      scf.if %cond3A_396 {
        %add3A_452 = arith.addi %mul3A_0, %add3A_343 : i32
        %add3A_453 = arith.constant 1 : i32
        %add3A_454 = arith.addi %add3A_452, %add3A_453 : i32
        %dma_wait3A_455 = arith.constant 0 : i32
        %dma_wait3A_456 = arith.constant 0 : i32
        %dma_wait3A_457 = arith.constant 0 : i32
        %dma_wait3A_458 = tpu.memref_slice %arg3[%arg1, %add3A_454, %dma_wait3A_455, %dma_wait3A_456, %dma_wait3A_457] : memref<16x128x2x2x80xi32, #tpu.memory_space<hbm>> -> memref<1x1x2x2x80xi32, #tpu.memory_space<hbm>>
        %dma_wait3A_459 = tpu.memref_squeeze %dma_wait3A_458 : memref<1x1x2x2x80xi32, #tpu.memory_space<hbm>> -> memref<2x2x80xi32, #tpu.memory_space<hbm>>
        %dma_wait3A_460 = arith.constant 0 : i32
        %dma_wait3A_461 = arith.constant 0 : i32
        %dma_wait3A_462 = arith.constant 0 : i32
        %dma_wait3A_463 = tpu.memref_slice %arg3[%arg1, %add3A_454, %dma_wait3A_460, %dma_wait3A_461, %dma_wait3A_462] : memref<16x128x2x2x80xi32, #tpu.memory_space<hbm>> -> memref<1x1x2x2x80xi32, #tpu.memory_space<hbm>>
        %dma_wait3A_464 = tpu.memref_squeeze %dma_wait3A_463 : memref<1x1x2x2x80xi32, #tpu.memory_space<hbm>> -> memref<2x2x80xi32, #tpu.memory_space<hbm>>
        tpu.wait_dma2 semaphore(%arg25 : memref<!tpu.dma_semaphore, #tpu.memory_space<semaphore_mem>>) src(%dma_wait3A_464 : memref<2x2x80xi32, #tpu.memory_space<hbm>>) dst(%arg8 : memref<2x2x80xi32, #tpu.memory_space<vmem>>)
        %dma_start3A_465 = arith.constant 0 : i32
        %dma_start3A_466 = arith.constant 0 : i32
        %dma_start3A_467 = arith.constant 0 : i32
        %dma_start3A_468 = tpu.memref_slice %arg8[%dma_start3A_465, %dma_start3A_466, %dma_start3A_467] : memref<2x2x80xi32, #tpu.memory_space<vmem>> -> memref<1x1x80xi32, #tpu.memory_space<vmem>>
        %dma_start3A_469 = tpu.memref_squeeze %dma_start3A_468 : memref<1x1x80xi32, #tpu.memory_space<vmem>> -> memref<80xi32, #tpu.memory_space<vmem>>
        %dma_start3A_470 = arith.constant 0 : i32
        %dma_start3A_471 = arith.constant 0 : i32
        %dma_start3A_472 = tpu.memref_slice %arg2[%dma_start3A_470, %dma_start3A_471] : memref<10000x128xf32, #tpu.memory_space<hbm>> -> memref<10000x128xf32, #tpu.memory_space<hbm>>
        tpu.enqueue_indirect_dma source(%dma_start3A_472 : memref<10000x128xf32, #tpu.memory_space<hbm>>) target(%arg11 : memref<80x128xf32, #tpu.memory_space<vmem>>) offsets(%dma_start3A_469 : memref<80xi32, #tpu.memory_space<vmem>>) semaphore(%arg16 : memref<!tpu.dma_semaphore, #tpu.memory_space<semaphore_mem>>)
        %dma_start3A_473 = arith.constant 0 : i32
        %dma_start3A_474 = arith.constant 1 : i32
        %dma_start3A_475 = arith.constant 0 : i32
        %dma_start3A_476 = tpu.memref_slice %arg8[%dma_start3A_473, %dma_start3A_474, %dma_start3A_475] : memref<2x2x80xi32, #tpu.memory_space<vmem>> -> memref<1x1x80xi32, #tpu.memory_space<vmem>>
        %dma_start3A_477 = tpu.memref_squeeze %dma_start3A_476 : memref<1x1x80xi32, #tpu.memory_space<vmem>> -> memref<80xi32, #tpu.memory_space<vmem>>
        %dma_start3A_478 = arith.constant 0 : i32
        %dma_start3A_479 = arith.constant 0 : i32
        %dma_start3A_480 = tpu.memref_slice %arg2[%dma_start3A_478, %dma_start3A_479] : memref<10000x128xf32, #tpu.memory_space<hbm>> -> memref<10000x128xf32, #tpu.memory_space<hbm>>
        tpu.enqueue_indirect_dma source(%dma_start3A_480 : memref<10000x128xf32, #tpu.memory_space<hbm>>) target(%arg12 : memref<80x128xf32, #tpu.memory_space<vmem>>) offsets(%dma_start3A_477 : memref<80xi32, #tpu.memory_space<vmem>>) semaphore(%arg17 : memref<!tpu.dma_semaphore, #tpu.memory_space<semaphore_mem>>)
      } else {
      }
      %add3A_397 = arith.constant 3 : i32
      %add3A_398 = arith.addi %add3A_235, %add3A_397 : i32
      %dma_wait3A_399 = arith.constant 0 : i32
      %dma_wait3A_400 = arith.constant 0 : i32
      %dma_wait3A_401 = arith.constant 0 : i32
      %dma_wait3A_402 = tpu.memref_slice %arg8[%dma_wait3A_399, %dma_wait3A_400, %dma_wait3A_401] : memref<2x2x80xi32, #tpu.memory_space<vmem>> -> memref<1x1x80xi32, #tpu.memory_space<vmem>>
      %dma_wait3A_403 = tpu.memref_squeeze %dma_wait3A_402 : memref<1x1x80xi32, #tpu.memory_space<vmem>> -> memref<80xi32, #tpu.memory_space<vmem>>
      %dma_wait3A_404 = arith.constant 0 : i32
      %dma_wait3A_405 = arith.constant 0 : i32
      %dma_wait3A_406 = tpu.memref_slice %arg2[%dma_wait3A_404, %dma_wait3A_405] : memref<10000x128xf32, #tpu.memory_space<hbm>> -> memref<10000x128xf32, #tpu.memory_space<hbm>>
      tpu.wait_indirect_dma semaphore(%arg16 : memref<!tpu.dma_semaphore, #tpu.memory_space<semaphore_mem>>) src(%dma_wait3A_406 : memref<10000x128xf32, #tpu.memory_space<hbm>>) dst(%arg11 : memref<80x128xf32, #tpu.memory_space<vmem>>)
      %dma_start3A_407 = arith.constant 1 : i32
      %dma_start3A_408 = arith.constant 0 : i32
      %dma_start3A_409 = arith.constant 0 : i32
      %dma_start3A_410 = tpu.memref_slice %arg8[%dma_start3A_407, %dma_start3A_408, %dma_start3A_409] : memref<2x2x80xi32, #tpu.memory_space<vmem>> -> memref<1x1x80xi32, #tpu.memory_space<vmem>>
      %dma_start3A_411 = tpu.memref_squeeze %dma_start3A_410 : memref<1x1x80xi32, #tpu.memory_space<vmem>> -> memref<80xi32, #tpu.memory_space<vmem>>
      %dma_start3A_412 = arith.constant 0 : i32
      %dma_start3A_413 = arith.constant 0 : i32
      %dma_start3A_414 = tpu.memref_slice %arg13[%dma_start3A_412, %dma_start3A_413] : memref<10112x128xf32, #tpu.memory_space<vmem_shared>> -> memref<10112x128xf32, #tpu.memory_space<vmem_shared>>
      tpu.enqueue_indirect_dma source(%arg11 : memref<80x128xf32, #tpu.memory_space<vmem>>) target(%dma_start3A_414 : memref<10112x128xf32, #tpu.memory_space<vmem_shared>>) offsets(%dma_start3A_411 : memref<80xi32, #tpu.memory_space<vmem>>) semaphore(%arg20 : memref<!tpu.dma_semaphore, #tpu.memory_space<semaphore_mem>>) {add = true}
      %dma_wait3A_415 = arith.constant 0 : i32
      %dma_wait3A_416 = arith.constant 1 : i32
      %dma_wait3A_417 = arith.constant 0 : i32
      %dma_wait3A_418 = tpu.memref_slice %arg8[%dma_wait3A_415, %dma_wait3A_416, %dma_wait3A_417] : memref<2x2x80xi32, #tpu.memory_space<vmem>> -> memref<1x1x80xi32, #tpu.memory_space<vmem>>
      %dma_wait3A_419 = tpu.memref_squeeze %dma_wait3A_418 : memref<1x1x80xi32, #tpu.memory_space<vmem>> -> memref<80xi32, #tpu.memory_space<vmem>>
      %dma_wait3A_420 = arith.constant 0 : i32
      %dma_wait3A_421 = arith.constant 0 : i32
      %dma_wait3A_422 = tpu.memref_slice %arg2[%dma_wait3A_420, %dma_wait3A_421] : memref<10000x128xf32, #tpu.memory_space<hbm>> -> memref<10000x128xf32, #tpu.memory_space<hbm>>
      tpu.wait_indirect_dma semaphore(%arg17 : memref<!tpu.dma_semaphore, #tpu.memory_space<semaphore_mem>>) src(%dma_wait3A_422 : memref<10000x128xf32, #tpu.memory_space<hbm>>) dst(%arg12 : memref<80x128xf32, #tpu.memory_space<vmem>>)
      %dma_start3A_423 = arith.constant 1 : i32
      %dma_start3A_424 = arith.constant 1 : i32
      %dma_start3A_425 = arith.constant 0 : i32
      %dma_start3A_426 = tpu.memref_slice %arg8[%dma_start3A_423, %dma_start3A_424, %dma_start3A_425] : memref<2x2x80xi32, #tpu.memory_space<vmem>> -> memref<1x1x80xi32, #tpu.memory_space<vmem>>
      %dma_start3A_427 = tpu.memref_squeeze %dma_start3A_426 : memref<1x1x80xi32, #tpu.memory_space<vmem>> -> memref<80xi32, #tpu.memory_space<vmem>>
      %dma_start3A_428 = arith.constant 0 : i32
      %dma_start3A_429 = arith.constant 0 : i32
      %dma_start3A_430 = tpu.memref_slice %arg13[%dma_start3A_428, %dma_start3A_429] : memref<10112x128xf32, #tpu.memory_space<vmem_shared>> -> memref<10112x128xf32, #tpu.memory_space<vmem_shared>>
      tpu.enqueue_indirect_dma source(%arg12 : memref<80x128xf32, #tpu.memory_space<vmem>>) target(%dma_start3A_430 : memref<10112x128xf32, #tpu.memory_space<vmem_shared>>) offsets(%dma_start3A_427 : memref<80xi32, #tpu.memory_space<vmem>>) semaphore(%arg21 : memref<!tpu.dma_semaphore, #tpu.memory_space<semaphore_mem>>) {add = true}
      %add3A_431 = arith.constant 2 : i32
      %add3A_432 = arith.addi %add3A_398, %add3A_431 : i32
      %sub3A_433 = arith.constant 1 : i32
      %sub3A_434 = arith.subi %select_n3A, %sub3A_433 : i32
      %le3A_435 = arith.cmpi sle, %add3A_432, %sub3A_434 : i32
      %convert_element_type3A_436 = arith.extui %le3A_435 : i1 to i32
      %cond3A_437 = arith.constant 0 : i32
      %cond3A_438 = arith.cmpi ne, %convert_element_type3A_436, %cond3A_437 : i32
      scf.if %cond3A_438 {
        %add3A_452 = arith.addi %mul3A_0, %add3A_398 : i32
        %add3A_453 = arith.constant 2 : i32
        %add3A_454 = arith.addi %add3A_452, %add3A_453 : i32
        %dma_start3A_455 = arith.constant 0 : i32
        %dma_start3A_456 = arith.constant 0 : i32
        %dma_start3A_457 = arith.constant 0 : i32
        %dma_start3A_458 = tpu.memref_slice %arg3[%arg1, %add3A_454, %dma_start3A_455, %dma_start3A_456, %dma_start3A_457] : memref<16x128x2x2x80xi32, #tpu.memory_space<hbm>> -> memref<1x1x2x2x80xi32, #tpu.memory_space<hbm>>
        %dma_start3A_459 = tpu.memref_squeeze %dma_start3A_458 : memref<1x1x2x2x80xi32, #tpu.memory_space<hbm>> -> memref<2x2x80xi32, #tpu.memory_space<hbm>>
        %dma_start3A_460 = arith.constant 0 : i32
        %dma_start3A_461 = arith.constant 0 : i32
        %dma_start3A_462 = arith.constant 0 : i32
        %dma_start3A_463 = tpu.memref_slice %arg3[%arg1, %add3A_454, %dma_start3A_460, %dma_start3A_461, %dma_start3A_462] : memref<16x128x2x2x80xi32, #tpu.memory_space<hbm>> -> memref<1x1x2x2x80xi32, #tpu.memory_space<hbm>>
        %dma_start3A_464 = tpu.memref_squeeze %dma_start3A_463 : memref<1x1x2x2x80xi32, #tpu.memory_space<hbm>> -> memref<2x2x80xi32, #tpu.memory_space<hbm>>
        tpu.enqueue_dma source(%dma_start3A_464 : memref<2x2x80xi32, #tpu.memory_space<hbm>>) target(%arg6 : memref<2x2x80xi32, #tpu.memory_space<vmem>>) target_semaphore(%arg23 : memref<!tpu.dma_semaphore, #tpu.memory_space<semaphore_mem>>)
      } else {
      }
      %ge3A_439 = arith.constant 1 : i32
      %ge3A_440 = arith.cmpi sge, %add3A_398, %ge3A_439 : i32
      %convert_element_type3A_441 = arith.extui %ge3A_440 : i1 to i32
      %cond3A_442 = arith.constant 0 : i32
      %cond3A_443 = arith.cmpi ne, %convert_element_type3A_441, %cond3A_442 : i32
      scf.if %cond3A_443 {
        %dma_wait3A_452 = arith.constant 1 : i32
        %dma_wait3A_453 = arith.constant 0 : i32
        %dma_wait3A_454 = arith.constant 0 : i32
        %dma_wait3A_455 = tpu.memref_slice %arg7[%dma_wait3A_452, %dma_wait3A_453, %dma_wait3A_454] : memref<2x2x80xi32, #tpu.memory_space<vmem>> -> memref<1x1x80xi32, #tpu.memory_space<vmem>>
        %dma_wait3A_456 = tpu.memref_squeeze %dma_wait3A_455 : memref<1x1x80xi32, #tpu.memory_space<vmem>> -> memref<80xi32, #tpu.memory_space<vmem>>
        %dma_wait3A_457 = arith.constant 0 : i32
        %dma_wait3A_458 = arith.constant 0 : i32
        %dma_wait3A_459 = tpu.memref_slice %arg13[%dma_wait3A_457, %dma_wait3A_458] : memref<10112x128xf32, #tpu.memory_space<vmem_shared>> -> memref<10112x128xf32, #tpu.memory_space<vmem_shared>>
        tpu.wait_indirect_dma semaphore(%arg18 : memref<!tpu.dma_semaphore, #tpu.memory_space<semaphore_mem>>) src(%arg9 : memref<80x128xf32, #tpu.memory_space<vmem>>) dst(%dma_wait3A_459 : memref<10112x128xf32, #tpu.memory_space<vmem_shared>>)
        %dma_wait3A_460 = arith.constant 1 : i32
        %dma_wait3A_461 = arith.constant 1 : i32
        %dma_wait3A_462 = arith.constant 0 : i32
        %dma_wait3A_463 = tpu.memref_slice %arg7[%dma_wait3A_460, %dma_wait3A_461, %dma_wait3A_462] : memref<2x2x80xi32, #tpu.memory_space<vmem>> -> memref<1x1x80xi32, #tpu.memory_space<vmem>>
        %dma_wait3A_464 = tpu.memref_squeeze %dma_wait3A_463 : memref<1x1x80xi32, #tpu.memory_space<vmem>> -> memref<80xi32, #tpu.memory_space<vmem>>
        %dma_wait3A_465 = arith.constant 0 : i32
        %dma_wait3A_466 = arith.constant 0 : i32
        %dma_wait3A_467 = tpu.memref_slice %arg13[%dma_wait3A_465, %dma_wait3A_466] : memref<10112x128xf32, #tpu.memory_space<vmem_shared>> -> memref<10112x128xf32, #tpu.memory_space<vmem_shared>>
        tpu.wait_indirect_dma semaphore(%arg19 : memref<!tpu.dma_semaphore, #tpu.memory_space<semaphore_mem>>) src(%arg10 : memref<80x128xf32, #tpu.memory_space<vmem>>) dst(%dma_wait3A_467 : memref<10112x128xf32, #tpu.memory_space<vmem_shared>>)
      } else {
      }
      %add3A_444 = arith.constant 1 : i32
      %add3A_445 = arith.addi %add3A_398, %add3A_444 : i32
      %sub3A_446 = arith.constant 1 : i32
      %sub3A_447 = arith.subi %select_n3A, %sub3A_446 : i32
      %le3A_448 = arith.cmpi sle, %add3A_445, %sub3A_447 : i32
      %convert_element_type3A_449 = arith.extui %le3A_448 : i1 to i32
      %cond3A_450 = arith.constant 0 : i32
      %cond3A_451 = arith.cmpi ne, %convert_element_type3A_449, %cond3A_450 : i32
      scf.if %cond3A_451 {
        %add3A_452 = arith.addi %mul3A_0, %add3A_398 : i32
        %add3A_453 = arith.constant 1 : i32
        %add3A_454 = arith.addi %add3A_452, %add3A_453 : i32
        %dma_wait3A_455 = arith.constant 0 : i32
        %dma_wait3A_456 = arith.constant 0 : i32
        %dma_wait3A_457 = arith.constant 0 : i32
        %dma_wait3A_458 = tpu.memref_slice %arg3[%arg1, %add3A_454, %dma_wait3A_455, %dma_wait3A_456, %dma_wait3A_457] : memref<16x128x2x2x80xi32, #tpu.memory_space<hbm>> -> memref<1x1x2x2x80xi32, #tpu.memory_space<hbm>>
        %dma_wait3A_459 = tpu.memref_squeeze %dma_wait3A_458 : memref<1x1x2x2x80xi32, #tpu.memory_space<hbm>> -> memref<2x2x80xi32, #tpu.memory_space<hbm>>
        %dma_wait3A_460 = arith.constant 0 : i32
        %dma_wait3A_461 = arith.constant 0 : i32
        %dma_wait3A_462 = arith.constant 0 : i32
        %dma_wait3A_463 = tpu.memref_slice %arg3[%arg1, %add3A_454, %dma_wait3A_460, %dma_wait3A_461, %dma_wait3A_462] : memref<16x128x2x2x80xi32, #tpu.memory_space<hbm>> -> memref<1x1x2x2x80xi32, #tpu.memory_space<hbm>>
        %dma_wait3A_464 = tpu.memref_squeeze %dma_wait3A_463 : memref<1x1x2x2x80xi32, #tpu.memory_space<hbm>> -> memref<2x2x80xi32, #tpu.memory_space<hbm>>
        tpu.wait_dma2 semaphore(%arg22 : memref<!tpu.dma_semaphore, #tpu.memory_space<semaphore_mem>>) src(%dma_wait3A_464 : memref<2x2x80xi32, #tpu.memory_space<hbm>>) dst(%arg5 : memref<2x2x80xi32, #tpu.memory_space<vmem>>)
        %dma_start3A_465 = arith.constant 0 : i32
        %dma_start3A_466 = arith.constant 0 : i32
        %dma_start3A_467 = arith.constant 0 : i32
        %dma_start3A_468 = tpu.memref_slice %arg5[%dma_start3A_465, %dma_start3A_466, %dma_start3A_467] : memref<2x2x80xi32, #tpu.memory_space<vmem>> -> memref<1x1x80xi32, #tpu.memory_space<vmem>>
        %dma_start3A_469 = tpu.memref_squeeze %dma_start3A_468 : memref<1x1x80xi32, #tpu.memory_space<vmem>> -> memref<80xi32, #tpu.memory_space<vmem>>
        %dma_start3A_470 = arith.constant 0 : i32
        %dma_start3A_471 = arith.constant 0 : i32
        %dma_start3A_472 = tpu.memref_slice %arg2[%dma_start3A_470, %dma_start3A_471] : memref<10000x128xf32, #tpu.memory_space<hbm>> -> memref<10000x128xf32, #tpu.memory_space<hbm>>
        tpu.enqueue_indirect_dma source(%dma_start3A_472 : memref<10000x128xf32, #tpu.memory_space<hbm>>) target(%arg9 : memref<80x128xf32, #tpu.memory_space<vmem>>) offsets(%dma_start3A_469 : memref<80xi32, #tpu.memory_space<vmem>>) semaphore(%arg14 : memref<!tpu.dma_semaphore, #tpu.memory_space<semaphore_mem>>)
        %dma_start3A_473 = arith.constant 0 : i32
        %dma_start3A_474 = arith.constant 1 : i32
        %dma_start3A_475 = arith.constant 0 : i32
        %dma_start3A_476 = tpu.memref_slice %arg5[%dma_start3A_473, %dma_start3A_474, %dma_start3A_475] : memref<2x2x80xi32, #tpu.memory_space<vmem>> -> memref<1x1x80xi32, #tpu.memory_space<vmem>>
        %dma_start3A_477 = tpu.memref_squeeze %dma_start3A_476 : memref<1x1x80xi32, #tpu.memory_space<vmem>> -> memref<80xi32, #tpu.memory_space<vmem>>
        %dma_start3A_478 = arith.constant 0 : i32
        %dma_start3A_479 = arith.constant 0 : i32
        %dma_start3A_480 = tpu.memref_slice %arg2[%dma_start3A_478, %dma_start3A_479] : memref<10000x128xf32, #tpu.memory_space<hbm>> -> memref<10000x128xf32, #tpu.memory_space<hbm>>
        tpu.enqueue_indirect_dma source(%dma_start3A_480 : memref<10000x128xf32, #tpu.memory_space<hbm>>) target(%arg10 : memref<80x128xf32, #tpu.memory_space<vmem>>) offsets(%dma_start3A_477 : memref<80xi32, #tpu.memory_space<vmem>>) semaphore(%arg15 : memref<!tpu.dma_semaphore, #tpu.memory_space<semaphore_mem>>)
      } else {
      }
    }
    %while3A_211 = arith.constant 1 : i32
    scf.for %while3A_233 = %while3A_209 to %while3A_205 step %while3A_211  : i32 {
      %mul3A_234 = arith.muli %while3A_233, %while3A : i32
      %add3A_235 = arith.addi %while3A_202, %mul3A_234 : i32
      %add3A_236 = arith.constant 0 : i32
      %add3A_237 = arith.addi %add3A_235, %add3A_236 : i32
      %dma_wait3A_238 = arith.constant 0 : i32
      %dma_wait3A_239 = arith.constant 0 : i32
      %dma_wait3A_240 = arith.constant 0 : i32
      %dma_wait3A_241 = tpu.memref_slice %arg5[%dma_wait3A_238, %dma_wait3A_239, %dma_wait3A_240] : memref<2x2x80xi32, #tpu.memory_space<vmem>> -> memref<1x1x80xi32, #tpu.memory_space<vmem>>
      %dma_wait3A_242 = tpu.memref_squeeze %dma_wait3A_241 : memref<1x1x80xi32, #tpu.memory_space<vmem>> -> memref<80xi32, #tpu.memory_space<vmem>>
      %dma_wait3A_243 = arith.constant 0 : i32
      %dma_wait3A_244 = arith.constant 0 : i32
      %dma_wait3A_245 = tpu.memref_slice %arg2[%dma_wait3A_243, %dma_wait3A_244] : memref<10000x128xf32, #tpu.memory_space<hbm>> -> memref<10000x128xf32, #tpu.memory_space<hbm>>
      tpu.wait_indirect_dma semaphore(%arg14 : memref<!tpu.dma_semaphore, #tpu.memory_space<semaphore_mem>>) src(%dma_wait3A_245 : memref<10000x128xf32, #tpu.memory_space<hbm>>) dst(%arg9 : memref<80x128xf32, #tpu.memory_space<vmem>>)
      %dma_start3A_246 = arith.constant 1 : i32
      %dma_start3A_247 = arith.constant 0 : i32
      %dma_start3A_248 = arith.constant 0 : i32
      %dma_start3A_249 = tpu.memref_slice %arg5[%dma_start3A_246, %dma_start3A_247, %dma_start3A_248] : memref<2x2x80xi32, #tpu.memory_space<vmem>> -> memref<1x1x80xi32, #tpu.memory_space<vmem>>
      %dma_start3A_250 = tpu.memref_squeeze %dma_start3A_249 : memref<1x1x80xi32, #tpu.memory_space<vmem>> -> memref<80xi32, #tpu.memory_space<vmem>>
      %dma_start3A_251 = arith.constant 0 : i32
      %dma_start3A_252 = arith.constant 0 : i32
      %dma_start3A_253 = tpu.memref_slice %arg13[%dma_start3A_251, %dma_start3A_252] : memref<10112x128xf32, #tpu.memory_space<vmem_shared>> -> memref<10112x128xf32, #tpu.memory_space<vmem_shared>>
      tpu.enqueue_indirect_dma source(%arg9 : memref<80x128xf32, #tpu.memory_space<vmem>>) target(%dma_start3A_253 : memref<10112x128xf32, #tpu.memory_space<vmem_shared>>) offsets(%dma_start3A_250 : memref<80xi32, #tpu.memory_space<vmem>>) semaphore(%arg18 : memref<!tpu.dma_semaphore, #tpu.memory_space<semaphore_mem>>) {add = true}
      %dma_wait3A_254 = arith.constant 0 : i32
      %dma_wait3A_255 = arith.constant 1 : i32
      %dma_wait3A_256 = arith.constant 0 : i32
      %dma_wait3A_257 = tpu.memref_slice %arg5[%dma_wait3A_254, %dma_wait3A_255, %dma_wait3A_256] : memref<2x2x80xi32, #tpu.memory_space<vmem>> -> memref<1x1x80xi32, #tpu.memory_space<vmem>>
      %dma_wait3A_258 = tpu.memref_squeeze %dma_wait3A_257 : memref<1x1x80xi32, #tpu.memory_space<vmem>> -> memref<80xi32, #tpu.memory_space<vmem>>
      %dma_wait3A_259 = arith.constant 0 : i32
      %dma_wait3A_260 = arith.constant 0 : i32
      %dma_wait3A_261 = tpu.memref_slice %arg2[%dma_wait3A_259, %dma_wait3A_260] : memref<10000x128xf32, #tpu.memory_space<hbm>> -> memref<10000x128xf32, #tpu.memory_space<hbm>>
      tpu.wait_indirect_dma semaphore(%arg15 : memref<!tpu.dma_semaphore, #tpu.memory_space<semaphore_mem>>) src(%dma_wait3A_261 : memref<10000x128xf32, #tpu.memory_space<hbm>>) dst(%arg10 : memref<80x128xf32, #tpu.memory_space<vmem>>)
      %dma_start3A_262 = arith.constant 1 : i32
      %dma_start3A_263 = arith.constant 1 : i32
      %dma_start3A_264 = arith.constant 0 : i32
      %dma_start3A_265 = tpu.memref_slice %arg5[%dma_start3A_262, %dma_start3A_263, %dma_start3A_264] : memref<2x2x80xi32, #tpu.memory_space<vmem>> -> memref<1x1x80xi32, #tpu.memory_space<vmem>>
      %dma_start3A_266 = tpu.memref_squeeze %dma_start3A_265 : memref<1x1x80xi32, #tpu.memory_space<vmem>> -> memref<80xi32, #tpu.memory_space<vmem>>
      %dma_start3A_267 = arith.constant 0 : i32
      %dma_start3A_268 = arith.constant 0 : i32
      %dma_start3A_269 = tpu.memref_slice %arg13[%dma_start3A_267, %dma_start3A_268] : memref<10112x128xf32, #tpu.memory_space<vmem_shared>> -> memref<10112x128xf32, #tpu.memory_space<vmem_shared>>
      tpu.enqueue_indirect_dma source(%arg10 : memref<80x128xf32, #tpu.memory_space<vmem>>) target(%dma_start3A_269 : memref<10112x128xf32, #tpu.memory_space<vmem_shared>>) offsets(%dma_start3A_266 : memref<80xi32, #tpu.memory_space<vmem>>) semaphore(%arg19 : memref<!tpu.dma_semaphore, #tpu.memory_space<semaphore_mem>>) {add = true}
      %add3A_270 = arith.constant 2 : i32
      %add3A_271 = arith.addi %add3A_237, %add3A_270 : i32
      %sub3A_272 = arith.constant 1 : i32
      %sub3A_273 = arith.subi %select_n3A, %sub3A_272 : i32
      %le3A = arith.cmpi sle, %add3A_271, %sub3A_273 : i32
      %convert_element_type3A = arith.extui %le3A : i1 to i32
      %cond3A = arith.constant 0 : i32
      %cond3A_274 = arith.cmpi ne, %convert_element_type3A, %cond3A : i32
      scf.if %cond3A_274 {
        %add3A_452 = arith.addi %mul3A_0, %add3A_237 : i32
        %add3A_453 = arith.constant 2 : i32
        %add3A_454 = arith.addi %add3A_452, %add3A_453 : i32
        %dma_start3A_455 = arith.constant 0 : i32
        %dma_start3A_456 = arith.constant 0 : i32
        %dma_start3A_457 = arith.constant 0 : i32
        %dma_start3A_458 = tpu.memref_slice %arg3[%arg1, %add3A_454, %dma_start3A_455, %dma_start3A_456, %dma_start3A_457] : memref<16x128x2x2x80xi32, #tpu.memory_space<hbm>> -> memref<1x1x2x2x80xi32, #tpu.memory_space<hbm>>
        %dma_start3A_459 = tpu.memref_squeeze %dma_start3A_458 : memref<1x1x2x2x80xi32, #tpu.memory_space<hbm>> -> memref<2x2x80xi32, #tpu.memory_space<hbm>>
        %dma_start3A_460 = arith.constant 0 : i32
        %dma_start3A_461 = arith.constant 0 : i32
        %dma_start3A_462 = arith.constant 0 : i32
        %dma_start3A_463 = tpu.memref_slice %arg3[%arg1, %add3A_454, %dma_start3A_460, %dma_start3A_461, %dma_start3A_462] : memref<16x128x2x2x80xi32, #tpu.memory_space<hbm>> -> memref<1x1x2x2x80xi32, #tpu.memory_space<hbm>>
        %dma_start3A_464 = tpu.memref_squeeze %dma_start3A_463 : memref<1x1x2x2x80xi32, #tpu.memory_space<hbm>> -> memref<2x2x80xi32, #tpu.memory_space<hbm>>
        tpu.enqueue_dma source(%dma_start3A_464 : memref<2x2x80xi32, #tpu.memory_space<hbm>>) target(%arg7 : memref<2x2x80xi32, #tpu.memory_space<vmem>>) target_semaphore(%arg24 : memref<!tpu.dma_semaphore, #tpu.memory_space<semaphore_mem>>)
      } else {
      }
      %ge3A = arith.constant 1 : i32
      %ge3A_275 = arith.cmpi sge, %add3A_237, %ge3A : i32
      %convert_element_type3A_276 = arith.extui %ge3A_275 : i1 to i32
      %cond3A_277 = arith.constant 0 : i32
      %cond3A_278 = arith.cmpi ne, %convert_element_type3A_276, %cond3A_277 : i32
      scf.if %cond3A_278 {
        %dma_wait3A_452 = arith.constant 1 : i32
        %dma_wait3A_453 = arith.constant 0 : i32
        %dma_wait3A_454 = arith.constant 0 : i32
        %dma_wait3A_455 = tpu.memref_slice %arg8[%dma_wait3A_452, %dma_wait3A_453, %dma_wait3A_454] : memref<2x2x80xi32, #tpu.memory_space<vmem>> -> memref<1x1x80xi32, #tpu.memory_space<vmem>>
        %dma_wait3A_456 = tpu.memref_squeeze %dma_wait3A_455 : memref<1x1x80xi32, #tpu.memory_space<vmem>> -> memref<80xi32, #tpu.memory_space<vmem>>
        %dma_wait3A_457 = arith.constant 0 : i32
        %dma_wait3A_458 = arith.constant 0 : i32
        %dma_wait3A_459 = tpu.memref_slice %arg13[%dma_wait3A_457, %dma_wait3A_458] : memref<10112x128xf32, #tpu.memory_space<vmem_shared>> -> memref<10112x128xf32, #tpu.memory_space<vmem_shared>>
        tpu.wait_indirect_dma semaphore(%arg20 : memref<!tpu.dma_semaphore, #tpu.memory_space<semaphore_mem>>) src(%arg11 : memref<80x128xf32, #tpu.memory_space<vmem>>) dst(%dma_wait3A_459 : memref<10112x128xf32, #tpu.memory_space<vmem_shared>>)
        %dma_wait3A_460 = arith.constant 1 : i32
        %dma_wait3A_461 = arith.constant 1 : i32
        %dma_wait3A_462 = arith.constant 0 : i32
        %dma_wait3A_463 = tpu.memref_slice %arg8[%dma_wait3A_460, %dma_wait3A_461, %dma_wait3A_462] : memref<2x2x80xi32, #tpu.memory_space<vmem>> -> memref<1x1x80xi32, #tpu.memory_space<vmem>>
        %dma_wait3A_464 = tpu.memref_squeeze %dma_wait3A_463 : memref<1x1x80xi32, #tpu.memory_space<vmem>> -> memref<80xi32, #tpu.memory_space<vmem>>
        %dma_wait3A_465 = arith.constant 0 : i32
        %dma_wait3A_466 = arith.constant 0 : i32
        %dma_wait3A_467 = tpu.memref_slice %arg13[%dma_wait3A_465, %dma_wait3A_466] : memref<10112x128xf32, #tpu.memory_space<vmem_shared>> -> memref<10112x128xf32, #tpu.memory_space<vmem_shared>>
        tpu.wait_indirect_dma semaphore(%arg21 : memref<!tpu.dma_semaphore, #tpu.memory_space<semaphore_mem>>) src(%arg12 : memref<80x128xf32, #tpu.memory_space<vmem>>) dst(%dma_wait3A_467 : memref<10112x128xf32, #tpu.memory_space<vmem_shared>>)
      } else {
      }
      %add3A_279 = arith.constant 1 : i32
      %add3A_280 = arith.addi %add3A_237, %add3A_279 : i32
      %sub3A_281 = arith.constant 1 : i32
      %sub3A_282 = arith.subi %select_n3A, %sub3A_281 : i32
      %le3A_283 = arith.cmpi sle, %add3A_280, %sub3A_282 : i32
      %convert_element_type3A_284 = arith.extui %le3A_283 : i1 to i32
      %cond3A_285 = arith.constant 0 : i32
      %cond3A_286 = arith.cmpi ne, %convert_element_type3A_284, %cond3A_285 : i32
      scf.if %cond3A_286 {
        %add3A_452 = arith.addi %mul3A_0, %add3A_237 : i32
        %add3A_453 = arith.constant 1 : i32
        %add3A_454 = arith.addi %add3A_452, %add3A_453 : i32
        %dma_wait3A_455 = arith.constant 0 : i32
        %dma_wait3A_456 = arith.constant 0 : i32
        %dma_wait3A_457 = arith.constant 0 : i32
        %dma_wait3A_458 = tpu.memref_slice %arg3[%arg1, %add3A_454, %dma_wait3A_455, %dma_wait3A_456, %dma_wait3A_457] : memref<16x128x2x2x80xi32, #tpu.memory_space<hbm>> -> memref<1x1x2x2x80xi32, #tpu.memory_space<hbm>>
        %dma_wait3A_459 = tpu.memref_squeeze %dma_wait3A_458 : memref<1x1x2x2x80xi32, #tpu.memory_space<hbm>> -> memref<2x2x80xi32, #tpu.memory_space<hbm>>
        %dma_wait3A_460 = arith.constant 0 : i32
        %dma_wait3A_461 = arith.constant 0 : i32
        %dma_wait3A_462 = arith.constant 0 : i32
        %dma_wait3A_463 = tpu.memref_slice %arg3[%arg1, %add3A_454, %dma_wait3A_460, %dma_wait3A_461, %dma_wait3A_462] : memref<16x128x2x2x80xi32, #tpu.memory_space<hbm>> -> memref<1x1x2x2x80xi32, #tpu.memory_space<hbm>>
        %dma_wait3A_464 = tpu.memref_squeeze %dma_wait3A_463 : memref<1x1x2x2x80xi32, #tpu.memory_space<hbm>> -> memref<2x2x80xi32, #tpu.memory_space<hbm>>
        tpu.wait_dma2 semaphore(%arg23 : memref<!tpu.dma_semaphore, #tpu.memory_space<semaphore_mem>>) src(%dma_wait3A_464 : memref<2x2x80xi32, #tpu.memory_space<hbm>>) dst(%arg6 : memref<2x2x80xi32, #tpu.memory_space<vmem>>)
        %dma_start3A_465 = arith.constant 0 : i32
        %dma_start3A_466 = arith.constant 0 : i32
        %dma_start3A_467 = arith.constant 0 : i32
        %dma_start3A_468 = tpu.memref_slice %arg6[%dma_start3A_465, %dma_start3A_466, %dma_start3A_467] : memref<2x2x80xi32, #tpu.memory_space<vmem>> -> memref<1x1x80xi32, #tpu.memory_space<vmem>>
        %dma_start3A_469 = tpu.memref_squeeze %dma_start3A_468 : memref<1x1x80xi32, #tpu.memory_space<vmem>> -> memref<80xi32, #tpu.memory_space<vmem>>
        %dma_start3A_470 = arith.constant 0 : i32
        %dma_start3A_471 = arith.constant 0 : i32
        %dma_start3A_472 = tpu.memref_slice %arg2[%dma_start3A_470, %dma_start3A_471] : memref<10000x128xf32, #tpu.memory_space<hbm>> -> memref<10000x128xf32, #tpu.memory_space<hbm>>
        tpu.enqueue_indirect_dma source(%dma_start3A_472 : memref<10000x128xf32, #tpu.memory_space<hbm>>) target(%arg11 : memref<80x128xf32, #tpu.memory_space<vmem>>) offsets(%dma_start3A_469 : memref<80xi32, #tpu.memory_space<vmem>>) semaphore(%arg16 : memref<!tpu.dma_semaphore, #tpu.memory_space<semaphore_mem>>)
        %dma_start3A_473 = arith.constant 0 : i32
        %dma_start3A_474 = arith.constant 1 : i32
        %dma_start3A_475 = arith.constant 0 : i32
        %dma_start3A_476 = tpu.memref_slice %arg6[%dma_start3A_473, %dma_start3A_474, %dma_start3A_475] : memref<2x2x80xi32, #tpu.memory_space<vmem>> -> memref<1x1x80xi32, #tpu.memory_space<vmem>>
        %dma_start3A_477 = tpu.memref_squeeze %dma_start3A_476 : memref<1x1x80xi32, #tpu.memory_space<vmem>> -> memref<80xi32, #tpu.memory_space<vmem>>
        %dma_start3A_478 = arith.constant 0 : i32
        %dma_start3A_479 = arith.constant 0 : i32
        %dma_start3A_480 = tpu.memref_slice %arg2[%dma_start3A_478, %dma_start3A_479] : memref<10000x128xf32, #tpu.memory_space<hbm>> -> memref<10000x128xf32, #tpu.memory_space<hbm>>
        tpu.enqueue_indirect_dma source(%dma_start3A_480 : memref<10000x128xf32, #tpu.memory_space<hbm>>) target(%arg12 : memref<80x128xf32, #tpu.memory_space<vmem>>) offsets(%dma_start3A_477 : memref<80xi32, #tpu.memory_space<vmem>>) semaphore(%arg17 : memref<!tpu.dma_semaphore, #tpu.memory_space<semaphore_mem>>)
      } else {
      }
      %add3A_287 = arith.constant 1 : i32
      %add3A_288 = arith.addi %add3A_235, %add3A_287 : i32
      %dma_wait3A_289 = arith.constant 0 : i32
      %dma_wait3A_290 = arith.constant 0 : i32
      %dma_wait3A_291 = arith.constant 0 : i32
      %dma_wait3A_292 = tpu.memref_slice %arg6[%dma_wait3A_289, %dma_wait3A_290, %dma_wait3A_291] : memref<2x2x80xi32, #tpu.memory_space<vmem>> -> memref<1x1x80xi32, #tpu.memory_space<vmem>>
      %dma_wait3A_293 = tpu.memref_squeeze %dma_wait3A_292 : memref<1x1x80xi32, #tpu.memory_space<vmem>> -> memref<80xi32, #tpu.memory_space<vmem>>
      %dma_wait3A_294 = arith.constant 0 : i32
      %dma_wait3A_295 = arith.constant 0 : i32
      %dma_wait3A_296 = tpu.memref_slice %arg2[%dma_wait3A_294, %dma_wait3A_295] : memref<10000x128xf32, #tpu.memory_space<hbm>> -> memref<10000x128xf32, #tpu.memory_space<hbm>>
      tpu.wait_indirect_dma semaphore(%arg16 : memref<!tpu.dma_semaphore, #tpu.memory_space<semaphore_mem>>) src(%dma_wait3A_296 : memref<10000x128xf32, #tpu.memory_space<hbm>>) dst(%arg11 : memref<80x128xf32, #tpu.memory_space<vmem>>)
      %dma_start3A_297 = arith.constant 1 : i32
      %dma_start3A_298 = arith.constant 0 : i32
      %dma_start3A_299 = arith.constant 0 : i32
      %dma_start3A_300 = tpu.memref_slice %arg6[%dma_start3A_297, %dma_start3A_298, %dma_start3A_299] : memref<2x2x80xi32, #tpu.memory_space<vmem>> -> memref<1x1x80xi32, #tpu.memory_space<vmem>>
      %dma_start3A_301 = tpu.memref_squeeze %dma_start3A_300 : memref<1x1x80xi32, #tpu.memory_space<vmem>> -> memref<80xi32, #tpu.memory_space<vmem>>
      %dma_start3A_302 = arith.constant 0 : i32
      %dma_start3A_303 = arith.constant 0 : i32
      %dma_start3A_304 = tpu.memref_slice %arg13[%dma_start3A_302, %dma_start3A_303] : memref<10112x128xf32, #tpu.memory_space<vmem_shared>> -> memref<10112x128xf32, #tpu.memory_space<vmem_shared>>
      tpu.enqueue_indirect_dma source(%arg11 : memref<80x128xf32, #tpu.memory_space<vmem>>) target(%dma_start3A_304 : memref<10112x128xf32, #tpu.memory_space<vmem_shared>>) offsets(%dma_start3A_301 : memref<80xi32, #tpu.memory_space<vmem>>) semaphore(%arg20 : memref<!tpu.dma_semaphore, #tpu.memory_space<semaphore_mem>>) {add = true}
      %dma_wait3A_305 = arith.constant 0 : i32
      %dma_wait3A_306 = arith.constant 1 : i32
      %dma_wait3A_307 = arith.constant 0 : i32
      %dma_wait3A_308 = tpu.memref_slice %arg6[%dma_wait3A_305, %dma_wait3A_306, %dma_wait3A_307] : memref<2x2x80xi32, #tpu.memory_space<vmem>> -> memref<1x1x80xi32, #tpu.memory_space<vmem>>
      %dma_wait3A_309 = tpu.memref_squeeze %dma_wait3A_308 : memref<1x1x80xi32, #tpu.memory_space<vmem>> -> memref<80xi32, #tpu.memory_space<vmem>>
      %dma_wait3A_310 = arith.constant 0 : i32
      %dma_wait3A_311 = arith.constant 0 : i32
      %dma_wait3A_312 = tpu.memref_slice %arg2[%dma_wait3A_310, %dma_wait3A_311] : memref<10000x128xf32, #tpu.memory_space<hbm>> -> memref<10000x128xf32, #tpu.memory_space<hbm>>
      tpu.wait_indirect_dma semaphore(%arg17 : memref<!tpu.dma_semaphore, #tpu.memory_space<semaphore_mem>>) src(%dma_wait3A_312 : memref<10000x128xf32, #tpu.memory_space<hbm>>) dst(%arg12 : memref<80x128xf32, #tpu.memory_space<vmem>>)
      %dma_start3A_313 = arith.constant 1 : i32
      %dma_start3A_314 = arith.constant 1 : i32
      %dma_start3A_315 = arith.constant 0 : i32
      %dma_start3A_316 = tpu.memref_slice %arg6[%dma_start3A_313, %dma_start3A_314, %dma_start3A_315] : memref<2x2x80xi32, #tpu.memory_space<vmem>> -> memref<1x1x80xi32, #tpu.memory_space<vmem>>
      %dma_start3A_317 = tpu.memref_squeeze %dma_start3A_316 : memref<1x1x80xi32, #tpu.memory_space<vmem>> -> memref<80xi32, #tpu.memory_space<vmem>>
      %dma_start3A_318 = arith.constant 0 : i32
      %dma_start3A_319 = arith.constant 0 : i32
      %dma_start3A_320 = tpu.memref_slice %arg13[%dma_start3A_318, %dma_start3A_319] : memref<10112x128xf32, #tpu.memory_space<vmem_shared>> -> memref<10112x128xf32, #tpu.memory_space<vmem_shared>>
      tpu.enqueue_indirect_dma source(%arg12 : memref<80x128xf32, #tpu.memory_space<vmem>>) target(%dma_start3A_320 : memref<10112x128xf32, #tpu.memory_space<vmem_shared>>) offsets(%dma_start3A_317 : memref<80xi32, #tpu.memory_space<vmem>>) semaphore(%arg21 : memref<!tpu.dma_semaphore, #tpu.memory_space<semaphore_mem>>) {add = true}
      %add3A_321 = arith.constant 2 : i32
      %add3A_322 = arith.addi %add3A_288, %add3A_321 : i32
      %sub3A_323 = arith.constant 1 : i32
      %sub3A_324 = arith.subi %select_n3A, %sub3A_323 : i32
      %le3A_325 = arith.cmpi sle, %add3A_322, %sub3A_324 : i32
      %convert_element_type3A_326 = arith.extui %le3A_325 : i1 to i32
      %cond3A_327 = arith.constant 0 : i32
      %cond3A_328 = arith.cmpi ne, %convert_element_type3A_326, %cond3A_327 : i32
      scf.if %cond3A_328 {
        %add3A_452 = arith.addi %mul3A_0, %add3A_288 : i32
        %add3A_453 = arith.constant 2 : i32
        %add3A_454 = arith.addi %add3A_452, %add3A_453 : i32
        %dma_start3A_455 = arith.constant 0 : i32
        %dma_start3A_456 = arith.constant 0 : i32
        %dma_start3A_457 = arith.constant 0 : i32
        %dma_start3A_458 = tpu.memref_slice %arg3[%arg1, %add3A_454, %dma_start3A_455, %dma_start3A_456, %dma_start3A_457] : memref<16x128x2x2x80xi32, #tpu.memory_space<hbm>> -> memref<1x1x2x2x80xi32, #tpu.memory_space<hbm>>
        %dma_start3A_459 = tpu.memref_squeeze %dma_start3A_458 : memref<1x1x2x2x80xi32, #tpu.memory_space<hbm>> -> memref<2x2x80xi32, #tpu.memory_space<hbm>>
        %dma_start3A_460 = arith.constant 0 : i32
        %dma_start3A_461 = arith.constant 0 : i32
        %dma_start3A_462 = arith.constant 0 : i32
        %dma_start3A_463 = tpu.memref_slice %arg3[%arg1, %add3A_454, %dma_start3A_460, %dma_start3A_461, %dma_start3A_462] : memref<16x128x2x2x80xi32, #tpu.memory_space<hbm>> -> memref<1x1x2x2x80xi32, #tpu.memory_space<hbm>>
        %dma_start3A_464 = tpu.memref_squeeze %dma_start3A_463 : memref<1x1x2x2x80xi32, #tpu.memory_space<hbm>> -> memref<2x2x80xi32, #tpu.memory_space<hbm>>
        tpu.enqueue_dma source(%dma_start3A_464 : memref<2x2x80xi32, #tpu.memory_space<hbm>>) target(%arg8 : memref<2x2x80xi32, #tpu.memory_space<vmem>>) target_semaphore(%arg25 : memref<!tpu.dma_semaphore, #tpu.memory_space<semaphore_mem>>)
      } else {
      }
      %ge3A_329 = arith.constant 1 : i32
      %ge3A_330 = arith.cmpi sge, %add3A_288, %ge3A_329 : i32
      %convert_element_type3A_331 = arith.extui %ge3A_330 : i1 to i32
      %cond3A_332 = arith.constant 0 : i32
      %cond3A_333 = arith.cmpi ne, %convert_element_type3A_331, %cond3A_332 : i32
      scf.if %cond3A_333 {
        %dma_wait3A_452 = arith.constant 1 : i32
        %dma_wait3A_453 = arith.constant 0 : i32
        %dma_wait3A_454 = arith.constant 0 : i32
        %dma_wait3A_455 = tpu.memref_slice %arg5[%dma_wait3A_452, %dma_wait3A_453, %dma_wait3A_454] : memref<2x2x80xi32, #tpu.memory_space<vmem>> -> memref<1x1x80xi32, #tpu.memory_space<vmem>>
        %dma_wait3A_456 = tpu.memref_squeeze %dma_wait3A_455 : memref<1x1x80xi32, #tpu.memory_space<vmem>> -> memref<80xi32, #tpu.memory_space<vmem>>
        %dma_wait3A_457 = arith.constant 0 : i32
        %dma_wait3A_458 = arith.constant 0 : i32
        %dma_wait3A_459 = tpu.memref_slice %arg13[%dma_wait3A_457, %dma_wait3A_458] : memref<10112x128xf32, #tpu.memory_space<vmem_shared>> -> memref<10112x128xf32, #tpu.memory_space<vmem_shared>>
        tpu.wait_indirect_dma semaphore(%arg18 : memref<!tpu.dma_semaphore, #tpu.memory_space<semaphore_mem>>) src(%arg9 : memref<80x128xf32, #tpu.memory_space<vmem>>) dst(%dma_wait3A_459 : memref<10112x128xf32, #tpu.memory_space<vmem_shared>>)
        %dma_wait3A_460 = arith.constant 1 : i32
        %dma_wait3A_461 = arith.constant 1 : i32
        %dma_wait3A_462 = arith.constant 0 : i32
        %dma_wait3A_463 = tpu.memref_slice %arg5[%dma_wait3A_460, %dma_wait3A_461, %dma_wait3A_462] : memref<2x2x80xi32, #tpu.memory_space<vmem>> -> memref<1x1x80xi32, #tpu.memory_space<vmem>>
        %dma_wait3A_464 = tpu.memref_squeeze %dma_wait3A_463 : memref<1x1x80xi32, #tpu.memory_space<vmem>> -> memref<80xi32, #tpu.memory_space<vmem>>
        %dma_wait3A_465 = arith.constant 0 : i32
        %dma_wait3A_466 = arith.constant 0 : i32
        %dma_wait3A_467 = tpu.memref_slice %arg13[%dma_wait3A_465, %dma_wait3A_466] : memref<10112x128xf32, #tpu.memory_space<vmem_shared>> -> memref<10112x128xf32, #tpu.memory_space<vmem_shared>>
        tpu.wait_indirect_dma semaphore(%arg19 : memref<!tpu.dma_semaphore, #tpu.memory_space<semaphore_mem>>) src(%arg10 : memref<80x128xf32, #tpu.memory_space<vmem>>) dst(%dma_wait3A_467 : memref<10112x128xf32, #tpu.memory_space<vmem_shared>>)
      } else {
      }
      %add3A_334 = arith.constant 1 : i32
      %add3A_335 = arith.addi %add3A_288, %add3A_334 : i32
      %sub3A_336 = arith.constant 1 : i32
      %sub3A_337 = arith.subi %select_n3A, %sub3A_336 : i32
      %le3A_338 = arith.cmpi sle, %add3A_335, %sub3A_337 : i32
      %convert_element_type3A_339 = arith.extui %le3A_338 : i1 to i32
      %cond3A_340 = arith.constant 0 : i32
      %cond3A_341 = arith.cmpi ne, %convert_element_type3A_339, %cond3A_340 : i32
      scf.if %cond3A_341 {
        %add3A_452 = arith.addi %mul3A_0, %add3A_288 : i32
        %add3A_453 = arith.constant 1 : i32
        %add3A_454 = arith.addi %add3A_452, %add3A_453 : i32
        %dma_wait3A_455 = arith.constant 0 : i32
        %dma_wait3A_456 = arith.constant 0 : i32
        %dma_wait3A_457 = arith.constant 0 : i32
        %dma_wait3A_458 = tpu.memref_slice %arg3[%arg1, %add3A_454, %dma_wait3A_455, %dma_wait3A_456, %dma_wait3A_457] : memref<16x128x2x2x80xi32, #tpu.memory_space<hbm>> -> memref<1x1x2x2x80xi32, #tpu.memory_space<hbm>>
        %dma_wait3A_459 = tpu.memref_squeeze %dma_wait3A_458 : memref<1x1x2x2x80xi32, #tpu.memory_space<hbm>> -> memref<2x2x80xi32, #tpu.memory_space<hbm>>
        %dma_wait3A_460 = arith.constant 0 : i32
        %dma_wait3A_461 = arith.constant 0 : i32
        %dma_wait3A_462 = arith.constant 0 : i32
        %dma_wait3A_463 = tpu.memref_slice %arg3[%arg1, %add3A_454, %dma_wait3A_460, %dma_wait3A_461, %dma_wait3A_462] : memref<16x128x2x2x80xi32, #tpu.memory_space<hbm>> -> memref<1x1x2x2x80xi32, #tpu.memory_space<hbm>>
        %dma_wait3A_464 = tpu.memref_squeeze %dma_wait3A_463 : memref<1x1x2x2x80xi32, #tpu.memory_space<hbm>> -> memref<2x2x80xi32, #tpu.memory_space<hbm>>
        tpu.wait_dma2 semaphore(%arg24 : memref<!tpu.dma_semaphore, #tpu.memory_space<semaphore_mem>>) src(%dma_wait3A_464 : memref<2x2x80xi32, #tpu.memory_space<hbm>>) dst(%arg7 : memref<2x2x80xi32, #tpu.memory_space<vmem>>)
        %dma_start3A_465 = arith.constant 0 : i32
        %dma_start3A_466 = arith.constant 0 : i32
        %dma_start3A_467 = arith.constant 0 : i32
        %dma_start3A_468 = tpu.memref_slice %arg7[%dma_start3A_465, %dma_start3A_466, %dma_start3A_467] : memref<2x2x80xi32, #tpu.memory_space<vmem>> -> memref<1x1x80xi32, #tpu.memory_space<vmem>>
        %dma_start3A_469 = tpu.memref_squeeze %dma_start3A_468 : memref<1x1x80xi32, #tpu.memory_space<vmem>> -> memref<80xi32, #tpu.memory_space<vmem>>
        %dma_start3A_470 = arith.constant 0 : i32
        %dma_start3A_471 = arith.constant 0 : i32
        %dma_start3A_472 = tpu.memref_slice %arg2[%dma_start3A_470, %dma_start3A_471] : memref<10000x128xf32, #tpu.memory_space<hbm>> -> memref<10000x128xf32, #tpu.memory_space<hbm>>
        tpu.enqueue_indirect_dma source(%dma_start3A_472 : memref<10000x128xf32, #tpu.memory_space<hbm>>) target(%arg9 : memref<80x128xf32, #tpu.memory_space<vmem>>) offsets(%dma_start3A_469 : memref<80xi32, #tpu.memory_space<vmem>>) semaphore(%arg14 : memref<!tpu.dma_semaphore, #tpu.memory_space<semaphore_mem>>)
        %dma_start3A_473 = arith.constant 0 : i32
        %dma_start3A_474 = arith.constant 1 : i32
        %dma_start3A_475 = arith.constant 0 : i32
        %dma_start3A_476 = tpu.memref_slice %arg7[%dma_start3A_473, %dma_start3A_474, %dma_start3A_475] : memref<2x2x80xi32, #tpu.memory_space<vmem>> -> memref<1x1x80xi32, #tpu.memory_space<vmem>>
        %dma_start3A_477 = tpu.memref_squeeze %dma_start3A_476 : memref<1x1x80xi32, #tpu.memory_space<vmem>> -> memref<80xi32, #tpu.memory_space<vmem>>
        %dma_start3A_478 = arith.constant 0 : i32
        %dma_start3A_479 = arith.constant 0 : i32
        %dma_start3A_480 = tpu.memref_slice %arg2[%dma_start3A_478, %dma_start3A_479] : memref<10000x128xf32, #tpu.memory_space<hbm>> -> memref<10000x128xf32, #tpu.memory_space<hbm>>
        tpu.enqueue_indirect_dma source(%dma_start3A_480 : memref<10000x128xf32, #tpu.memory_space<hbm>>) target(%arg10 : memref<80x128xf32, #tpu.memory_space<vmem>>) offsets(%dma_start3A_477 : memref<80xi32, #tpu.memory_space<vmem>>) semaphore(%arg15 : memref<!tpu.dma_semaphore, #tpu.memory_space<semaphore_mem>>)
      } else {
      }
      %add3A_342 = arith.constant 2 : i32
      %add3A_343 = arith.addi %add3A_235, %add3A_342 : i32
      %dma_wait3A_344 = arith.constant 0 : i32
      %dma_wait3A_345 = arith.constant 0 : i32
      %dma_wait3A_346 = arith.constant 0 : i32
      %dma_wait3A_347 = tpu.memref_slice %arg7[%dma_wait3A_344, %dma_wait3A_345, %dma_wait3A_346] : memref<2x2x80xi32, #tpu.memory_space<vmem>> -> memref<1x1x80xi32, #tpu.memory_space<vmem>>
      %dma_wait3A_348 = tpu.memref_squeeze %dma_wait3A_347 : memref<1x1x80xi32, #tpu.memory_space<vmem>> -> memref<80xi32, #tpu.memory_space<vmem>>
      %dma_wait3A_349 = arith.constant 0 : i32
      %dma_wait3A_350 = arith.constant 0 : i32
      %dma_wait3A_351 = tpu.memref_slice %arg2[%dma_wait3A_349, %dma_wait3A_350] : memref<10000x128xf32, #tpu.memory_space<hbm>> -> memref<10000x128xf32, #tpu.memory_space<hbm>>
      tpu.wait_indirect_dma semaphore(%arg14 : memref<!tpu.dma_semaphore, #tpu.memory_space<semaphore_mem>>) src(%dma_wait3A_351 : memref<10000x128xf32, #tpu.memory_space<hbm>>) dst(%arg9 : memref<80x128xf32, #tpu.memory_space<vmem>>)
      %dma_start3A_352 = arith.constant 1 : i32
      %dma_start3A_353 = arith.constant 0 : i32
      %dma_start3A_354 = arith.constant 0 : i32
      %dma_start3A_355 = tpu.memref_slice %arg7[%dma_start3A_352, %dma_start3A_353, %dma_start3A_354] : memref<2x2x80xi32, #tpu.memory_space<vmem>> -> memref<1x1x80xi32, #tpu.memory_space<vmem>>
      %dma_start3A_356 = tpu.memref_squeeze %dma_start3A_355 : memref<1x1x80xi32, #tpu.memory_space<vmem>> -> memref<80xi32, #tpu.memory_space<vmem>>
      %dma_start3A_357 = arith.constant 0 : i32
      %dma_start3A_358 = arith.constant 0 : i32
      %dma_start3A_359 = tpu.memref_slice %arg13[%dma_start3A_357, %dma_start3A_358] : memref<10112x128xf32, #tpu.memory_space<vmem_shared>> -> memref<10112x128xf32, #tpu.memory_space<vmem_shared>>
      tpu.enqueue_indirect_dma source(%arg9 : memref<80x128xf32, #tpu.memory_space<vmem>>) target(%dma_start3A_359 : memref<10112x128xf32, #tpu.memory_space<vmem_shared>>) offsets(%dma_start3A_356 : memref<80xi32, #tpu.memory_space<vmem>>) semaphore(%arg18 : memref<!tpu.dma_semaphore, #tpu.memory_space<semaphore_mem>>) {add = true}
      %dma_wait3A_360 = arith.constant 0 : i32
      %dma_wait3A_361 = arith.constant 1 : i32
      %dma_wait3A_362 = arith.constant 0 : i32
      %dma_wait3A_363 = tpu.memref_slice %arg7[%dma_wait3A_360, %dma_wait3A_361, %dma_wait3A_362] : memref<2x2x80xi32, #tpu.memory_space<vmem>> -> memref<1x1x80xi32, #tpu.memory_space<vmem>>
      %dma_wait3A_364 = tpu.memref_squeeze %dma_wait3A_363 : memref<1x1x80xi32, #tpu.memory_space<vmem>> -> memref<80xi32, #tpu.memory_space<vmem>>
      %dma_wait3A_365 = arith.constant 0 : i32
      %dma_wait3A_366 = arith.constant 0 : i32
      %dma_wait3A_367 = tpu.memref_slice %arg2[%dma_wait3A_365, %dma_wait3A_366] : memref<10000x128xf32, #tpu.memory_space<hbm>> -> memref<10000x128xf32, #tpu.memory_space<hbm>>
      tpu.wait_indirect_dma semaphore(%arg15 : memref<!tpu.dma_semaphore, #tpu.memory_space<semaphore_mem>>) src(%dma_wait3A_367 : memref<10000x128xf32, #tpu.memory_space<hbm>>) dst(%arg10 : memref<80x128xf32, #tpu.memory_space<vmem>>)
      %dma_start3A_368 = arith.constant 1 : i32
      %dma_start3A_369 = arith.constant 1 : i32
      %dma_start3A_370 = arith.constant 0 : i32
      %dma_start3A_371 = tpu.memref_slice %arg7[%dma_start3A_368, %dma_start3A_369, %dma_start3A_370] : memref<2x2x80xi32, #tpu.memory_space<vmem>> -> memref<1x1x80xi32, #tpu.memory_space<vmem>>
      %dma_start3A_372 = tpu.memref_squeeze %dma_start3A_371 : memref<1x1x80xi32, #tpu.memory_space<vmem>> -> memref<80xi32, #tpu.memory_space<vmem>>
      %dma_start3A_373 = arith.constant 0 : i32
      %dma_start3A_374 = arith.constant 0 : i32
      %dma_start3A_375 = tpu.memref_slice %arg13[%dma_start3A_373, %dma_start3A_374] : memref<10112x128xf32, #tpu.memory_space<vmem_shared>> -> memref<10112x128xf32, #tpu.memory_space<vmem_shared>>
      tpu.enqueue_indirect_dma source(%arg10 : memref<80x128xf32, #tpu.memory_space<vmem>>) target(%dma_start3A_375 : memref<10112x128xf32, #tpu.memory_space<vmem_shared>>) offsets(%dma_start3A_372 : memref<80xi32, #tpu.memory_space<vmem>>) semaphore(%arg19 : memref<!tpu.dma_semaphore, #tpu.memory_space<semaphore_mem>>) {add = true}
      %add3A_376 = arith.constant 2 : i32
      %add3A_377 = arith.addi %add3A_343, %add3A_376 : i32
      %sub3A_378 = arith.constant 1 : i32
      %sub3A_379 = arith.subi %select_n3A, %sub3A_378 : i32
      %le3A_380 = arith.cmpi sle, %add3A_377, %sub3A_379 : i32
      %convert_element_type3A_381 = arith.extui %le3A_380 : i1 to i32
      %cond3A_382 = arith.constant 0 : i32
      %cond3A_383 = arith.cmpi ne, %convert_element_type3A_381, %cond3A_382 : i32
      scf.if %cond3A_383 {
        %add3A_452 = arith.addi %mul3A_0, %add3A_343 : i32
        %add3A_453 = arith.constant 2 : i32
        %add3A_454 = arith.addi %add3A_452, %add3A_453 : i32
        %dma_start3A_455 = arith.constant 0 : i32
        %dma_start3A_456 = arith.constant 0 : i32
        %dma_start3A_457 = arith.constant 0 : i32
        %dma_start3A_458 = tpu.memref_slice %arg3[%arg1, %add3A_454, %dma_start3A_455, %dma_start3A_456, %dma_start3A_457] : memref<16x128x2x2x80xi32, #tpu.memory_space<hbm>> -> memref<1x1x2x2x80xi32, #tpu.memory_space<hbm>>
        %dma_start3A_459 = tpu.memref_squeeze %dma_start3A_458 : memref<1x1x2x2x80xi32, #tpu.memory_space<hbm>> -> memref<2x2x80xi32, #tpu.memory_space<hbm>>
        %dma_start3A_460 = arith.constant 0 : i32
        %dma_start3A_461 = arith.constant 0 : i32
        %dma_start3A_462 = arith.constant 0 : i32
        %dma_start3A_463 = tpu.memref_slice %arg3[%arg1, %add3A_454, %dma_start3A_460, %dma_start3A_461, %dma_start3A_462] : memref<16x128x2x2x80xi32, #tpu.memory_space<hbm>> -> memref<1x1x2x2x80xi32, #tpu.memory_space<hbm>>
        %dma_start3A_464 = tpu.memref_squeeze %dma_start3A_463 : memref<1x1x2x2x80xi32, #tpu.memory_space<hbm>> -> memref<2x2x80xi32, #tpu.memory_space<hbm>>
        tpu.enqueue_dma source(%dma_start3A_464 : memref<2x2x80xi32, #tpu.memory_space<hbm>>) target(%arg5 : memref<2x2x80xi32, #tpu.memory_space<vmem>>) target_semaphore(%arg22 : memref<!tpu.dma_semaphore, #tpu.memory_space<semaphore_mem>>)
      } else {
      }
      %ge3A_384 = arith.constant 1 : i32
      %ge3A_385 = arith.cmpi sge, %add3A_343, %ge3A_384 : i32
      %convert_element_type3A_386 = arith.extui %ge3A_385 : i1 to i32
      %cond3A_387 = arith.constant 0 : i32
      %cond3A_388 = arith.cmpi ne, %convert_element_type3A_386, %cond3A_387 : i32
      scf.if %cond3A_388 {
        %dma_wait3A_452 = arith.constant 1 : i32
        %dma_wait3A_453 = arith.constant 0 : i32
        %dma_wait3A_454 = arith.constant 0 : i32
        %dma_wait3A_455 = tpu.memref_slice %arg6[%dma_wait3A_452, %dma_wait3A_453, %dma_wait3A_454] : memref<2x2x80xi32, #tpu.memory_space<vmem>> -> memref<1x1x80xi32, #tpu.memory_space<vmem>>
        %dma_wait3A_456 = tpu.memref_squeeze %dma_wait3A_455 : memref<1x1x80xi32, #tpu.memory_space<vmem>> -> memref<80xi32, #tpu.memory_space<vmem>>
        %dma_wait3A_457 = arith.constant 0 : i32
        %dma_wait3A_458 = arith.constant 0 : i32
        %dma_wait3A_459 = tpu.memref_slice %arg13[%dma_wait3A_457, %dma_wait3A_458] : memref<10112x128xf32, #tpu.memory_space<vmem_shared>> -> memref<10112x128xf32, #tpu.memory_space<vmem_shared>>
        tpu.wait_indirect_dma semaphore(%arg20 : memref<!tpu.dma_semaphore, #tpu.memory_space<semaphore_mem>>) src(%arg11 : memref<80x128xf32, #tpu.memory_space<vmem>>) dst(%dma_wait3A_459 : memref<10112x128xf32, #tpu.memory_space<vmem_shared>>)
        %dma_wait3A_460 = arith.constant 1 : i32
        %dma_wait3A_461 = arith.constant 1 : i32
        %dma_wait3A_462 = arith.constant 0 : i32
        %dma_wait3A_463 = tpu.memref_slice %arg6[%dma_wait3A_460, %dma_wait3A_461, %dma_wait3A_462] : memref<2x2x80xi32, #tpu.memory_space<vmem>> -> memref<1x1x80xi32, #tpu.memory_space<vmem>>
        %dma_wait3A_464 = tpu.memref_squeeze %dma_wait3A_463 : memref<1x1x80xi32, #tpu.memory_space<vmem>> -> memref<80xi32, #tpu.memory_space<vmem>>
        %dma_wait3A_465 = arith.constant 0 : i32
        %dma_wait3A_466 = arith.constant 0 : i32
        %dma_wait3A_467 = tpu.memref_slice %arg13[%dma_wait3A_465, %dma_wait3A_466] : memref<10112x128xf32, #tpu.memory_space<vmem_shared>> -> memref<10112x128xf32, #tpu.memory_space<vmem_shared>>
        tpu.wait_indirect_dma semaphore(%arg21 : memref<!tpu.dma_semaphore, #tpu.memory_space<semaphore_mem>>) src(%arg12 : memref<80x128xf32, #tpu.memory_space<vmem>>) dst(%dma_wait3A_467 : memref<10112x128xf32, #tpu.memory_space<vmem_shared>>)
      } else {
      }
      %add3A_389 = arith.constant 1 : i32
      %add3A_390 = arith.addi %add3A_343, %add3A_389 : i32
      %sub3A_391 = arith.constant 1 : i32
      %sub3A_392 = arith.subi %select_n3A, %sub3A_391 : i32
      %le3A_393 = arith.cmpi sle, %add3A_390, %sub3A_392 : i32
      %convert_element_type3A_394 = arith.extui %le3A_393 : i1 to i32
      %cond3A_395 = arith.constant 0 : i32
      %cond3A_396 = arith.cmpi ne, %convert_element_type3A_394, %cond3A_395 : i32
      scf.if %cond3A_396 {
        %add3A_452 = arith.addi %mul3A_0, %add3A_343 : i32
        %add3A_453 = arith.constant 1 : i32
        %add3A_454 = arith.addi %add3A_452, %add3A_453 : i32
        %dma_wait3A_455 = arith.constant 0 : i32
        %dma_wait3A_456 = arith.constant 0 : i32
        %dma_wait3A_457 = arith.constant 0 : i32
        %dma_wait3A_458 = tpu.memref_slice %arg3[%arg1, %add3A_454, %dma_wait3A_455, %dma_wait3A_456, %dma_wait3A_457] : memref<16x128x2x2x80xi32, #tpu.memory_space<hbm>> -> memref<1x1x2x2x80xi32, #tpu.memory_space<hbm>>
        %dma_wait3A_459 = tpu.memref_squeeze %dma_wait3A_458 : memref<1x1x2x2x80xi32, #tpu.memory_space<hbm>> -> memref<2x2x80xi32, #tpu.memory_space<hbm>>
        %dma_wait3A_460 = arith.constant 0 : i32
        %dma_wait3A_461 = arith.constant 0 : i32
        %dma_wait3A_462 = arith.constant 0 : i32
        %dma_wait3A_463 = tpu.memref_slice %arg3[%arg1, %add3A_454, %dma_wait3A_460, %dma_wait3A_461, %dma_wait3A_462] : memref<16x128x2x2x80xi32, #tpu.memory_space<hbm>> -> memref<1x1x2x2x80xi32, #tpu.memory_space<hbm>>
        %dma_wait3A_464 = tpu.memref_squeeze %dma_wait3A_463 : memref<1x1x2x2x80xi32, #tpu.memory_space<hbm>> -> memref<2x2x80xi32, #tpu.memory_space<hbm>>
        tpu.wait_dma2 semaphore(%arg25 : memref<!tpu.dma_semaphore, #tpu.memory_space<semaphore_mem>>) src(%dma_wait3A_464 : memref<2x2x80xi32, #tpu.memory_space<hbm>>) dst(%arg8 : memref<2x2x80xi32, #tpu.memory_space<vmem>>)
        %dma_start3A_465 = arith.constant 0 : i32
        %dma_start3A_466 = arith.constant 0 : i32
        %dma_start3A_467 = arith.constant 0 : i32
        %dma_start3A_468 = tpu.memref_slice %arg8[%dma_start3A_465, %dma_start3A_466, %dma_start3A_467] : memref<2x2x80xi32, #tpu.memory_space<vmem>> -> memref<1x1x80xi32, #tpu.memory_space<vmem>>
        %dma_start3A_469 = tpu.memref_squeeze %dma_start3A_468 : memref<1x1x80xi32, #tpu.memory_space<vmem>> -> memref<80xi32, #tpu.memory_space<vmem>>
        %dma_start3A_470 = arith.constant 0 : i32
        %dma_start3A_471 = arith.constant 0 : i32
        %dma_start3A_472 = tpu.memref_slice %arg2[%dma_start3A_470, %dma_start3A_471] : memref<10000x128xf32, #tpu.memory_space<hbm>> -> memref<10000x128xf32, #tpu.memory_space<hbm>>
        tpu.enqueue_indirect_dma source(%dma_start3A_472 : memref<10000x128xf32, #tpu.memory_space<hbm>>) target(%arg11 : memref<80x128xf32, #tpu.memory_space<vmem>>) offsets(%dma_start3A_469 : memref<80xi32, #tpu.memory_space<vmem>>) semaphore(%arg16 : memref<!tpu.dma_semaphore, #tpu.memory_space<semaphore_mem>>)
        %dma_start3A_473 = arith.constant 0 : i32
        %dma_start3A_474 = arith.constant 1 : i32
        %dma_start3A_475 = arith.constant 0 : i32
        %dma_start3A_476 = tpu.memref_slice %arg8[%dma_start3A_473, %dma_start3A_474, %dma_start3A_475] : memref<2x2x80xi32, #tpu.memory_space<vmem>> -> memref<1x1x80xi32, #tpu.memory_space<vmem>>
        %dma_start3A_477 = tpu.memref_squeeze %dma_start3A_476 : memref<1x1x80xi32, #tpu.memory_space<vmem>> -> memref<80xi32, #tpu.memory_space<vmem>>
        %dma_start3A_478 = arith.constant 0 : i32
        %dma_start3A_479 = arith.constant 0 : i32
        %dma_start3A_480 = tpu.memref_slice %arg2[%dma_start3A_478, %dma_start3A_479] : memref<10000x128xf32, #tpu.memory_space<hbm>> -> memref<10000x128xf32, #tpu.memory_space<hbm>>
        tpu.enqueue_indirect_dma source(%dma_start3A_480 : memref<10000x128xf32, #tpu.memory_space<hbm>>) target(%arg12 : memref<80x128xf32, #tpu.memory_space<vmem>>) offsets(%dma_start3A_477 : memref<80xi32, #tpu.memory_space<vmem>>) semaphore(%arg17 : memref<!tpu.dma_semaphore, #tpu.memory_space<semaphore_mem>>)
      } else {
      }
      %add3A_397 = arith.constant 3 : i32
      %add3A_398 = arith.addi %add3A_235, %add3A_397 : i32
      %dma_wait3A_399 = arith.constant 0 : i32
      %dma_wait3A_400 = arith.constant 0 : i32
      %dma_wait3A_401 = arith.constant 0 : i32
      %dma_wait3A_402 = tpu.memref_slice %arg8[%dma_wait3A_399, %dma_wait3A_400, %dma_wait3A_401] : memref<2x2x80xi32, #tpu.memory_space<vmem>> -> memref<1x1x80xi32, #tpu.memory_space<vmem>>
      %dma_wait3A_403 = tpu.memref_squeeze %dma_wait3A_402 : memref<1x1x80xi32, #tpu.memory_space<vmem>> -> memref<80xi32, #tpu.memory_space<vmem>>
      %dma_wait3A_404 = arith.constant 0 : i32
      %dma_wait3A_405 = arith.constant 0 : i32
      %dma_wait3A_406 = tpu.memref_slice %arg2[%dma_wait3A_404, %dma_wait3A_405] : memref<10000x128xf32, #tpu.memory_space<hbm>> -> memref<10000x128xf32, #tpu.memory_space<hbm>>
      tpu.wait_indirect_dma semaphore(%arg16 : memref<!tpu.dma_semaphore, #tpu.memory_space<semaphore_mem>>) src(%dma_wait3A_406 : memref<10000x128xf32, #tpu.memory_space<hbm>>) dst(%arg11 : memref<80x128xf32, #tpu.memory_space<vmem>>)
      %dma_start3A_407 = arith.constant 1 : i32
      %dma_start3A_408 = arith.constant 0 : i32
      %dma_start3A_409 = arith.constant 0 : i32
      %dma_start3A_410 = tpu.memref_slice %arg8[%dma_start3A_407, %dma_start3A_408, %dma_start3A_409] : memref<2x2x80xi32, #tpu.memory_space<vmem>> -> memref<1x1x80xi32, #tpu.memory_space<vmem>>
      %dma_start3A_411 = tpu.memref_squeeze %dma_start3A_410 : memref<1x1x80xi32, #tpu.memory_space<vmem>> -> memref<80xi32, #tpu.memory_space<vmem>>
      %dma_start3A_412 = arith.constant 0 : i32
      %dma_start3A_413 = arith.constant 0 : i32
      %dma_start3A_414 = tpu.memref_slice %arg13[%dma_start3A_412, %dma_start3A_413] : memref<10112x128xf32, #tpu.memory_space<vmem_shared>> -> memref<10112x128xf32, #tpu.memory_space<vmem_shared>>
      tpu.enqueue_indirect_dma source(%arg11 : memref<80x128xf32, #tpu.memory_space<vmem>>) target(%dma_start3A_414 : memref<10112x128xf32, #tpu.memory_space<vmem_shared>>) offsets(%dma_start3A_411 : memref<80xi32, #tpu.memory_space<vmem>>) semaphore(%arg20 : memref<!tpu.dma_semaphore, #tpu.memory_space<semaphore_mem>>) {add = true}
      %dma_wait3A_415 = arith.constant 0 : i32
      %dma_wait3A_416 = arith.constant 1 : i32
      %dma_wait3A_417 = arith.constant 0 : i32
      %dma_wait3A_418 = tpu.memref_slice %arg8[%dma_wait3A_415, %dma_wait3A_416, %dma_wait3A_417] : memref<2x2x80xi32, #tpu.memory_space<vmem>> -> memref<1x1x80xi32, #tpu.memory_space<vmem>>
      %dma_wait3A_419 = tpu.memref_squeeze %dma_wait3A_418 : memref<1x1x80xi32, #tpu.memory_space<vmem>> -> memref<80xi32, #tpu.memory_space<vmem>>
      %dma_wait3A_420 = arith.constant 0 : i32
      %dma_wait3A_421 = arith.constant 0 : i32
      %dma_wait3A_422 = tpu.memref_slice %arg2[%dma_wait3A_420, %dma_wait3A_421] : memref<10000x128xf32, #tpu.memory_space<hbm>> -> memref<10000x128xf32, #tpu.memory_space<hbm>>
      tpu.wait_indirect_dma semaphore(%arg17 : memref<!tpu.dma_semaphore, #tpu.memory_space<semaphore_mem>>) src(%dma_wait3A_422 : memref<10000x128xf32, #tpu.memory_space<hbm>>) dst(%arg12 : memref<80x128xf32, #tpu.memory_space<vmem>>)
      %dma_start3A_423 = arith.constant 1 : i32
      %dma_start3A_424 = arith.constant 1 : i32
      %dma_start3A_425 = arith.constant 0 : i32
      %dma_start3A_426 = tpu.memref_slice %arg8[%dma_start3A_423, %dma_start3A_424, %dma_start3A_425] : memref<2x2x80xi32, #tpu.memory_space<vmem>> -> memref<1x1x80xi32, #tpu.memory_space<vmem>>
      %dma_start3A_427 = tpu.memref_squeeze %dma_start3A_426 : memref<1x1x80xi32, #tpu.memory_space<vmem>> -> memref<80xi32, #tpu.memory_space<vmem>>
      %dma_start3A_428 = arith.constant 0 : i32
      %dma_start3A_429 = arith.constant 0 : i32
      %dma_start3A_430 = tpu.memref_slice %arg13[%dma_start3A_428, %dma_start3A_429] : memref<10112x128xf32, #tpu.memory_space<vmem_shared>> -> memref<10112x128xf32, #tpu.memory_space<vmem_shared>>
      tpu.enqueue_indirect_dma source(%arg12 : memref<80x128xf32, #tpu.memory_space<vmem>>) target(%dma_start3A_430 : memref<10112x128xf32, #tpu.memory_space<vmem_shared>>) offsets(%dma_start3A_427 : memref<80xi32, #tpu.memory_space<vmem>>) semaphore(%arg21 : memref<!tpu.dma_semaphore, #tpu.memory_space<semaphore_mem>>) {add = true}
      %add3A_431 = arith.constant 2 : i32
      %add3A_432 = arith.addi %add3A_398, %add3A_431 : i32
      %sub3A_433 = arith.constant 1 : i32
      %sub3A_434 = arith.subi %select_n3A, %sub3A_433 : i32
      %le3A_435 = arith.cmpi sle, %add3A_432, %sub3A_434 : i32
      %convert_element_type3A_436 = arith.extui %le3A_435 : i1 to i32
      %cond3A_437 = arith.constant 0 : i32
      %cond3A_438 = arith.cmpi ne, %convert_element_type3A_436, %cond3A_437 : i32
      scf.if %cond3A_438 {
        %add3A_452 = arith.addi %mul3A_0, %add3A_398 : i32
        %add3A_453 = arith.constant 2 : i32
        %add3A_454 = arith.addi %add3A_452, %add3A_453 : i32
        %dma_start3A_455 = arith.constant 0 : i32
        %dma_start3A_456 = arith.constant 0 : i32
        %dma_start3A_457 = arith.constant 0 : i32
        %dma_start3A_458 = tpu.memref_slice %arg3[%arg1, %add3A_454, %dma_start3A_455, %dma_start3A_456, %dma_start3A_457] : memref<16x128x2x2x80xi32, #tpu.memory_space<hbm>> -> memref<1x1x2x2x80xi32, #tpu.memory_space<hbm>>
        %dma_start3A_459 = tpu.memref_squeeze %dma_start3A_458 : memref<1x1x2x2x80xi32, #tpu.memory_space<hbm>> -> memref<2x2x80xi32, #tpu.memory_space<hbm>>
        %dma_start3A_460 = arith.constant 0 : i32
        %dma_start3A_461 = arith.constant 0 : i32
        %dma_start3A_462 = arith.constant 0 : i32
        %dma_start3A_463 = tpu.memref_slice %arg3[%arg1, %add3A_454, %dma_start3A_460, %dma_start3A_461, %dma_start3A_462] : memref<16x128x2x2x80xi32, #tpu.memory_space<hbm>> -> memref<1x1x2x2x80xi32, #tpu.memory_space<hbm>>
        %dma_start3A_464 = tpu.memref_squeeze %dma_start3A_463 : memref<1x1x2x2x80xi32, #tpu.memory_space<hbm>> -> memref<2x2x80xi32, #tpu.memory_space<hbm>>
        tpu.enqueue_dma source(%dma_start3A_464 : memref<2x2x80xi32, #tpu.memory_space<hbm>>) target(%arg6 : memref<2x2x80xi32, #tpu.memory_space<vmem>>) target_semaphore(%arg23 : memref<!tpu.dma_semaphore, #tpu.memory_space<semaphore_mem>>)
      } else {
      }
      %ge3A_439 = arith.constant 1 : i32
      %ge3A_440 = arith.cmpi sge, %add3A_398, %ge3A_439 : i32
      %convert_element_type3A_441 = arith.extui %ge3A_440 : i1 to i32
      %cond3A_442 = arith.constant 0 : i32
      %cond3A_443 = arith.cmpi ne, %convert_element_type3A_441, %cond3A_442 : i32
      scf.if %cond3A_443 {
        %dma_wait3A_452 = arith.constant 1 : i32
        %dma_wait3A_453 = arith.constant 0 : i32
        %dma_wait3A_454 = arith.constant 0 : i32
        %dma_wait3A_455 = tpu.memref_slice %arg7[%dma_wait3A_452, %dma_wait3A_453, %dma_wait3A_454] : memref<2x2x80xi32, #tpu.memory_space<vmem>> -> memref<1x1x80xi32, #tpu.memory_space<vmem>>
        %dma_wait3A_456 = tpu.memref_squeeze %dma_wait3A_455 : memref<1x1x80xi32, #tpu.memory_space<vmem>> -> memref<80xi32, #tpu.memory_space<vmem>>
        %dma_wait3A_457 = arith.constant 0 : i32
        %dma_wait3A_458 = arith.constant 0 : i32
        %dma_wait3A_459 = tpu.memref_slice %arg13[%dma_wait3A_457, %dma_wait3A_458] : memref<10112x128xf32, #tpu.memory_space<vmem_shared>> -> memref<10112x128xf32, #tpu.memory_space<vmem_shared>>
        tpu.wait_indirect_dma semaphore(%arg18 : memref<!tpu.dma_semaphore, #tpu.memory_space<semaphore_mem>>) src(%arg9 : memref<80x128xf32, #tpu.memory_space<vmem>>) dst(%dma_wait3A_459 : memref<10112x128xf32, #tpu.memory_space<vmem_shared>>)
        %dma_wait3A_460 = arith.constant 1 : i32
        %dma_wait3A_461 = arith.constant 1 : i32
        %dma_wait3A_462 = arith.constant 0 : i32
        %dma_wait3A_463 = tpu.memref_slice %arg7[%dma_wait3A_460, %dma_wait3A_461, %dma_wait3A_462] : memref<2x2x80xi32, #tpu.memory_space<vmem>> -> memref<1x1x80xi32, #tpu.memory_space<vmem>>
        %dma_wait3A_464 = tpu.memref_squeeze %dma_wait3A_463 : memref<1x1x80xi32, #tpu.memory_space<vmem>> -> memref<80xi32, #tpu.memory_space<vmem>>
        %dma_wait3A_465 = arith.constant 0 : i32
        %dma_wait3A_466 = arith.constant 0 : i32
        %dma_wait3A_467 = tpu.memref_slice %arg13[%dma_wait3A_465, %dma_wait3A_466] : memref<10112x128xf32, #tpu.memory_space<vmem_shared>> -> memref<10112x128xf32, #tpu.memory_space<vmem_shared>>
        tpu.wait_indirect_dma semaphore(%arg19 : memref<!tpu.dma_semaphore, #tpu.memory_space<semaphore_mem>>) src(%arg10 : memref<80x128xf32, #tpu.memory_space<vmem>>) dst(%dma_wait3A_467 : memref<10112x128xf32, #tpu.memory_space<vmem_shared>>)
      } else {
      }
      %add3A_444 = arith.constant 1 : i32
      %add3A_445 = arith.addi %add3A_398, %add3A_444 : i32
      %sub3A_446 = arith.constant 1 : i32
      %sub3A_447 = arith.subi %select_n3A, %sub3A_446 : i32
      %le3A_448 = arith.cmpi sle, %add3A_445, %sub3A_447 : i32
      %convert_element_type3A_449 = arith.extui %le3A_448 : i1 to i32
      %cond3A_450 = arith.constant 0 : i32
      %cond3A_451 = arith.cmpi ne, %convert_element_type3A_449, %cond3A_450 : i32
      scf.if %cond3A_451 {
        %add3A_452 = arith.addi %mul3A_0, %add3A_398 : i32
        %add3A_453 = arith.constant 1 : i32
        %add3A_454 = arith.addi %add3A_452, %add3A_453 : i32
        %dma_wait3A_455 = arith.constant 0 : i32
        %dma_wait3A_456 = arith.constant 0 : i32
        %dma_wait3A_457 = arith.constant 0 : i32
        %dma_wait3A_458 = tpu.memref_slice %arg3[%arg1, %add3A_454, %dma_wait3A_455, %dma_wait3A_456, %dma_wait3A_457] : memref<16x128x2x2x80xi32, #tpu.memory_space<hbm>> -> memref<1x1x2x2x80xi32, #tpu.memory_space<hbm>>
        %dma_wait3A_459 = tpu.memref_squeeze %dma_wait3A_458 : memref<1x1x2x2x80xi32, #tpu.memory_space<hbm>> -> memref<2x2x80xi32, #tpu.memory_space<hbm>>
        %dma_wait3A_460 = arith.constant 0 : i32
        %dma_wait3A_461 = arith.constant 0 : i32
        %dma_wait3A_462 = arith.constant 0 : i32
        %dma_wait3A_463 = tpu.memref_slice %arg3[%arg1, %add3A_454, %dma_wait3A_460, %dma_wait3A_461, %dma_wait3A_462] : memref<16x128x2x2x80xi32, #tpu.memory_space<hbm>> -> memref<1x1x2x2x80xi32, #tpu.memory_space<hbm>>
        %dma_wait3A_464 = tpu.memref_squeeze %dma_wait3A_463 : memref<1x1x2x2x80xi32, #tpu.memory_space<hbm>> -> memref<2x2x80xi32, #tpu.memory_space<hbm>>
        tpu.wait_dma2 semaphore(%arg22 : memref<!tpu.dma_semaphore, #tpu.memory_space<semaphore_mem>>) src(%dma_wait3A_464 : memref<2x2x80xi32, #tpu.memory_space<hbm>>) dst(%arg5 : memref<2x2x80xi32, #tpu.memory_space<vmem>>)
        %dma_start3A_465 = arith.constant 0 : i32
        %dma_start3A_466 = arith.constant 0 : i32
        %dma_start3A_467 = arith.constant 0 : i32
        %dma_start3A_468 = tpu.memref_slice %arg5[%dma_start3A_465, %dma_start3A_466, %dma_start3A_467] : memref<2x2x80xi32, #tpu.memory_space<vmem>> -> memref<1x1x80xi32, #tpu.memory_space<vmem>>
        %dma_start3A_469 = tpu.memref_squeeze %dma_start3A_468 : memref<1x1x80xi32, #tpu.memory_space<vmem>> -> memref<80xi32, #tpu.memory_space<vmem>>
        %dma_start3A_470 = arith.constant 0 : i32
        %dma_start3A_471 = arith.constant 0 : i32
        %dma_start3A_472 = tpu.memref_slice %arg2[%dma_start3A_470, %dma_start3A_471] : memref<10000x128xf32, #tpu.memory_space<hbm>> -> memref<10000x128xf32, #tpu.memory_space<hbm>>
        tpu.enqueue_indirect_dma source(%dma_start3A_472 : memref<10000x128xf32, #tpu.memory_space<hbm>>) target(%arg9 : memref<80x128xf32, #tpu.memory_space<vmem>>) offsets(%dma_start3A_469 : memref<80xi32, #tpu.memory_space<vmem>>) semaphore(%arg14 : memref<!tpu.dma_semaphore, #tpu.memory_space<semaphore_mem>>)
        %dma_start3A_473 = arith.constant 0 : i32
        %dma_start3A_474 = arith.constant 1 : i32
        %dma_start3A_475 = arith.constant 0 : i32
        %dma_start3A_476 = tpu.memref_slice %arg5[%dma_start3A_473, %dma_start3A_474, %dma_start3A_475] : memref<2x2x80xi32, #tpu.memory_space<vmem>> -> memref<1x1x80xi32, #tpu.memory_space<vmem>>
        %dma_start3A_477 = tpu.memref_squeeze %dma_start3A_476 : memref<1x1x80xi32, #tpu.memory_space<vmem>> -> memref<80xi32, #tpu.memory_space<vmem>>
        %dma_start3A_478 = arith.constant 0 : i32
        %dma_start3A_479 = arith.constant 0 : i32
        %dma_start3A_480 = tpu.memref_slice %arg2[%dma_start3A_478, %dma_start3A_479] : memref<10000x128xf32, #tpu.memory_space<hbm>> -> memref<10000x128xf32, #tpu.memory_space<hbm>>
        tpu.enqueue_indirect_dma source(%dma_start3A_480 : memref<10000x128xf32, #tpu.memory_space<hbm>>) target(%arg10 : memref<80x128xf32, #tpu.memory_space<vmem>>) offsets(%dma_start3A_477 : memref<80xi32, #tpu.memory_space<vmem>>) semaphore(%arg15 : memref<!tpu.dma_semaphore, #tpu.memory_space<semaphore_mem>>)
      } else {
      }
    }
    %dma_wait3A_212 = arith.constant 1 : i32
    %dma_wait3A_213 = arith.constant 0 : i32
    %dma_wait3A_214 = arith.constant 0 : i32
    %dma_wait3A_215 = tpu.memref_slice %arg8[%dma_wait3A_212, %dma_wait3A_213, %dma_wait3A_214] : memref<2x2x80xi32, #tpu.memory_space<vmem>> -> memref<1x1x80xi32, #tpu.memory_space<vmem>>
    %dma_wait3A_216 = tpu.memref_squeeze %dma_wait3A_215 : memref<1x1x80xi32, #tpu.memory_space<vmem>> -> memref<80xi32, #tpu.memory_space<vmem>>
    %dma_wait3A_217 = arith.constant 0 : i32
    %dma_wait3A_218 = arith.constant 0 : i32
    %dma_wait3A_219 = tpu.memref_slice %arg13[%dma_wait3A_217, %dma_wait3A_218] : memref<10112x128xf32, #tpu.memory_space<vmem_shared>> -> memref<10112x128xf32, #tpu.memory_space<vmem_shared>>
    tpu.wait_indirect_dma semaphore(%arg20 : memref<!tpu.dma_semaphore, #tpu.memory_space<semaphore_mem>>) src(%arg11 : memref<80x128xf32, #tpu.memory_space<vmem>>) dst(%dma_wait3A_219 : memref<10112x128xf32, #tpu.memory_space<vmem_shared>>)
    %dma_wait3A_220 = arith.constant 1 : i32
    %dma_wait3A_221 = arith.constant 1 : i32
    %dma_wait3A_222 = arith.constant 0 : i32
    %dma_wait3A_223 = tpu.memref_slice %arg8[%dma_wait3A_220, %dma_wait3A_221, %dma_wait3A_222] : memref<2x2x80xi32, #tpu.memory_space<vmem>> -> memref<1x1x80xi32, #tpu.memory_space<vmem>>
    %dma_wait3A_224 = tpu.memref_squeeze %dma_wait3A_223 : memref<1x1x80xi32, #tpu.memory_space<vmem>> -> memref<80xi32, #tpu.memory_space<vmem>>
    %dma_wait3A_225 = arith.constant 0 : i32
    %dma_wait3A_226 = arith.constant 0 : i32
    %dma_wait3A_227 = tpu.memref_slice %arg13[%dma_wait3A_225, %dma_wait3A_226] : memref<10112x128xf32, #tpu.memory_space<vmem_shared>> -> memref<10112x128xf32, #tpu.memory_space<vmem_shared>>
    tpu.wait_indirect_dma semaphore(%arg21 : memref<!tpu.dma_semaphore, #tpu.memory_space<semaphore_mem>>) src(%arg12 : memref<80x128xf32, #tpu.memory_space<vmem>>) dst(%dma_wait3A_227 : memref<10112x128xf32, #tpu.memory_space<vmem_shared>>)
    %barrier3A_228 = arith.constant 0 : index
    tpu.barrier barrier_id(%barrier3A_228)
    %mul3A_229 = arith.constant 632 : i32
    %mul3A_230 = arith.muli %arg1, %mul3A_229 : i32
    %mul3A_231 = arith.constant 632 : i32
    %mul3A_232 = arith.muli %arg1, %mul3A_231 : i32
    "tpu.region"() ({
      %run_scoped3A = tpu.sem_alloc : memref<!tpu.dma_semaphore, #tpu.memory_space<semaphore_mem>>
      %dma_start3A_233 = arith.constant 0 : i32
      %dma_start3A_234 = tpu.memref_slice %arg4[%arg0, %mul3A_232, %dma_start3A_233] : memref<2x10112x128xf32, #tpu.memory_space<hbm>> -> memref<1x632x128xf32, #tpu.memory_space<hbm>>
      %dma_start3A_235 = tpu.memref_squeeze %dma_start3A_234 : memref<1x632x128xf32, #tpu.memory_space<hbm>> -> memref<632x128xf32, #tpu.memory_space<hbm>>
      %dma_start3A_236 = arith.constant 0 : i32
      %dma_start3A_237 = tpu.memref_slice %arg13[%mul3A_230, %dma_start3A_236] : memref<10112x128xf32, #tpu.memory_space<vmem_shared>> -> memref<632x128xf32, #tpu.memory_space<vmem_shared>>
      tpu.enqueue_dma source(%dma_start3A_237 : memref<632x128xf32, #tpu.memory_space<vmem_shared>>) target(%dma_start3A_235 : memref<632x128xf32, #tpu.memory_space<hbm>>) target_semaphore(%run_scoped3A : memref<!tpu.dma_semaphore, #tpu.memory_space<semaphore_mem>>)
      %dma_wait3A_238 = arith.constant 0 : i32
      %dma_wait3A_239 = tpu.memref_slice %arg4[%arg0, %mul3A_232, %dma_wait3A_238] : memref<2x10112x128xf32, #tpu.memory_space<hbm>> -> memref<1x632x128xf32, #tpu.memory_space<hbm>>
      %dma_wait3A_240 = tpu.memref_squeeze %dma_wait3A_239 : memref<1x632x128xf32, #tpu.memory_space<hbm>> -> memref<632x128xf32, #tpu.memory_space<hbm>>
      %dma_wait3A_241 = arith.constant 0 : i32
      %dma_wait3A_242 = tpu.memref_slice %arg13[%mul3A_230, %dma_wait3A_241] : memref<10112x128xf32, #tpu.memory_space<vmem_shared>> -> memref<632x128xf32, #tpu.memory_space<vmem_shared>>
      tpu.wait_dma2 semaphore(%run_scoped3A : memref<!tpu.dma_semaphore, #tpu.memory_space<semaphore_mem>>) src(%dma_wait3A_242 : memref<632x128xf32, #tpu.memory_space<vmem_shared>>) dst(%dma_wait3A_240 : memref<632x128xf32, #tpu.memory_space<hbm>>)
      tpu.yield
    }) : () -> ()
    return
  }
}

#map = affine_map<(d0, d1) -> (0, 0)>
#map1 = affine_map<(d0, d1) -> (0, 0, 0, 0, 0)>
#map2 = affine_map<(d0, d1) -> (0, 0, 0)>
module attributes {stable_mosaic.version = 14 : i64} {
  func.func @kernel_fn(%arg0: i32, %arg1: i32, %arg2: memref<10000x128xf32, #tpu.memory_space<hbm>>, %arg3: memref<16x128x2x2x80xi32, #tpu.memory_space<hbm>>, %arg4: memref<2x10112x128xf32, #tpu.memory_space<hbm>>, %arg5: memref<2x2x80xi32, #tpu.memory_space<vmem>>, %arg6: memref<2x2x80xi32, #tpu.memory_space<vmem>>, %arg7: memref<2x2x80xi32, #tpu.memory_space<vmem>>, %arg8: memref<2x2x80xi32, #tpu.memory_space<vmem>>, %arg9: memref<80x128xf32, #tpu.memory_space<vmem>>, %arg10: memref<80x128xf32, #tpu.memory_space<vmem>>, %arg11: memref<80x128xf32, #tpu.memory_space<vmem>>, %arg12: memref<80x128xf32, #tpu.memory_space<vmem>>, %arg13: memref<10112x128xf32, #tpu.memory_space<vmem_shared>>, %arg14: memref<!tpu.dma_semaphore, #tpu.memory_space<semaphore_mem>>, %arg15: memref<!tpu.dma_semaphore, #tpu.memory_space<semaphore_mem>>, %arg16: memref<!tpu.dma_semaphore, #tpu.memory_space<semaphore_mem>>, %arg17: memref<!tpu.dma_semaphore, #tpu.memory_space<semaphore_mem>>, %arg18: memref<!tpu.dma_semaphore, #tpu.memory_space<semaphore_mem>>, %arg19: memref<!tpu.dma_semaphore, #tpu.memory_space<semaphore_mem>>, %arg20: memref<!tpu.dma_semaphore, #tpu.memory_space<semaphore_mem>>, %arg21: memref<!tpu.dma_semaphore, #tpu.memory_space<semaphore_mem>>, %arg22: memref<!tpu.dma_semaphore, #tpu.memory_space<semaphore_mem>>, %arg23: memref<!tpu.dma_semaphore, #tpu.memory_space<semaphore_mem>>, %arg24: memref<!tpu.dma_semaphore, #tpu.memory_space<semaphore_mem>>, %arg25: memref<!tpu.dma_semaphore, #tpu.memory_space<semaphore_mem>>, %arg26: memref<!tpu.dma_semaphore, #tpu.memory_space<semaphore_mem>>) attributes {dimension_semantics = [#tpu.dimension_semantics<core_parallel>, #tpu.dimension_semantics<subcore_parallel>], iteration_bounds = array<i64: 2, 16>, scalar_prefetch = 0 : i64, scratch_operands = 22 : i64, tpu.core_type = #tpu.core_type<sc_vector_subcore>, window_params = [{transform_indices = #map}, {transform_indices = #map1}, {transform_indices = #map2}]} {
    %mul3A = arith.constant 64 : i32
    %mul3A_0 = arith.muli %arg0, %mul3A : i32
    %eq3A = arith.constant 0 : i32
    %eq3A_1 = arith.cmpi eq, %arg0, %eq3A : i32
    %jit3A = arith.constant 64 : i32
    %jit3A_2 = arith.constant 64 : i32
    %select_n3A = arith.select %eq3A_1, %jit3A, %jit3A_2 : i32
    %add3A = arith.constant 0 : i32
    %add3A_3 = arith.addi %mul3A_0, %add3A : i32
    %dma_start3A = arith.constant 0 : i32
    %dma_start3A_4 = arith.constant 0 : i32
    %dma_start3A_5 = arith.constant 0 : i32
    %dma_start3A_6 = tpu.memref_slice %arg3[%arg1, %add3A_3, %dma_start3A, %dma_start3A_4, %dma_start3A_5] : memref<16x128x2x2x80xi32, #tpu.memory_space<hbm>> -> memref<1x1x2x2x80xi32, #tpu.memory_space<hbm>>
    %dma_start3A_7 = tpu.memref_squeeze %dma_start3A_6 : memref<1x1x2x2x80xi32, #tpu.memory_space<hbm>> -> memref<2x2x80xi32, #tpu.memory_space<hbm>>
    %dma_start3A_8 = arith.constant 0 : i32
    %dma_start3A_9 = arith.constant 0 : i32
    %dma_start3A_10 = arith.constant 0 : i32
    %dma_start3A_11 = tpu.memref_slice %arg3[%arg1, %add3A_3, %dma_start3A_8, %dma_start3A_9, %dma_start3A_10] : memref<16x128x2x2x80xi32, #tpu.memory_space<hbm>> -> memref<1x1x2x2x80xi32, #tpu.memory_space<hbm>>
    %dma_start3A_12 = tpu.memref_squeeze %dma_start3A_11 : memref<1x1x2x2x80xi32, #tpu.memory_space<hbm>> -> memref<2x2x80xi32, #tpu.memory_space<hbm>>
    tpu.enqueue_dma source(%dma_start3A_12 : memref<2x2x80xi32, #tpu.memory_space<hbm>>) target(%arg5 : memref<2x2x80xi32, #tpu.memory_space<vmem>>) target_semaphore(%arg22 : memref<!tpu.dma_semaphore, #tpu.memory_space<semaphore_mem>>)
    %add3A_13 = arith.constant 1 : i32
    %add3A_14 = arith.addi %mul3A_0, %add3A_13 : i32
    %dma_start3A_15 = arith.constant 0 : i32
    %dma_start3A_16 = arith.constant 0 : i32
    %dma_start3A_17 = arith.constant 0 : i32
    %dma_start3A_18 = tpu.memref_slice %arg3[%arg1, %add3A_14, %dma_start3A_15, %dma_start3A_16, %dma_start3A_17] : memref<16x128x2x2x80xi32, #tpu.memory_space<hbm>> -> memref<1x1x2x2x80xi32, #tpu.memory_space<hbm>>
    %dma_start3A_19 = tpu.memref_squeeze %dma_start3A_18 : memref<1x1x2x2x80xi32, #tpu.memory_space<hbm>> -> memref<2x2x80xi32, #tpu.memory_space<hbm>>
    %dma_start3A_20 = arith.constant 0 : i32
    %dma_start3A_21 = arith.constant 0 : i32
    %dma_start3A_22 = arith.constant 0 : i32
    %dma_start3A_23 = tpu.memref_slice %arg3[%arg1, %add3A_14, %dma_start3A_20, %dma_start3A_21, %dma_start3A_22] : memref<16x128x2x2x80xi32, #tpu.memory_space<hbm>> -> memref<1x1x2x2x80xi32, #tpu.memory_space<hbm>>
    %dma_start3A_24 = tpu.memref_squeeze %dma_start3A_23 : memref<1x1x2x2x80xi32, #tpu.memory_space<hbm>> -> memref<2x2x80xi32, #tpu.memory_space<hbm>>
    tpu.enqueue_dma source(%dma_start3A_24 : memref<2x2x80xi32, #tpu.memory_space<hbm>>) target(%arg6 : memref<2x2x80xi32, #tpu.memory_space<vmem>>) target_semaphore(%arg23 : memref<!tpu.dma_semaphore, #tpu.memory_space<semaphore_mem>>)
    %scan3A = arith.constant 0 : i32
    %scan3A_25 = arith.constant 80 : i32
    %scan3A_26 = arith.addi %scan3A, %scan3A_25 : i32
    %scan3A_27 = arith.constant 1 : i32
    scf.for %scan3A_233 = %scan3A to %scan3A_26 step %scan3A_27  : i32 {
      %mul3A_234 = arith.constant 1 : i32
      %mul3A_235 = arith.muli %scan3A_233, %mul3A_234 : i32
      %add3A_236 = arith.constant 0 : i32
      %add3A_237 = arith.addi %add3A_236, %mul3A_235 : i32
      %scan3A_238 = arith.constant 0 : i32
      %scan3A_239 = arith.constant 8 : i32
      %scan3A_240 = arith.addi %scan3A_238, %scan3A_239 : i32
      %scan3A_241 = arith.constant 1 : i32
      scf.for %scan3A_243 = %scan3A_238 to %scan3A_240 step %scan3A_241  : i32 {
        %mul3A_244 = arith.constant 16 : i32
        %mul3A_245 = arith.muli %scan3A_243, %mul3A_244 : i32
        %add3A_246 = arith.constant 0 : i32
        %add3A_247 = arith.addi %add3A_246, %mul3A_245 : i32
        %broadcast_in_dim3A = arith.constant 0.000000e+00 : f32
        %broadcast_in_dim3A_248 = vector.broadcast %broadcast_in_dim3A : f32 to vector<16xf32>
        %swap3A = arith.index_cast %add3A_237 : i32 to index
        %swap3A_249 = arith.index_cast %add3A_247 : i32 to index
        %swap3A_250 = tpu.vector_load %arg11[%swap3A, %swap3A_249] {strides = array<i32>} : memref<80x128xf32, #tpu.memory_space<vmem>>, vector<1x16xf32>,
        %swap3A_251 = vector.shape_cast %swap3A_250 : vector<1x16xf32> to vector<16xf32>
        %swap3A_252 = vector.shape_cast %broadcast_in_dim3A_248 : vector<16xf32> to vector<1x16xf32>
        tpu.vector_store %arg11[%swap3A, %swap3A_249], %swap3A_252 {strides = array<i32>} : memref<80x128xf32, #tpu.memory_space<vmem>>, vector<1x16xf32>,
      }
      %scan3A_242 = arith.constant 8 : i32
    }
    %scan3A_28 = arith.constant 80 : i32
    %mul3A_29 = arith.constant 632 : i32
    %mul3A_30 = arith.muli %arg1, %mul3A_29 : i32
    %add3A_31 = arith.constant 0 : i32
    %add3A_32 = arith.addi %mul3A_30, %add3A_31 : i32
    %dma_start3A_33 = arith.constant 0 : i32
    %dma_start3A_34 = tpu.memref_slice %arg13[%add3A_32, %dma_start3A_33] : memref<10112x128xf32, #tpu.memory_space<vmem_shared>> -> memref<80x128xf32, #tpu.memory_space<vmem_shared>>
    %dma_start3A_35 = arith.constant 0 : i32
    %dma_start3A_36 = tpu.memref_slice %arg13[%add3A_32, %dma_start3A_35] : memref<10112x128xf32, #tpu.memory_space<vmem_shared>> -> memref<80x128xf32, #tpu.memory_space<vmem_shared>>
    tpu.enqueue_dma source(%arg11 : memref<80x128xf32, #tpu.memory_space<vmem>>) target(%dma_start3A_36 : memref<80x128xf32, #tpu.memory_space<vmem_shared>>) target_semaphore(%arg26 : memref<!tpu.dma_semaphore, #tpu.memory_space<semaphore_mem>>)
    %mul3A_37 = arith.constant 632 : i32
    %mul3A_38 = arith.muli %arg1, %mul3A_37 : i32
    %add3A_39 = arith.constant 80 : i32
    %add3A_40 = arith.addi %mul3A_38, %add3A_39 : i32
    %dma_start3A_41 = arith.constant 0 : i32
    %dma_start3A_42 = tpu.memref_slice %arg13[%add3A_40, %dma_start3A_41] : memref<10112x128xf32, #tpu.memory_space<vmem_shared>> -> memref<80x128xf32, #tpu.memory_space<vmem_shared>>
    %dma_start3A_43 = arith.constant 0 : i32
    %dma_start3A_44 = tpu.memref_slice %arg13[%add3A_40, %dma_start3A_43] : memref<10112x128xf32, #tpu.memory_space<vmem_shared>> -> memref<80x128xf32, #tpu.memory_space<vmem_shared>>
    tpu.enqueue_dma source(%arg11 : memref<80x128xf32, #tpu.memory_space<vmem>>) target(%dma_start3A_44 : memref<80x128xf32, #tpu.memory_space<vmem_shared>>) target_semaphore(%arg26 : memref<!tpu.dma_semaphore, #tpu.memory_space<semaphore_mem>>)
    %mul3A_45 = arith.constant 632 : i32
    %mul3A_46 = arith.muli %arg1, %mul3A_45 : i32
    %add3A_47 = arith.constant 160 : i32
    %add3A_48 = arith.addi %mul3A_46, %add3A_47 : i32
    %dma_start3A_49 = arith.constant 0 : i32
    %dma_start3A_50 = tpu.memref_slice %arg13[%add3A_48, %dma_start3A_49] : memref<10112x128xf32, #tpu.memory_space<vmem_shared>> -> memref<80x128xf32, #tpu.memory_space<vmem_shared>>
    %dma_start3A_51 = arith.constant 0 : i32
    %dma_start3A_52 = tpu.memref_slice %arg13[%add3A_48, %dma_start3A_51] : memref<10112x128xf32, #tpu.memory_space<vmem_shared>> -> memref<80x128xf32, #tpu.memory_space<vmem_shared>>
    tpu.enqueue_dma source(%arg11 : memref<80x128xf32, #tpu.memory_space<vmem>>) target(%dma_start3A_52 : memref<80x128xf32, #tpu.memory_space<vmem_shared>>) target_semaphore(%arg26 : memref<!tpu.dma_semaphore, #tpu.memory_space<semaphore_mem>>)
    %mul3A_53 = arith.constant 632 : i32
    %mul3A_54 = arith.muli %arg1, %mul3A_53 : i32
    %add3A_55 = arith.constant 240 : i32
    %add3A_56 = arith.addi %mul3A_54, %add3A_55 : i32
    %dma_start3A_57 = arith.constant 0 : i32
    %dma_start3A_58 = tpu.memref_slice %arg13[%add3A_56, %dma_start3A_57] : memref<10112x128xf32, #tpu.memory_space<vmem_shared>> -> memref<80x128xf32, #tpu.memory_space<vmem_shared>>
    %dma_start3A_59 = arith.constant 0 : i32
    %dma_start3A_60 = tpu.memref_slice %arg13[%add3A_56, %dma_start3A_59] : memref<10112x128xf32, #tpu.memory_space<vmem_shared>> -> memref<80x128xf32, #tpu.memory_space<vmem_shared>>
    tpu.enqueue_dma source(%arg11 : memref<80x128xf32, #tpu.memory_space<vmem>>) target(%dma_start3A_60 : memref<80x128xf32, #tpu.memory_space<vmem_shared>>) target_semaphore(%arg26 : memref<!tpu.dma_semaphore, #tpu.memory_space<semaphore_mem>>)
    %mul3A_61 = arith.constant 632 : i32
    %mul3A_62 = arith.muli %arg1, %mul3A_61 : i32
    %add3A_63 = arith.constant 320 : i32
    %add3A_64 = arith.addi %mul3A_62, %add3A_63 : i32
    %dma_start3A_65 = arith.constant 0 : i32
    %dma_start3A_66 = tpu.memref_slice %arg13[%add3A_64, %dma_start3A_65] : memref<10112x128xf32, #tpu.memory_space<vmem_shared>> -> memref<80x128xf32, #tpu.memory_space<vmem_shared>>
    %dma_start3A_67 = arith.constant 0 : i32
    %dma_start3A_68 = tpu.memref_slice %arg13[%add3A_64, %dma_start3A_67] : memref<10112x128xf32, #tpu.memory_space<vmem_shared>> -> memref<80x128xf32, #tpu.memory_space<vmem_shared>>
    tpu.enqueue_dma source(%arg11 : memref<80x128xf32, #tpu.memory_space<vmem>>) target(%dma_start3A_68 : memref<80x128xf32, #tpu.memory_space<vmem_shared>>) target_semaphore(%arg26 : memref<!tpu.dma_semaphore, #tpu.memory_space<semaphore_mem>>)
    %mul3A_69 = arith.constant 632 : i32
    %mul3A_70 = arith.muli %arg1, %mul3A_69 : i32
    %add3A_71 = arith.constant 400 : i32
    %add3A_72 = arith.addi %mul3A_70, %add3A_71 : i32
    %dma_start3A_73 = arith.constant 0 : i32
    %dma_start3A_74 = tpu.memref_slice %arg13[%add3A_72, %dma_start3A_73] : memref<10112x128xf32, #tpu.memory_space<vmem_shared>> -> memref<80x128xf32, #tpu.memory_space<vmem_shared>>
    %dma_start3A_75 = arith.constant 0 : i32
    %dma_start3A_76 = tpu.memref_slice %arg13[%add3A_72, %dma_start3A_75] : memref<10112x128xf32, #tpu.memory_space<vmem_shared>> -> memref<80x128xf32, #tpu.memory_space<vmem_shared>>
    tpu.enqueue_dma source(%arg11 : memref<80x128xf32, #tpu.memory_space<vmem>>) target(%dma_start3A_76 : memref<80x128xf32, #tpu.memory_space<vmem_shared>>) target_semaphore(%arg26 : memref<!tpu.dma_semaphore, #tpu.memory_space<semaphore_mem>>)
    %mul3A_77 = arith.constant 632 : i32
    %mul3A_78 = arith.muli %arg1, %mul3A_77 : i32
    %add3A_79 = arith.constant 480 : i32
    %add3A_80 = arith.addi %mul3A_78, %add3A_79 : i32
    %dma_start3A_81 = arith.constant 0 : i32
    %dma_start3A_82 = tpu.memref_slice %arg13[%add3A_80, %dma_start3A_81] : memref<10112x128xf32, #tpu.memory_space<vmem_shared>> -> memref<80x128xf32, #tpu.memory_space<vmem_shared>>
    %dma_start3A_83 = arith.constant 0 : i32
    %dma_start3A_84 = tpu.memref_slice %arg13[%add3A_80, %dma_start3A_83] : memref<10112x128xf32, #tpu.memory_space<vmem_shared>> -> memref<80x128xf32, #tpu.memory_space<vmem_shared>>
    tpu.enqueue_dma source(%arg11 : memref<80x128xf32, #tpu.memory_space<vmem>>) target(%dma_start3A_84 : memref<80x128xf32, #tpu.memory_space<vmem_shared>>) target_semaphore(%arg26 : memref<!tpu.dma_semaphore, #tpu.memory_space<semaphore_mem>>)
    %mul3A_85 = arith.constant 632 : i32
    %mul3A_86 = arith.muli %arg1, %mul3A_85 : i32
    %add3A_87 = arith.constant 560 : i32
    %add3A_88 = arith.addi %mul3A_86, %add3A_87 : i32
    %dma_start3A_89 = arith.constant 0 : i32
    %dma_start3A_90 = arith.constant 0 : i32
    %dma_start3A_91 = tpu.memref_slice %arg11[%dma_start3A_89, %dma_start3A_90] : memref<80x128xf32, #tpu.memory_space<vmem>> -> memref<72x128xf32, #tpu.memory_space<vmem>>
    %dma_start3A_92 = arith.constant 0 : i32
    %dma_start3A_93 = tpu.memref_slice %arg13[%add3A_88, %dma_start3A_92] : memref<10112x128xf32, #tpu.memory_space<vmem_shared>> -> memref<72x128xf32, #tpu.memory_space<vmem_shared>>
    %dma_start3A_94 = arith.constant 0 : i32
    %dma_start3A_95 = tpu.memref_slice %arg13[%add3A_88, %dma_start3A_94] : memref<10112x128xf32, #tpu.memory_space<vmem_shared>> -> memref<72x128xf32, #tpu.memory_space<vmem_shared>>
    %dma_start3A_96 = arith.constant 0 : i32
    %dma_start3A_97 = arith.constant 0 : i32
    %dma_start3A_98 = tpu.memref_slice %arg11[%dma_start3A_96, %dma_start3A_97] : memref<80x128xf32, #tpu.memory_space<vmem>> -> memref<72x128xf32, #tpu.memory_space<vmem>>
    tpu.enqueue_dma source(%dma_start3A_98 : memref<72x128xf32, #tpu.memory_space<vmem>>) target(%dma_start3A_95 : memref<72x128xf32, #tpu.memory_space<vmem_shared>>) target_semaphore(%arg26 : memref<!tpu.dma_semaphore, #tpu.memory_space<semaphore_mem>>)
    %add3A_99 = arith.constant 0 : i32
    %add3A_100 = arith.addi %mul3A_0, %add3A_99 : i32
    %dma_wait3A = arith.constant 0 : i32
    %dma_wait3A_101 = arith.constant 0 : i32
    %dma_wait3A_102 = arith.constant 0 : i32
    %dma_wait3A_103 = tpu.memref_slice %arg3[%arg1, %add3A_100, %dma_wait3A, %dma_wait3A_101, %dma_wait3A_102] : memref<16x128x2x2x80xi32, #tpu.memory_space<hbm>> -> memref<1x1x2x2x80xi32, #tpu.memory_space<hbm>>
    %dma_wait3A_104 = tpu.memref_squeeze %dma_wait3A_103 : memref<1x1x2x2x80xi32, #tpu.memory_space<hbm>> -> memref<2x2x80xi32, #tpu.memory_space<hbm>>
    %dma_wait3A_105 = arith.constant 0 : i32
    %dma_wait3A_106 = arith.constant 0 : i32
    %dma_wait3A_107 = arith.constant 0 : i32
    %dma_wait3A_108 = tpu.memref_slice %arg3[%arg1, %add3A_100, %dma_wait3A_105, %dma_wait3A_106, %dma_wait3A_107] : memref<16x128x2x2x80xi32, #tpu.memory_space<hbm>> -> memref<1x1x2x2x80xi32, #tpu.memory_space<hbm>>
    %dma_wait3A_109 = tpu.memref_squeeze %dma_wait3A_108 : memref<1x1x2x2x80xi32, #tpu.memory_space<hbm>> -> memref<2x2x80xi32, #tpu.memory_space<hbm>>
    tpu.wait_dma2 semaphore(%arg22 : memref<!tpu.dma_semaphore, #tpu.memory_space<semaphore_mem>>) src(%dma_wait3A_109 : memref<2x2x80xi32, #tpu.memory_space<hbm>>) dst(%arg5 : memref<2x2x80xi32, #tpu.memory_space<vmem>>)
    %dma_start3A_110 = arith.constant 0 : i32
    %dma_start3A_111 = arith.constant 0 : i32
    %dma_start3A_112 = arith.constant 0 : i32
    %dma_start3A_113 = tpu.memref_slice %arg5[%dma_start3A_110, %dma_start3A_111, %dma_start3A_112] : memref<2x2x80xi32, #tpu.memory_space<vmem>> -> memref<1x1x80xi32, #tpu.memory_space<vmem>>
    %dma_start3A_114 = tpu.memref_squeeze %dma_start3A_113 : memref<1x1x80xi32, #tpu.memory_space<vmem>> -> memref<80xi32, #tpu.memory_space<vmem>>
    %dma_start3A_115 = arith.constant 0 : i32
    %dma_start3A_116 = arith.constant 0 : i32
    %dma_start3A_117 = tpu.memref_slice %arg2[%dma_start3A_115, %dma_start3A_116] : memref<10000x128xf32, #tpu.memory_space<hbm>> -> memref<10000x128xf32, #tpu.memory_space<hbm>>
    tpu.enqueue_indirect_dma source(%dma_start3A_117 : memref<10000x128xf32, #tpu.memory_space<hbm>>) target(%arg9 : memref<80x128xf32, #tpu.memory_space<vmem>>) offsets(%dma_start3A_114 : memref<80xi32, #tpu.memory_space<vmem>>) semaphore(%arg14 : memref<!tpu.dma_semaphore, #tpu.memory_space<semaphore_mem>>)
    %dma_start3A_118 = arith.constant 0 : i32
    %dma_start3A_119 = arith.constant 1 : i32
    %dma_start3A_120 = arith.constant 0 : i32
    %dma_start3A_121 = tpu.memref_slice %arg5[%dma_start3A_118, %dma_start3A_119, %dma_start3A_120] : memref<2x2x80xi32, #tpu.memory_space<vmem>> -> memref<1x1x80xi32, #tpu.memory_space<vmem>>
    %dma_start3A_122 = tpu.memref_squeeze %dma_start3A_121 : memref<1x1x80xi32, #tpu.memory_space<vmem>> -> memref<80xi32, #tpu.memory_space<vmem>>
    %dma_start3A_123 = arith.constant 0 : i32
    %dma_start3A_124 = arith.constant 0 : i32
    %dma_start3A_125 = tpu.memref_slice %arg2[%dma_start3A_123, %dma_start3A_124] : memref<10000x128xf32, #tpu.memory_space<hbm>> -> memref<10000x128xf32, #tpu.memory_space<hbm>>
    tpu.enqueue_indirect_dma source(%dma_start3A_125 : memref<10000x128xf32, #tpu.memory_space<hbm>>) target(%arg10 : memref<80x128xf32, #tpu.memory_space<vmem>>) offsets(%dma_start3A_122 : memref<80xi32, #tpu.memory_space<vmem>>) semaphore(%arg15 : memref<!tpu.dma_semaphore, #tpu.memory_space<semaphore_mem>>)
    %mul3A_126 = arith.constant 632 : i32
    %mul3A_127 = arith.muli %arg1, %mul3A_126 : i32
    %add3A_128 = arith.constant 0 : i32
    %add3A_129 = arith.addi %mul3A_127, %add3A_128 : i32
    %dma_wait3A_130 = arith.constant 0 : i32
    %dma_wait3A_131 = tpu.memref_slice %arg13[%add3A_129, %dma_wait3A_130] : memref<10112x128xf32, #tpu.memory_space<vmem_shared>> -> memref<80x128xf32, #tpu.memory_space<vmem_shared>>
    %dma_wait3A_132 = arith.constant 0 : i32
    %dma_wait3A_133 = tpu.memref_slice %arg13[%add3A_129, %dma_wait3A_132] : memref<10112x128xf32, #tpu.memory_space<vmem_shared>> -> memref<80x128xf32, #tpu.memory_space<vmem_shared>>
    tpu.wait_dma2 semaphore(%arg26 : memref<!tpu.dma_semaphore, #tpu.memory_space<semaphore_mem>>) src(%arg11 : memref<80x128xf32, #tpu.memory_space<vmem>>) dst(%dma_wait3A_133 : memref<80x128xf32, #tpu.memory_space<vmem_shared>>)
    %mul3A_134 = arith.constant 632 : i32
    %mul3A_135 = arith.muli %arg1, %mul3A_134 : i32
    %add3A_136 = arith.constant 80 : i32
    %add3A_137 = arith.addi %mul3A_135, %add3A_136 : i32
    %dma_wait3A_138 = arith.constant 0 : i32
    %dma_wait3A_139 = tpu.memref_slice %arg13[%add3A_137, %dma_wait3A_138] : memref<10112x128xf32, #tpu.memory_space<vmem_shared>> -> memref<80x128xf32, #tpu.memory_space<vmem_shared>>
    %dma_wait3A_140 = arith.constant 0 : i32
    %dma_wait3A_141 = tpu.memref_slice %arg13[%add3A_137, %dma_wait3A_140] : memref<10112x128xf32, #tpu.memory_space<vmem_shared>> -> memref<80x128xf32, #tpu.memory_space<vmem_shared>>
    tpu.wait_dma2 semaphore(%arg26 : memref<!tpu.dma_semaphore, #tpu.memory_space<semaphore_mem>>) src(%arg11 : memref<80x128xf32, #tpu.memory_space<vmem>>) dst(%dma_wait3A_141 : memref<80x128xf32, #tpu.memory_space<vmem_shared>>)
    %mul3A_142 = arith.constant 632 : i32
    %mul3A_143 = arith.muli %arg1, %mul3A_142 : i32
    %add3A_144 = arith.constant 160 : i32
    %add3A_145 = arith.addi %mul3A_143, %add3A_144 : i32
    %dma_wait3A_146 = arith.constant 0 : i32
    %dma_wait3A_147 = tpu.memref_slice %arg13[%add3A_145, %dma_wait3A_146] : memref<10112x128xf32, #tpu.memory_space<vmem_shared>> -> memref<80x128xf32, #tpu.memory_space<vmem_shared>>
    %dma_wait3A_148 = arith.constant 0 : i32
    %dma_wait3A_149 = tpu.memref_slice %arg13[%add3A_145, %dma_wait3A_148] : memref<10112x128xf32, #tpu.memory_space<vmem_shared>> -> memref<80x128xf32, #tpu.memory_space<vmem_shared>>
    tpu.wait_dma2 semaphore(%arg26 : memref<!tpu.dma_semaphore, #tpu.memory_space<semaphore_mem>>) src(%arg11 : memref<80x128xf32, #tpu.memory_space<vmem>>) dst(%dma_wait3A_149 : memref<80x128xf32, #tpu.memory_space<vmem_shared>>)
    %mul3A_150 = arith.constant 632 : i32
    %mul3A_151 = arith.muli %arg1, %mul3A_150 : i32
    %add3A_152 = arith.constant 240 : i32
    %add3A_153 = arith.addi %mul3A_151, %add3A_152 : i32
    %dma_wait3A_154 = arith.constant 0 : i32
    %dma_wait3A_155 = tpu.memref_slice %arg13[%add3A_153, %dma_wait3A_154] : memref<10112x128xf32, #tpu.memory_space<vmem_shared>> -> memref<80x128xf32, #tpu.memory_space<vmem_shared>>
    %dma_wait3A_156 = arith.constant 0 : i32
    %dma_wait3A_157 = tpu.memref_slice %arg13[%add3A_153, %dma_wait3A_156] : memref<10112x128xf32, #tpu.memory_space<vmem_shared>> -> memref<80x128xf32, #tpu.memory_space<vmem_shared>>
    tpu.wait_dma2 semaphore(%arg26 : memref<!tpu.dma_semaphore, #tpu.memory_space<semaphore_mem>>) src(%arg11 : memref<80x128xf32, #tpu.memory_space<vmem>>) dst(%dma_wait3A_157 : memref<80x128xf32, #tpu.memory_space<vmem_shared>>)
    %mul3A_158 = arith.constant 632 : i32
    %mul3A_159 = arith.muli %arg1, %mul3A_158 : i32
    %add3A_160 = arith.constant 320 : i32
    %add3A_161 = arith.addi %mul3A_159, %add3A_160 : i32
    %dma_wait3A_162 = arith.constant 0 : i32
    %dma_wait3A_163 = tpu.memref_slice %arg13[%add3A_161, %dma_wait3A_162] : memref<10112x128xf32, #tpu.memory_space<vmem_shared>> -> memref<80x128xf32, #tpu.memory_space<vmem_shared>>
    %dma_wait3A_164 = arith.constant 0 : i32
    %dma_wait3A_165 = tpu.memref_slice %arg13[%add3A_161, %dma_wait3A_164] : memref<10112x128xf32, #tpu.memory_space<vmem_shared>> -> memref<80x128xf32, #tpu.memory_space<vmem_shared>>
    tpu.wait_dma2 semaphore(%arg26 : memref<!tpu.dma_semaphore, #tpu.memory_space<semaphore_mem>>) src(%arg11 : memref<80x128xf32, #tpu.memory_space<vmem>>) dst(%dma_wait3A_165 : memref<80x128xf32, #tpu.memory_space<vmem_shared>>)
    %mul3A_166 = arith.constant 632 : i32
    %mul3A_167 = arith.muli %arg1, %mul3A_166 : i32
    %add3A_168 = arith.constant 400 : i32
    %add3A_169 = arith.addi %mul3A_167, %add3A_168 : i32
    %dma_wait3A_170 = arith.constant 0 : i32
    %dma_wait3A_171 = tpu.memref_slice %arg13[%add3A_169, %dma_wait3A_170] : memref<10112x128xf32, #tpu.memory_space<vmem_shared>> -> memref<80x128xf32, #tpu.memory_space<vmem_shared>>
    %dma_wait3A_172 = arith.constant 0 : i32
    %dma_wait3A_173 = tpu.memref_slice %arg13[%add3A_169, %dma_wait3A_172] : memref<10112x128xf32, #tpu.memory_space<vmem_shared>> -> memref<80x128xf32, #tpu.memory_space<vmem_shared>>
    tpu.wait_dma2 semaphore(%arg26 : memref<!tpu.dma_semaphore, #tpu.memory_space<semaphore_mem>>) src(%arg11 : memref<80x128xf32, #tpu.memory_space<vmem>>) dst(%dma_wait3A_173 : memref<80x128xf32, #tpu.memory_space<vmem_shared>>)
    %mul3A_174 = arith.constant 632 : i32
    %mul3A_175 = arith.muli %arg1, %mul3A_174 : i32
    %add3A_176 = arith.constant 480 : i32
    %add3A_177 = arith.addi %mul3A_175, %add3A_176 : i32
    %dma_wait3A_178 = arith.constant 0 : i32
    %dma_wait3A_179 = tpu.memref_slice %arg13[%add3A_177, %dma_wait3A_178] : memref<10112x128xf32, #tpu.memory_space<vmem_shared>> -> memref<80x128xf32, #tpu.memory_space<vmem_shared>>
    %dma_wait3A_180 = arith.constant 0 : i32
    %dma_wait3A_181 = tpu.memref_slice %arg13[%add3A_177, %dma_wait3A_180] : memref<10112x128xf32, #tpu.memory_space<vmem_shared>> -> memref<80x128xf32, #tpu.memory_space<vmem_shared>>
    tpu.wait_dma2 semaphore(%arg26 : memref<!tpu.dma_semaphore, #tpu.memory_space<semaphore_mem>>) src(%arg11 : memref<80x128xf32, #tpu.memory_space<vmem>>) dst(%dma_wait3A_181 : memref<80x128xf32, #tpu.memory_space<vmem_shared>>)
    %mul3A_182 = arith.constant 632 : i32
    %mul3A_183 = arith.muli %arg1, %mul3A_182 : i32
    %add3A_184 = arith.constant 560 : i32
    %add3A_185 = arith.addi %mul3A_183, %add3A_184 : i32
    %dma_wait3A_186 = arith.constant 0 : i32
    %dma_wait3A_187 = arith.constant 0 : i32
    %dma_wait3A_188 = tpu.memref_slice %arg11[%dma_wait3A_186, %dma_wait3A_187] : memref<80x128xf32, #tpu.memory_space<vmem>> -> memref<72x128xf32, #tpu.memory_space<vmem>>
    %dma_wait3A_189 = arith.constant 0 : i32
    %dma_wait3A_190 = tpu.memref_slice %arg13[%add3A_185, %dma_wait3A_189] : memref<10112x128xf32, #tpu.memory_space<vmem_shared>> -> memref<72x128xf32, #tpu.memory_space<vmem_shared>>
    %dma_wait3A_191 = arith.constant 0 : i32
    %dma_wait3A_192 = tpu.memref_slice %arg13[%add3A_185, %dma_wait3A_191] : memref<10112x128xf32, #tpu.memory_space<vmem_shared>> -> memref<72x128xf32, #tpu.memory_space<vmem_shared>>
    %dma_wait3A_193 = arith.constant 0 : i32
    %dma_wait3A_194 = arith.constant 0 : i32
    %dma_wait3A_195 = tpu.memref_slice %arg11[%dma_wait3A_193, %dma_wait3A_194] : memref<80x128xf32, #tpu.memory_space<vmem>> -> memref<72x128xf32, #tpu.memory_space<vmem>>
    tpu.wait_dma2 semaphore(%arg26 : memref<!tpu.dma_semaphore, #tpu.memory_space<semaphore_mem>>) src(%dma_wait3A_195 : memref<72x128xf32, #tpu.memory_space<vmem>>) dst(%dma_wait3A_192 : memref<72x128xf32, #tpu.memory_space<vmem_shared>>)
    %barrier3A = arith.constant 0 : index
    tpu.barrier barrier_id(%barrier3A)
    %sub3A = arith.constant 0 : i32
    %sub3A_196 = arith.subi %select_n3A, %sub3A : i32
    %sub3A_197 = arith.constant 4 : i32
    %sub3A_198 = arith.constant 1 : i32
    %sub3A_199 = arith.subi %sub3A_197, %sub3A_198 : i32
    %add3A_200 = arith.addi %sub3A_196, %sub3A_199 : i32
    %div3A = arith.constant 4 : i32
    %div3A_201 = arith.divsi %add3A_200, %div3A : i32
    %while3A = arith.constant 4 : i32
    %while3A_202 = arith.constant 0 : i32
    %while3A_203 = arith.constant 0 : i32
    %while3A_204 = arith.subi %div3A_201, %while3A_203 : i32
    %while3A_205 = arith.addi %while3A_203, %while3A_204 : i32
    %while3A_206 = arith.constant 1 : i32
    %while3A_207 = arith.divsi %while3A_204, %while3A_206 : i32
    %while3A_208 = arith.muli %while3A_207, %while3A_206 : i32
    %while3A_209 = arith.addi %while3A_203, %while3A_208 : i32
    %while3A_210 = arith.constant 1 : i32
    scf.for %while3A_233 = %while3A_203 to %while3A_209 step %while3A_210  : i32 {
      %mul3A_234 = arith.muli %while3A_233, %while3A : i32
      %add3A_235 = arith.addi %while3A_202, %mul3A_234 : i32
      %add3A_236 = arith.constant 0 : i32
      %add3A_237 = arith.addi %add3A_235, %add3A_236 : i32
      %dma_wait3A_238 = arith.constant 0 : i32
      %dma_wait3A_239 = arith.constant 0 : i32
      %dma_wait3A_240 = arith.constant 0 : i32
      %dma_wait3A_241 = tpu.memref_slice %arg5[%dma_wait3A_238, %dma_wait3A_239, %dma_wait3A_240] : memref<2x2x80xi32, #tpu.memory_space<vmem>> -> memref<1x1x80xi32, #tpu.memory_space<vmem>>
      %dma_wait3A_242 = tpu.memref_squeeze %dma_wait3A_241 : memref<1x1x80xi32, #tpu.memory_space<vmem>> -> memref<80xi32, #tpu.memory_space<vmem>>
      %dma_wait3A_243 = arith.constant 0 : i32
      %dma_wait3A_244 = arith.constant 0 : i32
      %dma_wait3A_245 = tpu.memref_slice %arg2[%dma_wait3A_243, %dma_wait3A_244] : memref<10000x128xf32, #tpu.memory_space<hbm>> -> memref<10000x128xf32, #tpu.memory_space<hbm>>
      tpu.wait_indirect_dma semaphore(%arg14 : memref<!tpu.dma_semaphore, #tpu.memory_space<semaphore_mem>>) src(%dma_wait3A_245 : memref<10000x128xf32, #tpu.memory_space<hbm>>) dst(%arg9 : memref<80x128xf32, #tpu.memory_space<vmem>>)
      %dma_start3A_246 = arith.constant 1 : i32
      %dma_start3A_247 = arith.constant 0 : i32
      %dma_start3A_248 = arith.constant 0 : i32
      %dma_start3A_249 = tpu.memref_slice %arg5[%dma_start3A_246, %dma_start3A_247, %dma_start3A_248] : memref<2x2x80xi32, #tpu.memory_space<vmem>> -> memref<1x1x80xi32, #tpu.memory_space<vmem>>
      %dma_start3A_250 = tpu.memref_squeeze %dma_start3A_249 : memref<1x1x80xi32, #tpu.memory_space<vmem>> -> memref<80xi32, #tpu.memory_space<vmem>>
      %dma_start3A_251 = arith.constant 0 : i32
      %dma_start3A_252 = arith.constant 0 : i32
      %dma_start3A_253 = tpu.memref_slice %arg13[%dma_start3A_251, %dma_start3A_252] : memref<10112x128xf32, #tpu.memory_space<vmem_shared>> -> memref<10112x128xf32, #tpu.memory_space<vmem_shared>>
      tpu.enqueue_indirect_dma source(%arg9 : memref<80x128xf32, #tpu.memory_space<vmem>>) target(%dma_start3A_253 : memref<10112x128xf32, #tpu.memory_space<vmem_shared>>) offsets(%dma_start3A_250 : memref<80xi32, #tpu.memory_space<vmem>>) semaphore(%arg18 : memref<!tpu.dma_semaphore, #tpu.memory_space<semaphore_mem>>) {add = true}
      %dma_wait3A_254 = arith.constant 0 : i32
      %dma_wait3A_255 = arith.constant 1 : i32
      %dma_wait3A_256 = arith.constant 0 : i32
      %dma_wait3A_257 = tpu.memref_slice %arg5[%dma_wait3A_254, %dma_wait3A_255, %dma_wait3A_256] : memref<2x2x80xi32, #tpu.memory_space<vmem>> -> memref<1x1x80xi32, #tpu.memory_space<vmem>>
      %dma_wait3A_258 = tpu.memref_squeeze %dma_wait3A_257 : memref<1x1x80xi32, #tpu.memory_space<vmem>> -> memref<80xi32, #tpu.memory_space<vmem>>
      %dma_wait3A_259 = arith.constant 0 : i32
      %dma_wait3A_260 = arith.constant 0 : i32
      %dma_wait3A_261 = tpu.memref_slice %arg2[%dma_wait3A_259, %dma_wait3A_260] : memref<10000x128xf32, #tpu.memory_space<hbm>> -> memref<10000x128xf32, #tpu.memory_space<hbm>>
      tpu.wait_indirect_dma semaphore(%arg15 : memref<!tpu.dma_semaphore, #tpu.memory_space<semaphore_mem>>) src(%dma_wait3A_261 : memref<10000x128xf32, #tpu.memory_space<hbm>>) dst(%arg10 : memref<80x128xf32, #tpu.memory_space<vmem>>)
      %dma_start3A_262 = arith.constant 1 : i32
      %dma_start3A_263 = arith.constant 1 : i32
      %dma_start3A_264 = arith.constant 0 : i32
      %dma_start3A_265 = tpu.memref_slice %arg5[%dma_start3A_262, %dma_start3A_263, %dma_start3A_264] : memref<2x2x80xi32, #tpu.memory_space<vmem>> -> memref<1x1x80xi32, #tpu.memory_space<vmem>>
      %dma_start3A_266 = tpu.memref_squeeze %dma_start3A_265 : memref<1x1x80xi32, #tpu.memory_space<vmem>> -> memref<80xi32, #tpu.memory_space<vmem>>
      %dma_start3A_267 = arith.constant 0 : i32
      %dma_start3A_268 = arith.constant 0 : i32
      %dma_start3A_269 = tpu.memref_slice %arg13[%dma_start3A_267, %dma_start3A_268] : memref<10112x128xf32, #tpu.memory_space<vmem_shared>> -> memref<10112x128xf32, #tpu.memory_space<vmem_shared>>
      tpu.enqueue_indirect_dma source(%arg10 : memref<80x128xf32, #tpu.memory_space<vmem>>) target(%dma_start3A_269 : memref<10112x128xf32, #tpu.memory_space<vmem_shared>>) offsets(%dma_start3A_266 : memref<80xi32, #tpu.memory_space<vmem>>) semaphore(%arg19 : memref<!tpu.dma_semaphore, #tpu.memory_space<semaphore_mem>>) {add = true}
      %add3A_270 = arith.constant 2 : i32
      %add3A_271 = arith.addi %add3A_237, %add3A_270 : i32
      %sub3A_272 = arith.constant 1 : i32
      %sub3A_273 = arith.subi %select_n3A, %sub3A_272 : i32
      %le3A = arith.cmpi sle, %add3A_271, %sub3A_273 : i32
      %convert_element_type3A = arith.extui %le3A : i1 to i32
      %cond3A = arith.constant 0 : i32
      %cond3A_274 = arith.cmpi ne, %convert_element_type3A, %cond3A : i32
      scf.if %cond3A_274 {
        %add3A_452 = arith.addi %mul3A_0, %add3A_237 : i32
        %add3A_453 = arith.constant 2 : i32
        %add3A_454 = arith.addi %add3A_452, %add3A_453 : i32
        %dma_start3A_455 = arith.constant 0 : i32
        %dma_start3A_456 = arith.constant 0 : i32
        %dma_start3A_457 = arith.constant 0 : i32
        %dma_start3A_458 = tpu.memref_slice %arg3[%arg1, %add3A_454, %dma_start3A_455, %dma_start3A_456, %dma_start3A_457] : memref<16x128x2x2x80xi32, #tpu.memory_space<hbm>> -> memref<1x1x2x2x80xi32, #tpu.memory_space<hbm>>
        %dma_start3A_459 = tpu.memref_squeeze %dma_start3A_458 : memref<1x1x2x2x80xi32, #tpu.memory_space<hbm>> -> memref<2x2x80xi32, #tpu.memory_space<hbm>>
        %dma_start3A_460 = arith.constant 0 : i32
        %dma_start3A_461 = arith.constant 0 : i32
        %dma_start3A_462 = arith.constant 0 : i32
        %dma_start3A_463 = tpu.memref_slice %arg3[%arg1, %add3A_454, %dma_start3A_460, %dma_start3A_461, %dma_start3A_462] : memref<16x128x2x2x80xi32, #tpu.memory_space<hbm>> -> memref<1x1x2x2x80xi32, #tpu.memory_space<hbm>>
        %dma_start3A_464 = tpu.memref_squeeze %dma_start3A_463 : memref<1x1x2x2x80xi32, #tpu.memory_space<hbm>> -> memref<2x2x80xi32, #tpu.memory_space<hbm>>
        tpu.enqueue_dma source(%dma_start3A_464 : memref<2x2x80xi32, #tpu.memory_space<hbm>>) target(%arg7 : memref<2x2x80xi32, #tpu.memory_space<vmem>>) target_semaphore(%arg24 : memref<!tpu.dma_semaphore, #tpu.memory_space<semaphore_mem>>)
      } else {
      }
      %ge3A = arith.constant 1 : i32
      %ge3A_275 = arith.cmpi sge, %add3A_237, %ge3A : i32
      %convert_element_type3A_276 = arith.extui %ge3A_275 : i1 to i32
      %cond3A_277 = arith.constant 0 : i32
      %cond3A_278 = arith.cmpi ne, %convert_element_type3A_276, %cond3A_277 : i32
      scf.if %cond3A_278 {
        %dma_wait3A_452 = arith.constant 1 : i32
        %dma_wait3A_453 = arith.constant 0 : i32
        %dma_wait3A_454 = arith.constant 0 : i32
        %dma_wait3A_455 = tpu.memref_slice %arg8[%dma_wait3A_452, %dma_wait3A_453, %dma_wait3A_454] : memref<2x2x80xi32, #tpu.memory_space<vmem>> -> memref<1x1x80xi32, #tpu.memory_space<vmem>>
        %dma_wait3A_456 = tpu.memref_squeeze %dma_wait3A_455 : memref<1x1x80xi32, #tpu.memory_space<vmem>> -> memref<80xi32, #tpu.memory_space<vmem>>
        %dma_wait3A_457 = arith.constant 0 : i32
        %dma_wait3A_458 = arith.constant 0 : i32
        %dma_wait3A_459 = tpu.memref_slice %arg13[%dma_wait3A_457, %dma_wait3A_458] : memref<10112x128xf32, #tpu.memory_space<vmem_shared>> -> memref<10112x128xf32, #tpu.memory_space<vmem_shared>>
        tpu.wait_indirect_dma semaphore(%arg20 : memref<!tpu.dma_semaphore, #tpu.memory_space<semaphore_mem>>) src(%arg11 : memref<80x128xf32, #tpu.memory_space<vmem>>) dst(%dma_wait3A_459 : memref<10112x128xf32, #tpu.memory_space<vmem_shared>>)
        %dma_wait3A_460 = arith.constant 1 : i32
        %dma_wait3A_461 = arith.constant 1 : i32
        %dma_wait3A_462 = arith.constant 0 : i32
        %dma_wait3A_463 = tpu.memref_slice %arg8[%dma_wait3A_460, %dma_wait3A_461, %dma_wait3A_462] : memref<2x2x80xi32, #tpu.memory_space<vmem>> -> memref<1x1x80xi32, #tpu.memory_space<vmem>>
        %dma_wait3A_464 = tpu.memref_squeeze %dma_wait3A_463 : memref<1x1x80xi32, #tpu.memory_space<vmem>> -> memref<80xi32, #tpu.memory_space<vmem>>
        %dma_wait3A_465 = arith.constant 0 : i32
        %dma_wait3A_466 = arith.constant 0 : i32
        %dma_wait3A_467 = tpu.memref_slice %arg13[%dma_wait3A_465, %dma_wait3A_466] : memref<10112x128xf32, #tpu.memory_space<vmem_shared>> -> memref<10112x128xf32, #tpu.memory_space<vmem_shared>>
        tpu.wait_indirect_dma semaphore(%arg21 : memref<!tpu.dma_semaphore, #tpu.memory_space<semaphore_mem>>) src(%arg12 : memref<80x128xf32, #tpu.memory_space<vmem>>) dst(%dma_wait3A_467 : memref<10112x128xf32, #tpu.memory_space<vmem_shared>>)
      } else {
      }
      %add3A_279 = arith.constant 1 : i32
      %add3A_280 = arith.addi %add3A_237, %add3A_279 : i32
      %sub3A_281 = arith.constant 1 : i32
      %sub3A_282 = arith.subi %select_n3A, %sub3A_281 : i32
      %le3A_283 = arith.cmpi sle, %add3A_280, %sub3A_282 : i32
      %convert_element_type3A_284 = arith.extui %le3A_283 : i1 to i32
      %cond3A_285 = arith.constant 0 : i32
      %cond3A_286 = arith.cmpi ne, %convert_element_type3A_284, %cond3A_285 : i32
      scf.if %cond3A_286 {
        %add3A_452 = arith.addi %mul3A_0, %add3A_237 : i32
        %add3A_453 = arith.constant 1 : i32
        %add3A_454 = arith.addi %add3A_452, %add3A_453 : i32
        %dma_wait3A_455 = arith.constant 0 : i32
        %dma_wait3A_456 = arith.constant 0 : i32
        %dma_wait3A_457 = arith.constant 0 : i32
        %dma_wait3A_458 = tpu.memref_slice %arg3[%arg1, %add3A_454, %dma_wait3A_455, %dma_wait3A_456, %dma_wait3A_457] : memref<16x128x2x2x80xi32, #tpu.memory_space<hbm>> -> memref<1x1x2x2x80xi32, #tpu.memory_space<hbm>>
        %dma_wait3A_459 = tpu.memref_squeeze %dma_wait3A_458 : memref<1x1x2x2x80xi32, #tpu.memory_space<hbm>> -> memref<2x2x80xi32, #tpu.memory_space<hbm>>
        %dma_wait3A_460 = arith.constant 0 : i32
        %dma_wait3A_461 = arith.constant 0 : i32
        %dma_wait3A_462 = arith.constant 0 : i32
        %dma_wait3A_463 = tpu.memref_slice %arg3[%arg1, %add3A_454, %dma_wait3A_460, %dma_wait3A_461, %dma_wait3A_462] : memref<16x128x2x2x80xi32, #tpu.memory_space<hbm>> -> memref<1x1x2x2x80xi32, #tpu.memory_space<hbm>>
        %dma_wait3A_464 = tpu.memref_squeeze %dma_wait3A_463 : memref<1x1x2x2x80xi32, #tpu.memory_space<hbm>> -> memref<2x2x80xi32, #tpu.memory_space<hbm>>
        tpu.wait_dma2 semaphore(%arg23 : memref<!tpu.dma_semaphore, #tpu.memory_space<semaphore_mem>>) src(%dma_wait3A_464 : memref<2x2x80xi32, #tpu.memory_space<hbm>>) dst(%arg6 : memref<2x2x80xi32, #tpu.memory_space<vmem>>)
        %dma_start3A_465 = arith.constant 0 : i32
        %dma_start3A_466 = arith.constant 0 : i32
        %dma_start3A_467 = arith.constant 0 : i32
        %dma_start3A_468 = tpu.memref_slice %arg6[%dma_start3A_465, %dma_start3A_466, %dma_start3A_467] : memref<2x2x80xi32, #tpu.memory_space<vmem>> -> memref<1x1x80xi32, #tpu.memory_space<vmem>>
        %dma_start3A_469 = tpu.memref_squeeze %dma_start3A_468 : memref<1x1x80xi32, #tpu.memory_space<vmem>> -> memref<80xi32, #tpu.memory_space<vmem>>
        %dma_start3A_470 = arith.constant 0 : i32
        %dma_start3A_471 = arith.constant 0 : i32
        %dma_start3A_472 = tpu.memref_slice %arg2[%dma_start3A_470, %dma_start3A_471] : memref<10000x128xf32, #tpu.memory_space<hbm>> -> memref<10000x128xf32, #tpu.memory_space<hbm>>
        tpu.enqueue_indirect_dma source(%dma_start3A_472 : memref<10000x128xf32, #tpu.memory_space<hbm>>) target(%arg11 : memref<80x128xf32, #tpu.memory_space<vmem>>) offsets(%dma_start3A_469 : memref<80xi32, #tpu.memory_space<vmem>>) semaphore(%arg16 : memref<!tpu.dma_semaphore, #tpu.memory_space<semaphore_mem>>)
        %dma_start3A_473 = arith.constant 0 : i32
        %dma_start3A_474 = arith.constant 1 : i32
        %dma_start3A_475 = arith.constant 0 : i32
        %dma_start3A_476 = tpu.memref_slice %arg6[%dma_start3A_473, %dma_start3A_474, %dma_start3A_475] : memref<2x2x80xi32, #tpu.memory_space<vmem>> -> memref<1x1x80xi32, #tpu.memory_space<vmem>>
        %dma_start3A_477 = tpu.memref_squeeze %dma_start3A_476 : memref<1x1x80xi32, #tpu.memory_space<vmem>> -> memref<80xi32, #tpu.memory_space<vmem>>
        %dma_start3A_478 = arith.constant 0 : i32
        %dma_start3A_479 = arith.constant 0 : i32
        %dma_start3A_480 = tpu.memref_slice %arg2[%dma_start3A_478, %dma_start3A_479] : memref<10000x128xf32, #tpu.memory_space<hbm>> -> memref<10000x128xf32, #tpu.memory_space<hbm>>
        tpu.enqueue_indirect_dma source(%dma_start3A_480 : memref<10000x128xf32, #tpu.memory_space<hbm>>) target(%arg12 : memref<80x128xf32, #tpu.memory_space<vmem>>) offsets(%dma_start3A_477 : memref<80xi32, #tpu.memory_space<vmem>>) semaphore(%arg17 : memref<!tpu.dma_semaphore, #tpu.memory_space<semaphore_mem>>)
      } else {
      }
      %add3A_287 = arith.constant 1 : i32
      %add3A_288 = arith.addi %add3A_235, %add3A_287 : i32
      %dma_wait3A_289 = arith.constant 0 : i32
      %dma_wait3A_290 = arith.constant 0 : i32
      %dma_wait3A_291 = arith.constant 0 : i32
      %dma_wait3A_292 = tpu.memref_slice %arg6[%dma_wait3A_289, %dma_wait3A_290, %dma_wait3A_291] : memref<2x2x80xi32, #tpu.memory_space<vmem>> -> memref<1x1x80xi32, #tpu.memory_space<vmem>>
      %dma_wait3A_293 = tpu.memref_squeeze %dma_wait3A_292 : memref<1x1x80xi32, #tpu.memory_space<vmem>> -> memref<80xi32, #tpu.memory_space<vmem>>
      %dma_wait3A_294 = arith.constant 0 : i32
      %dma_wait3A_295 = arith.constant 0 : i32
      %dma_wait3A_296 = tpu.memref_slice %arg2[%dma_wait3A_294, %dma_wait3A_295] : memref<10000x128xf32, #tpu.memory_space<hbm>> -> memref<10000x128xf32, #tpu.memory_space<hbm>>
      tpu.wait_indirect_dma semaphore(%arg16 : memref<!tpu.dma_semaphore, #tpu.memory_space<semaphore_mem>>) src(%dma_wait3A_296 : memref<10000x128xf32, #tpu.memory_space<hbm>>) dst(%arg11 : memref<80x128xf32, #tpu.memory_space<vmem>>)
      %dma_start3A_297 = arith.constant 1 : i32
      %dma_start3A_298 = arith.constant 0 : i32
      %dma_start3A_299 = arith.constant 0 : i32
      %dma_start3A_300 = tpu.memref_slice %arg6[%dma_start3A_297, %dma_start3A_298, %dma_start3A_299] : memref<2x2x80xi32, #tpu.memory_space<vmem>> -> memref<1x1x80xi32, #tpu.memory_space<vmem>>
      %dma_start3A_301 = tpu.memref_squeeze %dma_start3A_300 : memref<1x1x80xi32, #tpu.memory_space<vmem>> -> memref<80xi32, #tpu.memory_space<vmem>>
      %dma_start3A_302 = arith.constant 0 : i32
      %dma_start3A_303 = arith.constant 0 : i32
      %dma_start3A_304 = tpu.memref_slice %arg13[%dma_start3A_302, %dma_start3A_303] : memref<10112x128xf32, #tpu.memory_space<vmem_shared>> -> memref<10112x128xf32, #tpu.memory_space<vmem_shared>>
      tpu.enqueue_indirect_dma source(%arg11 : memref<80x128xf32, #tpu.memory_space<vmem>>) target(%dma_start3A_304 : memref<10112x128xf32, #tpu.memory_space<vmem_shared>>) offsets(%dma_start3A_301 : memref<80xi32, #tpu.memory_space<vmem>>) semaphore(%arg20 : memref<!tpu.dma_semaphore, #tpu.memory_space<semaphore_mem>>) {add = true}
      %dma_wait3A_305 = arith.constant 0 : i32
      %dma_wait3A_306 = arith.constant 1 : i32
      %dma_wait3A_307 = arith.constant 0 : i32
      %dma_wait3A_308 = tpu.memref_slice %arg6[%dma_wait3A_305, %dma_wait3A_306, %dma_wait3A_307] : memref<2x2x80xi32, #tpu.memory_space<vmem>> -> memref<1x1x80xi32, #tpu.memory_space<vmem>>
      %dma_wait3A_309 = tpu.memref_squeeze %dma_wait3A_308 : memref<1x1x80xi32, #tpu.memory_space<vmem>> -> memref<80xi32, #tpu.memory_space<vmem>>
      %dma_wait3A_310 = arith.constant 0 : i32
      %dma_wait3A_311 = arith.constant 0 : i32
      %dma_wait3A_312 = tpu.memref_slice %arg2[%dma_wait3A_310, %dma_wait3A_311] : memref<10000x128xf32, #tpu.memory_space<hbm>> -> memref<10000x128xf32, #tpu.memory_space<hbm>>
      tpu.wait_indirect_dma semaphore(%arg17 : memref<!tpu.dma_semaphore, #tpu.memory_space<semaphore_mem>>) src(%dma_wait3A_312 : memref<10000x128xf32, #tpu.memory_space<hbm>>) dst(%arg12 : memref<80x128xf32, #tpu.memory_space<vmem>>)
      %dma_start3A_313 = arith.constant 1 : i32
      %dma_start3A_314 = arith.constant 1 : i32
      %dma_start3A_315 = arith.constant 0 : i32
      %dma_start3A_316 = tpu.memref_slice %arg6[%dma_start3A_313, %dma_start3A_314, %dma_start3A_315] : memref<2x2x80xi32, #tpu.memory_space<vmem>> -> memref<1x1x80xi32, #tpu.memory_space<vmem>>
      %dma_start3A_317 = tpu.memref_squeeze %dma_start3A_316 : memref<1x1x80xi32, #tpu.memory_space<vmem>> -> memref<80xi32, #tpu.memory_space<vmem>>
      %dma_start3A_318 = arith.constant 0 : i32
      %dma_start3A_319 = arith.constant 0 : i32
      %dma_start3A_320 = tpu.memref_slice %arg13[%dma_start3A_318, %dma_start3A_319] : memref<10112x128xf32, #tpu.memory_space<vmem_shared>> -> memref<10112x128xf32, #tpu.memory_space<vmem_shared>>
      tpu.enqueue_indirect_dma source(%arg12 : memref<80x128xf32, #tpu.memory_space<vmem>>) target(%dma_start3A_320 : memref<10112x128xf32, #tpu.memory_space<vmem_shared>>) offsets(%dma_start3A_317 : memref<80xi32, #tpu.memory_space<vmem>>) semaphore(%arg21 : memref<!tpu.dma_semaphore, #tpu.memory_space<semaphore_mem>>) {add = true}
      %add3A_321 = arith.constant 2 : i32
      %add3A_322 = arith.addi %add3A_288, %add3A_321 : i32
      %sub3A_323 = arith.constant 1 : i32
      %sub3A_324 = arith.subi %select_n3A, %sub3A_323 : i32
      %le3A_325 = arith.cmpi sle, %add3A_322, %sub3A_324 : i32
      %convert_element_type3A_326 = arith.extui %le3A_325 : i1 to i32
      %cond3A_327 = arith.constant 0 : i32
      %cond3A_328 = arith.cmpi ne, %convert_element_type3A_326, %cond3A_327 : i32
      scf.if %cond3A_328 {
        %add3A_452 = arith.addi %mul3A_0, %add3A_288 : i32
        %add3A_453 = arith.constant 2 : i32
        %add3A_454 = arith.addi %add3A_452, %add3A_453 : i32
        %dma_start3A_455 = arith.constant 0 : i32
        %dma_start3A_456 = arith.constant 0 : i32
        %dma_start3A_457 = arith.constant 0 : i32
        %dma_start3A_458 = tpu.memref_slice %arg3[%arg1, %add3A_454, %dma_start3A_455, %dma_start3A_456, %dma_start3A_457] : memref<16x128x2x2x80xi32, #tpu.memory_space<hbm>> -> memref<1x1x2x2x80xi32, #tpu.memory_space<hbm>>
        %dma_start3A_459 = tpu.memref_squeeze %dma_start3A_458 : memref<1x1x2x2x80xi32, #tpu.memory_space<hbm>> -> memref<2x2x80xi32, #tpu.memory_space<hbm>>
        %dma_start3A_460 = arith.constant 0 : i32
        %dma_start3A_461 = arith.constant 0 : i32
        %dma_start3A_462 = arith.constant 0 : i32
        %dma_start3A_463 = tpu.memref_slice %arg3[%arg1, %add3A_454, %dma_start3A_460, %dma_start3A_461, %dma_start3A_462] : memref<16x128x2x2x80xi32, #tpu.memory_space<hbm>> -> memref<1x1x2x2x80xi32, #tpu.memory_space<hbm>>
        %dma_start3A_464 = tpu.memref_squeeze %dma_start3A_463 : memref<1x1x2x2x80xi32, #tpu.memory_space<hbm>> -> memref<2x2x80xi32, #tpu.memory_space<hbm>>
        tpu.enqueue_dma source(%dma_start3A_464 : memref<2x2x80xi32, #tpu.memory_space<hbm>>) target(%arg8 : memref<2x2x80xi32, #tpu.memory_space<vmem>>) target_semaphore(%arg25 : memref<!tpu.dma_semaphore, #tpu.memory_space<semaphore_mem>>)
      } else {
      }
      %ge3A_329 = arith.constant 1 : i32
      %ge3A_330 = arith.cmpi sge, %add3A_288, %ge3A_329 : i32
      %convert_element_type3A_331 = arith.extui %ge3A_330 : i1 to i32
      %cond3A_332 = arith.constant 0 : i32
      %cond3A_333 = arith.cmpi ne, %convert_element_type3A_331, %cond3A_332 : i32
      scf.if %cond3A_333 {
        %dma_wait3A_452 = arith.constant 1 : i32
        %dma_wait3A_453 = arith.constant 0 : i32
        %dma_wait3A_454 = arith.constant 0 : i32
        %dma_wait3A_455 = tpu.memref_slice %arg5[%dma_wait3A_452, %dma_wait3A_453, %dma_wait3A_454] : memref<2x2x80xi32, #tpu.memory_space<vmem>> -> memref<1x1x80xi32, #tpu.memory_space<vmem>>
        %dma_wait3A_456 = tpu.memref_squeeze %dma_wait3A_455 : memref<1x1x80xi32, #tpu.memory_space<vmem>> -> memref<80xi32, #tpu.memory_space<vmem>>
        %dma_wait3A_457 = arith.constant 0 : i32
        %dma_wait3A_458 = arith.constant 0 : i32
        %dma_wait3A_459 = tpu.memref_slice %arg13[%dma_wait3A_457, %dma_wait3A_458] : memref<10112x128xf32, #tpu.memory_space<vmem_shared>> -> memref<10112x128xf32, #tpu.memory_space<vmem_shared>>
        tpu.wait_indirect_dma semaphore(%arg18 : memref<!tpu.dma_semaphore, #tpu.memory_space<semaphore_mem>>) src(%arg9 : memref<80x128xf32, #tpu.memory_space<vmem>>) dst(%dma_wait3A_459 : memref<10112x128xf32, #tpu.memory_space<vmem_shared>>)
        %dma_wait3A_460 = arith.constant 1 : i32
        %dma_wait3A_461 = arith.constant 1 : i32
        %dma_wait3A_462 = arith.constant 0 : i32
        %dma_wait3A_463 = tpu.memref_slice %arg5[%dma_wait3A_460, %dma_wait3A_461, %dma_wait3A_462] : memref<2x2x80xi32, #tpu.memory_space<vmem>> -> memref<1x1x80xi32, #tpu.memory_space<vmem>>
        %dma_wait3A_464 = tpu.memref_squeeze %dma_wait3A_463 : memref<1x1x80xi32, #tpu.memory_space<vmem>> -> memref<80xi32, #tpu.memory_space<vmem>>
        %dma_wait3A_465 = arith.constant 0 : i32
        %dma_wait3A_466 = arith.constant 0 : i32
        %dma_wait3A_467 = tpu.memref_slice %arg13[%dma_wait3A_465, %dma_wait3A_466] : memref<10112x128xf32, #tpu.memory_space<vmem_shared>> -> memref<10112x128xf32, #tpu.memory_space<vmem_shared>>
        tpu.wait_indirect_dma semaphore(%arg19 : memref<!tpu.dma_semaphore, #tpu.memory_space<semaphore_mem>>) src(%arg10 : memref<80x128xf32, #tpu.memory_space<vmem>>) dst(%dma_wait3A_467 : memref<10112x128xf32, #tpu.memory_space<vmem_shared>>)
      } else {
      }
      %add3A_334 = arith.constant 1 : i32
      %add3A_335 = arith.addi %add3A_288, %add3A_334 : i32
      %sub3A_336 = arith.constant 1 : i32
      %sub3A_337 = arith.subi %select_n3A, %sub3A_336 : i32
      %le3A_338 = arith.cmpi sle, %add3A_335, %sub3A_337 : i32
      %convert_element_type3A_339 = arith.extui %le3A_338 : i1 to i32
      %cond3A_340 = arith.constant 0 : i32
      %cond3A_341 = arith.cmpi ne, %convert_element_type3A_339, %cond3A_340 : i32
      scf.if %cond3A_341 {
        %add3A_452 = arith.addi %mul3A_0, %add3A_288 : i32
        %add3A_453 = arith.constant 1 : i32
        %add3A_454 = arith.addi %add3A_452, %add3A_453 : i32
        %dma_wait3A_455 = arith.constant 0 : i32
        %dma_wait3A_456 = arith.constant 0 : i32
        %dma_wait3A_457 = arith.constant 0 : i32
        %dma_wait3A_458 = tpu.memref_slice %arg3[%arg1, %add3A_454, %dma_wait3A_455, %dma_wait3A_456, %dma_wait3A_457] : memref<16x128x2x2x80xi32, #tpu.memory_space<hbm>> -> memref<1x1x2x2x80xi32, #tpu.memory_space<hbm>>
        %dma_wait3A_459 = tpu.memref_squeeze %dma_wait3A_458 : memref<1x1x2x2x80xi32, #tpu.memory_space<hbm>> -> memref<2x2x80xi32, #tpu.memory_space<hbm>>
        %dma_wait3A_460 = arith.constant 0 : i32
        %dma_wait3A_461 = arith.constant 0 : i32
        %dma_wait3A_462 = arith.constant 0 : i32
        %dma_wait3A_463 = tpu.memref_slice %arg3[%arg1, %add3A_454, %dma_wait3A_460, %dma_wait3A_461, %dma_wait3A_462] : memref<16x128x2x2x80xi32, #tpu.memory_space<hbm>> -> memref<1x1x2x2x80xi32, #tpu.memory_space<hbm>>
        %dma_wait3A_464 = tpu.memref_squeeze %dma_wait3A_463 : memref<1x1x2x2x80xi32, #tpu.memory_space<hbm>> -> memref<2x2x80xi32, #tpu.memory_space<hbm>>
        tpu.wait_dma2 semaphore(%arg24 : memref<!tpu.dma_semaphore, #tpu.memory_space<semaphore_mem>>) src(%dma_wait3A_464 : memref<2x2x80xi32, #tpu.memory_space<hbm>>) dst(%arg7 : memref<2x2x80xi32, #tpu.memory_space<vmem>>)
        %dma_start3A_465 = arith.constant 0 : i32
        %dma_start3A_466 = arith.constant 0 : i32
        %dma_start3A_467 = arith.constant 0 : i32
        %dma_start3A_468 = tpu.memref_slice %arg7[%dma_start3A_465, %dma_start3A_466, %dma_start3A_467] : memref<2x2x80xi32, #tpu.memory_space<vmem>> -> memref<1x1x80xi32, #tpu.memory_space<vmem>>
        %dma_start3A_469 = tpu.memref_squeeze %dma_start3A_468 : memref<1x1x80xi32, #tpu.memory_space<vmem>> -> memref<80xi32, #tpu.memory_space<vmem>>
        %dma_start3A_470 = arith.constant 0 : i32
        %dma_start3A_471 = arith.constant 0 : i32
        %dma_start3A_472 = tpu.memref_slice %arg2[%dma_start3A_470, %dma_start3A_471] : memref<10000x128xf32, #tpu.memory_space<hbm>> -> memref<10000x128xf32, #tpu.memory_space<hbm>>
        tpu.enqueue_indirect_dma source(%dma_start3A_472 : memref<10000x128xf32, #tpu.memory_space<hbm>>) target(%arg9 : memref<80x128xf32, #tpu.memory_space<vmem>>) offsets(%dma_start3A_469 : memref<80xi32, #tpu.memory_space<vmem>>) semaphore(%arg14 : memref<!tpu.dma_semaphore, #tpu.memory_space<semaphore_mem>>)
        %dma_start3A_473 = arith.constant 0 : i32
        %dma_start3A_474 = arith.constant 1 : i32
        %dma_start3A_475 = arith.constant 0 : i32
        %dma_start3A_476 = tpu.memref_slice %arg7[%dma_start3A_473, %dma_start3A_474, %dma_start3A_475] : memref<2x2x80xi32, #tpu.memory_space<vmem>> -> memref<1x1x80xi32, #tpu.memory_space<vmem>>
        %dma_start3A_477 = tpu.memref_squeeze %dma_start3A_476 : memref<1x1x80xi32, #tpu.memory_space<vmem>> -> memref<80xi32, #tpu.memory_space<vmem>>
        %dma_start3A_478 = arith.constant 0 : i32
        %dma_start3A_479 = arith.constant 0 : i32
        %dma_start3A_480 = tpu.memref_slice %arg2[%dma_start3A_478, %dma_start3A_479] : memref<10000x128xf32, #tpu.memory_space<hbm>> -> memref<10000x128xf32, #tpu.memory_space<hbm>>
        tpu.enqueue_indirect_dma source(%dma_start3A_480 : memref<10000x128xf32, #tpu.memory_space<hbm>>) target(%arg10 : memref<80x128xf32, #tpu.memory_space<vmem>>) offsets(%dma_start3A_477 : memref<80xi32, #tpu.memory_space<vmem>>) semaphore(%arg15 : memref<!tpu.dma_semaphore, #tpu.memory_space<semaphore_mem>>)
      } else {
      }
      %add3A_342 = arith.constant 2 : i32
      %add3A_343 = arith.addi %add3A_235, %add3A_342 : i32
      %dma_wait3A_344 = arith.constant 0 : i32
      %dma_wait3A_345 = arith.constant 0 : i32
      %dma_wait3A_346 = arith.constant 0 : i32
      %dma_wait3A_347 = tpu.memref_slice %arg7[%dma_wait3A_344, %dma_wait3A_345, %dma_wait3A_346] : memref<2x2x80xi32, #tpu.memory_space<vmem>> -> memref<1x1x80xi32, #tpu.memory_space<vmem>>
      %dma_wait3A_348 = tpu.memref_squeeze %dma_wait3A_347 : memref<1x1x80xi32, #tpu.memory_space<vmem>> -> memref<80xi32, #tpu.memory_space<vmem>>
      %dma_wait3A_349 = arith.constant 0 : i32
      %dma_wait3A_350 = arith.constant 0 : i32
      %dma_wait3A_351 = tpu.memref_slice %arg2[%dma_wait3A_349, %dma_wait3A_350] : memref<10000x128xf32, #tpu.memory_space<hbm>> -> memref<10000x128xf32, #tpu.memory_space<hbm>>
      tpu.wait_indirect_dma semaphore(%arg14 : memref<!tpu.dma_semaphore, #tpu.memory_space<semaphore_mem>>) src(%dma_wait3A_351 : memref<10000x128xf32, #tpu.memory_space<hbm>>) dst(%arg9 : memref<80x128xf32, #tpu.memory_space<vmem>>)
      %dma_start3A_352 = arith.constant 1 : i32
      %dma_start3A_353 = arith.constant 0 : i32
      %dma_start3A_354 = arith.constant 0 : i32
      %dma_start3A_355 = tpu.memref_slice %arg7[%dma_start3A_352, %dma_start3A_353, %dma_start3A_354] : memref<2x2x80xi32, #tpu.memory_space<vmem>> -> memref<1x1x80xi32, #tpu.memory_space<vmem>>
      %dma_start3A_356 = tpu.memref_squeeze %dma_start3A_355 : memref<1x1x80xi32, #tpu.memory_space<vmem>> -> memref<80xi32, #tpu.memory_space<vmem>>
      %dma_start3A_357 = arith.constant 0 : i32
      %dma_start3A_358 = arith.constant 0 : i32
      %dma_start3A_359 = tpu.memref_slice %arg13[%dma_start3A_357, %dma_start3A_358] : memref<10112x128xf32, #tpu.memory_space<vmem_shared>> -> memref<10112x128xf32, #tpu.memory_space<vmem_shared>>
      tpu.enqueue_indirect_dma source(%arg9 : memref<80x128xf32, #tpu.memory_space<vmem>>) target(%dma_start3A_359 : memref<10112x128xf32, #tpu.memory_space<vmem_shared>>) offsets(%dma_start3A_356 : memref<80xi32, #tpu.memory_space<vmem>>) semaphore(%arg18 : memref<!tpu.dma_semaphore, #tpu.memory_space<semaphore_mem>>) {add = true}
      %dma_wait3A_360 = arith.constant 0 : i32
      %dma_wait3A_361 = arith.constant 1 : i32
      %dma_wait3A_362 = arith.constant 0 : i32
      %dma_wait3A_363 = tpu.memref_slice %arg7[%dma_wait3A_360, %dma_wait3A_361, %dma_wait3A_362] : memref<2x2x80xi32, #tpu.memory_space<vmem>> -> memref<1x1x80xi32, #tpu.memory_space<vmem>>
      %dma_wait3A_364 = tpu.memref_squeeze %dma_wait3A_363 : memref<1x1x80xi32, #tpu.memory_space<vmem>> -> memref<80xi32, #tpu.memory_space<vmem>>
      %dma_wait3A_365 = arith.constant 0 : i32
      %dma_wait3A_366 = arith.constant 0 : i32
      %dma_wait3A_367 = tpu.memref_slice %arg2[%dma_wait3A_365, %dma_wait3A_366] : memref<10000x128xf32, #tpu.memory_space<hbm>> -> memref<10000x128xf32, #tpu.memory_space<hbm>>
      tpu.wait_indirect_dma semaphore(%arg15 : memref<!tpu.dma_semaphore, #tpu.memory_space<semaphore_mem>>) src(%dma_wait3A_367 : memref<10000x128xf32, #tpu.memory_space<hbm>>) dst(%arg10 : memref<80x128xf32, #tpu.memory_space<vmem>>)
      %dma_start3A_368 = arith.constant 1 : i32
      %dma_start3A_369 = arith.constant 1 : i32
      %dma_start3A_370 = arith.constant 0 : i32
      %dma_start3A_371 = tpu.memref_slice %arg7[%dma_start3A_368, %dma_start3A_369, %dma_start3A_370] : memref<2x2x80xi32, #tpu.memory_space<vmem>> -> memref<1x1x80xi32, #tpu.memory_space<vmem>>
      %dma_start3A_372 = tpu.memref_squeeze %dma_start3A_371 : memref<1x1x80xi32, #tpu.memory_space<vmem>> -> memref<80xi32, #tpu.memory_space<vmem>>
      %dma_start3A_373 = arith.constant 0 : i32
      %dma_start3A_374 = arith.constant 0 : i32
      %dma_start3A_375 = tpu.memref_slice %arg13[%dma_start3A_373, %dma_start3A_374] : memref<10112x128xf32, #tpu.memory_space<vmem_shared>> -> memref<10112x128xf32, #tpu.memory_space<vmem_shared>>
      tpu.enqueue_indirect_dma source(%arg10 : memref<80x128xf32, #tpu.memory_space<vmem>>) target(%dma_start3A_375 : memref<10112x128xf32, #tpu.memory_space<vmem_shared>>) offsets(%dma_start3A_372 : memref<80xi32, #tpu.memory_space<vmem>>) semaphore(%arg19 : memref<!tpu.dma_semaphore, #tpu.memory_space<semaphore_mem>>) {add = true}
      %add3A_376 = arith.constant 2 : i32
      %add3A_377 = arith.addi %add3A_343, %add3A_376 : i32
      %sub3A_378 = arith.constant 1 : i32
      %sub3A_379 = arith.subi %select_n3A, %sub3A_378 : i32
      %le3A_380 = arith.cmpi sle, %add3A_377, %sub3A_379 : i32
      %convert_element_type3A_381 = arith.extui %le3A_380 : i1 to i32
      %cond3A_382 = arith.constant 0 : i32
      %cond3A_383 = arith.cmpi ne, %convert_element_type3A_381, %cond3A_382 : i32
      scf.if %cond3A_383 {
        %add3A_452 = arith.addi %mul3A_0, %add3A_343 : i32
        %add3A_453 = arith.constant 2 : i32
        %add3A_454 = arith.addi %add3A_452, %add3A_453 : i32
        %dma_start3A_455 = arith.constant 0 : i32
        %dma_start3A_456 = arith.constant 0 : i32
        %dma_start3A_457 = arith.constant 0 : i32
        %dma_start3A_458 = tpu.memref_slice %arg3[%arg1, %add3A_454, %dma_start3A_455, %dma_start3A_456, %dma_start3A_457] : memref<16x128x2x2x80xi32, #tpu.memory_space<hbm>> -> memref<1x1x2x2x80xi32, #tpu.memory_space<hbm>>
        %dma_start3A_459 = tpu.memref_squeeze %dma_start3A_458 : memref<1x1x2x2x80xi32, #tpu.memory_space<hbm>> -> memref<2x2x80xi32, #tpu.memory_space<hbm>>
        %dma_start3A_460 = arith.constant 0 : i32
        %dma_start3A_461 = arith.constant 0 : i32
        %dma_start3A_462 = arith.constant 0 : i32
        %dma_start3A_463 = tpu.memref_slice %arg3[%arg1, %add3A_454, %dma_start3A_460, %dma_start3A_461, %dma_start3A_462] : memref<16x128x2x2x80xi32, #tpu.memory_space<hbm>> -> memref<1x1x2x2x80xi32, #tpu.memory_space<hbm>>
        %dma_start3A_464 = tpu.memref_squeeze %dma_start3A_463 : memref<1x1x2x2x80xi32, #tpu.memory_space<hbm>> -> memref<2x2x80xi32, #tpu.memory_space<hbm>>
        tpu.enqueue_dma source(%dma_start3A_464 : memref<2x2x80xi32, #tpu.memory_space<hbm>>) target(%arg5 : memref<2x2x80xi32, #tpu.memory_space<vmem>>) target_semaphore(%arg22 : memref<!tpu.dma_semaphore, #tpu.memory_space<semaphore_mem>>)
      } else {
      }
      %ge3A_384 = arith.constant 1 : i32
      %ge3A_385 = arith.cmpi sge, %add3A_343, %ge3A_384 : i32
      %convert_element_type3A_386 = arith.extui %ge3A_385 : i1 to i32
      %cond3A_387 = arith.constant 0 : i32
      %cond3A_388 = arith.cmpi ne, %convert_element_type3A_386, %cond3A_387 : i32
      scf.if %cond3A_388 {
        %dma_wait3A_452 = arith.constant 1 : i32
        %dma_wait3A_453 = arith.constant 0 : i32
        %dma_wait3A_454 = arith.constant 0 : i32
        %dma_wait3A_455 = tpu.memref_slice %arg6[%dma_wait3A_452, %dma_wait3A_453, %dma_wait3A_454] : memref<2x2x80xi32, #tpu.memory_space<vmem>> -> memref<1x1x80xi32, #tpu.memory_space<vmem>>
        %dma_wait3A_456 = tpu.memref_squeeze %dma_wait3A_455 : memref<1x1x80xi32, #tpu.memory_space<vmem>> -> memref<80xi32, #tpu.memory_space<vmem>>
        %dma_wait3A_457 = arith.constant 0 : i32
        %dma_wait3A_458 = arith.constant 0 : i32
        %dma_wait3A_459 = tpu.memref_slice %arg13[%dma_wait3A_457, %dma_wait3A_458] : memref<10112x128xf32, #tpu.memory_space<vmem_shared>> -> memref<10112x128xf32, #tpu.memory_space<vmem_shared>>
        tpu.wait_indirect_dma semaphore(%arg20 : memref<!tpu.dma_semaphore, #tpu.memory_space<semaphore_mem>>) src(%arg11 : memref<80x128xf32, #tpu.memory_space<vmem>>) dst(%dma_wait3A_459 : memref<10112x128xf32, #tpu.memory_space<vmem_shared>>)
        %dma_wait3A_460 = arith.constant 1 : i32
        %dma_wait3A_461 = arith.constant 1 : i32
        %dma_wait3A_462 = arith.constant 0 : i32
        %dma_wait3A_463 = tpu.memref_slice %arg6[%dma_wait3A_460, %dma_wait3A_461, %dma_wait3A_462] : memref<2x2x80xi32, #tpu.memory_space<vmem>> -> memref<1x1x80xi32, #tpu.memory_space<vmem>>
        %dma_wait3A_464 = tpu.memref_squeeze %dma_wait3A_463 : memref<1x1x80xi32, #tpu.memory_space<vmem>> -> memref<80xi32, #tpu.memory_space<vmem>>
        %dma_wait3A_465 = arith.constant 0 : i32
        %dma_wait3A_466 = arith.constant 0 : i32
        %dma_wait3A_467 = tpu.memref_slice %arg13[%dma_wait3A_465, %dma_wait3A_466] : memref<10112x128xf32, #tpu.memory_space<vmem_shared>> -> memref<10112x128xf32, #tpu.memory_space<vmem_shared>>
        tpu.wait_indirect_dma semaphore(%arg21 : memref<!tpu.dma_semaphore, #tpu.memory_space<semaphore_mem>>) src(%arg12 : memref<80x128xf32, #tpu.memory_space<vmem>>) dst(%dma_wait3A_467 : memref<10112x128xf32, #tpu.memory_space<vmem_shared>>)
      } else {
      }
      %add3A_389 = arith.constant 1 : i32
      %add3A_390 = arith.addi %add3A_343, %add3A_389 : i32
      %sub3A_391 = arith.constant 1 : i32
      %sub3A_392 = arith.subi %select_n3A, %sub3A_391 : i32
      %le3A_393 = arith.cmpi sle, %add3A_390, %sub3A_392 : i32
      %convert_element_type3A_394 = arith.extui %le3A_393 : i1 to i32
      %cond3A_395 = arith.constant 0 : i32
      %cond3A_396 = arith.cmpi ne, %convert_element_type3A_394, %cond3A_395 : i32
      scf.if %cond3A_396 {
        %add3A_452 = arith.addi %mul3A_0, %add3A_343 : i32
        %add3A_453 = arith.constant 1 : i32
        %add3A_454 = arith.addi %add3A_452, %add3A_453 : i32
        %dma_wait3A_455 = arith.constant 0 : i32
        %dma_wait3A_456 = arith.constant 0 : i32
        %dma_wait3A_457 = arith.constant 0 : i32
        %dma_wait3A_458 = tpu.memref_slice %arg3[%arg1, %add3A_454, %dma_wait3A_455, %dma_wait3A_456, %dma_wait3A_457] : memref<16x128x2x2x80xi32, #tpu.memory_space<hbm>> -> memref<1x1x2x2x80xi32, #tpu.memory_space<hbm>>
        %dma_wait3A_459 = tpu.memref_squeeze %dma_wait3A_458 : memref<1x1x2x2x80xi32, #tpu.memory_space<hbm>> -> memref<2x2x80xi32, #tpu.memory_space<hbm>>
        %dma_wait3A_460 = arith.constant 0 : i32
        %dma_wait3A_461 = arith.constant 0 : i32
        %dma_wait3A_462 = arith.constant 0 : i32
        %dma_wait3A_463 = tpu.memref_slice %arg3[%arg1, %add3A_454, %dma_wait3A_460, %dma_wait3A_461, %dma_wait3A_462] : memref<16x128x2x2x80xi32, #tpu.memory_space<hbm>> -> memref<1x1x2x2x80xi32, #tpu.memory_space<hbm>>
        %dma_wait3A_464 = tpu.memref_squeeze %dma_wait3A_463 : memref<1x1x2x2x80xi32, #tpu.memory_space<hbm>> -> memref<2x2x80xi32, #tpu.memory_space<hbm>>
        tpu.wait_dma2 semaphore(%arg25 : memref<!tpu.dma_semaphore, #tpu.memory_space<semaphore_mem>>) src(%dma_wait3A_464 : memref<2x2x80xi32, #tpu.memory_space<hbm>>) dst(%arg8 : memref<2x2x80xi32, #tpu.memory_space<vmem>>)
        %dma_start3A_465 = arith.constant 0 : i32
        %dma_start3A_466 = arith.constant 0 : i32
        %dma_start3A_467 = arith.constant 0 : i32
        %dma_start3A_468 = tpu.memref_slice %arg8[%dma_start3A_465, %dma_start3A_466, %dma_start3A_467] : memref<2x2x80xi32, #tpu.memory_space<vmem>> -> memref<1x1x80xi32, #tpu.memory_space<vmem>>
        %dma_start3A_469 = tpu.memref_squeeze %dma_start3A_468 : memref<1x1x80xi32, #tpu.memory_space<vmem>> -> memref<80xi32, #tpu.memory_space<vmem>>
        %dma_start3A_470 = arith.constant 0 : i32
        %dma_start3A_471 = arith.constant 0 : i32
        %dma_start3A_472 = tpu.memref_slice %arg2[%dma_start3A_470, %dma_start3A_471] : memref<10000x128xf32, #tpu.memory_space<hbm>> -> memref<10000x128xf32, #tpu.memory_space<hbm>>
        tpu.enqueue_indirect_dma source(%dma_start3A_472 : memref<10000x128xf32, #tpu.memory_space<hbm>>) target(%arg11 : memref<80x128xf32, #tpu.memory_space<vmem>>) offsets(%dma_start3A_469 : memref<80xi32, #tpu.memory_space<vmem>>) semaphore(%arg16 : memref<!tpu.dma_semaphore, #tpu.memory_space<semaphore_mem>>)
        %dma_start3A_473 = arith.constant 0 : i32
        %dma_start3A_474 = arith.constant 1 : i32
        %dma_start3A_475 = arith.constant 0 : i32
        %dma_start3A_476 = tpu.memref_slice %arg8[%dma_start3A_473, %dma_start3A_474, %dma_start3A_475] : memref<2x2x80xi32, #tpu.memory_space<vmem>> -> memref<1x1x80xi32, #tpu.memory_space<vmem>>
        %dma_start3A_477 = tpu.memref_squeeze %dma_start3A_476 : memref<1x1x80xi32, #tpu.memory_space<vmem>> -> memref<80xi32, #tpu.memory_space<vmem>>
        %dma_start3A_478 = arith.constant 0 : i32
        %dma_start3A_479 = arith.constant 0 : i32
        %dma_start3A_480 = tpu.memref_slice %arg2[%dma_start3A_478, %dma_start3A_479] : memref<10000x128xf32, #tpu.memory_space<hbm>> -> memref<10000x128xf32, #tpu.memory_space<hbm>>
        tpu.enqueue_indirect_dma source(%dma_start3A_480 : memref<10000x128xf32, #tpu.memory_space<hbm>>) target(%arg12 : memref<80x128xf32, #tpu.memory_space<vmem>>) offsets(%dma_start3A_477 : memref<80xi32, #tpu.memory_space<vmem>>) semaphore(%arg17 : memref<!tpu.dma_semaphore, #tpu.memory_space<semaphore_mem>>)
      } else {
      }
      %add3A_397 = arith.constant 3 : i32
      %add3A_398 = arith.addi %add3A_235, %add3A_397 : i32
      %dma_wait3A_399 = arith.constant 0 : i32
      %dma_wait3A_400 = arith.constant 0 : i32
      %dma_wait3A_401 = arith.constant 0 : i32
      %dma_wait3A_402 = tpu.memref_slice %arg8[%dma_wait3A_399, %dma_wait3A_400, %dma_wait3A_401] : memref<2x2x80xi32, #tpu.memory_space<vmem>> -> memref<1x1x80xi32, #tpu.memory_space<vmem>>
      %dma_wait3A_403 = tpu.memref_squeeze %dma_wait3A_402 : memref<1x1x80xi32, #tpu.memory_space<vmem>> -> memref<80xi32, #tpu.memory_space<vmem>>
      %dma_wait3A_404 = arith.constant 0 : i32
      %dma_wait3A_405 = arith.constant 0 : i32
      %dma_wait3A_406 = tpu.memref_slice %arg2[%dma_wait3A_404, %dma_wait3A_405] : memref<10000x128xf32, #tpu.memory_space<hbm>> -> memref<10000x128xf32, #tpu.memory_space<hbm>>
      tpu.wait_indirect_dma semaphore(%arg16 : memref<!tpu.dma_semaphore, #tpu.memory_space<semaphore_mem>>) src(%dma_wait3A_406 : memref<10000x128xf32, #tpu.memory_space<hbm>>) dst(%arg11 : memref<80x128xf32, #tpu.memory_space<vmem>>)
      %dma_start3A_407 = arith.constant 1 : i32
      %dma_start3A_408 = arith.constant 0 : i32
      %dma_start3A_409 = arith.constant 0 : i32
      %dma_start3A_410 = tpu.memref_slice %arg8[%dma_start3A_407, %dma_start3A_408, %dma_start3A_409] : memref<2x2x80xi32, #tpu.memory_space<vmem>> -> memref<1x1x80xi32, #tpu.memory_space<vmem>>
      %dma_start3A_411 = tpu.memref_squeeze %dma_start3A_410 : memref<1x1x80xi32, #tpu.memory_space<vmem>> -> memref<80xi32, #tpu.memory_space<vmem>>
      %dma_start3A_412 = arith.constant 0 : i32
      %dma_start3A_413 = arith.constant 0 : i32
      %dma_start3A_414 = tpu.memref_slice %arg13[%dma_start3A_412, %dma_start3A_413] : memref<10112x128xf32, #tpu.memory_space<vmem_shared>> -> memref<10112x128xf32, #tpu.memory_space<vmem_shared>>
      tpu.enqueue_indirect_dma source(%arg11 : memref<80x128xf32, #tpu.memory_space<vmem>>) target(%dma_start3A_414 : memref<10112x128xf32, #tpu.memory_space<vmem_shared>>) offsets(%dma_start3A_411 : memref<80xi32, #tpu.memory_space<vmem>>) semaphore(%arg20 : memref<!tpu.dma_semaphore, #tpu.memory_space<semaphore_mem>>) {add = true}
      %dma_wait3A_415 = arith.constant 0 : i32
      %dma_wait3A_416 = arith.constant 1 : i32
      %dma_wait3A_417 = arith.constant 0 : i32
      %dma_wait3A_418 = tpu.memref_slice %arg8[%dma_wait3A_415, %dma_wait3A_416, %dma_wait3A_417] : memref<2x2x80xi32, #tpu.memory_space<vmem>> -> memref<1x1x80xi32, #tpu.memory_space<vmem>>
      %dma_wait3A_419 = tpu.memref_squeeze %dma_wait3A_418 : memref<1x1x80xi32, #tpu.memory_space<vmem>> -> memref<80xi32, #tpu.memory_space<vmem>>
      %dma_wait3A_420 = arith.constant 0 : i32
      %dma_wait3A_421 = arith.constant 0 : i32
      %dma_wait3A_422 = tpu.memref_slice %arg2[%dma_wait3A_420, %dma_wait3A_421] : memref<10000x128xf32, #tpu.memory_space<hbm>> -> memref<10000x128xf32, #tpu.memory_space<hbm>>
      tpu.wait_indirect_dma semaphore(%arg17 : memref<!tpu.dma_semaphore, #tpu.memory_space<semaphore_mem>>) src(%dma_wait3A_422 : memref<10000x128xf32, #tpu.memory_space<hbm>>) dst(%arg12 : memref<80x128xf32, #tpu.memory_space<vmem>>)
      %dma_start3A_423 = arith.constant 1 : i32
      %dma_start3A_424 = arith.constant 1 : i32
      %dma_start3A_425 = arith.constant 0 : i32
      %dma_start3A_426 = tpu.memref_slice %arg8[%dma_start3A_423, %dma_start3A_424, %dma_start3A_425] : memref<2x2x80xi32, #tpu.memory_space<vmem>> -> memref<1x1x80xi32, #tpu.memory_space<vmem>>
      %dma_start3A_427 = tpu.memref_squeeze %dma_start3A_426 : memref<1x1x80xi32, #tpu.memory_space<vmem>> -> memref<80xi32, #tpu.memory_space<vmem>>
      %dma_start3A_428 = arith.constant 0 : i32
      %dma_start3A_429 = arith.constant 0 : i32
      %dma_start3A_430 = tpu.memref_slice %arg13[%dma_start3A_428, %dma_start3A_429] : memref<10112x128xf32, #tpu.memory_space<vmem_shared>> -> memref<10112x128xf32, #tpu.memory_space<vmem_shared>>
      tpu.enqueue_indirect_dma source(%arg12 : memref<80x128xf32, #tpu.memory_space<vmem>>) target(%dma_start3A_430 : memref<10112x128xf32, #tpu.memory_space<vmem_shared>>) offsets(%dma_start3A_427 : memref<80xi32, #tpu.memory_space<vmem>>) semaphore(%arg21 : memref<!tpu.dma_semaphore, #tpu.memory_space<semaphore_mem>>) {add = true}
      %add3A_431 = arith.constant 2 : i32
      %add3A_432 = arith.addi %add3A_398, %add3A_431 : i32
      %sub3A_433 = arith.constant 1 : i32
      %sub3A_434 = arith.subi %select_n3A, %sub3A_433 : i32
      %le3A_435 = arith.cmpi sle, %add3A_432, %sub3A_434 : i32
      %convert_element_type3A_436 = arith.extui %le3A_435 : i1 to i32
      %cond3A_437 = arith.constant 0 : i32
      %cond3A_438 = arith.cmpi ne, %convert_element_type3A_436, %cond3A_437 : i32
      scf.if %cond3A_438 {
        %add3A_452 = arith.addi %mul3A_0, %add3A_398 : i32
        %add3A_453 = arith.constant 2 : i32
        %add3A_454 = arith.addi %add3A_452, %add3A_453 : i32
        %dma_start3A_455 = arith.constant 0 : i32
        %dma_start3A_456 = arith.constant 0 : i32
        %dma_start3A_457 = arith.constant 0 : i32
        %dma_start3A_458 = tpu.memref_slice %arg3[%arg1, %add3A_454, %dma_start3A_455, %dma_start3A_456, %dma_start3A_457] : memref<16x128x2x2x80xi32, #tpu.memory_space<hbm>> -> memref<1x1x2x2x80xi32, #tpu.memory_space<hbm>>
        %dma_start3A_459 = tpu.memref_squeeze %dma_start3A_458 : memref<1x1x2x2x80xi32, #tpu.memory_space<hbm>> -> memref<2x2x80xi32, #tpu.memory_space<hbm>>
        %dma_start3A_460 = arith.constant 0 : i32
        %dma_start3A_461 = arith.constant 0 : i32
        %dma_start3A_462 = arith.constant 0 : i32
        %dma_start3A_463 = tpu.memref_slice %arg3[%arg1, %add3A_454, %dma_start3A_460, %dma_start3A_461, %dma_start3A_462] : memref<16x128x2x2x80xi32, #tpu.memory_space<hbm>> -> memref<1x1x2x2x80xi32, #tpu.memory_space<hbm>>
        %dma_start3A_464 = tpu.memref_squeeze %dma_start3A_463 : memref<1x1x2x2x80xi32, #tpu.memory_space<hbm>> -> memref<2x2x80xi32, #tpu.memory_space<hbm>>
        tpu.enqueue_dma source(%dma_start3A_464 : memref<2x2x80xi32, #tpu.memory_space<hbm>>) target(%arg6 : memref<2x2x80xi32, #tpu.memory_space<vmem>>) target_semaphore(%arg23 : memref<!tpu.dma_semaphore, #tpu.memory_space<semaphore_mem>>)
      } else {
      }
      %ge3A_439 = arith.constant 1 : i32
      %ge3A_440 = arith.cmpi sge, %add3A_398, %ge3A_439 : i32
      %convert_element_type3A_441 = arith.extui %ge3A_440 : i1 to i32
      %cond3A_442 = arith.constant 0 : i32
      %cond3A_443 = arith.cmpi ne, %convert_element_type3A_441, %cond3A_442 : i32
      scf.if %cond3A_443 {
        %dma_wait3A_452 = arith.constant 1 : i32
        %dma_wait3A_453 = arith.constant 0 : i32
        %dma_wait3A_454 = arith.constant 0 : i32
        %dma_wait3A_455 = tpu.memref_slice %arg7[%dma_wait3A_452, %dma_wait3A_453, %dma_wait3A_454] : memref<2x2x80xi32, #tpu.memory_space<vmem>> -> memref<1x1x80xi32, #tpu.memory_space<vmem>>
        %dma_wait3A_456 = tpu.memref_squeeze %dma_wait3A_455 : memref<1x1x80xi32, #tpu.memory_space<vmem>> -> memref<80xi32, #tpu.memory_space<vmem>>
        %dma_wait3A_457 = arith.constant 0 : i32
        %dma_wait3A_458 = arith.constant 0 : i32
        %dma_wait3A_459 = tpu.memref_slice %arg13[%dma_wait3A_457, %dma_wait3A_458] : memref<10112x128xf32, #tpu.memory_space<vmem_shared>> -> memref<10112x128xf32, #tpu.memory_space<vmem_shared>>
        tpu.wait_indirect_dma semaphore(%arg18 : memref<!tpu.dma_semaphore, #tpu.memory_space<semaphore_mem>>) src(%arg9 : memref<80x128xf32, #tpu.memory_space<vmem>>) dst(%dma_wait3A_459 : memref<10112x128xf32, #tpu.memory_space<vmem_shared>>)
        %dma_wait3A_460 = arith.constant 1 : i32
        %dma_wait3A_461 = arith.constant 1 : i32
        %dma_wait3A_462 = arith.constant 0 : i32
        %dma_wait3A_463 = tpu.memref_slice %arg7[%dma_wait3A_460, %dma_wait3A_461, %dma_wait3A_462] : memref<2x2x80xi32, #tpu.memory_space<vmem>> -> memref<1x1x80xi32, #tpu.memory_space<vmem>>
        %dma_wait3A_464 = tpu.memref_squeeze %dma_wait3A_463 : memref<1x1x80xi32, #tpu.memory_space<vmem>> -> memref<80xi32, #tpu.memory_space<vmem>>
        %dma_wait3A_465 = arith.constant 0 : i32
        %dma_wait3A_466 = arith.constant 0 : i32
        %dma_wait3A_467 = tpu.memref_slice %arg13[%dma_wait3A_465, %dma_wait3A_466] : memref<10112x128xf32, #tpu.memory_space<vmem_shared>> -> memref<10112x128xf32, #tpu.memory_space<vmem_shared>>
        tpu.wait_indirect_dma semaphore(%arg19 : memref<!tpu.dma_semaphore, #tpu.memory_space<semaphore_mem>>) src(%arg10 : memref<80x128xf32, #tpu.memory_space<vmem>>) dst(%dma_wait3A_467 : memref<10112x128xf32, #tpu.memory_space<vmem_shared>>)
      } else {
      }
      %add3A_444 = arith.constant 1 : i32
      %add3A_445 = arith.addi %add3A_398, %add3A_444 : i32
      %sub3A_446 = arith.constant 1 : i32
      %sub3A_447 = arith.subi %select_n3A, %sub3A_446 : i32
      %le3A_448 = arith.cmpi sle, %add3A_445, %sub3A_447 : i32
      %convert_element_type3A_449 = arith.extui %le3A_448 : i1 to i32
      %cond3A_450 = arith.constant 0 : i32
      %cond3A_451 = arith.cmpi ne, %convert_element_type3A_449, %cond3A_450 : i32
      scf.if %cond3A_451 {
        %add3A_452 = arith.addi %mul3A_0, %add3A_398 : i32
        %add3A_453 = arith.constant 1 : i32
        %add3A_454 = arith.addi %add3A_452, %add3A_453 : i32
        %dma_wait3A_455 = arith.constant 0 : i32
        %dma_wait3A_456 = arith.constant 0 : i32
        %dma_wait3A_457 = arith.constant 0 : i32
        %dma_wait3A_458 = tpu.memref_slice %arg3[%arg1, %add3A_454, %dma_wait3A_455, %dma_wait3A_456, %dma_wait3A_457] : memref<16x128x2x2x80xi32, #tpu.memory_space<hbm>> -> memref<1x1x2x2x80xi32, #tpu.memory_space<hbm>>
        %dma_wait3A_459 = tpu.memref_squeeze %dma_wait3A_458 : memref<1x1x2x2x80xi32, #tpu.memory_space<hbm>> -> memref<2x2x80xi32, #tpu.memory_space<hbm>>
        %dma_wait3A_460 = arith.constant 0 : i32
        %dma_wait3A_461 = arith.constant 0 : i32
        %dma_wait3A_462 = arith.constant 0 : i32
        %dma_wait3A_463 = tpu.memref_slice %arg3[%arg1, %add3A_454, %dma_wait3A_460, %dma_wait3A_461, %dma_wait3A_462] : memref<16x128x2x2x80xi32, #tpu.memory_space<hbm>> -> memref<1x1x2x2x80xi32, #tpu.memory_space<hbm>>
        %dma_wait3A_464 = tpu.memref_squeeze %dma_wait3A_463 : memref<1x1x2x2x80xi32, #tpu.memory_space<hbm>> -> memref<2x2x80xi32, #tpu.memory_space<hbm>>
        tpu.wait_dma2 semaphore(%arg22 : memref<!tpu.dma_semaphore, #tpu.memory_space<semaphore_mem>>) src(%dma_wait3A_464 : memref<2x2x80xi32, #tpu.memory_space<hbm>>) dst(%arg5 : memref<2x2x80xi32, #tpu.memory_space<vmem>>)
        %dma_start3A_465 = arith.constant 0 : i32
        %dma_start3A_466 = arith.constant 0 : i32
        %dma_start3A_467 = arith.constant 0 : i32
        %dma_start3A_468 = tpu.memref_slice %arg5[%dma_start3A_465, %dma_start3A_466, %dma_start3A_467] : memref<2x2x80xi32, #tpu.memory_space<vmem>> -> memref<1x1x80xi32, #tpu.memory_space<vmem>>
        %dma_start3A_469 = tpu.memref_squeeze %dma_start3A_468 : memref<1x1x80xi32, #tpu.memory_space<vmem>> -> memref<80xi32, #tpu.memory_space<vmem>>
        %dma_start3A_470 = arith.constant 0 : i32
        %dma_start3A_471 = arith.constant 0 : i32
        %dma_start3A_472 = tpu.memref_slice %arg2[%dma_start3A_470, %dma_start3A_471] : memref<10000x128xf32, #tpu.memory_space<hbm>> -> memref<10000x128xf32, #tpu.memory_space<hbm>>
        tpu.enqueue_indirect_dma source(%dma_start3A_472 : memref<10000x128xf32, #tpu.memory_space<hbm>>) target(%arg9 : memref<80x128xf32, #tpu.memory_space<vmem>>) offsets(%dma_start3A_469 : memref<80xi32, #tpu.memory_space<vmem>>) semaphore(%arg14 : memref<!tpu.dma_semaphore, #tpu.memory_space<semaphore_mem>>)
        %dma_start3A_473 = arith.constant 0 : i32
        %dma_start3A_474 = arith.constant 1 : i32
        %dma_start3A_475 = arith.constant 0 : i32
        %dma_start3A_476 = tpu.memref_slice %arg5[%dma_start3A_473, %dma_start3A_474, %dma_start3A_475] : memref<2x2x80xi32, #tpu.memory_space<vmem>> -> memref<1x1x80xi32, #tpu.memory_space<vmem>>
        %dma_start3A_477 = tpu.memref_squeeze %dma_start3A_476 : memref<1x1x80xi32, #tpu.memory_space<vmem>> -> memref<80xi32, #tpu.memory_space<vmem>>
        %dma_start3A_478 = arith.constant 0 : i32
        %dma_start3A_479 = arith.constant 0 : i32
        %dma_start3A_480 = tpu.memref_slice %arg2[%dma_start3A_478, %dma_start3A_479] : memref<10000x128xf32, #tpu.memory_space<hbm>> -> memref<10000x128xf32, #tpu.memory_space<hbm>>
        tpu.enqueue_indirect_dma source(%dma_start3A_480 : memref<10000x128xf32, #tpu.memory_space<hbm>>) target(%arg10 : memref<80x128xf32, #tpu.memory_space<vmem>>) offsets(%dma_start3A_477 : memref<80xi32, #tpu.memory_space<vmem>>) semaphore(%arg15 : memref<!tpu.dma_semaphore, #tpu.memory_space<semaphore_mem>>)
      } else {
      }
    }
    %while3A_211 = arith.constant 1 : i32
    scf.for %while3A_233 = %while3A_209 to %while3A_205 step %while3A_211  : i32 {
      %mul3A_234 = arith.muli %while3A_233, %while3A : i32
      %add3A_235 = arith.addi %while3A_202, %mul3A_234 : i32
      %add3A_236 = arith.constant 0 : i32
      %add3A_237 = arith.addi %add3A_235, %add3A_236 : i32
      %dma_wait3A_238 = arith.constant 0 : i32
      %dma_wait3A_239 = arith.constant 0 : i32
      %dma_wait3A_240 = arith.constant 0 : i32
      %dma_wait3A_241 = tpu.memref_slice %arg5[%dma_wait3A_238, %dma_wait3A_239, %dma_wait3A_240] : memref<2x2x80xi32, #tpu.memory_space<vmem>> -> memref<1x1x80xi32, #tpu.memory_space<vmem>>
      %dma_wait3A_242 = tpu.memref_squeeze %dma_wait3A_241 : memref<1x1x80xi32, #tpu.memory_space<vmem>> -> memref<80xi32, #tpu.memory_space<vmem>>
      %dma_wait3A_243 = arith.constant 0 : i32
      %dma_wait3A_244 = arith.constant 0 : i32
      %dma_wait3A_245 = tpu.memref_slice %arg2[%dma_wait3A_243, %dma_wait3A_244] : memref<10000x128xf32, #tpu.memory_space<hbm>> -> memref<10000x128xf32, #tpu.memory_space<hbm>>
      tpu.wait_indirect_dma semaphore(%arg14 : memref<!tpu.dma_semaphore, #tpu.memory_space<semaphore_mem>>) src(%dma_wait3A_245 : memref<10000x128xf32, #tpu.memory_space<hbm>>) dst(%arg9 : memref<80x128xf32, #tpu.memory_space<vmem>>)
      %dma_start3A_246 = arith.constant 1 : i32
      %dma_start3A_247 = arith.constant 0 : i32
      %dma_start3A_248 = arith.constant 0 : i32
      %dma_start3A_249 = tpu.memref_slice %arg5[%dma_start3A_246, %dma_start3A_247, %dma_start3A_248] : memref<2x2x80xi32, #tpu.memory_space<vmem>> -> memref<1x1x80xi32, #tpu.memory_space<vmem>>
      %dma_start3A_250 = tpu.memref_squeeze %dma_start3A_249 : memref<1x1x80xi32, #tpu.memory_space<vmem>> -> memref<80xi32, #tpu.memory_space<vmem>>
      %dma_start3A_251 = arith.constant 0 : i32
      %dma_start3A_252 = arith.constant 0 : i32
      %dma_start3A_253 = tpu.memref_slice %arg13[%dma_start3A_251, %dma_start3A_252] : memref<10112x128xf32, #tpu.memory_space<vmem_shared>> -> memref<10112x128xf32, #tpu.memory_space<vmem_shared>>
      tpu.enqueue_indirect_dma source(%arg9 : memref<80x128xf32, #tpu.memory_space<vmem>>) target(%dma_start3A_253 : memref<10112x128xf32, #tpu.memory_space<vmem_shared>>) offsets(%dma_start3A_250 : memref<80xi32, #tpu.memory_space<vmem>>) semaphore(%arg18 : memref<!tpu.dma_semaphore, #tpu.memory_space<semaphore_mem>>) {add = true}
      %dma_wait3A_254 = arith.constant 0 : i32
      %dma_wait3A_255 = arith.constant 1 : i32
      %dma_wait3A_256 = arith.constant 0 : i32
      %dma_wait3A_257 = tpu.memref_slice %arg5[%dma_wait3A_254, %dma_wait3A_255, %dma_wait3A_256] : memref<2x2x80xi32, #tpu.memory_space<vmem>> -> memref<1x1x80xi32, #tpu.memory_space<vmem>>
      %dma_wait3A_258 = tpu.memref_squeeze %dma_wait3A_257 : memref<1x1x80xi32, #tpu.memory_space<vmem>> -> memref<80xi32, #tpu.memory_space<vmem>>
      %dma_wait3A_259 = arith.constant 0 : i32
      %dma_wait3A_260 = arith.constant 0 : i32
      %dma_wait3A_261 = tpu.memref_slice %arg2[%dma_wait3A_259, %dma_wait3A_260] : memref<10000x128xf32, #tpu.memory_space<hbm>> -> memref<10000x128xf32, #tpu.memory_space<hbm>>
      tpu.wait_indirect_dma semaphore(%arg15 : memref<!tpu.dma_semaphore, #tpu.memory_space<semaphore_mem>>) src(%dma_wait3A_261 : memref<10000x128xf32, #tpu.memory_space<hbm>>) dst(%arg10 : memref<80x128xf32, #tpu.memory_space<vmem>>)
      %dma_start3A_262 = arith.constant 1 : i32
      %dma_start3A_263 = arith.constant 1 : i32
      %dma_start3A_264 = arith.constant 0 : i32
      %dma_start3A_265 = tpu.memref_slice %arg5[%dma_start3A_262, %dma_start3A_263, %dma_start3A_264] : memref<2x2x80xi32, #tpu.memory_space<vmem>> -> memref<1x1x80xi32, #tpu.memory_space<vmem>>
      %dma_start3A_266 = tpu.memref_squeeze %dma_start3A_265 : memref<1x1x80xi32, #tpu.memory_space<vmem>> -> memref<80xi32, #tpu.memory_space<vmem>>
      %dma_start3A_267 = arith.constant 0 : i32
      %dma_start3A_268 = arith.constant 0 : i32
      %dma_start3A_269 = tpu.memref_slice %arg13[%dma_start3A_267, %dma_start3A_268] : memref<10112x128xf32, #tpu.memory_space<vmem_shared>> -> memref<10112x128xf32, #tpu.memory_space<vmem_shared>>
      tpu.enqueue_indirect_dma source(%arg10 : memref<80x128xf32, #tpu.memory_space<vmem>>) target(%dma_start3A_269 : memref<10112x128xf32, #tpu.memory_space<vmem_shared>>) offsets(%dma_start3A_266 : memref<80xi32, #tpu.memory_space<vmem>>) semaphore(%arg19 : memref<!tpu.dma_semaphore, #tpu.memory_space<semaphore_mem>>) {add = true}
      %add3A_270 = arith.constant 2 : i32
      %add3A_271 = arith.addi %add3A_237, %add3A_270 : i32
      %sub3A_272 = arith.constant 1 : i32
      %sub3A_273 = arith.subi %select_n3A, %sub3A_272 : i32
      %le3A = arith.cmpi sle, %add3A_271, %sub3A_273 : i32
      %convert_element_type3A = arith.extui %le3A : i1 to i32
      %cond3A = arith.constant 0 : i32
      %cond3A_274 = arith.cmpi ne, %convert_element_type3A, %cond3A : i32
      scf.if %cond3A_274 {
        %add3A_452 = arith.addi %mul3A_0, %add3A_237 : i32
        %add3A_453 = arith.constant 2 : i32
        %add3A_454 = arith.addi %add3A_452, %add3A_453 : i32
        %dma_start3A_455 = arith.constant 0 : i32
        %dma_start3A_456 = arith.constant 0 : i32
        %dma_start3A_457 = arith.constant 0 : i32
        %dma_start3A_458 = tpu.memref_slice %arg3[%arg1, %add3A_454, %dma_start3A_455, %dma_start3A_456, %dma_start3A_457] : memref<16x128x2x2x80xi32, #tpu.memory_space<hbm>> -> memref<1x1x2x2x80xi32, #tpu.memory_space<hbm>>
        %dma_start3A_459 = tpu.memref_squeeze %dma_start3A_458 : memref<1x1x2x2x80xi32, #tpu.memory_space<hbm>> -> memref<2x2x80xi32, #tpu.memory_space<hbm>>
        %dma_start3A_460 = arith.constant 0 : i32
        %dma_start3A_461 = arith.constant 0 : i32
        %dma_start3A_462 = arith.constant 0 : i32
        %dma_start3A_463 = tpu.memref_slice %arg3[%arg1, %add3A_454, %dma_start3A_460, %dma_start3A_461, %dma_start3A_462] : memref<16x128x2x2x80xi32, #tpu.memory_space<hbm>> -> memref<1x1x2x2x80xi32, #tpu.memory_space<hbm>>
        %dma_start3A_464 = tpu.memref_squeeze %dma_start3A_463 : memref<1x1x2x2x80xi32, #tpu.memory_space<hbm>> -> memref<2x2x80xi32, #tpu.memory_space<hbm>>
        tpu.enqueue_dma source(%dma_start3A_464 : memref<2x2x80xi32, #tpu.memory_space<hbm>>) target(%arg7 : memref<2x2x80xi32, #tpu.memory_space<vmem>>) target_semaphore(%arg24 : memref<!tpu.dma_semaphore, #tpu.memory_space<semaphore_mem>>)
      } else {
      }
      %ge3A = arith.constant 1 : i32
      %ge3A_275 = arith.cmpi sge, %add3A_237, %ge3A : i32
      %convert_element_type3A_276 = arith.extui %ge3A_275 : i1 to i32
      %cond3A_277 = arith.constant 0 : i32
      %cond3A_278 = arith.cmpi ne, %convert_element_type3A_276, %cond3A_277 : i32
      scf.if %cond3A_278 {
        %dma_wait3A_452 = arith.constant 1 : i32
        %dma_wait3A_453 = arith.constant 0 : i32
        %dma_wait3A_454 = arith.constant 0 : i32
        %dma_wait3A_455 = tpu.memref_slice %arg8[%dma_wait3A_452, %dma_wait3A_453, %dma_wait3A_454] : memref<2x2x80xi32, #tpu.memory_space<vmem>> -> memref<1x1x80xi32, #tpu.memory_space<vmem>>
        %dma_wait3A_456 = tpu.memref_squeeze %dma_wait3A_455 : memref<1x1x80xi32, #tpu.memory_space<vmem>> -> memref<80xi32, #tpu.memory_space<vmem>>
        %dma_wait3A_457 = arith.constant 0 : i32
        %dma_wait3A_458 = arith.constant 0 : i32
        %dma_wait3A_459 = tpu.memref_slice %arg13[%dma_wait3A_457, %dma_wait3A_458] : memref<10112x128xf32, #tpu.memory_space<vmem_shared>> -> memref<10112x128xf32, #tpu.memory_space<vmem_shared>>
        tpu.wait_indirect_dma semaphore(%arg20 : memref<!tpu.dma_semaphore, #tpu.memory_space<semaphore_mem>>) src(%arg11 : memref<80x128xf32, #tpu.memory_space<vmem>>) dst(%dma_wait3A_459 : memref<10112x128xf32, #tpu.memory_space<vmem_shared>>)
        %dma_wait3A_460 = arith.constant 1 : i32
        %dma_wait3A_461 = arith.constant 1 : i32
        %dma_wait3A_462 = arith.constant 0 : i32
        %dma_wait3A_463 = tpu.memref_slice %arg8[%dma_wait3A_460, %dma_wait3A_461, %dma_wait3A_462] : memref<2x2x80xi32, #tpu.memory_space<vmem>> -> memref<1x1x80xi32, #tpu.memory_space<vmem>>
        %dma_wait3A_464 = tpu.memref_squeeze %dma_wait3A_463 : memref<1x1x80xi32, #tpu.memory_space<vmem>> -> memref<80xi32, #tpu.memory_space<vmem>>
        %dma_wait3A_465 = arith.constant 0 : i32
        %dma_wait3A_466 = arith.constant 0 : i32
        %dma_wait3A_467 = tpu.memref_slice %arg13[%dma_wait3A_465, %dma_wait3A_466] : memref<10112x128xf32, #tpu.memory_space<vmem_shared>> -> memref<10112x128xf32, #tpu.memory_space<vmem_shared>>
        tpu.wait_indirect_dma semaphore(%arg21 : memref<!tpu.dma_semaphore, #tpu.memory_space<semaphore_mem>>) src(%arg12 : memref<80x128xf32, #tpu.memory_space<vmem>>) dst(%dma_wait3A_467 : memref<10112x128xf32, #tpu.memory_space<vmem_shared>>)
      } else {
      }
      %add3A_279 = arith.constant 1 : i32
      %add3A_280 = arith.addi %add3A_237, %add3A_279 : i32
      %sub3A_281 = arith.constant 1 : i32
      %sub3A_282 = arith.subi %select_n3A, %sub3A_281 : i32
      %le3A_283 = arith.cmpi sle, %add3A_280, %sub3A_282 : i32
      %convert_element_type3A_284 = arith.extui %le3A_283 : i1 to i32
      %cond3A_285 = arith.constant 0 : i32
      %cond3A_286 = arith.cmpi ne, %convert_element_type3A_284, %cond3A_285 : i32
      scf.if %cond3A_286 {
        %add3A_452 = arith.addi %mul3A_0, %add3A_237 : i32
        %add3A_453 = arith.constant 1 : i32
        %add3A_454 = arith.addi %add3A_452, %add3A_453 : i32
        %dma_wait3A_455 = arith.constant 0 : i32
        %dma_wait3A_456 = arith.constant 0 : i32
        %dma_wait3A_457 = arith.constant 0 : i32
        %dma_wait3A_458 = tpu.memref_slice %arg3[%arg1, %add3A_454, %dma_wait3A_455, %dma_wait3A_456, %dma_wait3A_457] : memref<16x128x2x2x80xi32, #tpu.memory_space<hbm>> -> memref<1x1x2x2x80xi32, #tpu.memory_space<hbm>>
        %dma_wait3A_459 = tpu.memref_squeeze %dma_wait3A_458 : memref<1x1x2x2x80xi32, #tpu.memory_space<hbm>> -> memref<2x2x80xi32, #tpu.memory_space<hbm>>
        %dma_wait3A_460 = arith.constant 0 : i32
        %dma_wait3A_461 = arith.constant 0 : i32
        %dma_wait3A_462 = arith.constant 0 : i32
        %dma_wait3A_463 = tpu.memref_slice %arg3[%arg1, %add3A_454, %dma_wait3A_460, %dma_wait3A_461, %dma_wait3A_462] : memref<16x128x2x2x80xi32, #tpu.memory_space<hbm>> -> memref<1x1x2x2x80xi32, #tpu.memory_space<hbm>>
        %dma_wait3A_464 = tpu.memref_squeeze %dma_wait3A_463 : memref<1x1x2x2x80xi32, #tpu.memory_space<hbm>> -> memref<2x2x80xi32, #tpu.memory_space<hbm>>
        tpu.wait_dma2 semaphore(%arg23 : memref<!tpu.dma_semaphore, #tpu.memory_space<semaphore_mem>>) src(%dma_wait3A_464 : memref<2x2x80xi32, #tpu.memory_space<hbm>>) dst(%arg6 : memref<2x2x80xi32, #tpu.memory_space<vmem>>)
        %dma_start3A_465 = arith.constant 0 : i32
        %dma_start3A_466 = arith.constant 0 : i32
        %dma_start3A_467 = arith.constant 0 : i32
        %dma_start3A_468 = tpu.memref_slice %arg6[%dma_start3A_465, %dma_start3A_466, %dma_start3A_467] : memref<2x2x80xi32, #tpu.memory_space<vmem>> -> memref<1x1x80xi32, #tpu.memory_space<vmem>>
        %dma_start3A_469 = tpu.memref_squeeze %dma_start3A_468 : memref<1x1x80xi32, #tpu.memory_space<vmem>> -> memref<80xi32, #tpu.memory_space<vmem>>
        %dma_start3A_470 = arith.constant 0 : i32
        %dma_start3A_471 = arith.constant 0 : i32
        %dma_start3A_472 = tpu.memref_slice %arg2[%dma_start3A_470, %dma_start3A_471] : memref<10000x128xf32, #tpu.memory_space<hbm>> -> memref<10000x128xf32, #tpu.memory_space<hbm>>
        tpu.enqueue_indirect_dma source(%dma_start3A_472 : memref<10000x128xf32, #tpu.memory_space<hbm>>) target(%arg11 : memref<80x128xf32, #tpu.memory_space<vmem>>) offsets(%dma_start3A_469 : memref<80xi32, #tpu.memory_space<vmem>>) semaphore(%arg16 : memref<!tpu.dma_semaphore, #tpu.memory_space<semaphore_mem>>)
        %dma_start3A_473 = arith.constant 0 : i32
        %dma_start3A_474 = arith.constant 1 : i32
        %dma_start3A_475 = arith.constant 0 : i32
        %dma_start3A_476 = tpu.memref_slice %arg6[%dma_start3A_473, %dma_start3A_474, %dma_start3A_475] : memref<2x2x80xi32, #tpu.memory_space<vmem>> -> memref<1x1x80xi32, #tpu.memory_space<vmem>>
        %dma_start3A_477 = tpu.memref_squeeze %dma_start3A_476 : memref<1x1x80xi32, #tpu.memory_space<vmem>> -> memref<80xi32, #tpu.memory_space<vmem>>
        %dma_start3A_478 = arith.constant 0 : i32
        %dma_start3A_479 = arith.constant 0 : i32
        %dma_start3A_480 = tpu.memref_slice %arg2[%dma_start3A_478, %dma_start3A_479] : memref<10000x128xf32, #tpu.memory_space<hbm>> -> memref<10000x128xf32, #tpu.memory_space<hbm>>
        tpu.enqueue_indirect_dma source(%dma_start3A_480 : memref<10000x128xf32, #tpu.memory_space<hbm>>) target(%arg12 : memref<80x128xf32, #tpu.memory_space<vmem>>) offsets(%dma_start3A_477 : memref<80xi32, #tpu.memory_space<vmem>>) semaphore(%arg17 : memref<!tpu.dma_semaphore, #tpu.memory_space<semaphore_mem>>)
      } else {
      }
      %add3A_287 = arith.constant 1 : i32
      %add3A_288 = arith.addi %add3A_235, %add3A_287 : i32
      %dma_wait3A_289 = arith.constant 0 : i32
      %dma_wait3A_290 = arith.constant 0 : i32
      %dma_wait3A_291 = arith.constant 0 : i32
      %dma_wait3A_292 = tpu.memref_slice %arg6[%dma_wait3A_289, %dma_wait3A_290, %dma_wait3A_291] : memref<2x2x80xi32, #tpu.memory_space<vmem>> -> memref<1x1x80xi32, #tpu.memory_space<vmem>>
      %dma_wait3A_293 = tpu.memref_squeeze %dma_wait3A_292 : memref<1x1x80xi32, #tpu.memory_space<vmem>> -> memref<80xi32, #tpu.memory_space<vmem>>
      %dma_wait3A_294 = arith.constant 0 : i32
      %dma_wait3A_295 = arith.constant 0 : i32
      %dma_wait3A_296 = tpu.memref_slice %arg2[%dma_wait3A_294, %dma_wait3A_295] : memref<10000x128xf32, #tpu.memory_space<hbm>> -> memref<10000x128xf32, #tpu.memory_space<hbm>>
      tpu.wait_indirect_dma semaphore(%arg16 : memref<!tpu.dma_semaphore, #tpu.memory_space<semaphore_mem>>) src(%dma_wait3A_296 : memref<10000x128xf32, #tpu.memory_space<hbm>>) dst(%arg11 : memref<80x128xf32, #tpu.memory_space<vmem>>)
      %dma_start3A_297 = arith.constant 1 : i32
      %dma_start3A_298 = arith.constant 0 : i32
      %dma_start3A_299 = arith.constant 0 : i32
      %dma_start3A_300 = tpu.memref_slice %arg6[%dma_start3A_297, %dma_start3A_298, %dma_start3A_299] : memref<2x2x80xi32, #tpu.memory_space<vmem>> -> memref<1x1x80xi32, #tpu.memory_space<vmem>>
      %dma_start3A_301 = tpu.memref_squeeze %dma_start3A_300 : memref<1x1x80xi32, #tpu.memory_space<vmem>> -> memref<80xi32, #tpu.memory_space<vmem>>
      %dma_start3A_302 = arith.constant 0 : i32
      %dma_start3A_303 = arith.constant 0 : i32
      %dma_start3A_304 = tpu.memref_slice %arg13[%dma_start3A_302, %dma_start3A_303] : memref<10112x128xf32, #tpu.memory_space<vmem_shared>> -> memref<10112x128xf32, #tpu.memory_space<vmem_shared>>
      tpu.enqueue_indirect_dma source(%arg11 : memref<80x128xf32, #tpu.memory_space<vmem>>) target(%dma_start3A_304 : memref<10112x128xf32, #tpu.memory_space<vmem_shared>>) offsets(%dma_start3A_301 : memref<80xi32, #tpu.memory_space<vmem>>) semaphore(%arg20 : memref<!tpu.dma_semaphore, #tpu.memory_space<semaphore_mem>>) {add = true}
      %dma_wait3A_305 = arith.constant 0 : i32
      %dma_wait3A_306 = arith.constant 1 : i32
      %dma_wait3A_307 = arith.constant 0 : i32
      %dma_wait3A_308 = tpu.memref_slice %arg6[%dma_wait3A_305, %dma_wait3A_306, %dma_wait3A_307] : memref<2x2x80xi32, #tpu.memory_space<vmem>> -> memref<1x1x80xi32, #tpu.memory_space<vmem>>
      %dma_wait3A_309 = tpu.memref_squeeze %dma_wait3A_308 : memref<1x1x80xi32, #tpu.memory_space<vmem>> -> memref<80xi32, #tpu.memory_space<vmem>>
      %dma_wait3A_310 = arith.constant 0 : i32
      %dma_wait3A_311 = arith.constant 0 : i32
      %dma_wait3A_312 = tpu.memref_slice %arg2[%dma_wait3A_310, %dma_wait3A_311] : memref<10000x128xf32, #tpu.memory_space<hbm>> -> memref<10000x128xf32, #tpu.memory_space<hbm>>
      tpu.wait_indirect_dma semaphore(%arg17 : memref<!tpu.dma_semaphore, #tpu.memory_space<semaphore_mem>>) src(%dma_wait3A_312 : memref<10000x128xf32, #tpu.memory_space<hbm>>) dst(%arg12 : memref<80x128xf32, #tpu.memory_space<vmem>>)
      %dma_start3A_313 = arith.constant 1 : i32
      %dma_start3A_314 = arith.constant 1 : i32
      %dma_start3A_315 = arith.constant 0 : i32
      %dma_start3A_316 = tpu.memref_slice %arg6[%dma_start3A_313, %dma_start3A_314, %dma_start3A_315] : memref<2x2x80xi32, #tpu.memory_space<vmem>> -> memref<1x1x80xi32, #tpu.memory_space<vmem>>
      %dma_start3A_317 = tpu.memref_squeeze %dma_start3A_316 : memref<1x1x80xi32, #tpu.memory_space<vmem>> -> memref<80xi32, #tpu.memory_space<vmem>>
      %dma_start3A_318 = arith.constant 0 : i32
      %dma_start3A_319 = arith.constant 0 : i32
      %dma_start3A_320 = tpu.memref_slice %arg13[%dma_start3A_318, %dma_start3A_319] : memref<10112x128xf32, #tpu.memory_space<vmem_shared>> -> memref<10112x128xf32, #tpu.memory_space<vmem_shared>>
      tpu.enqueue_indirect_dma source(%arg12 : memref<80x128xf32, #tpu.memory_space<vmem>>) target(%dma_start3A_320 : memref<10112x128xf32, #tpu.memory_space<vmem_shared>>) offsets(%dma_start3A_317 : memref<80xi32, #tpu.memory_space<vmem>>) semaphore(%arg21 : memref<!tpu.dma_semaphore, #tpu.memory_space<semaphore_mem>>) {add = true}
      %add3A_321 = arith.constant 2 : i32
      %add3A_322 = arith.addi %add3A_288, %add3A_321 : i32
      %sub3A_323 = arith.constant 1 : i32
      %sub3A_324 = arith.subi %select_n3A, %sub3A_323 : i32
      %le3A_325 = arith.cmpi sle, %add3A_322, %sub3A_324 : i32
      %convert_element_type3A_326 = arith.extui %le3A_325 : i1 to i32
      %cond3A_327 = arith.constant 0 : i32
      %cond3A_328 = arith.cmpi ne, %convert_element_type3A_326, %cond3A_327 : i32
      scf.if %cond3A_328 {
        %add3A_452 = arith.addi %mul3A_0, %add3A_288 : i32
        %add3A_453 = arith.constant 2 : i32
        %add3A_454 = arith.addi %add3A_452, %add3A_453 : i32
        %dma_start3A_455 = arith.constant 0 : i32
        %dma_start3A_456 = arith.constant 0 : i32
        %dma_start3A_457 = arith.constant 0 : i32
        %dma_start3A_458 = tpu.memref_slice %arg3[%arg1, %add3A_454, %dma_start3A_455, %dma_start3A_456, %dma_start3A_457] : memref<16x128x2x2x80xi32, #tpu.memory_space<hbm>> -> memref<1x1x2x2x80xi32, #tpu.memory_space<hbm>>
        %dma_start3A_459 = tpu.memref_squeeze %dma_start3A_458 : memref<1x1x2x2x80xi32, #tpu.memory_space<hbm>> -> memref<2x2x80xi32, #tpu.memory_space<hbm>>
        %dma_start3A_460 = arith.constant 0 : i32
        %dma_start3A_461 = arith.constant 0 : i32
        %dma_start3A_462 = arith.constant 0 : i32
        %dma_start3A_463 = tpu.memref_slice %arg3[%arg1, %add3A_454, %dma_start3A_460, %dma_start3A_461, %dma_start3A_462] : memref<16x128x2x2x80xi32, #tpu.memory_space<hbm>> -> memref<1x1x2x2x80xi32, #tpu.memory_space<hbm>>
        %dma_start3A_464 = tpu.memref_squeeze %dma_start3A_463 : memref<1x1x2x2x80xi32, #tpu.memory_space<hbm>> -> memref<2x2x80xi32, #tpu.memory_space<hbm>>
        tpu.enqueue_dma source(%dma_start3A_464 : memref<2x2x80xi32, #tpu.memory_space<hbm>>) target(%arg8 : memref<2x2x80xi32, #tpu.memory_space<vmem>>) target_semaphore(%arg25 : memref<!tpu.dma_semaphore, #tpu.memory_space<semaphore_mem>>)
      } else {
      }
      %ge3A_329 = arith.constant 1 : i32
      %ge3A_330 = arith.cmpi sge, %add3A_288, %ge3A_329 : i32
      %convert_element_type3A_331 = arith.extui %ge3A_330 : i1 to i32
      %cond3A_332 = arith.constant 0 : i32
      %cond3A_333 = arith.cmpi ne, %convert_element_type3A_331, %cond3A_332 : i32
      scf.if %cond3A_333 {
        %dma_wait3A_452 = arith.constant 1 : i32
        %dma_wait3A_453 = arith.constant 0 : i32
        %dma_wait3A_454 = arith.constant 0 : i32
        %dma_wait3A_455 = tpu.memref_slice %arg5[%dma_wait3A_452, %dma_wait3A_453, %dma_wait3A_454] : memref<2x2x80xi32, #tpu.memory_space<vmem>> -> memref<1x1x80xi32, #tpu.memory_space<vmem>>
        %dma_wait3A_456 = tpu.memref_squeeze %dma_wait3A_455 : memref<1x1x80xi32, #tpu.memory_space<vmem>> -> memref<80xi32, #tpu.memory_space<vmem>>
        %dma_wait3A_457 = arith.constant 0 : i32
        %dma_wait3A_458 = arith.constant 0 : i32
        %dma_wait3A_459 = tpu.memref_slice %arg13[%dma_wait3A_457, %dma_wait3A_458] : memref<10112x128xf32, #tpu.memory_space<vmem_shared>> -> memref<10112x128xf32, #tpu.memory_space<vmem_shared>>
        tpu.wait_indirect_dma semaphore(%arg18 : memref<!tpu.dma_semaphore, #tpu.memory_space<semaphore_mem>>) src(%arg9 : memref<80x128xf32, #tpu.memory_space<vmem>>) dst(%dma_wait3A_459 : memref<10112x128xf32, #tpu.memory_space<vmem_shared>>)
        %dma_wait3A_460 = arith.constant 1 : i32
        %dma_wait3A_461 = arith.constant 1 : i32
        %dma_wait3A_462 = arith.constant 0 : i32
        %dma_wait3A_463 = tpu.memref_slice %arg5[%dma_wait3A_460, %dma_wait3A_461, %dma_wait3A_462] : memref<2x2x80xi32, #tpu.memory_space<vmem>> -> memref<1x1x80xi32, #tpu.memory_space<vmem>>
        %dma_wait3A_464 = tpu.memref_squeeze %dma_wait3A_463 : memref<1x1x80xi32, #tpu.memory_space<vmem>> -> memref<80xi32, #tpu.memory_space<vmem>>
        %dma_wait3A_465 = arith.constant 0 : i32
        %dma_wait3A_466 = arith.constant 0 : i32
        %dma_wait3A_467 = tpu.memref_slice %arg13[%dma_wait3A_465, %dma_wait3A_466] : memref<10112x128xf32, #tpu.memory_space<vmem_shared>> -> memref<10112x128xf32, #tpu.memory_space<vmem_shared>>
        tpu.wait_indirect_dma semaphore(%arg19 : memref<!tpu.dma_semaphore, #tpu.memory_space<semaphore_mem>>) src(%arg10 : memref<80x128xf32, #tpu.memory_space<vmem>>) dst(%dma_wait3A_467 : memref<10112x128xf32, #tpu.memory_space<vmem_shared>>)
      } else {
      }
      %add3A_334 = arith.constant 1 : i32
      %add3A_335 = arith.addi %add3A_288, %add3A_334 : i32
      %sub3A_336 = arith.constant 1 : i32
      %sub3A_337 = arith.subi %select_n3A, %sub3A_336 : i32
      %le3A_338 = arith.cmpi sle, %add3A_335, %sub3A_337 : i32
      %convert_element_type3A_339 = arith.extui %le3A_338 : i1 to i32
      %cond3A_340 = arith.constant 0 : i32
      %cond3A_341 = arith.cmpi ne, %convert_element_type3A_339, %cond3A_340 : i32
      scf.if %cond3A_341 {
        %add3A_452 = arith.addi %mul3A_0, %add3A_288 : i32
        %add3A_453 = arith.constant 1 : i32
        %add3A_454 = arith.addi %add3A_452, %add3A_453 : i32
        %dma_wait3A_455 = arith.constant 0 : i32
        %dma_wait3A_456 = arith.constant 0 : i32
        %dma_wait3A_457 = arith.constant 0 : i32
        %dma_wait3A_458 = tpu.memref_slice %arg3[%arg1, %add3A_454, %dma_wait3A_455, %dma_wait3A_456, %dma_wait3A_457] : memref<16x128x2x2x80xi32, #tpu.memory_space<hbm>> -> memref<1x1x2x2x80xi32, #tpu.memory_space<hbm>>
        %dma_wait3A_459 = tpu.memref_squeeze %dma_wait3A_458 : memref<1x1x2x2x80xi32, #tpu.memory_space<hbm>> -> memref<2x2x80xi32, #tpu.memory_space<hbm>>
        %dma_wait3A_460 = arith.constant 0 : i32
        %dma_wait3A_461 = arith.constant 0 : i32
        %dma_wait3A_462 = arith.constant 0 : i32
        %dma_wait3A_463 = tpu.memref_slice %arg3[%arg1, %add3A_454, %dma_wait3A_460, %dma_wait3A_461, %dma_wait3A_462] : memref<16x128x2x2x80xi32, #tpu.memory_space<hbm>> -> memref<1x1x2x2x80xi32, #tpu.memory_space<hbm>>
        %dma_wait3A_464 = tpu.memref_squeeze %dma_wait3A_463 : memref<1x1x2x2x80xi32, #tpu.memory_space<hbm>> -> memref<2x2x80xi32, #tpu.memory_space<hbm>>
        tpu.wait_dma2 semaphore(%arg24 : memref<!tpu.dma_semaphore, #tpu.memory_space<semaphore_mem>>) src(%dma_wait3A_464 : memref<2x2x80xi32, #tpu.memory_space<hbm>>) dst(%arg7 : memref<2x2x80xi32, #tpu.memory_space<vmem>>)
        %dma_start3A_465 = arith.constant 0 : i32
        %dma_start3A_466 = arith.constant 0 : i32
        %dma_start3A_467 = arith.constant 0 : i32
        %dma_start3A_468 = tpu.memref_slice %arg7[%dma_start3A_465, %dma_start3A_466, %dma_start3A_467] : memref<2x2x80xi32, #tpu.memory_space<vmem>> -> memref<1x1x80xi32, #tpu.memory_space<vmem>>
        %dma_start3A_469 = tpu.memref_squeeze %dma_start3A_468 : memref<1x1x80xi32, #tpu.memory_space<vmem>> -> memref<80xi32, #tpu.memory_space<vmem>>
        %dma_start3A_470 = arith.constant 0 : i32
        %dma_start3A_471 = arith.constant 0 : i32
        %dma_start3A_472 = tpu.memref_slice %arg2[%dma_start3A_470, %dma_start3A_471] : memref<10000x128xf32, #tpu.memory_space<hbm>> -> memref<10000x128xf32, #tpu.memory_space<hbm>>
        tpu.enqueue_indirect_dma source(%dma_start3A_472 : memref<10000x128xf32, #tpu.memory_space<hbm>>) target(%arg9 : memref<80x128xf32, #tpu.memory_space<vmem>>) offsets(%dma_start3A_469 : memref<80xi32, #tpu.memory_space<vmem>>) semaphore(%arg14 : memref<!tpu.dma_semaphore, #tpu.memory_space<semaphore_mem>>)
        %dma_start3A_473 = arith.constant 0 : i32
        %dma_start3A_474 = arith.constant 1 : i32
        %dma_start3A_475 = arith.constant 0 : i32
        %dma_start3A_476 = tpu.memref_slice %arg7[%dma_start3A_473, %dma_start3A_474, %dma_start3A_475] : memref<2x2x80xi32, #tpu.memory_space<vmem>> -> memref<1x1x80xi32, #tpu.memory_space<vmem>>
        %dma_start3A_477 = tpu.memref_squeeze %dma_start3A_476 : memref<1x1x80xi32, #tpu.memory_space<vmem>> -> memref<80xi32, #tpu.memory_space<vmem>>
        %dma_start3A_478 = arith.constant 0 : i32
        %dma_start3A_479 = arith.constant 0 : i32
        %dma_start3A_480 = tpu.memref_slice %arg2[%dma_start3A_478, %dma_start3A_479] : memref<10000x128xf32, #tpu.memory_space<hbm>> -> memref<10000x128xf32, #tpu.memory_space<hbm>>
        tpu.enqueue_indirect_dma source(%dma_start3A_480 : memref<10000x128xf32, #tpu.memory_space<hbm>>) target(%arg10 : memref<80x128xf32, #tpu.memory_space<vmem>>) offsets(%dma_start3A_477 : memref<80xi32, #tpu.memory_space<vmem>>) semaphore(%arg15 : memref<!tpu.dma_semaphore, #tpu.memory_space<semaphore_mem>>)
      } else {
      }
      %add3A_342 = arith.constant 2 : i32
      %add3A_343 = arith.addi %add3A_235, %add3A_342 : i32
      %dma_wait3A_344 = arith.constant 0 : i32
      %dma_wait3A_345 = arith.constant 0 : i32
      %dma_wait3A_346 = arith.constant 0 : i32
      %dma_wait3A_347 = tpu.memref_slice %arg7[%dma_wait3A_344, %dma_wait3A_345, %dma_wait3A_346] : memref<2x2x80xi32, #tpu.memory_space<vmem>> -> memref<1x1x80xi32, #tpu.memory_space<vmem>>
      %dma_wait3A_348 = tpu.memref_squeeze %dma_wait3A_347 : memref<1x1x80xi32, #tpu.memory_space<vmem>> -> memref<80xi32, #tpu.memory_space<vmem>>
      %dma_wait3A_349 = arith.constant 0 : i32
      %dma_wait3A_350 = arith.constant 0 : i32
      %dma_wait3A_351 = tpu.memref_slice %arg2[%dma_wait3A_349, %dma_wait3A_350] : memref<10000x128xf32, #tpu.memory_space<hbm>> -> memref<10000x128xf32, #tpu.memory_space<hbm>>
      tpu.wait_indirect_dma semaphore(%arg14 : memref<!tpu.dma_semaphore, #tpu.memory_space<semaphore_mem>>) src(%dma_wait3A_351 : memref<10000x128xf32, #tpu.memory_space<hbm>>) dst(%arg9 : memref<80x128xf32, #tpu.memory_space<vmem>>)
      %dma_start3A_352 = arith.constant 1 : i32
      %dma_start3A_353 = arith.constant 0 : i32
      %dma_start3A_354 = arith.constant 0 : i32
      %dma_start3A_355 = tpu.memref_slice %arg7[%dma_start3A_352, %dma_start3A_353, %dma_start3A_354] : memref<2x2x80xi32, #tpu.memory_space<vmem>> -> memref<1x1x80xi32, #tpu.memory_space<vmem>>
      %dma_start3A_356 = tpu.memref_squeeze %dma_start3A_355 : memref<1x1x80xi32, #tpu.memory_space<vmem>> -> memref<80xi32, #tpu.memory_space<vmem>>
      %dma_start3A_357 = arith.constant 0 : i32
      %dma_start3A_358 = arith.constant 0 : i32
      %dma_start3A_359 = tpu.memref_slice %arg13[%dma_start3A_357, %dma_start3A_358] : memref<10112x128xf32, #tpu.memory_space<vmem_shared>> -> memref<10112x128xf32, #tpu.memory_space<vmem_shared>>
      tpu.enqueue_indirect_dma source(%arg9 : memref<80x128xf32, #tpu.memory_space<vmem>>) target(%dma_start3A_359 : memref<10112x128xf32, #tpu.memory_space<vmem_shared>>) offsets(%dma_start3A_356 : memref<80xi32, #tpu.memory_space<vmem>>) semaphore(%arg18 : memref<!tpu.dma_semaphore, #tpu.memory_space<semaphore_mem>>) {add = true}
      %dma_wait3A_360 = arith.constant 0 : i32
      %dma_wait3A_361 = arith.constant 1 : i32
      %dma_wait3A_362 = arith.constant 0 : i32
      %dma_wait3A_363 = tpu.memref_slice %arg7[%dma_wait3A_360, %dma_wait3A_361, %dma_wait3A_362] : memref<2x2x80xi32, #tpu.memory_space<vmem>> -> memref<1x1x80xi32, #tpu.memory_space<vmem>>
      %dma_wait3A_364 = tpu.memref_squeeze %dma_wait3A_363 : memref<1x1x80xi32, #tpu.memory_space<vmem>> -> memref<80xi32, #tpu.memory_space<vmem>>
      %dma_wait3A_365 = arith.constant 0 : i32
      %dma_wait3A_366 = arith.constant 0 : i32
      %dma_wait3A_367 = tpu.memref_slice %arg2[%dma_wait3A_365, %dma_wait3A_366] : memref<10000x128xf32, #tpu.memory_space<hbm>> -> memref<10000x128xf32, #tpu.memory_space<hbm>>
      tpu.wait_indirect_dma semaphore(%arg15 : memref<!tpu.dma_semaphore, #tpu.memory_space<semaphore_mem>>) src(%dma_wait3A_367 : memref<10000x128xf32, #tpu.memory_space<hbm>>) dst(%arg10 : memref<80x128xf32, #tpu.memory_space<vmem>>)
      %dma_start3A_368 = arith.constant 1 : i32
      %dma_start3A_369 = arith.constant 1 : i32
      %dma_start3A_370 = arith.constant 0 : i32
      %dma_start3A_371 = tpu.memref_slice %arg7[%dma_start3A_368, %dma_start3A_369, %dma_start3A_370] : memref<2x2x80xi32, #tpu.memory_space<vmem>> -> memref<1x1x80xi32, #tpu.memory_space<vmem>>
      %dma_start3A_372 = tpu.memref_squeeze %dma_start3A_371 : memref<1x1x80xi32, #tpu.memory_space<vmem>> -> memref<80xi32, #tpu.memory_space<vmem>>
      %dma_start3A_373 = arith.constant 0 : i32
      %dma_start3A_374 = arith.constant 0 : i32
      %dma_start3A_375 = tpu.memref_slice %arg13[%dma_start3A_373, %dma_start3A_374] : memref<10112x128xf32, #tpu.memory_space<vmem_shared>> -> memref<10112x128xf32, #tpu.memory_space<vmem_shared>>
      tpu.enqueue_indirect_dma source(%arg10 : memref<80x128xf32, #tpu.memory_space<vmem>>) target(%dma_start3A_375 : memref<10112x128xf32, #tpu.memory_space<vmem_shared>>) offsets(%dma_start3A_372 : memref<80xi32, #tpu.memory_space<vmem>>) semaphore(%arg19 : memref<!tpu.dma_semaphore, #tpu.memory_space<semaphore_mem>>) {add = true}
      %add3A_376 = arith.constant 2 : i32
      %add3A_377 = arith.addi %add3A_343, %add3A_376 : i32
      %sub3A_378 = arith.constant 1 : i32
      %sub3A_379 = arith.subi %select_n3A, %sub3A_378 : i32
      %le3A_380 = arith.cmpi sle, %add3A_377, %sub3A_379 : i32
      %convert_element_type3A_381 = arith.extui %le3A_380 : i1 to i32
      %cond3A_382 = arith.constant 0 : i32
      %cond3A_383 = arith.cmpi ne, %convert_element_type3A_381, %cond3A_382 : i32
      scf.if %cond3A_383 {
        %add3A_452 = arith.addi %mul3A_0, %add3A_343 : i32
        %add3A_453 = arith.constant 2 : i32
        %add3A_454 = arith.addi %add3A_452, %add3A_453 : i32
        %dma_start3A_455 = arith.constant 0 : i32
        %dma_start3A_456 = arith.constant 0 : i32
        %dma_start3A_457 = arith.constant 0 : i32
        %dma_start3A_458 = tpu.memref_slice %arg3[%arg1, %add3A_454, %dma_start3A_455, %dma_start3A_456, %dma_start3A_457] : memref<16x128x2x2x80xi32, #tpu.memory_space<hbm>> -> memref<1x1x2x2x80xi32, #tpu.memory_space<hbm>>
        %dma_start3A_459 = tpu.memref_squeeze %dma_start3A_458 : memref<1x1x2x2x80xi32, #tpu.memory_space<hbm>> -> memref<2x2x80xi32, #tpu.memory_space<hbm>>
        %dma_start3A_460 = arith.constant 0 : i32
        %dma_start3A_461 = arith.constant 0 : i32
        %dma_start3A_462 = arith.constant 0 : i32
        %dma_start3A_463 = tpu.memref_slice %arg3[%arg1, %add3A_454, %dma_start3A_460, %dma_start3A_461, %dma_start3A_462] : memref<16x128x2x2x80xi32, #tpu.memory_space<hbm>> -> memref<1x1x2x2x80xi32, #tpu.memory_space<hbm>>
        %dma_start3A_464 = tpu.memref_squeeze %dma_start3A_463 : memref<1x1x2x2x80xi32, #tpu.memory_space<hbm>> -> memref<2x2x80xi32, #tpu.memory_space<hbm>>
        tpu.enqueue_dma source(%dma_start3A_464 : memref<2x2x80xi32, #tpu.memory_space<hbm>>) target(%arg5 : memref<2x2x80xi32, #tpu.memory_space<vmem>>) target_semaphore(%arg22 : memref<!tpu.dma_semaphore, #tpu.memory_space<semaphore_mem>>)
      } else {
      }
      %ge3A_384 = arith.constant 1 : i32
      %ge3A_385 = arith.cmpi sge, %add3A_343, %ge3A_384 : i32
      %convert_element_type3A_386 = arith.extui %ge3A_385 : i1 to i32
      %cond3A_387 = arith.constant 0 : i32
      %cond3A_388 = arith.cmpi ne, %convert_element_type3A_386, %cond3A_387 : i32
      scf.if %cond3A_388 {
        %dma_wait3A_452 = arith.constant 1 : i32
        %dma_wait3A_453 = arith.constant 0 : i32
        %dma_wait3A_454 = arith.constant 0 : i32
        %dma_wait3A_455 = tpu.memref_slice %arg6[%dma_wait3A_452, %dma_wait3A_453, %dma_wait3A_454] : memref<2x2x80xi32, #tpu.memory_space<vmem>> -> memref<1x1x80xi32, #tpu.memory_space<vmem>>
        %dma_wait3A_456 = tpu.memref_squeeze %dma_wait3A_455 : memref<1x1x80xi32, #tpu.memory_space<vmem>> -> memref<80xi32, #tpu.memory_space<vmem>>
        %dma_wait3A_457 = arith.constant 0 : i32
        %dma_wait3A_458 = arith.constant 0 : i32
        %dma_wait3A_459 = tpu.memref_slice %arg13[%dma_wait3A_457, %dma_wait3A_458] : memref<10112x128xf32, #tpu.memory_space<vmem_shared>> -> memref<10112x128xf32, #tpu.memory_space<vmem_shared>>
        tpu.wait_indirect_dma semaphore(%arg20 : memref<!tpu.dma_semaphore, #tpu.memory_space<semaphore_mem>>) src(%arg11 : memref<80x128xf32, #tpu.memory_space<vmem>>) dst(%dma_wait3A_459 : memref<10112x128xf32, #tpu.memory_space<vmem_shared>>)
        %dma_wait3A_460 = arith.constant 1 : i32
        %dma_wait3A_461 = arith.constant 1 : i32
        %dma_wait3A_462 = arith.constant 0 : i32
        %dma_wait3A_463 = tpu.memref_slice %arg6[%dma_wait3A_460, %dma_wait3A_461, %dma_wait3A_462] : memref<2x2x80xi32, #tpu.memory_space<vmem>> -> memref<1x1x80xi32, #tpu.memory_space<vmem>>
        %dma_wait3A_464 = tpu.memref_squeeze %dma_wait3A_463 : memref<1x1x80xi32, #tpu.memory_space<vmem>> -> memref<80xi32, #tpu.memory_space<vmem>>
        %dma_wait3A_465 = arith.constant 0 : i32
        %dma_wait3A_466 = arith.constant 0 : i32
        %dma_wait3A_467 = tpu.memref_slice %arg13[%dma_wait3A_465, %dma_wait3A_466] : memref<10112x128xf32, #tpu.memory_space<vmem_shared>> -> memref<10112x128xf32, #tpu.memory_space<vmem_shared>>
        tpu.wait_indirect_dma semaphore(%arg21 : memref<!tpu.dma_semaphore, #tpu.memory_space<semaphore_mem>>) src(%arg12 : memref<80x128xf32, #tpu.memory_space<vmem>>) dst(%dma_wait3A_467 : memref<10112x128xf32, #tpu.memory_space<vmem_shared>>)
      } else {
      }
      %add3A_389 = arith.constant 1 : i32
      %add3A_390 = arith.addi %add3A_343, %add3A_389 : i32
      %sub3A_391 = arith.constant 1 : i32
      %sub3A_392 = arith.subi %select_n3A, %sub3A_391 : i32
      %le3A_393 = arith.cmpi sle, %add3A_390, %sub3A_392 : i32
      %convert_element_type3A_394 = arith.extui %le3A_393 : i1 to i32
      %cond3A_395 = arith.constant 0 : i32
      %cond3A_396 = arith.cmpi ne, %convert_element_type3A_394, %cond3A_395 : i32
      scf.if %cond3A_396 {
        %add3A_452 = arith.addi %mul3A_0, %add3A_343 : i32
        %add3A_453 = arith.constant 1 : i32
        %add3A_454 = arith.addi %add3A_452, %add3A_453 : i32
        %dma_wait3A_455 = arith.constant 0 : i32
        %dma_wait3A_456 = arith.constant 0 : i32
        %dma_wait3A_457 = arith.constant 0 : i32
        %dma_wait3A_458 = tpu.memref_slice %arg3[%arg1, %add3A_454, %dma_wait3A_455, %dma_wait3A_456, %dma_wait3A_457] : memref<16x128x2x2x80xi32, #tpu.memory_space<hbm>> -> memref<1x1x2x2x80xi32, #tpu.memory_space<hbm>>
        %dma_wait3A_459 = tpu.memref_squeeze %dma_wait3A_458 : memref<1x1x2x2x80xi32, #tpu.memory_space<hbm>> -> memref<2x2x80xi32, #tpu.memory_space<hbm>>
        %dma_wait3A_460 = arith.constant 0 : i32
        %dma_wait3A_461 = arith.constant 0 : i32
        %dma_wait3A_462 = arith.constant 0 : i32
        %dma_wait3A_463 = tpu.memref_slice %arg3[%arg1, %add3A_454, %dma_wait3A_460, %dma_wait3A_461, %dma_wait3A_462] : memref<16x128x2x2x80xi32, #tpu.memory_space<hbm>> -> memref<1x1x2x2x80xi32, #tpu.memory_space<hbm>>
        %dma_wait3A_464 = tpu.memref_squeeze %dma_wait3A_463 : memref<1x1x2x2x80xi32, #tpu.memory_space<hbm>> -> memref<2x2x80xi32, #tpu.memory_space<hbm>>
        tpu.wait_dma2 semaphore(%arg25 : memref<!tpu.dma_semaphore, #tpu.memory_space<semaphore_mem>>) src(%dma_wait3A_464 : memref<2x2x80xi32, #tpu.memory_space<hbm>>) dst(%arg8 : memref<2x2x80xi32, #tpu.memory_space<vmem>>)
        %dma_start3A_465 = arith.constant 0 : i32
        %dma_start3A_466 = arith.constant 0 : i32
        %dma_start3A_467 = arith.constant 0 : i32
        %dma_start3A_468 = tpu.memref_slice %arg8[%dma_start3A_465, %dma_start3A_466, %dma_start3A_467] : memref<2x2x80xi32, #tpu.memory_space<vmem>> -> memref<1x1x80xi32, #tpu.memory_space<vmem>>
        %dma_start3A_469 = tpu.memref_squeeze %dma_start3A_468 : memref<1x1x80xi32, #tpu.memory_space<vmem>> -> memref<80xi32, #tpu.memory_space<vmem>>
        %dma_start3A_470 = arith.constant 0 : i32
        %dma_start3A_471 = arith.constant 0 : i32
        %dma_start3A_472 = tpu.memref_slice %arg2[%dma_start3A_470, %dma_start3A_471] : memref<10000x128xf32, #tpu.memory_space<hbm>> -> memref<10000x128xf32, #tpu.memory_space<hbm>>
        tpu.enqueue_indirect_dma source(%dma_start3A_472 : memref<10000x128xf32, #tpu.memory_space<hbm>>) target(%arg11 : memref<80x128xf32, #tpu.memory_space<vmem>>) offsets(%dma_start3A_469 : memref<80xi32, #tpu.memory_space<vmem>>) semaphore(%arg16 : memref<!tpu.dma_semaphore, #tpu.memory_space<semaphore_mem>>)
        %dma_start3A_473 = arith.constant 0 : i32
        %dma_start3A_474 = arith.constant 1 : i32
        %dma_start3A_475 = arith.constant 0 : i32
        %dma_start3A_476 = tpu.memref_slice %arg8[%dma_start3A_473, %dma_start3A_474, %dma_start3A_475] : memref<2x2x80xi32, #tpu.memory_space<vmem>> -> memref<1x1x80xi32, #tpu.memory_space<vmem>>
        %dma_start3A_477 = tpu.memref_squeeze %dma_start3A_476 : memref<1x1x80xi32, #tpu.memory_space<vmem>> -> memref<80xi32, #tpu.memory_space<vmem>>
        %dma_start3A_478 = arith.constant 0 : i32
        %dma_start3A_479 = arith.constant 0 : i32
        %dma_start3A_480 = tpu.memref_slice %arg2[%dma_start3A_478, %dma_start3A_479] : memref<10000x128xf32, #tpu.memory_space<hbm>> -> memref<10000x128xf32, #tpu.memory_space<hbm>>
        tpu.enqueue_indirect_dma source(%dma_start3A_480 : memref<10000x128xf32, #tpu.memory_space<hbm>>) target(%arg12 : memref<80x128xf32, #tpu.memory_space<vmem>>) offsets(%dma_start3A_477 : memref<80xi32, #tpu.memory_space<vmem>>) semaphore(%arg17 : memref<!tpu.dma_semaphore, #tpu.memory_space<semaphore_mem>>)
      } else {
      }
      %add3A_397 = arith.constant 3 : i32
      %add3A_398 = arith.addi %add3A_235, %add3A_397 : i32
      %dma_wait3A_399 = arith.constant 0 : i32
      %dma_wait3A_400 = arith.constant 0 : i32
      %dma_wait3A_401 = arith.constant 0 : i32
      %dma_wait3A_402 = tpu.memref_slice %arg8[%dma_wait3A_399, %dma_wait3A_400, %dma_wait3A_401] : memref<2x2x80xi32, #tpu.memory_space<vmem>> -> memref<1x1x80xi32, #tpu.memory_space<vmem>>
      %dma_wait3A_403 = tpu.memref_squeeze %dma_wait3A_402 : memref<1x1x80xi32, #tpu.memory_space<vmem>> -> memref<80xi32, #tpu.memory_space<vmem>>
      %dma_wait3A_404 = arith.constant 0 : i32
      %dma_wait3A_405 = arith.constant 0 : i32
      %dma_wait3A_406 = tpu.memref_slice %arg2[%dma_wait3A_404, %dma_wait3A_405] : memref<10000x128xf32, #tpu.memory_space<hbm>> -> memref<10000x128xf32, #tpu.memory_space<hbm>>
      tpu.wait_indirect_dma semaphore(%arg16 : memref<!tpu.dma_semaphore, #tpu.memory_space<semaphore_mem>>) src(%dma_wait3A_406 : memref<10000x128xf32, #tpu.memory_space<hbm>>) dst(%arg11 : memref<80x128xf32, #tpu.memory_space<vmem>>)
      %dma_start3A_407 = arith.constant 1 : i32
      %dma_start3A_408 = arith.constant 0 : i32
      %dma_start3A_409 = arith.constant 0 : i32
      %dma_start3A_410 = tpu.memref_slice %arg8[%dma_start3A_407, %dma_start3A_408, %dma_start3A_409] : memref<2x2x80xi32, #tpu.memory_space<vmem>> -> memref<1x1x80xi32, #tpu.memory_space<vmem>>
      %dma_start3A_411 = tpu.memref_squeeze %dma_start3A_410 : memref<1x1x80xi32, #tpu.memory_space<vmem>> -> memref<80xi32, #tpu.memory_space<vmem>>
      %dma_start3A_412 = arith.constant 0 : i32
      %dma_start3A_413 = arith.constant 0 : i32
      %dma_start3A_414 = tpu.memref_slice %arg13[%dma_start3A_412, %dma_start3A_413] : memref<10112x128xf32, #tpu.memory_space<vmem_shared>> -> memref<10112x128xf32, #tpu.memory_space<vmem_shared>>
      tpu.enqueue_indirect_dma source(%arg11 : memref<80x128xf32, #tpu.memory_space<vmem>>) target(%dma_start3A_414 : memref<10112x128xf32, #tpu.memory_space<vmem_shared>>) offsets(%dma_start3A_411 : memref<80xi32, #tpu.memory_space<vmem>>) semaphore(%arg20 : memref<!tpu.dma_semaphore, #tpu.memory_space<semaphore_mem>>) {add = true}
      %dma_wait3A_415 = arith.constant 0 : i32
      %dma_wait3A_416 = arith.constant 1 : i32
      %dma_wait3A_417 = arith.constant 0 : i32
      %dma_wait3A_418 = tpu.memref_slice %arg8[%dma_wait3A_415, %dma_wait3A_416, %dma_wait3A_417] : memref<2x2x80xi32, #tpu.memory_space<vmem>> -> memref<1x1x80xi32, #tpu.memory_space<vmem>>
      %dma_wait3A_419 = tpu.memref_squeeze %dma_wait3A_418 : memref<1x1x80xi32, #tpu.memory_space<vmem>> -> memref<80xi32, #tpu.memory_space<vmem>>
      %dma_wait3A_420 = arith.constant 0 : i32
      %dma_wait3A_421 = arith.constant 0 : i32
      %dma_wait3A_422 = tpu.memref_slice %arg2[%dma_wait3A_420, %dma_wait3A_421] : memref<10000x128xf32, #tpu.memory_space<hbm>> -> memref<10000x128xf32, #tpu.memory_space<hbm>>
      tpu.wait_indirect_dma semaphore(%arg17 : memref<!tpu.dma_semaphore, #tpu.memory_space<semaphore_mem>>) src(%dma_wait3A_422 : memref<10000x128xf32, #tpu.memory_space<hbm>>) dst(%arg12 : memref<80x128xf32, #tpu.memory_space<vmem>>)
      %dma_start3A_423 = arith.constant 1 : i32
      %dma_start3A_424 = arith.constant 1 : i32
      %dma_start3A_425 = arith.constant 0 : i32
      %dma_start3A_426 = tpu.memref_slice %arg8[%dma_start3A_423, %dma_start3A_424, %dma_start3A_425] : memref<2x2x80xi32, #tpu.memory_space<vmem>> -> memref<1x1x80xi32, #tpu.memory_space<vmem>>
      %dma_start3A_427 = tpu.memref_squeeze %dma_start3A_426 : memref<1x1x80xi32, #tpu.memory_space<vmem>> -> memref<80xi32, #tpu.memory_space<vmem>>
      %dma_start3A_428 = arith.constant 0 : i32
      %dma_start3A_429 = arith.constant 0 : i32
      %dma_start3A_430 = tpu.memref_slice %arg13[%dma_start3A_428, %dma_start3A_429] : memref<10112x128xf32, #tpu.memory_space<vmem_shared>> -> memref<10112x128xf32, #tpu.memory_space<vmem_shared>>
      tpu.enqueue_indirect_dma source(%arg12 : memref<80x128xf32, #tpu.memory_space<vmem>>) target(%dma_start3A_430 : memref<10112x128xf32, #tpu.memory_space<vmem_shared>>) offsets(%dma_start3A_427 : memref<80xi32, #tpu.memory_space<vmem>>) semaphore(%arg21 : memref<!tpu.dma_semaphore, #tpu.memory_space<semaphore_mem>>) {add = true}
      %add3A_431 = arith.constant 2 : i32
      %add3A_432 = arith.addi %add3A_398, %add3A_431 : i32
      %sub3A_433 = arith.constant 1 : i32
      %sub3A_434 = arith.subi %select_n3A, %sub3A_433 : i32
      %le3A_435 = arith.cmpi sle, %add3A_432, %sub3A_434 : i32
      %convert_element_type3A_436 = arith.extui %le3A_435 : i1 to i32
      %cond3A_437 = arith.constant 0 : i32
      %cond3A_438 = arith.cmpi ne, %convert_element_type3A_436, %cond3A_437 : i32
      scf.if %cond3A_438 {
        %add3A_452 = arith.addi %mul3A_0, %add3A_398 : i32
        %add3A_453 = arith.constant 2 : i32
        %add3A_454 = arith.addi %add3A_452, %add3A_453 : i32
        %dma_start3A_455 = arith.constant 0 : i32
        %dma_start3A_456 = arith.constant 0 : i32
        %dma_start3A_457 = arith.constant 0 : i32
        %dma_start3A_458 = tpu.memref_slice %arg3[%arg1, %add3A_454, %dma_start3A_455, %dma_start3A_456, %dma_start3A_457] : memref<16x128x2x2x80xi32, #tpu.memory_space<hbm>> -> memref<1x1x2x2x80xi32, #tpu.memory_space<hbm>>
        %dma_start3A_459 = tpu.memref_squeeze %dma_start3A_458 : memref<1x1x2x2x80xi32, #tpu.memory_space<hbm>> -> memref<2x2x80xi32, #tpu.memory_space<hbm>>
        %dma_start3A_460 = arith.constant 0 : i32
        %dma_start3A_461 = arith.constant 0 : i32
        %dma_start3A_462 = arith.constant 0 : i32
        %dma_start3A_463 = tpu.memref_slice %arg3[%arg1, %add3A_454, %dma_start3A_460, %dma_start3A_461, %dma_start3A_462] : memref<16x128x2x2x80xi32, #tpu.memory_space<hbm>> -> memref<1x1x2x2x80xi32, #tpu.memory_space<hbm>>
        %dma_start3A_464 = tpu.memref_squeeze %dma_start3A_463 : memref<1x1x2x2x80xi32, #tpu.memory_space<hbm>> -> memref<2x2x80xi32, #tpu.memory_space<hbm>>
        tpu.enqueue_dma source(%dma_start3A_464 : memref<2x2x80xi32, #tpu.memory_space<hbm>>) target(%arg6 : memref<2x2x80xi32, #tpu.memory_space<vmem>>) target_semaphore(%arg23 : memref<!tpu.dma_semaphore, #tpu.memory_space<semaphore_mem>>)
      } else {
      }
      %ge3A_439 = arith.constant 1 : i32
      %ge3A_440 = arith.cmpi sge, %add3A_398, %ge3A_439 : i32
      %convert_element_type3A_441 = arith.extui %ge3A_440 : i1 to i32
      %cond3A_442 = arith.constant 0 : i32
      %cond3A_443 = arith.cmpi ne, %convert_element_type3A_441, %cond3A_442 : i32
      scf.if %cond3A_443 {
        %dma_wait3A_452 = arith.constant 1 : i32
        %dma_wait3A_453 = arith.constant 0 : i32
        %dma_wait3A_454 = arith.constant 0 : i32
        %dma_wait3A_455 = tpu.memref_slice %arg7[%dma_wait3A_452, %dma_wait3A_453, %dma_wait3A_454] : memref<2x2x80xi32, #tpu.memory_space<vmem>> -> memref<1x1x80xi32, #tpu.memory_space<vmem>>
        %dma_wait3A_456 = tpu.memref_squeeze %dma_wait3A_455 : memref<1x1x80xi32, #tpu.memory_space<vmem>> -> memref<80xi32, #tpu.memory_space<vmem>>
        %dma_wait3A_457 = arith.constant 0 : i32
        %dma_wait3A_458 = arith.constant 0 : i32
        %dma_wait3A_459 = tpu.memref_slice %arg13[%dma_wait3A_457, %dma_wait3A_458] : memref<10112x128xf32, #tpu.memory_space<vmem_shared>> -> memref<10112x128xf32, #tpu.memory_space<vmem_shared>>
        tpu.wait_indirect_dma semaphore(%arg18 : memref<!tpu.dma_semaphore, #tpu.memory_space<semaphore_mem>>) src(%arg9 : memref<80x128xf32, #tpu.memory_space<vmem>>) dst(%dma_wait3A_459 : memref<10112x128xf32, #tpu.memory_space<vmem_shared>>)
        %dma_wait3A_460 = arith.constant 1 : i32
        %dma_wait3A_461 = arith.constant 1 : i32
        %dma_wait3A_462 = arith.constant 0 : i32
        %dma_wait3A_463 = tpu.memref_slice %arg7[%dma_wait3A_460, %dma_wait3A_461, %dma_wait3A_462] : memref<2x2x80xi32, #tpu.memory_space<vmem>> -> memref<1x1x80xi32, #tpu.memory_space<vmem>>
        %dma_wait3A_464 = tpu.memref_squeeze %dma_wait3A_463 : memref<1x1x80xi32, #tpu.memory_space<vmem>> -> memref<80xi32, #tpu.memory_space<vmem>>
        %dma_wait3A_465 = arith.constant 0 : i32
        %dma_wait3A_466 = arith.constant 0 : i32
        %dma_wait3A_467 = tpu.memref_slice %arg13[%dma_wait3A_465, %dma_wait3A_466] : memref<10112x128xf32, #tpu.memory_space<vmem_shared>> -> memref<10112x128xf32, #tpu.memory_space<vmem_shared>>
        tpu.wait_indirect_dma semaphore(%arg19 : memref<!tpu.dma_semaphore, #tpu.memory_space<semaphore_mem>>) src(%arg10 : memref<80x128xf32, #tpu.memory_space<vmem>>) dst(%dma_wait3A_467 : memref<10112x128xf32, #tpu.memory_space<vmem_shared>>)
      } else {
      }
      %add3A_444 = arith.constant 1 : i32
      %add3A_445 = arith.addi %add3A_398, %add3A_444 : i32
      %sub3A_446 = arith.constant 1 : i32
      %sub3A_447 = arith.subi %select_n3A, %sub3A_446 : i32
      %le3A_448 = arith.cmpi sle, %add3A_445, %sub3A_447 : i32
      %convert_element_type3A_449 = arith.extui %le3A_448 : i1 to i32
      %cond3A_450 = arith.constant 0 : i32
      %cond3A_451 = arith.cmpi ne, %convert_element_type3A_449, %cond3A_450 : i32
      scf.if %cond3A_451 {
        %add3A_452 = arith.addi %mul3A_0, %add3A_398 : i32
        %add3A_453 = arith.constant 1 : i32
        %add3A_454 = arith.addi %add3A_452, %add3A_453 : i32
        %dma_wait3A_455 = arith.constant 0 : i32
        %dma_wait3A_456 = arith.constant 0 : i32
        %dma_wait3A_457 = arith.constant 0 : i32
        %dma_wait3A_458 = tpu.memref_slice %arg3[%arg1, %add3A_454, %dma_wait3A_455, %dma_wait3A_456, %dma_wait3A_457] : memref<16x128x2x2x80xi32, #tpu.memory_space<hbm>> -> memref<1x1x2x2x80xi32, #tpu.memory_space<hbm>>
        %dma_wait3A_459 = tpu.memref_squeeze %dma_wait3A_458 : memref<1x1x2x2x80xi32, #tpu.memory_space<hbm>> -> memref<2x2x80xi32, #tpu.memory_space<hbm>>
        %dma_wait3A_460 = arith.constant 0 : i32
        %dma_wait3A_461 = arith.constant 0 : i32
        %dma_wait3A_462 = arith.constant 0 : i32
        %dma_wait3A_463 = tpu.memref_slice %arg3[%arg1, %add3A_454, %dma_wait3A_460, %dma_wait3A_461, %dma_wait3A_462] : memref<16x128x2x2x80xi32, #tpu.memory_space<hbm>> -> memref<1x1x2x2x80xi32, #tpu.memory_space<hbm>>
        %dma_wait3A_464 = tpu.memref_squeeze %dma_wait3A_463 : memref<1x1x2x2x80xi32, #tpu.memory_space<hbm>> -> memref<2x2x80xi32, #tpu.memory_space<hbm>>
        tpu.wait_dma2 semaphore(%arg22 : memref<!tpu.dma_semaphore, #tpu.memory_space<semaphore_mem>>) src(%dma_wait3A_464 : memref<2x2x80xi32, #tpu.memory_space<hbm>>) dst(%arg5 : memref<2x2x80xi32, #tpu.memory_space<vmem>>)
        %dma_start3A_465 = arith.constant 0 : i32
        %dma_start3A_466 = arith.constant 0 : i32
        %dma_start3A_467 = arith.constant 0 : i32
        %dma_start3A_468 = tpu.memref_slice %arg5[%dma_start3A_465, %dma_start3A_466, %dma_start3A_467] : memref<2x2x80xi32, #tpu.memory_space<vmem>> -> memref<1x1x80xi32, #tpu.memory_space<vmem>>
        %dma_start3A_469 = tpu.memref_squeeze %dma_start3A_468 : memref<1x1x80xi32, #tpu.memory_space<vmem>> -> memref<80xi32, #tpu.memory_space<vmem>>
        %dma_start3A_470 = arith.constant 0 : i32
        %dma_start3A_471 = arith.constant 0 : i32
        %dma_start3A_472 = tpu.memref_slice %arg2[%dma_start3A_470, %dma_start3A_471] : memref<10000x128xf32, #tpu.memory_space<hbm>> -> memref<10000x128xf32, #tpu.memory_space<hbm>>
        tpu.enqueue_indirect_dma source(%dma_start3A_472 : memref<10000x128xf32, #tpu.memory_space<hbm>>) target(%arg9 : memref<80x128xf32, #tpu.memory_space<vmem>>) offsets(%dma_start3A_469 : memref<80xi32, #tpu.memory_space<vmem>>) semaphore(%arg14 : memref<!tpu.dma_semaphore, #tpu.memory_space<semaphore_mem>>)
        %dma_start3A_473 = arith.constant 0 : i32
        %dma_start3A_474 = arith.constant 1 : i32
        %dma_start3A_475 = arith.constant 0 : i32
        %dma_start3A_476 = tpu.memref_slice %arg5[%dma_start3A_473, %dma_start3A_474, %dma_start3A_475] : memref<2x2x80xi32, #tpu.memory_space<vmem>> -> memref<1x1x80xi32, #tpu.memory_space<vmem>>
        %dma_start3A_477 = tpu.memref_squeeze %dma_start3A_476 : memref<1x1x80xi32, #tpu.memory_space<vmem>> -> memref<80xi32, #tpu.memory_space<vmem>>
        %dma_start3A_478 = arith.constant 0 : i32
        %dma_start3A_479 = arith.constant 0 : i32
        %dma_start3A_480 = tpu.memref_slice %arg2[%dma_start3A_478, %dma_start3A_479] : memref<10000x128xf32, #tpu.memory_space<hbm>> -> memref<10000x128xf32, #tpu.memory_space<hbm>>
        tpu.enqueue_indirect_dma source(%dma_start3A_480 : memref<10000x128xf32, #tpu.memory_space<hbm>>) target(%arg10 : memref<80x128xf32, #tpu.memory_space<vmem>>) offsets(%dma_start3A_477 : memref<80xi32, #tpu.memory_space<vmem>>) semaphore(%arg15 : memref<!tpu.dma_semaphore, #tpu.memory_space<semaphore_mem>>)
      } else {
      }
    }
    %dma_wait3A_212 = arith.constant 1 : i32
    %dma_wait3A_213 = arith.constant 0 : i32
    %dma_wait3A_214 = arith.constant 0 : i32
    %dma_wait3A_215 = tpu.memref_slice %arg8[%dma_wait3A_212, %dma_wait3A_213, %dma_wait3A_214] : memref<2x2x80xi32, #tpu.memory_space<vmem>> -> memref<1x1x80xi32, #tpu.memory_space<vmem>>
    %dma_wait3A_216 = tpu.memref_squeeze %dma_wait3A_215 : memref<1x1x80xi32, #tpu.memory_space<vmem>> -> memref<80xi32, #tpu.memory_space<vmem>>
    %dma_wait3A_217 = arith.constant 0 : i32
    %dma_wait3A_218 = arith.constant 0 : i32
    %dma_wait3A_219 = tpu.memref_slice %arg13[%dma_wait3A_217, %dma_wait3A_218] : memref<10112x128xf32, #tpu.memory_space<vmem_shared>> -> memref<10112x128xf32, #tpu.memory_space<vmem_shared>>
    tpu.wait_indirect_dma semaphore(%arg20 : memref<!tpu.dma_semaphore, #tpu.memory_space<semaphore_mem>>) src(%arg11 : memref<80x128xf32, #tpu.memory_space<vmem>>) dst(%dma_wait3A_219 : memref<10112x128xf32, #tpu.memory_space<vmem_shared>>)
    %dma_wait3A_220 = arith.constant 1 : i32
    %dma_wait3A_221 = arith.constant 1 : i32
    %dma_wait3A_222 = arith.constant 0 : i32
    %dma_wait3A_223 = tpu.memref_slice %arg8[%dma_wait3A_220, %dma_wait3A_221, %dma_wait3A_222] : memref<2x2x80xi32, #tpu.memory_space<vmem>> -> memref<1x1x80xi32, #tpu.memory_space<vmem>>
    %dma_wait3A_224 = tpu.memref_squeeze %dma_wait3A_223 : memref<1x1x80xi32, #tpu.memory_space<vmem>> -> memref<80xi32, #tpu.memory_space<vmem>>
    %dma_wait3A_225 = arith.constant 0 : i32
    %dma_wait3A_226 = arith.constant 0 : i32
    %dma_wait3A_227 = tpu.memref_slice %arg13[%dma_wait3A_225, %dma_wait3A_226] : memref<10112x128xf32, #tpu.memory_space<vmem_shared>> -> memref<10112x128xf32, #tpu.memory_space<vmem_shared>>
    tpu.wait_indirect_dma semaphore(%arg21 : memref<!tpu.dma_semaphore, #tpu.memory_space<semaphore_mem>>) src(%arg12 : memref<80x128xf32, #tpu.memory_space<vmem>>) dst(%dma_wait3A_227 : memref<10112x128xf32, #tpu.memory_space<vmem_shared>>)
    %barrier3A_228 = arith.constant 0 : index
    tpu.barrier barrier_id(%barrier3A_228)
    %mul3A_229 = arith.constant 632 : i32
    %mul3A_230 = arith.muli %arg1, %mul3A_229 : i32
    %mul3A_231 = arith.constant 632 : i32
    %mul3A_232 = arith.muli %arg1, %mul3A_231 : i32
    "tpu.region"() ({
      %run_scoped3A = tpu.sem_alloc : memref<!tpu.dma_semaphore, #tpu.memory_space<semaphore_mem>>
      %dma_start3A_233 = arith.constant 0 : i32
      %dma_start3A_234 = tpu.memref_slice %arg4[%arg0, %mul3A_232, %dma_start3A_233] : memref<2x10112x128xf32, #tpu.memory_space<hbm>> -> memref<1x632x128xf32, #tpu.memory_space<hbm>>
      %dma_start3A_235 = tpu.memref_squeeze %dma_start3A_234 : memref<1x632x128xf32, #tpu.memory_space<hbm>> -> memref<632x128xf32, #tpu.memory_space<hbm>>
      %dma_start3A_236 = arith.constant 0 : i32
      %dma_start3A_237 = tpu.memref_slice %arg13[%mul3A_230, %dma_start3A_236] : memref<10112x128xf32, #tpu.memory_space<vmem_shared>> -> memref<632x128xf32, #tpu.memory_space<vmem_shared>>
      tpu.enqueue_dma source(%dma_start3A_237 : memref<632x128xf32, #tpu.memory_space<vmem_shared>>) target(%dma_start3A_235 : memref<632x128xf32, #tpu.memory_space<hbm>>) target_semaphore(%run_scoped3A : memref<!tpu.dma_semaphore, #tpu.memory_space<semaphore_mem>>)
      %dma_wait3A_238 = arith.constant 0 : i32
      %dma_wait3A_239 = tpu.memref_slice %arg4[%arg0, %mul3A_232, %dma_wait3A_238] : memref<2x10112x128xf32, #tpu.memory_space<hbm>> -> memref<1x632x128xf32, #tpu.memory_space<hbm>>
      %dma_wait3A_240 = tpu.memref_squeeze %dma_wait3A_239 : memref<1x632x128xf32, #tpu.memory_space<hbm>> -> memref<632x128xf32, #tpu.memory_space<hbm>>
      %dma_wait3A_241 = arith.constant 0 : i32
      %dma_wait3A_242 = tpu.memref_slice %arg13[%mul3A_230, %dma_wait3A_241] : memref<10112x128xf32, #tpu.memory_space<vmem_shared>> -> memref<632x128xf32, #tpu.memory_space<vmem_shared>>
      tpu.wait_dma2 semaphore(%run_scoped3A : memref<!tpu.dma_semaphore, #tpu.memory_space<semaphore_mem>>) src(%dma_wait3A_242 : memref<632x128xf32, #tpu.memory_space<vmem_shared>>) dst(%dma_wait3A_240 : memref<632x128xf32, #tpu.memory_space<hbm>>)
      tpu.yield
    }) : () -> ()
    return
  }
}

#map = affine_map<(d0, d1) -> (0, 0)>
#map1 = affine_map<(d0, d1) -> (0, 0, 0, 0, 0)>
#map2 = affine_map<(d0, d1) -> (0, 0, 0)>
module attributes {stable_mosaic.version = 14 : i64} {
  func.func @kernel_fn(%arg0: i32, %arg1: i32, %arg2: memref<10000x128xf32, #tpu.memory_space<hbm>>, %arg3: memref<16x128x2x2x80xi32, #tpu.memory_space<hbm>>, %arg4: memref<2x10112x128xf32, #tpu.memory_space<hbm>>, %arg5: memref<2x2x80xi32, #tpu.memory_space<vmem>>, %arg6: memref<2x2x80xi32, #tpu.memory_space<vmem>>, %arg7: memref<2x2x80xi32, #tpu.memory_space<vmem>>, %arg8: memref<2x2x80xi32, #tpu.memory_space<vmem>>, %arg9: memref<80x128xf32, #tpu.memory_space<vmem>>, %arg10: memref<80x128xf32, #tpu.memory_space<vmem>>, %arg11: memref<80x128xf32, #tpu.memory_space<vmem>>, %arg12: memref<80x128xf32, #tpu.memory_space<vmem>>, %arg13: memref<10112x128xf32, #tpu.memory_space<vmem_shared>>, %arg14: memref<!tpu.dma_semaphore, #tpu.memory_space<semaphore_mem>>, %arg15: memref<!tpu.dma_semaphore, #tpu.memory_space<semaphore_mem>>, %arg16: memref<!tpu.dma_semaphore, #tpu.memory_space<semaphore_mem>>, %arg17: memref<!tpu.dma_semaphore, #tpu.memory_space<semaphore_mem>>, %arg18: memref<!tpu.dma_semaphore, #tpu.memory_space<semaphore_mem>>, %arg19: memref<!tpu.dma_semaphore, #tpu.memory_space<semaphore_mem>>, %arg20: memref<!tpu.dma_semaphore, #tpu.memory_space<semaphore_mem>>, %arg21: memref<!tpu.dma_semaphore, #tpu.memory_space<semaphore_mem>>, %arg22: memref<!tpu.dma_semaphore, #tpu.memory_space<semaphore_mem>>, %arg23: memref<!tpu.dma_semaphore, #tpu.memory_space<semaphore_mem>>, %arg24: memref<!tpu.dma_semaphore, #tpu.memory_space<semaphore_mem>>, %arg25: memref<!tpu.dma_semaphore, #tpu.memory_space<semaphore_mem>>, %arg26: memref<!tpu.dma_semaphore, #tpu.memory_space<semaphore_mem>>) attributes {dimension_semantics = [#tpu.dimension_semantics<core_parallel>, #tpu.dimension_semantics<subcore_parallel>], iteration_bounds = array<i64: 2, 16>, scalar_prefetch = 0 : i64, scratch_operands = 22 : i64, tpu.core_type = #tpu.core_type<sc_vector_subcore>, window_params = [{transform_indices = #map}, {transform_indices = #map1}, {transform_indices = #map2}]} {
    %mul3A = arith.constant 64 : i32
    %mul3A_0 = arith.muli %arg0, %mul3A : i32
    %eq3A = arith.constant 0 : i32
    %eq3A_1 = arith.cmpi eq, %arg0, %eq3A : i32
    %jit3A = arith.constant 64 : i32
    %jit3A_2 = arith.constant 64 : i32
    %select_n3A = arith.select %eq3A_1, %jit3A, %jit3A_2 : i32
    %add3A = arith.constant 0 : i32
    %add3A_3 = arith.addi %mul3A_0, %add3A : i32
    %dma_start3A = arith.constant 0 : i32
    %dma_start3A_4 = arith.constant 0 : i32
    %dma_start3A_5 = arith.constant 0 : i32
    %dma_start3A_6 = tpu.memref_slice %arg3[%arg1, %add3A_3, %dma_start3A, %dma_start3A_4, %dma_start3A_5] : memref<16x128x2x2x80xi32, #tpu.memory_space<hbm>> -> memref<1x1x2x2x80xi32, #tpu.memory_space<hbm>>
    %dma_start3A_7 = tpu.memref_squeeze %dma_start3A_6 : memref<1x1x2x2x80xi32, #tpu.memory_space<hbm>> -> memref<2x2x80xi32, #tpu.memory_space<hbm>>
    %dma_start3A_8 = arith.constant 0 : i32
    %dma_start3A_9 = arith.constant 0 : i32
    %dma_start3A_10 = arith.constant 0 : i32
    %dma_start3A_11 = tpu.memref_slice %arg3[%arg1, %add3A_3, %dma_start3A_8, %dma_start3A_9, %dma_start3A_10] : memref<16x128x2x2x80xi32, #tpu.memory_space<hbm>> -> memref<1x1x2x2x80xi32, #tpu.memory_space<hbm>>
    %dma_start3A_12 = tpu.memref_squeeze %dma_start3A_11 : memref<1x1x2x2x80xi32, #tpu.memory_space<hbm>> -> memref<2x2x80xi32, #tpu.memory_space<hbm>>
    tpu.enqueue_dma source(%dma_start3A_12 : memref<2x2x80xi32, #tpu.memory_space<hbm>>) target(%arg5 : memref<2x2x80xi32, #tpu.memory_space<vmem>>) target_semaphore(%arg22 : memref<!tpu.dma_semaphore, #tpu.memory_space<semaphore_mem>>)
    %add3A_13 = arith.constant 1 : i32
    %add3A_14 = arith.addi %mul3A_0, %add3A_13 : i32
    %dma_start3A_15 = arith.constant 0 : i32
    %dma_start3A_16 = arith.constant 0 : i32
    %dma_start3A_17 = arith.constant 0 : i32
    %dma_start3A_18 = tpu.memref_slice %arg3[%arg1, %add3A_14, %dma_start3A_15, %dma_start3A_16, %dma_start3A_17] : memref<16x128x2x2x80xi32, #tpu.memory_space<hbm>> -> memref<1x1x2x2x80xi32, #tpu.memory_space<hbm>>
    %dma_start3A_19 = tpu.memref_squeeze %dma_start3A_18 : memref<1x1x2x2x80xi32, #tpu.memory_space<hbm>> -> memref<2x2x80xi32, #tpu.memory_space<hbm>>
    %dma_start3A_20 = arith.constant 0 : i32
    %dma_start3A_21 = arith.constant 0 : i32
    %dma_start3A_22 = arith.constant 0 : i32
    %dma_start3A_23 = tpu.memref_slice %arg3[%arg1, %add3A_14, %dma_start3A_20, %dma_start3A_21, %dma_start3A_22] : memref<16x128x2x2x80xi32, #tpu.memory_space<hbm>> -> memref<1x1x2x2x80xi32, #tpu.memory_space<hbm>>
    %dma_start3A_24 = tpu.memref_squeeze %dma_start3A_23 : memref<1x1x2x2x80xi32, #tpu.memory_space<hbm>> -> memref<2x2x80xi32, #tpu.memory_space<hbm>>
    tpu.enqueue_dma source(%dma_start3A_24 : memref<2x2x80xi32, #tpu.memory_space<hbm>>) target(%arg6 : memref<2x2x80xi32, #tpu.memory_space<vmem>>) target_semaphore(%arg23 : memref<!tpu.dma_semaphore, #tpu.memory_space<semaphore_mem>>)
    %scan3A = arith.constant 0 : i32
    %scan3A_25 = arith.constant 80 : i32
    %scan3A_26 = arith.addi %scan3A, %scan3A_25 : i32
    %scan3A_27 = arith.constant 1 : i32
    scf.for %scan3A_233 = %scan3A to %scan3A_26 step %scan3A_27  : i32 {
      %mul3A_234 = arith.constant 1 : i32
      %mul3A_235 = arith.muli %scan3A_233, %mul3A_234 : i32
      %add3A_236 = arith.constant 0 : i32
      %add3A_237 = arith.addi %add3A_236, %mul3A_235 : i32
      %scan3A_238 = arith.constant 0 : i32
      %scan3A_239 = arith.constant 8 : i32
      %scan3A_240 = arith.addi %scan3A_238, %scan3A_239 : i32
      %scan3A_241 = arith.constant 1 : i32
      scf.for %scan3A_243 = %scan3A_238 to %scan3A_240 step %scan3A_241  : i32 {
        %mul3A_244 = arith.constant 16 : i32
        %mul3A_245 = arith.muli %scan3A_243, %mul3A_244 : i32
        %add3A_246 = arith.constant 0 : i32
        %add3A_247 = arith.addi %add3A_246, %mul3A_245 : i32
        %broadcast_in_dim3A = arith.constant 0.000000e+00 : f32
        %broadcast_in_dim3A_248 = vector.broadcast %broadcast_in_dim3A : f32 to vector<16xf32>
        %swap3A = arith.index_cast %add3A_237 : i32 to index
        %swap3A_249 = arith.index_cast %add3A_247 : i32 to index
        %swap3A_250 = tpu.vector_load %arg11[%swap3A, %swap3A_249] {strides = array<i32>} : memref<80x128xf32, #tpu.memory_space<vmem>>, vector<1x16xf32>,
        %swap3A_251 = vector.shape_cast %swap3A_250 : vector<1x16xf32> to vector<16xf32>
        %swap3A_252 = vector.shape_cast %broadcast_in_dim3A_248 : vector<16xf32> to vector<1x16xf32>
        tpu.vector_store %arg11[%swap3A, %swap3A_249], %swap3A_252 {strides = array<i32>} : memref<80x128xf32, #tpu.memory_space<vmem>>, vector<1x16xf32>,
      }
      %scan3A_242 = arith.constant 8 : i32
    }
    %scan3A_28 = arith.constant 80 : i32
    %mul3A_29 = arith.constant 632 : i32
    %mul3A_30 = arith.muli %arg1, %mul3A_29 : i32
    %add3A_31 = arith.constant 0 : i32
    %add3A_32 = arith.addi %mul3A_30, %add3A_31 : i32
    %dma_start3A_33 = arith.constant 0 : i32
    %dma_start3A_34 = tpu.memref_slice %arg13[%add3A_32, %dma_start3A_33] : memref<10112x128xf32, #tpu.memory_space<vmem_shared>> -> memref<80x128xf32, #tpu.memory_space<vmem_shared>>
    %dma_start3A_35 = arith.constant 0 : i32
    %dma_start3A_36 = tpu.memref_slice %arg13[%add3A_32, %dma_start3A_35] : memref<10112x128xf32, #tpu.memory_space<vmem_shared>> -> memref<80x128xf32, #tpu.memory_space<vmem_shared>>
    tpu.enqueue_dma source(%arg11 : memref<80x128xf32, #tpu.memory_space<vmem>>) target(%dma_start3A_36 : memref<80x128xf32, #tpu.memory_space<vmem_shared>>) target_semaphore(%arg26 : memref<!tpu.dma_semaphore, #tpu.memory_space<semaphore_mem>>)
    %mul3A_37 = arith.constant 632 : i32
    %mul3A_38 = arith.muli %arg1, %mul3A_37 : i32
    %add3A_39 = arith.constant 80 : i32
    %add3A_40 = arith.addi %mul3A_38, %add3A_39 : i32
    %dma_start3A_41 = arith.constant 0 : i32
    %dma_start3A_42 = tpu.memref_slice %arg13[%add3A_40, %dma_start3A_41] : memref<10112x128xf32, #tpu.memory_space<vmem_shared>> -> memref<80x128xf32, #tpu.memory_space<vmem_shared>>
    %dma_start3A_43 = arith.constant 0 : i32
    %dma_start3A_44 = tpu.memref_slice %arg13[%add3A_40, %dma_start3A_43] : memref<10112x128xf32, #tpu.memory_space<vmem_shared>> -> memref<80x128xf32, #tpu.memory_space<vmem_shared>>
    tpu.enqueue_dma source(%arg11 : memref<80x128xf32, #tpu.memory_space<vmem>>) target(%dma_start3A_44 : memref<80x128xf32, #tpu.memory_space<vmem_shared>>) target_semaphore(%arg26 : memref<!tpu.dma_semaphore, #tpu.memory_space<semaphore_mem>>)
    %mul3A_45 = arith.constant 632 : i32
    %mul3A_46 = arith.muli %arg1, %mul3A_45 : i32
    %add3A_47 = arith.constant 160 : i32
    %add3A_48 = arith.addi %mul3A_46, %add3A_47 : i32
    %dma_start3A_49 = arith.constant 0 : i32
    %dma_start3A_50 = tpu.memref_slice %arg13[%add3A_48, %dma_start3A_49] : memref<10112x128xf32, #tpu.memory_space<vmem_shared>> -> memref<80x128xf32, #tpu.memory_space<vmem_shared>>
    %dma_start3A_51 = arith.constant 0 : i32
    %dma_start3A_52 = tpu.memref_slice %arg13[%add3A_48, %dma_start3A_51] : memref<10112x128xf32, #tpu.memory_space<vmem_shared>> -> memref<80x128xf32, #tpu.memory_space<vmem_shared>>
    tpu.enqueue_dma source(%arg11 : memref<80x128xf32, #tpu.memory_space<vmem>>) target(%dma_start3A_52 : memref<80x128xf32, #tpu.memory_space<vmem_shared>>) target_semaphore(%arg26 : memref<!tpu.dma_semaphore, #tpu.memory_space<semaphore_mem>>)
    %mul3A_53 = arith.constant 632 : i32
    %mul3A_54 = arith.muli %arg1, %mul3A_53 : i32
    %add3A_55 = arith.constant 240 : i32
    %add3A_56 = arith.addi %mul3A_54, %add3A_55 : i32
    %dma_start3A_57 = arith.constant 0 : i32
    %dma_start3A_58 = tpu.memref_slice %arg13[%add3A_56, %dma_start3A_57] : memref<10112x128xf32, #tpu.memory_space<vmem_shared>> -> memref<80x128xf32, #tpu.memory_space<vmem_shared>>
    %dma_start3A_59 = arith.constant 0 : i32
    %dma_start3A_60 = tpu.memref_slice %arg13[%add3A_56, %dma_start3A_59] : memref<10112x128xf32, #tpu.memory_space<vmem_shared>> -> memref<80x128xf32, #tpu.memory_space<vmem_shared>>
    tpu.enqueue_dma source(%arg11 : memref<80x128xf32, #tpu.memory_space<vmem>>) target(%dma_start3A_60 : memref<80x128xf32, #tpu.memory_space<vmem_shared>>) target_semaphore(%arg26 : memref<!tpu.dma_semaphore, #tpu.memory_space<semaphore_mem>>)
    %mul3A_61 = arith.constant 632 : i32
    %mul3A_62 = arith.muli %arg1, %mul3A_61 : i32
    %add3A_63 = arith.constant 320 : i32
    %add3A_64 = arith.addi %mul3A_62, %add3A_63 : i32
    %dma_start3A_65 = arith.constant 0 : i32
    %dma_start3A_66 = tpu.memref_slice %arg13[%add3A_64, %dma_start3A_65] : memref<10112x128xf32, #tpu.memory_space<vmem_shared>> -> memref<80x128xf32, #tpu.memory_space<vmem_shared>>
    %dma_start3A_67 = arith.constant 0 : i32
    %dma_start3A_68 = tpu.memref_slice %arg13[%add3A_64, %dma_start3A_67] : memref<10112x128xf32, #tpu.memory_space<vmem_shared>> -> memref<80x128xf32, #tpu.memory_space<vmem_shared>>
    tpu.enqueue_dma source(%arg11 : memref<80x128xf32, #tpu.memory_space<vmem>>) target(%dma_start3A_68 : memref<80x128xf32, #tpu.memory_space<vmem_shared>>) target_semaphore(%arg26 : memref<!tpu.dma_semaphore, #tpu.memory_space<semaphore_mem>>)
    %mul3A_69 = arith.constant 632 : i32
    %mul3A_70 = arith.muli %arg1, %mul3A_69 : i32
    %add3A_71 = arith.constant 400 : i32
    %add3A_72 = arith.addi %mul3A_70, %add3A_71 : i32
    %dma_start3A_73 = arith.constant 0 : i32
    %dma_start3A_74 = tpu.memref_slice %arg13[%add3A_72, %dma_start3A_73] : memref<10112x128xf32, #tpu.memory_space<vmem_shared>> -> memref<80x128xf32, #tpu.memory_space<vmem_shared>>
    %dma_start3A_75 = arith.constant 0 : i32
    %dma_start3A_76 = tpu.memref_slice %arg13[%add3A_72, %dma_start3A_75] : memref<10112x128xf32, #tpu.memory_space<vmem_shared>> -> memref<80x128xf32, #tpu.memory_space<vmem_shared>>
    tpu.enqueue_dma source(%arg11 : memref<80x128xf32, #tpu.memory_space<vmem>>) target(%dma_start3A_76 : memref<80x128xf32, #tpu.memory_space<vmem_shared>>) target_semaphore(%arg26 : memref<!tpu.dma_semaphore, #tpu.memory_space<semaphore_mem>>)
    %mul3A_77 = arith.constant 632 : i32
    %mul3A_78 = arith.muli %arg1, %mul3A_77 : i32
    %add3A_79 = arith.constant 480 : i32
    %add3A_80 = arith.addi %mul3A_78, %add3A_79 : i32
    %dma_start3A_81 = arith.constant 0 : i32
    %dma_start3A_82 = tpu.memref_slice %arg13[%add3A_80, %dma_start3A_81] : memref<10112x128xf32, #tpu.memory_space<vmem_shared>> -> memref<80x128xf32, #tpu.memory_space<vmem_shared>>
    %dma_start3A_83 = arith.constant 0 : i32
    %dma_start3A_84 = tpu.memref_slice %arg13[%add3A_80, %dma_start3A_83] : memref<10112x128xf32, #tpu.memory_space<vmem_shared>> -> memref<80x128xf32, #tpu.memory_space<vmem_shared>>
    tpu.enqueue_dma source(%arg11 : memref<80x128xf32, #tpu.memory_space<vmem>>) target(%dma_start3A_84 : memref<80x128xf32, #tpu.memory_space<vmem_shared>>) target_semaphore(%arg26 : memref<!tpu.dma_semaphore, #tpu.memory_space<semaphore_mem>>)
    %mul3A_85 = arith.constant 632 : i32
    %mul3A_86 = arith.muli %arg1, %mul3A_85 : i32
    %add3A_87 = arith.constant 560 : i32
    %add3A_88 = arith.addi %mul3A_86, %add3A_87 : i32
    %dma_start3A_89 = arith.constant 0 : i32
    %dma_start3A_90 = arith.constant 0 : i32
    %dma_start3A_91 = tpu.memref_slice %arg11[%dma_start3A_89, %dma_start3A_90] : memref<80x128xf32, #tpu.memory_space<vmem>> -> memref<72x128xf32, #tpu.memory_space<vmem>>
    %dma_start3A_92 = arith.constant 0 : i32
    %dma_start3A_93 = tpu.memref_slice %arg13[%add3A_88, %dma_start3A_92] : memref<10112x128xf32, #tpu.memory_space<vmem_shared>> -> memref<72x128xf32, #tpu.memory_space<vmem_shared>>
    %dma_start3A_94 = arith.constant 0 : i32
    %dma_start3A_95 = tpu.memref_slice %arg13[%add3A_88, %dma_start3A_94] : memref<10112x128xf32, #tpu.memory_space<vmem_shared>> -> memref<72x128xf32, #tpu.memory_space<vmem_shared>>
    %dma_start3A_96 = arith.constant 0 : i32
    %dma_start3A_97 = arith.constant 0 : i32
    %dma_start3A_98 = tpu.memref_slice %arg11[%dma_start3A_96, %dma_start3A_97] : memref<80x128xf32, #tpu.memory_space<vmem>> -> memref<72x128xf32, #tpu.memory_space<vmem>>
    tpu.enqueue_dma source(%dma_start3A_98 : memref<72x128xf32, #tpu.memory_space<vmem>>) target(%dma_start3A_95 : memref<72x128xf32, #tpu.memory_space<vmem_shared>>) target_semaphore(%arg26 : memref<!tpu.dma_semaphore, #tpu.memory_space<semaphore_mem>>)
    %add3A_99 = arith.constant 0 : i32
    %add3A_100 = arith.addi %mul3A_0, %add3A_99 : i32
    %dma_wait3A = arith.constant 0 : i32
    %dma_wait3A_101 = arith.constant 0 : i32
    %dma_wait3A_102 = arith.constant 0 : i32
    %dma_wait3A_103 = tpu.memref_slice %arg3[%arg1, %add3A_100, %dma_wait3A, %dma_wait3A_101, %dma_wait3A_102] : memref<16x128x2x2x80xi32, #tpu.memory_space<hbm>> -> memref<1x1x2x2x80xi32, #tpu.memory_space<hbm>>
    %dma_wait3A_104 = tpu.memref_squeeze %dma_wait3A_103 : memref<1x1x2x2x80xi32, #tpu.memory_space<hbm>> -> memref<2x2x80xi32, #tpu.memory_space<hbm>>
    %dma_wait3A_105 = arith.constant 0 : i32
    %dma_wait3A_106 = arith.constant 0 : i32
    %dma_wait3A_107 = arith.constant 0 : i32
    %dma_wait3A_108 = tpu.memref_slice %arg3[%arg1, %add3A_100, %dma_wait3A_105, %dma_wait3A_106, %dma_wait3A_107] : memref<16x128x2x2x80xi32, #tpu.memory_space<hbm>> -> memref<1x1x2x2x80xi32, #tpu.memory_space<hbm>>
    %dma_wait3A_109 = tpu.memref_squeeze %dma_wait3A_108 : memref<1x1x2x2x80xi32, #tpu.memory_space<hbm>> -> memref<2x2x80xi32, #tpu.memory_space<hbm>>
    tpu.wait_dma2 semaphore(%arg22 : memref<!tpu.dma_semaphore, #tpu.memory_space<semaphore_mem>>) src(%dma_wait3A_109 : memref<2x2x80xi32, #tpu.memory_space<hbm>>) dst(%arg5 : memref<2x2x80xi32, #tpu.memory_space<vmem>>)
    %dma_start3A_110 = arith.constant 0 : i32
    %dma_start3A_111 = arith.constant 0 : i32
    %dma_start3A_112 = arith.constant 0 : i32
    %dma_start3A_113 = tpu.memref_slice %arg5[%dma_start3A_110, %dma_start3A_111, %dma_start3A_112] : memref<2x2x80xi32, #tpu.memory_space<vmem>> -> memref<1x1x80xi32, #tpu.memory_space<vmem>>
    %dma_start3A_114 = tpu.memref_squeeze %dma_start3A_113 : memref<1x1x80xi32, #tpu.memory_space<vmem>> -> memref<80xi32, #tpu.memory_space<vmem>>
    %dma_start3A_115 = arith.constant 0 : i32
    %dma_start3A_116 = arith.constant 0 : i32
    %dma_start3A_117 = tpu.memref_slice %arg2[%dma_start3A_115, %dma_start3A_116] : memref<10000x128xf32, #tpu.memory_space<hbm>> -> memref<10000x128xf32, #tpu.memory_space<hbm>>
    tpu.enqueue_indirect_dma source(%dma_start3A_117 : memref<10000x128xf32, #tpu.memory_space<hbm>>) target(%arg9 : memref<80x128xf32, #tpu.memory_space<vmem>>) offsets(%dma_start3A_114 : memref<80xi32, #tpu.memory_space<vmem>>) semaphore(%arg14 : memref<!tpu.dma_semaphore, #tpu.memory_space<semaphore_mem>>)
    %dma_start3A_118 = arith.constant 0 : i32
    %dma_start3A_119 = arith.constant 1 : i32
    %dma_start3A_120 = arith.constant 0 : i32
    %dma_start3A_121 = tpu.memref_slice %arg5[%dma_start3A_118, %dma_start3A_119, %dma_start3A_120] : memref<2x2x80xi32, #tpu.memory_space<vmem>> -> memref<1x1x80xi32, #tpu.memory_space<vmem>>
    %dma_start3A_122 = tpu.memref_squeeze %dma_start3A_121 : memref<1x1x80xi32, #tpu.memory_space<vmem>> -> memref<80xi32, #tpu.memory_space<vmem>>
    %dma_start3A_123 = arith.constant 0 : i32
    %dma_start3A_124 = arith.constant 0 : i32
    %dma_start3A_125 = tpu.memref_slice %arg2[%dma_start3A_123, %dma_start3A_124] : memref<10000x128xf32, #tpu.memory_space<hbm>> -> memref<10000x128xf32, #tpu.memory_space<hbm>>
    tpu.enqueue_indirect_dma source(%dma_start3A_125 : memref<10000x128xf32, #tpu.memory_space<hbm>>) target(%arg10 : memref<80x128xf32, #tpu.memory_space<vmem>>) offsets(%dma_start3A_122 : memref<80xi32, #tpu.memory_space<vmem>>) semaphore(%arg15 : memref<!tpu.dma_semaphore, #tpu.memory_space<semaphore_mem>>)
    %mul3A_126 = arith.constant 632 : i32
    %mul3A_127 = arith.muli %arg1, %mul3A_126 : i32
    %add3A_128 = arith.constant 0 : i32
    %add3A_129 = arith.addi %mul3A_127, %add3A_128 : i32
    %dma_wait3A_130 = arith.constant 0 : i32
    %dma_wait3A_131 = tpu.memref_slice %arg13[%add3A_129, %dma_wait3A_130] : memref<10112x128xf32, #tpu.memory_space<vmem_shared>> -> memref<80x128xf32, #tpu.memory_space<vmem_shared>>
    %dma_wait3A_132 = arith.constant 0 : i32
    %dma_wait3A_133 = tpu.memref_slice %arg13[%add3A_129, %dma_wait3A_132] : memref<10112x128xf32, #tpu.memory_space<vmem_shared>> -> memref<80x128xf32, #tpu.memory_space<vmem_shared>>
    tpu.wait_dma2 semaphore(%arg26 : memref<!tpu.dma_semaphore, #tpu.memory_space<semaphore_mem>>) src(%arg11 : memref<80x128xf32, #tpu.memory_space<vmem>>) dst(%dma_wait3A_133 : memref<80x128xf32, #tpu.memory_space<vmem_shared>>)
    %mul3A_134 = arith.constant 632 : i32
    %mul3A_135 = arith.muli %arg1, %mul3A_134 : i32
    %add3A_136 = arith.constant 80 : i32
    %add3A_137 = arith.addi %mul3A_135, %add3A_136 : i32
    %dma_wait3A_138 = arith.constant 0 : i32
    %dma_wait3A_139 = tpu.memref_slice %arg13[%add3A_137, %dma_wait3A_138] : memref<10112x128xf32, #tpu.memory_space<vmem_shared>> -> memref<80x128xf32, #tpu.memory_space<vmem_shared>>
    %dma_wait3A_140 = arith.constant 0 : i32
    %dma_wait3A_141 = tpu.memref_slice %arg13[%add3A_137, %dma_wait3A_140] : memref<10112x128xf32, #tpu.memory_space<vmem_shared>> -> memref<80x128xf32, #tpu.memory_space<vmem_shared>>
    tpu.wait_dma2 semaphore(%arg26 : memref<!tpu.dma_semaphore, #tpu.memory_space<semaphore_mem>>) src(%arg11 : memref<80x128xf32, #tpu.memory_space<vmem>>) dst(%dma_wait3A_141 : memref<80x128xf32, #tpu.memory_space<vmem_shared>>)
    %mul3A_142 = arith.constant 632 : i32
    %mul3A_143 = arith.muli %arg1, %mul3A_142 : i32
    %add3A_144 = arith.constant 160 : i32
    %add3A_145 = arith.addi %mul3A_143, %add3A_144 : i32
    %dma_wait3A_146 = arith.constant 0 : i32
    %dma_wait3A_147 = tpu.memref_slice %arg13[%add3A_145, %dma_wait3A_146] : memref<10112x128xf32, #tpu.memory_space<vmem_shared>> -> memref<80x128xf32, #tpu.memory_space<vmem_shared>>
    %dma_wait3A_148 = arith.constant 0 : i32
    %dma_wait3A_149 = tpu.memref_slice %arg13[%add3A_145, %dma_wait3A_148] : memref<10112x128xf32, #tpu.memory_space<vmem_shared>> -> memref<80x128xf32, #tpu.memory_space<vmem_shared>>
    tpu.wait_dma2 semaphore(%arg26 : memref<!tpu.dma_semaphore, #tpu.memory_space<semaphore_mem>>) src(%arg11 : memref<80x128xf32, #tpu.memory_space<vmem>>) dst(%dma_wait3A_149 : memref<80x128xf32, #tpu.memory_space<vmem_shared>>)
    %mul3A_150 = arith.constant 632 : i32
    %mul3A_151 = arith.muli %arg1, %mul3A_150 : i32
    %add3A_152 = arith.constant 240 : i32
    %add3A_153 = arith.addi %mul3A_151, %add3A_152 : i32
    %dma_wait3A_154 = arith.constant 0 : i32
    %dma_wait3A_155 = tpu.memref_slice %arg13[%add3A_153, %dma_wait3A_154] : memref<10112x128xf32, #tpu.memory_space<vmem_shared>> -> memref<80x128xf32, #tpu.memory_space<vmem_shared>>
    %dma_wait3A_156 = arith.constant 0 : i32
    %dma_wait3A_157 = tpu.memref_slice %arg13[%add3A_153, %dma_wait3A_156] : memref<10112x128xf32, #tpu.memory_space<vmem_shared>> -> memref<80x128xf32, #tpu.memory_space<vmem_shared>>
    tpu.wait_dma2 semaphore(%arg26 : memref<!tpu.dma_semaphore, #tpu.memory_space<semaphore_mem>>) src(%arg11 : memref<80x128xf32, #tpu.memory_space<vmem>>) dst(%dma_wait3A_157 : memref<80x128xf32, #tpu.memory_space<vmem_shared>>)
    %mul3A_158 = arith.constant 632 : i32
    %mul3A_159 = arith.muli %arg1, %mul3A_158 : i32
    %add3A_160 = arith.constant 320 : i32
    %add3A_161 = arith.addi %mul3A_159, %add3A_160 : i32
    %dma_wait3A_162 = arith.constant 0 : i32
    %dma_wait3A_163 = tpu.memref_slice %arg13[%add3A_161, %dma_wait3A_162] : memref<10112x128xf32, #tpu.memory_space<vmem_shared>> -> memref<80x128xf32, #tpu.memory_space<vmem_shared>>
    %dma_wait3A_164 = arith.constant 0 : i32
    %dma_wait3A_165 = tpu.memref_slice %arg13[%add3A_161, %dma_wait3A_164] : memref<10112x128xf32, #tpu.memory_space<vmem_shared>> -> memref<80x128xf32, #tpu.memory_space<vmem_shared>>
    tpu.wait_dma2 semaphore(%arg26 : memref<!tpu.dma_semaphore, #tpu.memory_space<semaphore_mem>>) src(%arg11 : memref<80x128xf32, #tpu.memory_space<vmem>>) dst(%dma_wait3A_165 : memref<80x128xf32, #tpu.memory_space<vmem_shared>>)
    %mul3A_166 = arith.constant 632 : i32
    %mul3A_167 = arith.muli %arg1, %mul3A_166 : i32
    %add3A_168 = arith.constant 400 : i32
    %add3A_169 = arith.addi %mul3A_167, %add3A_168 : i32
    %dma_wait3A_170 = arith.constant 0 : i32
    %dma_wait3A_171 = tpu.memref_slice %arg13[%add3A_169, %dma_wait3A_170] : memref<10112x128xf32, #tpu.memory_space<vmem_shared>> -> memref<80x128xf32, #tpu.memory_space<vmem_shared>>
    %dma_wait3A_172 = arith.constant 0 : i32
    %dma_wait3A_173 = tpu.memref_slice %arg13[%add3A_169, %dma_wait3A_172] : memref<10112x128xf32, #tpu.memory_space<vmem_shared>> -> memref<80x128xf32, #tpu.memory_space<vmem_shared>>
    tpu.wait_dma2 semaphore(%arg26 : memref<!tpu.dma_semaphore, #tpu.memory_space<semaphore_mem>>) src(%arg11 : memref<80x128xf32, #tpu.memory_space<vmem>>) dst(%dma_wait3A_173 : memref<80x128xf32, #tpu.memory_space<vmem_shared>>)
    %mul3A_174 = arith.constant 632 : i32
    %mul3A_175 = arith.muli %arg1, %mul3A_174 : i32
    %add3A_176 = arith.constant 480 : i32
    %add3A_177 = arith.addi %mul3A_175, %add3A_176 : i32
    %dma_wait3A_178 = arith.constant 0 : i32
    %dma_wait3A_179 = tpu.memref_slice %arg13[%add3A_177, %dma_wait3A_178] : memref<10112x128xf32, #tpu.memory_space<vmem_shared>> -> memref<80x128xf32, #tpu.memory_space<vmem_shared>>
    %dma_wait3A_180 = arith.constant 0 : i32
    %dma_wait3A_181 = tpu.memref_slice %arg13[%add3A_177, %dma_wait3A_180] : memref<10112x128xf32, #tpu.memory_space<vmem_shared>> -> memref<80x128xf32, #tpu.memory_space<vmem_shared>>
    tpu.wait_dma2 semaphore(%arg26 : memref<!tpu.dma_semaphore, #tpu.memory_space<semaphore_mem>>) src(%arg11 : memref<80x128xf32, #tpu.memory_space<vmem>>) dst(%dma_wait3A_181 : memref<80x128xf32, #tpu.memory_space<vmem_shared>>)
    %mul3A_182 = arith.constant 632 : i32
    %mul3A_183 = arith.muli %arg1, %mul3A_182 : i32
    %add3A_184 = arith.constant 560 : i32
    %add3A_185 = arith.addi %mul3A_183, %add3A_184 : i32
    %dma_wait3A_186 = arith.constant 0 : i32
    %dma_wait3A_187 = arith.constant 0 : i32
    %dma_wait3A_188 = tpu.memref_slice %arg11[%dma_wait3A_186, %dma_wait3A_187] : memref<80x128xf32, #tpu.memory_space<vmem>> -> memref<72x128xf32, #tpu.memory_space<vmem>>
    %dma_wait3A_189 = arith.constant 0 : i32
    %dma_wait3A_190 = tpu.memref_slice %arg13[%add3A_185, %dma_wait3A_189] : memref<10112x128xf32, #tpu.memory_space<vmem_shared>> -> memref<72x128xf32, #tpu.memory_space<vmem_shared>>
    %dma_wait3A_191 = arith.constant 0 : i32
    %dma_wait3A_192 = tpu.memref_slice %arg13[%add3A_185, %dma_wait3A_191] : memref<10112x128xf32, #tpu.memory_space<vmem_shared>> -> memref<72x128xf32, #tpu.memory_space<vmem_shared>>
    %dma_wait3A_193 = arith.constant 0 : i32
    %dma_wait3A_194 = arith.constant 0 : i32
    %dma_wait3A_195 = tpu.memref_slice %arg11[%dma_wait3A_193, %dma_wait3A_194] : memref<80x128xf32, #tpu.memory_space<vmem>> -> memref<72x128xf32, #tpu.memory_space<vmem>>
    tpu.wait_dma2 semaphore(%arg26 : memref<!tpu.dma_semaphore, #tpu.memory_space<semaphore_mem>>) src(%dma_wait3A_195 : memref<72x128xf32, #tpu.memory_space<vmem>>) dst(%dma_wait3A_192 : memref<72x128xf32, #tpu.memory_space<vmem_shared>>)
    %barrier3A = arith.constant 0 : index
    tpu.barrier barrier_id(%barrier3A)
    %sub3A = arith.constant 0 : i32
    %sub3A_196 = arith.subi %select_n3A, %sub3A : i32
    %sub3A_197 = arith.constant 4 : i32
    %sub3A_198 = arith.constant 1 : i32
    %sub3A_199 = arith.subi %sub3A_197, %sub3A_198 : i32
    %add3A_200 = arith.addi %sub3A_196, %sub3A_199 : i32
    %div3A = arith.constant 4 : i32
    %div3A_201 = arith.divsi %add3A_200, %div3A : i32
    %while3A = arith.constant 4 : i32
    %while3A_202 = arith.constant 0 : i32
    %while3A_203 = arith.constant 0 : i32
    %while3A_204 = arith.subi %div3A_201, %while3A_203 : i32
    %while3A_205 = arith.addi %while3A_203, %while3A_204 : i32
    %while3A_206 = arith.constant 1 : i32
    %while3A_207 = arith.divsi %while3A_204, %while3A_206 : i32
    %while3A_208 = arith.muli %while3A_207, %while3A_206 : i32
    %while3A_209 = arith.addi %while3A_203, %while3A_208 : i32
    %while3A_210 = arith.constant 1 : i32
    scf.for %while3A_233 = %while3A_203 to %while3A_209 step %while3A_210  : i32 {
      %mul3A_234 = arith.muli %while3A_233, %while3A : i32
      %add3A_235 = arith.addi %while3A_202, %mul3A_234 : i32
      %add3A_236 = arith.constant 0 : i32
      %add3A_237 = arith.addi %add3A_235, %add3A_236 : i32
      %dma_wait3A_238 = arith.constant 0 : i32
      %dma_wait3A_239 = arith.constant 0 : i32
      %dma_wait3A_240 = arith.constant 0 : i32
      %dma_wait3A_241 = tpu.memref_slice %arg5[%dma_wait3A_238, %dma_wait3A_239, %dma_wait3A_240] : memref<2x2x80xi32, #tpu.memory_space<vmem>> -> memref<1x1x80xi32, #tpu.memory_space<vmem>>
      %dma_wait3A_242 = tpu.memref_squeeze %dma_wait3A_241 : memref<1x1x80xi32, #tpu.memory_space<vmem>> -> memref<80xi32, #tpu.memory_space<vmem>>
      %dma_wait3A_243 = arith.constant 0 : i32
      %dma_wait3A_244 = arith.constant 0 : i32
      %dma_wait3A_245 = tpu.memref_slice %arg2[%dma_wait3A_243, %dma_wait3A_244] : memref<10000x128xf32, #tpu.memory_space<hbm>> -> memref<10000x128xf32, #tpu.memory_space<hbm>>
      tpu.wait_indirect_dma semaphore(%arg14 : memref<!tpu.dma_semaphore, #tpu.memory_space<semaphore_mem>>) src(%dma_wait3A_245 : memref<10000x128xf32, #tpu.memory_space<hbm>>) dst(%arg9 : memref<80x128xf32, #tpu.memory_space<vmem>>)
      %dma_start3A_246 = arith.constant 1 : i32
      %dma_start3A_247 = arith.constant 0 : i32
      %dma_start3A_248 = arith.constant 0 : i32
      %dma_start3A_249 = tpu.memref_slice %arg5[%dma_start3A_246, %dma_start3A_247, %dma_start3A_248] : memref<2x2x80xi32, #tpu.memory_space<vmem>> -> memref<1x1x80xi32, #tpu.memory_space<vmem>>
      %dma_start3A_250 = tpu.memref_squeeze %dma_start3A_249 : memref<1x1x80xi32, #tpu.memory_space<vmem>> -> memref<80xi32, #tpu.memory_space<vmem>>
      %dma_start3A_251 = arith.constant 0 : i32
      %dma_start3A_252 = arith.constant 0 : i32
      %dma_start3A_253 = tpu.memref_slice %arg13[%dma_start3A_251, %dma_start3A_252] : memref<10112x128xf32, #tpu.memory_space<vmem_shared>> -> memref<10112x128xf32, #tpu.memory_space<vmem_shared>>
      tpu.enqueue_indirect_dma source(%arg9 : memref<80x128xf32, #tpu.memory_space<vmem>>) target(%dma_start3A_253 : memref<10112x128xf32, #tpu.memory_space<vmem_shared>>) offsets(%dma_start3A_250 : memref<80xi32, #tpu.memory_space<vmem>>) semaphore(%arg18 : memref<!tpu.dma_semaphore, #tpu.memory_space<semaphore_mem>>) {add = true}
      %dma_wait3A_254 = arith.constant 0 : i32
      %dma_wait3A_255 = arith.constant 1 : i32
      %dma_wait3A_256 = arith.constant 0 : i32
      %dma_wait3A_257 = tpu.memref_slice %arg5[%dma_wait3A_254, %dma_wait3A_255, %dma_wait3A_256] : memref<2x2x80xi32, #tpu.memory_space<vmem>> -> memref<1x1x80xi32, #tpu.memory_space<vmem>>
      %dma_wait3A_258 = tpu.memref_squeeze %dma_wait3A_257 : memref<1x1x80xi32, #tpu.memory_space<vmem>> -> memref<80xi32, #tpu.memory_space<vmem>>
      %dma_wait3A_259 = arith.constant 0 : i32
      %dma_wait3A_260 = arith.constant 0 : i32
      %dma_wait3A_261 = tpu.memref_slice %arg2[%dma_wait3A_259, %dma_wait3A_260] : memref<10000x128xf32, #tpu.memory_space<hbm>> -> memref<10000x128xf32, #tpu.memory_space<hbm>>
      tpu.wait_indirect_dma semaphore(%arg15 : memref<!tpu.dma_semaphore, #tpu.memory_space<semaphore_mem>>) src(%dma_wait3A_261 : memref<10000x128xf32, #tpu.memory_space<hbm>>) dst(%arg10 : memref<80x128xf32, #tpu.memory_space<vmem>>)
      %dma_start3A_262 = arith.constant 1 : i32
      %dma_start3A_263 = arith.constant 1 : i32
      %dma_start3A_264 = arith.constant 0 : i32
      %dma_start3A_265 = tpu.memref_slice %arg5[%dma_start3A_262, %dma_start3A_263, %dma_start3A_264] : memref<2x2x80xi32, #tpu.memory_space<vmem>> -> memref<1x1x80xi32, #tpu.memory_space<vmem>>
      %dma_start3A_266 = tpu.memref_squeeze %dma_start3A_265 : memref<1x1x80xi32, #tpu.memory_space<vmem>> -> memref<80xi32, #tpu.memory_space<vmem>>
      %dma_start3A_267 = arith.constant 0 : i32
      %dma_start3A_268 = arith.constant 0 : i32
      %dma_start3A_269 = tpu.memref_slice %arg13[%dma_start3A_267, %dma_start3A_268] : memref<10112x128xf32, #tpu.memory_space<vmem_shared>> -> memref<10112x128xf32, #tpu.memory_space<vmem_shared>>
      tpu.enqueue_indirect_dma source(%arg10 : memref<80x128xf32, #tpu.memory_space<vmem>>) target(%dma_start3A_269 : memref<10112x128xf32, #tpu.memory_space<vmem_shared>>) offsets(%dma_start3A_266 : memref<80xi32, #tpu.memory_space<vmem>>) semaphore(%arg19 : memref<!tpu.dma_semaphore, #tpu.memory_space<semaphore_mem>>) {add = true}
      %add3A_270 = arith.constant 2 : i32
      %add3A_271 = arith.addi %add3A_237, %add3A_270 : i32
      %sub3A_272 = arith.constant 1 : i32
      %sub3A_273 = arith.subi %select_n3A, %sub3A_272 : i32
      %le3A = arith.cmpi sle, %add3A_271, %sub3A_273 : i32
      %convert_element_type3A = arith.extui %le3A : i1 to i32
      %cond3A = arith.constant 0 : i32
      %cond3A_274 = arith.cmpi ne, %convert_element_type3A, %cond3A : i32
      scf.if %cond3A_274 {
        %add3A_452 = arith.addi %mul3A_0, %add3A_237 : i32
        %add3A_453 = arith.constant 2 : i32
        %add3A_454 = arith.addi %add3A_452, %add3A_453 : i32
        %dma_start3A_455 = arith.constant 0 : i32
        %dma_start3A_456 = arith.constant 0 : i32
        %dma_start3A_457 = arith.constant 0 : i32
        %dma_start3A_458 = tpu.memref_slice %arg3[%arg1, %add3A_454, %dma_start3A_455, %dma_start3A_456, %dma_start3A_457] : memref<16x128x2x2x80xi32, #tpu.memory_space<hbm>> -> memref<1x1x2x2x80xi32, #tpu.memory_space<hbm>>
        %dma_start3A_459 = tpu.memref_squeeze %dma_start3A_458 : memref<1x1x2x2x80xi32, #tpu.memory_space<hbm>> -> memref<2x2x80xi32, #tpu.memory_space<hbm>>
        %dma_start3A_460 = arith.constant 0 : i32
        %dma_start3A_461 = arith.constant 0 : i32
        %dma_start3A_462 = arith.constant 0 : i32
        %dma_start3A_463 = tpu.memref_slice %arg3[%arg1, %add3A_454, %dma_start3A_460, %dma_start3A_461, %dma_start3A_462] : memref<16x128x2x2x80xi32, #tpu.memory_space<hbm>> -> memref<1x1x2x2x80xi32, #tpu.memory_space<hbm>>
        %dma_start3A_464 = tpu.memref_squeeze %dma_start3A_463 : memref<1x1x2x2x80xi32, #tpu.memory_space<hbm>> -> memref<2x2x80xi32, #tpu.memory_space<hbm>>
        tpu.enqueue_dma source(%dma_start3A_464 : memref<2x2x80xi32, #tpu.memory_space<hbm>>) target(%arg7 : memref<2x2x80xi32, #tpu.memory_space<vmem>>) target_semaphore(%arg24 : memref<!tpu.dma_semaphore, #tpu.memory_space<semaphore_mem>>)
      } else {
      }
      %ge3A = arith.constant 1 : i32
      %ge3A_275 = arith.cmpi sge, %add3A_237, %ge3A : i32
      %convert_element_type3A_276 = arith.extui %ge3A_275 : i1 to i32
      %cond3A_277 = arith.constant 0 : i32
      %cond3A_278 = arith.cmpi ne, %convert_element_type3A_276, %cond3A_277 : i32
      scf.if %cond3A_278 {
        %dma_wait3A_452 = arith.constant 1 : i32
        %dma_wait3A_453 = arith.constant 0 : i32
        %dma_wait3A_454 = arith.constant 0 : i32
        %dma_wait3A_455 = tpu.memref_slice %arg8[%dma_wait3A_452, %dma_wait3A_453, %dma_wait3A_454] : memref<2x2x80xi32, #tpu.memory_space<vmem>> -> memref<1x1x80xi32, #tpu.memory_space<vmem>>
        %dma_wait3A_456 = tpu.memref_squeeze %dma_wait3A_455 : memref<1x1x80xi32, #tpu.memory_space<vmem>> -> memref<80xi32, #tpu.memory_space<vmem>>
        %dma_wait3A_457 = arith.constant 0 : i32
        %dma_wait3A_458 = arith.constant 0 : i32
        %dma_wait3A_459 = tpu.memref_slice %arg13[%dma_wait3A_457, %dma_wait3A_458] : memref<10112x128xf32, #tpu.memory_space<vmem_shared>> -> memref<10112x128xf32, #tpu.memory_space<vmem_shared>>
        tpu.wait_indirect_dma semaphore(%arg20 : memref<!tpu.dma_semaphore, #tpu.memory_space<semaphore_mem>>) src(%arg11 : memref<80x128xf32, #tpu.memory_space<vmem>>) dst(%dma_wait3A_459 : memref<10112x128xf32, #tpu.memory_space<vmem_shared>>)
        %dma_wait3A_460 = arith.constant 1 : i32
        %dma_wait3A_461 = arith.constant 1 : i32
        %dma_wait3A_462 = arith.constant 0 : i32
        %dma_wait3A_463 = tpu.memref_slice %arg8[%dma_wait3A_460, %dma_wait3A_461, %dma_wait3A_462] : memref<2x2x80xi32, #tpu.memory_space<vmem>> -> memref<1x1x80xi32, #tpu.memory_space<vmem>>
        %dma_wait3A_464 = tpu.memref_squeeze %dma_wait3A_463 : memref<1x1x80xi32, #tpu.memory_space<vmem>> -> memref<80xi32, #tpu.memory_space<vmem>>
        %dma_wait3A_465 = arith.constant 0 : i32
        %dma_wait3A_466 = arith.constant 0 : i32
        %dma_wait3A_467 = tpu.memref_slice %arg13[%dma_wait3A_465, %dma_wait3A_466] : memref<10112x128xf32, #tpu.memory_space<vmem_shared>> -> memref<10112x128xf32, #tpu.memory_space<vmem_shared>>
        tpu.wait_indirect_dma semaphore(%arg21 : memref<!tpu.dma_semaphore, #tpu.memory_space<semaphore_mem>>) src(%arg12 : memref<80x128xf32, #tpu.memory_space<vmem>>) dst(%dma_wait3A_467 : memref<10112x128xf32, #tpu.memory_space<vmem_shared>>)
      } else {
      }
      %add3A_279 = arith.constant 1 : i32
      %add3A_280 = arith.addi %add3A_237, %add3A_279 : i32
      %sub3A_281 = arith.constant 1 : i32
      %sub3A_282 = arith.subi %select_n3A, %sub3A_281 : i32
      %le3A_283 = arith.cmpi sle, %add3A_280, %sub3A_282 : i32
      %convert_element_type3A_284 = arith.extui %le3A_283 : i1 to i32
      %cond3A_285 = arith.constant 0 : i32
      %cond3A_286 = arith.cmpi ne, %convert_element_type3A_284, %cond3A_285 : i32
      scf.if %cond3A_286 {
        %add3A_452 = arith.addi %mul3A_0, %add3A_237 : i32
        %add3A_453 = arith.constant 1 : i32
        %add3A_454 = arith.addi %add3A_452, %add3A_453 : i32
        %dma_wait3A_455 = arith.constant 0 : i32
        %dma_wait3A_456 = arith.constant 0 : i32
        %dma_wait3A_457 = arith.constant 0 : i32
        %dma_wait3A_458 = tpu.memref_slice %arg3[%arg1, %add3A_454, %dma_wait3A_455, %dma_wait3A_456, %dma_wait3A_457] : memref<16x128x2x2x80xi32, #tpu.memory_space<hbm>> -> memref<1x1x2x2x80xi32, #tpu.memory_space<hbm>>
        %dma_wait3A_459 = tpu.memref_squeeze %dma_wait3A_458 : memref<1x1x2x2x80xi32, #tpu.memory_space<hbm>> -> memref<2x2x80xi32, #tpu.memory_space<hbm>>
        %dma_wait3A_460 = arith.constant 0 : i32
        %dma_wait3A_461 = arith.constant 0 : i32
        %dma_wait3A_462 = arith.constant 0 : i32
        %dma_wait3A_463 = tpu.memref_slice %arg3[%arg1, %add3A_454, %dma_wait3A_460, %dma_wait3A_461, %dma_wait3A_462] : memref<16x128x2x2x80xi32, #tpu.memory_space<hbm>> -> memref<1x1x2x2x80xi32, #tpu.memory_space<hbm>>
        %dma_wait3A_464 = tpu.memref_squeeze %dma_wait3A_463 : memref<1x1x2x2x80xi32, #tpu.memory_space<hbm>> -> memref<2x2x80xi32, #tpu.memory_space<hbm>>
        tpu.wait_dma2 semaphore(%arg23 : memref<!tpu.dma_semaphore, #tpu.memory_space<semaphore_mem>>) src(%dma_wait3A_464 : memref<2x2x80xi32, #tpu.memory_space<hbm>>) dst(%arg6 : memref<2x2x80xi32, #tpu.memory_space<vmem>>)
        %dma_start3A_465 = arith.constant 0 : i32
        %dma_start3A_466 = arith.constant 0 : i32
        %dma_start3A_467 = arith.constant 0 : i32
        %dma_start3A_468 = tpu.memref_slice %arg6[%dma_start3A_465, %dma_start3A_466, %dma_start3A_467] : memref<2x2x80xi32, #tpu.memory_space<vmem>> -> memref<1x1x80xi32, #tpu.memory_space<vmem>>
        %dma_start3A_469 = tpu.memref_squeeze %dma_start3A_468 : memref<1x1x80xi32, #tpu.memory_space<vmem>> -> memref<80xi32, #tpu.memory_space<vmem>>
        %dma_start3A_470 = arith.constant 0 : i32
        %dma_start3A_471 = arith.constant 0 : i32
        %dma_start3A_472 = tpu.memref_slice %arg2[%dma_start3A_470, %dma_start3A_471] : memref<10000x128xf32, #tpu.memory_space<hbm>> -> memref<10000x128xf32, #tpu.memory_space<hbm>>
        tpu.enqueue_indirect_dma source(%dma_start3A_472 : memref<10000x128xf32, #tpu.memory_space<hbm>>) target(%arg11 : memref<80x128xf32, #tpu.memory_space<vmem>>) offsets(%dma_start3A_469 : memref<80xi32, #tpu.memory_space<vmem>>) semaphore(%arg16 : memref<!tpu.dma_semaphore, #tpu.memory_space<semaphore_mem>>)
        %dma_start3A_473 = arith.constant 0 : i32
        %dma_start3A_474 = arith.constant 1 : i32
        %dma_start3A_475 = arith.constant 0 : i32
        %dma_start3A_476 = tpu.memref_slice %arg6[%dma_start3A_473, %dma_start3A_474, %dma_start3A_475] : memref<2x2x80xi32, #tpu.memory_space<vmem>> -> memref<1x1x80xi32, #tpu.memory_space<vmem>>
        %dma_start3A_477 = tpu.memref_squeeze %dma_start3A_476 : memref<1x1x80xi32, #tpu.memory_space<vmem>> -> memref<80xi32, #tpu.memory_space<vmem>>
        %dma_start3A_478 = arith.constant 0 : i32
        %dma_start3A_479 = arith.constant 0 : i32
        %dma_start3A_480 = tpu.memref_slice %arg2[%dma_start3A_478, %dma_start3A_479] : memref<10000x128xf32, #tpu.memory_space<hbm>> -> memref<10000x128xf32, #tpu.memory_space<hbm>>
        tpu.enqueue_indirect_dma source(%dma_start3A_480 : memref<10000x128xf32, #tpu.memory_space<hbm>>) target(%arg12 : memref<80x128xf32, #tpu.memory_space<vmem>>) offsets(%dma_start3A_477 : memref<80xi32, #tpu.memory_space<vmem>>) semaphore(%arg17 : memref<!tpu.dma_semaphore, #tpu.memory_space<semaphore_mem>>)
      } else {
      }
      %add3A_287 = arith.constant 1 : i32
      %add3A_288 = arith.addi %add3A_235, %add3A_287 : i32
      %dma_wait3A_289 = arith.constant 0 : i32
      %dma_wait3A_290 = arith.constant 0 : i32
      %dma_wait3A_291 = arith.constant 0 : i32
      %dma_wait3A_292 = tpu.memref_slice %arg6[%dma_wait3A_289, %dma_wait3A_290, %dma_wait3A_291] : memref<2x2x80xi32, #tpu.memory_space<vmem>> -> memref<1x1x80xi32, #tpu.memory_space<vmem>>
      %dma_wait3A_293 = tpu.memref_squeeze %dma_wait3A_292 : memref<1x1x80xi32, #tpu.memory_space<vmem>> -> memref<80xi32, #tpu.memory_space<vmem>>
      %dma_wait3A_294 = arith.constant 0 : i32
      %dma_wait3A_295 = arith.constant 0 : i32
      %dma_wait3A_296 = tpu.memref_slice %arg2[%dma_wait3A_294, %dma_wait3A_295] : memref<10000x128xf32, #tpu.memory_space<hbm>> -> memref<10000x128xf32, #tpu.memory_space<hbm>>
      tpu.wait_indirect_dma semaphore(%arg16 : memref<!tpu.dma_semaphore, #tpu.memory_space<semaphore_mem>>) src(%dma_wait3A_296 : memref<10000x128xf32, #tpu.memory_space<hbm>>) dst(%arg11 : memref<80x128xf32, #tpu.memory_space<vmem>>)
      %dma_start3A_297 = arith.constant 1 : i32
      %dma_start3A_298 = arith.constant 0 : i32
      %dma_start3A_299 = arith.constant 0 : i32
      %dma_start3A_300 = tpu.memref_slice %arg6[%dma_start3A_297, %dma_start3A_298, %dma_start3A_299] : memref<2x2x80xi32, #tpu.memory_space<vmem>> -> memref<1x1x80xi32, #tpu.memory_space<vmem>>
      %dma_start3A_301 = tpu.memref_squeeze %dma_start3A_300 : memref<1x1x80xi32, #tpu.memory_space<vmem>> -> memref<80xi32, #tpu.memory_space<vmem>>
      %dma_start3A_302 = arith.constant 0 : i32
      %dma_start3A_303 = arith.constant 0 : i32
      %dma_start3A_304 = tpu.memref_slice %arg13[%dma_start3A_302, %dma_start3A_303] : memref<10112x128xf32, #tpu.memory_space<vmem_shared>> -> memref<10112x128xf32, #tpu.memory_space<vmem_shared>>
      tpu.enqueue_indirect_dma source(%arg11 : memref<80x128xf32, #tpu.memory_space<vmem>>) target(%dma_start3A_304 : memref<10112x128xf32, #tpu.memory_space<vmem_shared>>) offsets(%dma_start3A_301 : memref<80xi32, #tpu.memory_space<vmem>>) semaphore(%arg20 : memref<!tpu.dma_semaphore, #tpu.memory_space<semaphore_mem>>) {add = true}
      %dma_wait3A_305 = arith.constant 0 : i32
      %dma_wait3A_306 = arith.constant 1 : i32
      %dma_wait3A_307 = arith.constant 0 : i32
      %dma_wait3A_308 = tpu.memref_slice %arg6[%dma_wait3A_305, %dma_wait3A_306, %dma_wait3A_307] : memref<2x2x80xi32, #tpu.memory_space<vmem>> -> memref<1x1x80xi32, #tpu.memory_space<vmem>>
      %dma_wait3A_309 = tpu.memref_squeeze %dma_wait3A_308 : memref<1x1x80xi32, #tpu.memory_space<vmem>> -> memref<80xi32, #tpu.memory_space<vmem>>
      %dma_wait3A_310 = arith.constant 0 : i32
      %dma_wait3A_311 = arith.constant 0 : i32
      %dma_wait3A_312 = tpu.memref_slice %arg2[%dma_wait3A_310, %dma_wait3A_311] : memref<10000x128xf32, #tpu.memory_space<hbm>> -> memref<10000x128xf32, #tpu.memory_space<hbm>>
      tpu.wait_indirect_dma semaphore(%arg17 : memref<!tpu.dma_semaphore, #tpu.memory_space<semaphore_mem>>) src(%dma_wait3A_312 : memref<10000x128xf32, #tpu.memory_space<hbm>>) dst(%arg12 : memref<80x128xf32, #tpu.memory_space<vmem>>)
      %dma_start3A_313 = arith.constant 1 : i32
      %dma_start3A_314 = arith.constant 1 : i32
      %dma_start3A_315 = arith.constant 0 : i32
      %dma_start3A_316 = tpu.memref_slice %arg6[%dma_start3A_313, %dma_start3A_314, %dma_start3A_315] : memref<2x2x80xi32, #tpu.memory_space<vmem>> -> memref<1x1x80xi32, #tpu.memory_space<vmem>>
      %dma_start3A_317 = tpu.memref_squeeze %dma_start3A_316 : memref<1x1x80xi32, #tpu.memory_space<vmem>> -> memref<80xi32, #tpu.memory_space<vmem>>
      %dma_start3A_318 = arith.constant 0 : i32
      %dma_start3A_319 = arith.constant 0 : i32
      %dma_start3A_320 = tpu.memref_slice %arg13[%dma_start3A_318, %dma_start3A_319] : memref<10112x128xf32, #tpu.memory_space<vmem_shared>> -> memref<10112x128xf32, #tpu.memory_space<vmem_shared>>
      tpu.enqueue_indirect_dma source(%arg12 : memref<80x128xf32, #tpu.memory_space<vmem>>) target(%dma_start3A_320 : memref<10112x128xf32, #tpu.memory_space<vmem_shared>>) offsets(%dma_start3A_317 : memref<80xi32, #tpu.memory_space<vmem>>) semaphore(%arg21 : memref<!tpu.dma_semaphore, #tpu.memory_space<semaphore_mem>>) {add = true}
      %add3A_321 = arith.constant 2 : i32
      %add3A_322 = arith.addi %add3A_288, %add3A_321 : i32
      %sub3A_323 = arith.constant 1 : i32
      %sub3A_324 = arith.subi %select_n3A, %sub3A_323 : i32
      %le3A_325 = arith.cmpi sle, %add3A_322, %sub3A_324 : i32
      %convert_element_type3A_326 = arith.extui %le3A_325 : i1 to i32
      %cond3A_327 = arith.constant 0 : i32
      %cond3A_328 = arith.cmpi ne, %convert_element_type3A_326, %cond3A_327 : i32
      scf.if %cond3A_328 {
        %add3A_452 = arith.addi %mul3A_0, %add3A_288 : i32
        %add3A_453 = arith.constant 2 : i32
        %add3A_454 = arith.addi %add3A_452, %add3A_453 : i32
        %dma_start3A_455 = arith.constant 0 : i32
        %dma_start3A_456 = arith.constant 0 : i32
        %dma_start3A_457 = arith.constant 0 : i32
        %dma_start3A_458 = tpu.memref_slice %arg3[%arg1, %add3A_454, %dma_start3A_455, %dma_start3A_456, %dma_start3A_457] : memref<16x128x2x2x80xi32, #tpu.memory_space<hbm>> -> memref<1x1x2x2x80xi32, #tpu.memory_space<hbm>>
        %dma_start3A_459 = tpu.memref_squeeze %dma_start3A_458 : memref<1x1x2x2x80xi32, #tpu.memory_space<hbm>> -> memref<2x2x80xi32, #tpu.memory_space<hbm>>
        %dma_start3A_460 = arith.constant 0 : i32
        %dma_start3A_461 = arith.constant 0 : i32
        %dma_start3A_462 = arith.constant 0 : i32
        %dma_start3A_463 = tpu.memref_slice %arg3[%arg1, %add3A_454, %dma_start3A_460, %dma_start3A_461, %dma_start3A_462] : memref<16x128x2x2x80xi32, #tpu.memory_space<hbm>> -> memref<1x1x2x2x80xi32, #tpu.memory_space<hbm>>
        %dma_start3A_464 = tpu.memref_squeeze %dma_start3A_463 : memref<1x1x2x2x80xi32, #tpu.memory_space<hbm>> -> memref<2x2x80xi32, #tpu.memory_space<hbm>>
        tpu.enqueue_dma source(%dma_start3A_464 : memref<2x2x80xi32, #tpu.memory_space<hbm>>) target(%arg8 : memref<2x2x80xi32, #tpu.memory_space<vmem>>) target_semaphore(%arg25 : memref<!tpu.dma_semaphore, #tpu.memory_space<semaphore_mem>>)
      } else {
      }
      %ge3A_329 = arith.constant 1 : i32
      %ge3A_330 = arith.cmpi sge, %add3A_288, %ge3A_329 : i32
      %convert_element_type3A_331 = arith.extui %ge3A_330 : i1 to i32
      %cond3A_332 = arith.constant 0 : i32
      %cond3A_333 = arith.cmpi ne, %convert_element_type3A_331, %cond3A_332 : i32
      scf.if %cond3A_333 {
        %dma_wait3A_452 = arith.constant 1 : i32
        %dma_wait3A_453 = arith.constant 0 : i32
        %dma_wait3A_454 = arith.constant 0 : i32
        %dma_wait3A_455 = tpu.memref_slice %arg5[%dma_wait3A_452, %dma_wait3A_453, %dma_wait3A_454] : memref<2x2x80xi32, #tpu.memory_space<vmem>> -> memref<1x1x80xi32, #tpu.memory_space<vmem>>
        %dma_wait3A_456 = tpu.memref_squeeze %dma_wait3A_455 : memref<1x1x80xi32, #tpu.memory_space<vmem>> -> memref<80xi32, #tpu.memory_space<vmem>>
        %dma_wait3A_457 = arith.constant 0 : i32
        %dma_wait3A_458 = arith.constant 0 : i32
        %dma_wait3A_459 = tpu.memref_slice %arg13[%dma_wait3A_457, %dma_wait3A_458] : memref<10112x128xf32, #tpu.memory_space<vmem_shared>> -> memref<10112x128xf32, #tpu.memory_space<vmem_shared>>
        tpu.wait_indirect_dma semaphore(%arg18 : memref<!tpu.dma_semaphore, #tpu.memory_space<semaphore_mem>>) src(%arg9 : memref<80x128xf32, #tpu.memory_space<vmem>>) dst(%dma_wait3A_459 : memref<10112x128xf32, #tpu.memory_space<vmem_shared>>)
        %dma_wait3A_460 = arith.constant 1 : i32
        %dma_wait3A_461 = arith.constant 1 : i32
        %dma_wait3A_462 = arith.constant 0 : i32
        %dma_wait3A_463 = tpu.memref_slice %arg5[%dma_wait3A_460, %dma_wait3A_461, %dma_wait3A_462] : memref<2x2x80xi32, #tpu.memory_space<vmem>> -> memref<1x1x80xi32, #tpu.memory_space<vmem>>
        %dma_wait3A_464 = tpu.memref_squeeze %dma_wait3A_463 : memref<1x1x80xi32, #tpu.memory_space<vmem>> -> memref<80xi32, #tpu.memory_space<vmem>>
        %dma_wait3A_465 = arith.constant 0 : i32
        %dma_wait3A_466 = arith.constant 0 : i32
        %dma_wait3A_467 = tpu.memref_slice %arg13[%dma_wait3A_465, %dma_wait3A_466] : memref<10112x128xf32, #tpu.memory_space<vmem_shared>> -> memref<10112x128xf32, #tpu.memory_space<vmem_shared>>
        tpu.wait_indirect_dma semaphore(%arg19 : memref<!tpu.dma_semaphore, #tpu.memory_space<semaphore_mem>>) src(%arg10 : memref<80x128xf32, #tpu.memory_space<vmem>>) dst(%dma_wait3A_467 : memref<10112x128xf32, #tpu.memory_space<vmem_shared>>)
      } else {
      }
      %add3A_334 = arith.constant 1 : i32
      %add3A_335 = arith.addi %add3A_288, %add3A_334 : i32
      %sub3A_336 = arith.constant 1 : i32
      %sub3A_337 = arith.subi %select_n3A, %sub3A_336 : i32
      %le3A_338 = arith.cmpi sle, %add3A_335, %sub3A_337 : i32
      %convert_element_type3A_339 = arith.extui %le3A_338 : i1 to i32
      %cond3A_340 = arith.constant 0 : i32
      %cond3A_341 = arith.cmpi ne, %convert_element_type3A_339, %cond3A_340 : i32
      scf.if %cond3A_341 {
        %add3A_452 = arith.addi %mul3A_0, %add3A_288 : i32
        %add3A_453 = arith.constant 1 : i32
        %add3A_454 = arith.addi %add3A_452, %add3A_453 : i32
        %dma_wait3A_455 = arith.constant 0 : i32
        %dma_wait3A_456 = arith.constant 0 : i32
        %dma_wait3A_457 = arith.constant 0 : i32
        %dma_wait3A_458 = tpu.memref_slice %arg3[%arg1, %add3A_454, %dma_wait3A_455, %dma_wait3A_456, %dma_wait3A_457] : memref<16x128x2x2x80xi32, #tpu.memory_space<hbm>> -> memref<1x1x2x2x80xi32, #tpu.memory_space<hbm>>
        %dma_wait3A_459 = tpu.memref_squeeze %dma_wait3A_458 : memref<1x1x2x2x80xi32, #tpu.memory_space<hbm>> -> memref<2x2x80xi32, #tpu.memory_space<hbm>>
        %dma_wait3A_460 = arith.constant 0 : i32
        %dma_wait3A_461 = arith.constant 0 : i32
        %dma_wait3A_462 = arith.constant 0 : i32
        %dma_wait3A_463 = tpu.memref_slice %arg3[%arg1, %add3A_454, %dma_wait3A_460, %dma_wait3A_461, %dma_wait3A_462] : memref<16x128x2x2x80xi32, #tpu.memory_space<hbm>> -> memref<1x1x2x2x80xi32, #tpu.memory_space<hbm>>
        %dma_wait3A_464 = tpu.memref_squeeze %dma_wait3A_463 : memref<1x1x2x2x80xi32, #tpu.memory_space<hbm>> -> memref<2x2x80xi32, #tpu.memory_space<hbm>>
        tpu.wait_dma2 semaphore(%arg24 : memref<!tpu.dma_semaphore, #tpu.memory_space<semaphore_mem>>) src(%dma_wait3A_464 : memref<2x2x80xi32, #tpu.memory_space<hbm>>) dst(%arg7 : memref<2x2x80xi32, #tpu.memory_space<vmem>>)
        %dma_start3A_465 = arith.constant 0 : i32
        %dma_start3A_466 = arith.constant 0 : i32
        %dma_start3A_467 = arith.constant 0 : i32
        %dma_start3A_468 = tpu.memref_slice %arg7[%dma_start3A_465, %dma_start3A_466, %dma_start3A_467] : memref<2x2x80xi32, #tpu.memory_space<vmem>> -> memref<1x1x80xi32, #tpu.memory_space<vmem>>
        %dma_start3A_469 = tpu.memref_squeeze %dma_start3A_468 : memref<1x1x80xi32, #tpu.memory_space<vmem>> -> memref<80xi32, #tpu.memory_space<vmem>>
        %dma_start3A_470 = arith.constant 0 : i32
        %dma_start3A_471 = arith.constant 0 : i32
        %dma_start3A_472 = tpu.memref_slice %arg2[%dma_start3A_470, %dma_start3A_471] : memref<10000x128xf32, #tpu.memory_space<hbm>> -> memref<10000x128xf32, #tpu.memory_space<hbm>>
        tpu.enqueue_indirect_dma source(%dma_start3A_472 : memref<10000x128xf32, #tpu.memory_space<hbm>>) target(%arg9 : memref<80x128xf32, #tpu.memory_space<vmem>>) offsets(%dma_start3A_469 : memref<80xi32, #tpu.memory_space<vmem>>) semaphore(%arg14 : memref<!tpu.dma_semaphore, #tpu.memory_space<semaphore_mem>>)
        %dma_start3A_473 = arith.constant 0 : i32
        %dma_start3A_474 = arith.constant 1 : i32
        %dma_start3A_475 = arith.constant 0 : i32
        %dma_start3A_476 = tpu.memref_slice %arg7[%dma_start3A_473, %dma_start3A_474, %dma_start3A_475] : memref<2x2x80xi32, #tpu.memory_space<vmem>> -> memref<1x1x80xi32, #tpu.memory_space<vmem>>
        %dma_start3A_477 = tpu.memref_squeeze %dma_start3A_476 : memref<1x1x80xi32, #tpu.memory_space<vmem>> -> memref<80xi32, #tpu.memory_space<vmem>>
        %dma_start3A_478 = arith.constant 0 : i32
        %dma_start3A_479 = arith.constant 0 : i32
        %dma_start3A_480 = tpu.memref_slice %arg2[%dma_start3A_478, %dma_start3A_479] : memref<10000x128xf32, #tpu.memory_space<hbm>> -> memref<10000x128xf32, #tpu.memory_space<hbm>>
        tpu.enqueue_indirect_dma source(%dma_start3A_480 : memref<10000x128xf32, #tpu.memory_space<hbm>>) target(%arg10 : memref<80x128xf32, #tpu.memory_space<vmem>>) offsets(%dma_start3A_477 : memref<80xi32, #tpu.memory_space<vmem>>) semaphore(%arg15 : memref<!tpu.dma_semaphore, #tpu.memory_space<semaphore_mem>>)
      } else {
      }
      %add3A_342 = arith.constant 2 : i32
      %add3A_343 = arith.addi %add3A_235, %add3A_342 : i32
      %dma_wait3A_344 = arith.constant 0 : i32
      %dma_wait3A_345 = arith.constant 0 : i32
      %dma_wait3A_346 = arith.constant 0 : i32
      %dma_wait3A_347 = tpu.memref_slice %arg7[%dma_wait3A_344, %dma_wait3A_345, %dma_wait3A_346] : memref<2x2x80xi32, #tpu.memory_space<vmem>> -> memref<1x1x80xi32, #tpu.memory_space<vmem>>
      %dma_wait3A_348 = tpu.memref_squeeze %dma_wait3A_347 : memref<1x1x80xi32, #tpu.memory_space<vmem>> -> memref<80xi32, #tpu.memory_space<vmem>>
      %dma_wait3A_349 = arith.constant 0 : i32
      %dma_wait3A_350 = arith.constant 0 : i32
      %dma_wait3A_351 = tpu.memref_slice %arg2[%dma_wait3A_349, %dma_wait3A_350] : memref<10000x128xf32, #tpu.memory_space<hbm>> -> memref<10000x128xf32, #tpu.memory_space<hbm>>
      tpu.wait_indirect_dma semaphore(%arg14 : memref<!tpu.dma_semaphore, #tpu.memory_space<semaphore_mem>>) src(%dma_wait3A_351 : memref<10000x128xf32, #tpu.memory_space<hbm>>) dst(%arg9 : memref<80x128xf32, #tpu.memory_space<vmem>>)
      %dma_start3A_352 = arith.constant 1 : i32
      %dma_start3A_353 = arith.constant 0 : i32
      %dma_start3A_354 = arith.constant 0 : i32
      %dma_start3A_355 = tpu.memref_slice %arg7[%dma_start3A_352, %dma_start3A_353, %dma_start3A_354] : memref<2x2x80xi32, #tpu.memory_space<vmem>> -> memref<1x1x80xi32, #tpu.memory_space<vmem>>
      %dma_start3A_356 = tpu.memref_squeeze %dma_start3A_355 : memref<1x1x80xi32, #tpu.memory_space<vmem>> -> memref<80xi32, #tpu.memory_space<vmem>>
      %dma_start3A_357 = arith.constant 0 : i32
      %dma_start3A_358 = arith.constant 0 : i32
      %dma_start3A_359 = tpu.memref_slice %arg13[%dma_start3A_357, %dma_start3A_358] : memref<10112x128xf32, #tpu.memory_space<vmem_shared>> -> memref<10112x128xf32, #tpu.memory_space<vmem_shared>>
      tpu.enqueue_indirect_dma source(%arg9 : memref<80x128xf32, #tpu.memory_space<vmem>>) target(%dma_start3A_359 : memref<10112x128xf32, #tpu.memory_space<vmem_shared>>) offsets(%dma_start3A_356 : memref<80xi32, #tpu.memory_space<vmem>>) semaphore(%arg18 : memref<!tpu.dma_semaphore, #tpu.memory_space<semaphore_mem>>) {add = true}
      %dma_wait3A_360 = arith.constant 0 : i32
      %dma_wait3A_361 = arith.constant 1 : i32
      %dma_wait3A_362 = arith.constant 0 : i32
      %dma_wait3A_363 = tpu.memref_slice %arg7[%dma_wait3A_360, %dma_wait3A_361, %dma_wait3A_362] : memref<2x2x80xi32, #tpu.memory_space<vmem>> -> memref<1x1x80xi32, #tpu.memory_space<vmem>>
      %dma_wait3A_364 = tpu.memref_squeeze %dma_wait3A_363 : memref<1x1x80xi32, #tpu.memory_space<vmem>> -> memref<80xi32, #tpu.memory_space<vmem>>
      %dma_wait3A_365 = arith.constant 0 : i32
      %dma_wait3A_366 = arith.constant 0 : i32
      %dma_wait3A_367 = tpu.memref_slice %arg2[%dma_wait3A_365, %dma_wait3A_366] : memref<10000x128xf32, #tpu.memory_space<hbm>> -> memref<10000x128xf32, #tpu.memory_space<hbm>>
      tpu.wait_indirect_dma semaphore(%arg15 : memref<!tpu.dma_semaphore, #tpu.memory_space<semaphore_mem>>) src(%dma_wait3A_367 : memref<10000x128xf32, #tpu.memory_space<hbm>>) dst(%arg10 : memref<80x128xf32, #tpu.memory_space<vmem>>)
      %dma_start3A_368 = arith.constant 1 : i32
      %dma_start3A_369 = arith.constant 1 : i32
      %dma_start3A_370 = arith.constant 0 : i32
      %dma_start3A_371 = tpu.memref_slice %arg7[%dma_start3A_368, %dma_start3A_369, %dma_start3A_370] : memref<2x2x80xi32, #tpu.memory_space<vmem>> -> memref<1x1x80xi32, #tpu.memory_space<vmem>>
      %dma_start3A_372 = tpu.memref_squeeze %dma_start3A_371 : memref<1x1x80xi32, #tpu.memory_space<vmem>> -> memref<80xi32, #tpu.memory_space<vmem>>
      %dma_start3A_373 = arith.constant 0 : i32
      %dma_start3A_374 = arith.constant 0 : i32
      %dma_start3A_375 = tpu.memref_slice %arg13[%dma_start3A_373, %dma_start3A_374] : memref<10112x128xf32, #tpu.memory_space<vmem_shared>> -> memref<10112x128xf32, #tpu.memory_space<vmem_shared>>
      tpu.enqueue_indirect_dma source(%arg10 : memref<80x128xf32, #tpu.memory_space<vmem>>) target(%dma_start3A_375 : memref<10112x128xf32, #tpu.memory_space<vmem_shared>>) offsets(%dma_start3A_372 : memref<80xi32, #tpu.memory_space<vmem>>) semaphore(%arg19 : memref<!tpu.dma_semaphore, #tpu.memory_space<semaphore_mem>>) {add = true}
      %add3A_376 = arith.constant 2 : i32
      %add3A_377 = arith.addi %add3A_343, %add3A_376 : i32
      %sub3A_378 = arith.constant 1 : i32
      %sub3A_379 = arith.subi %select_n3A, %sub3A_378 : i32
      %le3A_380 = arith.cmpi sle, %add3A_377, %sub3A_379 : i32
      %convert_element_type3A_381 = arith.extui %le3A_380 : i1 to i32
      %cond3A_382 = arith.constant 0 : i32
      %cond3A_383 = arith.cmpi ne, %convert_element_type3A_381, %cond3A_382 : i32
      scf.if %cond3A_383 {
        %add3A_452 = arith.addi %mul3A_0, %add3A_343 : i32
        %add3A_453 = arith.constant 2 : i32
        %add3A_454 = arith.addi %add3A_452, %add3A_453 : i32
        %dma_start3A_455 = arith.constant 0 : i32
        %dma_start3A_456 = arith.constant 0 : i32
        %dma_start3A_457 = arith.constant 0 : i32
        %dma_start3A_458 = tpu.memref_slice %arg3[%arg1, %add3A_454, %dma_start3A_455, %dma_start3A_456, %dma_start3A_457] : memref<16x128x2x2x80xi32, #tpu.memory_space<hbm>> -> memref<1x1x2x2x80xi32, #tpu.memory_space<hbm>>
        %dma_start3A_459 = tpu.memref_squeeze %dma_start3A_458 : memref<1x1x2x2x80xi32, #tpu.memory_space<hbm>> -> memref<2x2x80xi32, #tpu.memory_space<hbm>>
        %dma_start3A_460 = arith.constant 0 : i32
        %dma_start3A_461 = arith.constant 0 : i32
        %dma_start3A_462 = arith.constant 0 : i32
        %dma_start3A_463 = tpu.memref_slice %arg3[%arg1, %add3A_454, %dma_start3A_460, %dma_start3A_461, %dma_start3A_462] : memref<16x128x2x2x80xi32, #tpu.memory_space<hbm>> -> memref<1x1x2x2x80xi32, #tpu.memory_space<hbm>>
        %dma_start3A_464 = tpu.memref_squeeze %dma_start3A_463 : memref<1x1x2x2x80xi32, #tpu.memory_space<hbm>> -> memref<2x2x80xi32, #tpu.memory_space<hbm>>
        tpu.enqueue_dma source(%dma_start3A_464 : memref<2x2x80xi32, #tpu.memory_space<hbm>>) target(%arg5 : memref<2x2x80xi32, #tpu.memory_space<vmem>>) target_semaphore(%arg22 : memref<!tpu.dma_semaphore, #tpu.memory_space<semaphore_mem>>)
      } else {
      }
      %ge3A_384 = arith.constant 1 : i32
      %ge3A_385 = arith.cmpi sge, %add3A_343, %ge3A_384 : i32
      %convert_element_type3A_386 = arith.extui %ge3A_385 : i1 to i32
      %cond3A_387 = arith.constant 0 : i32
      %cond3A_388 = arith.cmpi ne, %convert_element_type3A_386, %cond3A_387 : i32
      scf.if %cond3A_388 {
        %dma_wait3A_452 = arith.constant 1 : i32
        %dma_wait3A_453 = arith.constant 0 : i32
        %dma_wait3A_454 = arith.constant 0 : i32
        %dma_wait3A_455 = tpu.memref_slice %arg6[%dma_wait3A_452, %dma_wait3A_453, %dma_wait3A_454] : memref<2x2x80xi32, #tpu.memory_space<vmem>> -> memref<1x1x80xi32, #tpu.memory_space<vmem>>
        %dma_wait3A_456 = tpu.memref_squeeze %dma_wait3A_455 : memref<1x1x80xi32, #tpu.memory_space<vmem>> -> memref<80xi32, #tpu.memory_space<vmem>>
        %dma_wait3A_457 = arith.constant 0 : i32
        %dma_wait3A_458 = arith.constant 0 : i32
        %dma_wait3A_459 = tpu.memref_slice %arg13[%dma_wait3A_457, %dma_wait3A_458] : memref<10112x128xf32, #tpu.memory_space<vmem_shared>> -> memref<10112x128xf32, #tpu.memory_space<vmem_shared>>
        tpu.wait_indirect_dma semaphore(%arg20 : memref<!tpu.dma_semaphore, #tpu.memory_space<semaphore_mem>>) src(%arg11 : memref<80x128xf32, #tpu.memory_space<vmem>>) dst(%dma_wait3A_459 : memref<10112x128xf32, #tpu.memory_space<vmem_shared>>)
        %dma_wait3A_460 = arith.constant 1 : i32
        %dma_wait3A_461 = arith.constant 1 : i32
        %dma_wait3A_462 = arith.constant 0 : i32
        %dma_wait3A_463 = tpu.memref_slice %arg6[%dma_wait3A_460, %dma_wait3A_461, %dma_wait3A_462] : memref<2x2x80xi32, #tpu.memory_space<vmem>> -> memref<1x1x80xi32, #tpu.memory_space<vmem>>
        %dma_wait3A_464 = tpu.memref_squeeze %dma_wait3A_463 : memref<1x1x80xi32, #tpu.memory_space<vmem>> -> memref<80xi32, #tpu.memory_space<vmem>>
        %dma_wait3A_465 = arith.constant 0 : i32
        %dma_wait3A_466 = arith.constant 0 : i32
        %dma_wait3A_467 = tpu.memref_slice %arg13[%dma_wait3A_465, %dma_wait3A_466] : memref<10112x128xf32, #tpu.memory_space<vmem_shared>> -> memref<10112x128xf32, #tpu.memory_space<vmem_shared>>
        tpu.wait_indirect_dma semaphore(%arg21 : memref<!tpu.dma_semaphore, #tpu.memory_space<semaphore_mem>>) src(%arg12 : memref<80x128xf32, #tpu.memory_space<vmem>>) dst(%dma_wait3A_467 : memref<10112x128xf32, #tpu.memory_space<vmem_shared>>)
      } else {
      }
      %add3A_389 = arith.constant 1 : i32
      %add3A_390 = arith.addi %add3A_343, %add3A_389 : i32
      %sub3A_391 = arith.constant 1 : i32
      %sub3A_392 = arith.subi %select_n3A, %sub3A_391 : i32
      %le3A_393 = arith.cmpi sle, %add3A_390, %sub3A_392 : i32
      %convert_element_type3A_394 = arith.extui %le3A_393 : i1 to i32
      %cond3A_395 = arith.constant 0 : i32
      %cond3A_396 = arith.cmpi ne, %convert_element_type3A_394, %cond3A_395 : i32
      scf.if %cond3A_396 {
        %add3A_452 = arith.addi %mul3A_0, %add3A_343 : i32
        %add3A_453 = arith.constant 1 : i32
        %add3A_454 = arith.addi %add3A_452, %add3A_453 : i32
        %dma_wait3A_455 = arith.constant 0 : i32
        %dma_wait3A_456 = arith.constant 0 : i32
        %dma_wait3A_457 = arith.constant 0 : i32
        %dma_wait3A_458 = tpu.memref_slice %arg3[%arg1, %add3A_454, %dma_wait3A_455, %dma_wait3A_456, %dma_wait3A_457] : memref<16x128x2x2x80xi32, #tpu.memory_space<hbm>> -> memref<1x1x2x2x80xi32, #tpu.memory_space<hbm>>
        %dma_wait3A_459 = tpu.memref_squeeze %dma_wait3A_458 : memref<1x1x2x2x80xi32, #tpu.memory_space<hbm>> -> memref<2x2x80xi32, #tpu.memory_space<hbm>>
        %dma_wait3A_460 = arith.constant 0 : i32
        %dma_wait3A_461 = arith.constant 0 : i32
        %dma_wait3A_462 = arith.constant 0 : i32
        %dma_wait3A_463 = tpu.memref_slice %arg3[%arg1, %add3A_454, %dma_wait3A_460, %dma_wait3A_461, %dma_wait3A_462] : memref<16x128x2x2x80xi32, #tpu.memory_space<hbm>> -> memref<1x1x2x2x80xi32, #tpu.memory_space<hbm>>
        %dma_wait3A_464 = tpu.memref_squeeze %dma_wait3A_463 : memref<1x1x2x2x80xi32, #tpu.memory_space<hbm>> -> memref<2x2x80xi32, #tpu.memory_space<hbm>>
        tpu.wait_dma2 semaphore(%arg25 : memref<!tpu.dma_semaphore, #tpu.memory_space<semaphore_mem>>) src(%dma_wait3A_464 : memref<2x2x80xi32, #tpu.memory_space<hbm>>) dst(%arg8 : memref<2x2x80xi32, #tpu.memory_space<vmem>>)
        %dma_start3A_465 = arith.constant 0 : i32
        %dma_start3A_466 = arith.constant 0 : i32
        %dma_start3A_467 = arith.constant 0 : i32
        %dma_start3A_468 = tpu.memref_slice %arg8[%dma_start3A_465, %dma_start3A_466, %dma_start3A_467] : memref<2x2x80xi32, #tpu.memory_space<vmem>> -> memref<1x1x80xi32, #tpu.memory_space<vmem>>
        %dma_start3A_469 = tpu.memref_squeeze %dma_start3A_468 : memref<1x1x80xi32, #tpu.memory_space<vmem>> -> memref<80xi32, #tpu.memory_space<vmem>>
        %dma_start3A_470 = arith.constant 0 : i32
        %dma_start3A_471 = arith.constant 0 : i32
        %dma_start3A_472 = tpu.memref_slice %arg2[%dma_start3A_470, %dma_start3A_471] : memref<10000x128xf32, #tpu.memory_space<hbm>> -> memref<10000x128xf32, #tpu.memory_space<hbm>>
        tpu.enqueue_indirect_dma source(%dma_start3A_472 : memref<10000x128xf32, #tpu.memory_space<hbm>>) target(%arg11 : memref<80x128xf32, #tpu.memory_space<vmem>>) offsets(%dma_start3A_469 : memref<80xi32, #tpu.memory_space<vmem>>) semaphore(%arg16 : memref<!tpu.dma_semaphore, #tpu.memory_space<semaphore_mem>>)
        %dma_start3A_473 = arith.constant 0 : i32
        %dma_start3A_474 = arith.constant 1 : i32
        %dma_start3A_475 = arith.constant 0 : i32
        %dma_start3A_476 = tpu.memref_slice %arg8[%dma_start3A_473, %dma_start3A_474, %dma_start3A_475] : memref<2x2x80xi32, #tpu.memory_space<vmem>> -> memref<1x1x80xi32, #tpu.memory_space<vmem>>
        %dma_start3A_477 = tpu.memref_squeeze %dma_start3A_476 : memref<1x1x80xi32, #tpu.memory_space<vmem>> -> memref<80xi32, #tpu.memory_space<vmem>>
        %dma_start3A_478 = arith.constant 0 : i32
        %dma_start3A_479 = arith.constant 0 : i32
        %dma_start3A_480 = tpu.memref_slice %arg2[%dma_start3A_478, %dma_start3A_479] : memref<10000x128xf32, #tpu.memory_space<hbm>> -> memref<10000x128xf32, #tpu.memory_space<hbm>>
        tpu.enqueue_indirect_dma source(%dma_start3A_480 : memref<10000x128xf32, #tpu.memory_space<hbm>>) target(%arg12 : memref<80x128xf32, #tpu.memory_space<vmem>>) offsets(%dma_start3A_477 : memref<80xi32, #tpu.memory_space<vmem>>) semaphore(%arg17 : memref<!tpu.dma_semaphore, #tpu.memory_space<semaphore_mem>>)
      } else {
      }
      %add3A_397 = arith.constant 3 : i32
      %add3A_398 = arith.addi %add3A_235, %add3A_397 : i32
      %dma_wait3A_399 = arith.constant 0 : i32
      %dma_wait3A_400 = arith.constant 0 : i32
      %dma_wait3A_401 = arith.constant 0 : i32
      %dma_wait3A_402 = tpu.memref_slice %arg8[%dma_wait3A_399, %dma_wait3A_400, %dma_wait3A_401] : memref<2x2x80xi32, #tpu.memory_space<vmem>> -> memref<1x1x80xi32, #tpu.memory_space<vmem>>
      %dma_wait3A_403 = tpu.memref_squeeze %dma_wait3A_402 : memref<1x1x80xi32, #tpu.memory_space<vmem>> -> memref<80xi32, #tpu.memory_space<vmem>>
      %dma_wait3A_404 = arith.constant 0 : i32
      %dma_wait3A_405 = arith.constant 0 : i32
      %dma_wait3A_406 = tpu.memref_slice %arg2[%dma_wait3A_404, %dma_wait3A_405] : memref<10000x128xf32, #tpu.memory_space<hbm>> -> memref<10000x128xf32, #tpu.memory_space<hbm>>
      tpu.wait_indirect_dma semaphore(%arg16 : memref<!tpu.dma_semaphore, #tpu.memory_space<semaphore_mem>>) src(%dma_wait3A_406 : memref<10000x128xf32, #tpu.memory_space<hbm>>) dst(%arg11 : memref<80x128xf32, #tpu.memory_space<vmem>>)
      %dma_start3A_407 = arith.constant 1 : i32
      %dma_start3A_408 = arith.constant 0 : i32
      %dma_start3A_409 = arith.constant 0 : i32
      %dma_start3A_410 = tpu.memref_slice %arg8[%dma_start3A_407, %dma_start3A_408, %dma_start3A_409] : memref<2x2x80xi32, #tpu.memory_space<vmem>> -> memref<1x1x80xi32, #tpu.memory_space<vmem>>
      %dma_start3A_411 = tpu.memref_squeeze %dma_start3A_410 : memref<1x1x80xi32, #tpu.memory_space<vmem>> -> memref<80xi32, #tpu.memory_space<vmem>>
      %dma_start3A_412 = arith.constant 0 : i32
      %dma_start3A_413 = arith.constant 0 : i32
      %dma_start3A_414 = tpu.memref_slice %arg13[%dma_start3A_412, %dma_start3A_413] : memref<10112x128xf32, #tpu.memory_space<vmem_shared>> -> memref<10112x128xf32, #tpu.memory_space<vmem_shared>>
      tpu.enqueue_indirect_dma source(%arg11 : memref<80x128xf32, #tpu.memory_space<vmem>>) target(%dma_start3A_414 : memref<10112x128xf32, #tpu.memory_space<vmem_shared>>) offsets(%dma_start3A_411 : memref<80xi32, #tpu.memory_space<vmem>>) semaphore(%arg20 : memref<!tpu.dma_semaphore, #tpu.memory_space<semaphore_mem>>) {add = true}
      %dma_wait3A_415 = arith.constant 0 : i32
      %dma_wait3A_416 = arith.constant 1 : i32
      %dma_wait3A_417 = arith.constant 0 : i32
      %dma_wait3A_418 = tpu.memref_slice %arg8[%dma_wait3A_415, %dma_wait3A_416, %dma_wait3A_417] : memref<2x2x80xi32, #tpu.memory_space<vmem>> -> memref<1x1x80xi32, #tpu.memory_space<vmem>>
      %dma_wait3A_419 = tpu.memref_squeeze %dma_wait3A_418 : memref<1x1x80xi32, #tpu.memory_space<vmem>> -> memref<80xi32, #tpu.memory_space<vmem>>
      %dma_wait3A_420 = arith.constant 0 : i32
      %dma_wait3A_421 = arith.constant 0 : i32
      %dma_wait3A_422 = tpu.memref_slice %arg2[%dma_wait3A_420, %dma_wait3A_421] : memref<10000x128xf32, #tpu.memory_space<hbm>> -> memref<10000x128xf32, #tpu.memory_space<hbm>>
      tpu.wait_indirect_dma semaphore(%arg17 : memref<!tpu.dma_semaphore, #tpu.memory_space<semaphore_mem>>) src(%dma_wait3A_422 : memref<10000x128xf32, #tpu.memory_space<hbm>>) dst(%arg12 : memref<80x128xf32, #tpu.memory_space<vmem>>)
      %dma_start3A_423 = arith.constant 1 : i32
      %dma_start3A_424 = arith.constant 1 : i32
      %dma_start3A_425 = arith.constant 0 : i32
      %dma_start3A_426 = tpu.memref_slice %arg8[%dma_start3A_423, %dma_start3A_424, %dma_start3A_425] : memref<2x2x80xi32, #tpu.memory_space<vmem>> -> memref<1x1x80xi32, #tpu.memory_space<vmem>>
      %dma_start3A_427 = tpu.memref_squeeze %dma_start3A_426 : memref<1x1x80xi32, #tpu.memory_space<vmem>> -> memref<80xi32, #tpu.memory_space<vmem>>
      %dma_start3A_428 = arith.constant 0 : i32
      %dma_start3A_429 = arith.constant 0 : i32
      %dma_start3A_430 = tpu.memref_slice %arg13[%dma_start3A_428, %dma_start3A_429] : memref<10112x128xf32, #tpu.memory_space<vmem_shared>> -> memref<10112x128xf32, #tpu.memory_space<vmem_shared>>
      tpu.enqueue_indirect_dma source(%arg12 : memref<80x128xf32, #tpu.memory_space<vmem>>) target(%dma_start3A_430 : memref<10112x128xf32, #tpu.memory_space<vmem_shared>>) offsets(%dma_start3A_427 : memref<80xi32, #tpu.memory_space<vmem>>) semaphore(%arg21 : memref<!tpu.dma_semaphore, #tpu.memory_space<semaphore_mem>>) {add = true}
      %add3A_431 = arith.constant 2 : i32
      %add3A_432 = arith.addi %add3A_398, %add3A_431 : i32
      %sub3A_433 = arith.constant 1 : i32
      %sub3A_434 = arith.subi %select_n3A, %sub3A_433 : i32
      %le3A_435 = arith.cmpi sle, %add3A_432, %sub3A_434 : i32
      %convert_element_type3A_436 = arith.extui %le3A_435 : i1 to i32
      %cond3A_437 = arith.constant 0 : i32
      %cond3A_438 = arith.cmpi ne, %convert_element_type3A_436, %cond3A_437 : i32
      scf.if %cond3A_438 {
        %add3A_452 = arith.addi %mul3A_0, %add3A_398 : i32
        %add3A_453 = arith.constant 2 : i32
        %add3A_454 = arith.addi %add3A_452, %add3A_453 : i32
        %dma_start3A_455 = arith.constant 0 : i32
        %dma_start3A_456 = arith.constant 0 : i32
        %dma_start3A_457 = arith.constant 0 : i32
        %dma_start3A_458 = tpu.memref_slice %arg3[%arg1, %add3A_454, %dma_start3A_455, %dma_start3A_456, %dma_start3A_457] : memref<16x128x2x2x80xi32, #tpu.memory_space<hbm>> -> memref<1x1x2x2x80xi32, #tpu.memory_space<hbm>>
        %dma_start3A_459 = tpu.memref_squeeze %dma_start3A_458 : memref<1x1x2x2x80xi32, #tpu.memory_space<hbm>> -> memref<2x2x80xi32, #tpu.memory_space<hbm>>
        %dma_start3A_460 = arith.constant 0 : i32
        %dma_start3A_461 = arith.constant 0 : i32
        %dma_start3A_462 = arith.constant 0 : i32
        %dma_start3A_463 = tpu.memref_slice %arg3[%arg1, %add3A_454, %dma_start3A_460, %dma_start3A_461, %dma_start3A_462] : memref<16x128x2x2x80xi32, #tpu.memory_space<hbm>> -> memref<1x1x2x2x80xi32, #tpu.memory_space<hbm>>
        %dma_start3A_464 = tpu.memref_squeeze %dma_start3A_463 : memref<1x1x2x2x80xi32, #tpu.memory_space<hbm>> -> memref<2x2x80xi32, #tpu.memory_space<hbm>>
        tpu.enqueue_dma source(%dma_start3A_464 : memref<2x2x80xi32, #tpu.memory_space<hbm>>) target(%arg6 : memref<2x2x80xi32, #tpu.memory_space<vmem>>) target_semaphore(%arg23 : memref<!tpu.dma_semaphore, #tpu.memory_space<semaphore_mem>>)
      } else {
      }
      %ge3A_439 = arith.constant 1 : i32
      %ge3A_440 = arith.cmpi sge, %add3A_398, %ge3A_439 : i32
      %convert_element_type3A_441 = arith.extui %ge3A_440 : i1 to i32
      %cond3A_442 = arith.constant 0 : i32
      %cond3A_443 = arith.cmpi ne, %convert_element_type3A_441, %cond3A_442 : i32
      scf.if %cond3A_443 {
        %dma_wait3A_452 = arith.constant 1 : i32
        %dma_wait3A_453 = arith.constant 0 : i32
        %dma_wait3A_454 = arith.constant 0 : i32
        %dma_wait3A_455 = tpu.memref_slice %arg7[%dma_wait3A_452, %dma_wait3A_453, %dma_wait3A_454] : memref<2x2x80xi32, #tpu.memory_space<vmem>> -> memref<1x1x80xi32, #tpu.memory_space<vmem>>
        %dma_wait3A_456 = tpu.memref_squeeze %dma_wait3A_455 : memref<1x1x80xi32, #tpu.memory_space<vmem>> -> memref<80xi32, #tpu.memory_space<vmem>>
        %dma_wait3A_457 = arith.constant 0 : i32
        %dma_wait3A_458 = arith.constant 0 : i32
        %dma_wait3A_459 = tpu.memref_slice %arg13[%dma_wait3A_457, %dma_wait3A_458] : memref<10112x128xf32, #tpu.memory_space<vmem_shared>> -> memref<10112x128xf32, #tpu.memory_space<vmem_shared>>
        tpu.wait_indirect_dma semaphore(%arg18 : memref<!tpu.dma_semaphore, #tpu.memory_space<semaphore_mem>>) src(%arg9 : memref<80x128xf32, #tpu.memory_space<vmem>>) dst(%dma_wait3A_459 : memref<10112x128xf32, #tpu.memory_space<vmem_shared>>)
        %dma_wait3A_460 = arith.constant 1 : i32
        %dma_wait3A_461 = arith.constant 1 : i32
        %dma_wait3A_462 = arith.constant 0 : i32
        %dma_wait3A_463 = tpu.memref_slice %arg7[%dma_wait3A_460, %dma_wait3A_461, %dma_wait3A_462] : memref<2x2x80xi32, #tpu.memory_space<vmem>> -> memref<1x1x80xi32, #tpu.memory_space<vmem>>
        %dma_wait3A_464 = tpu.memref_squeeze %dma_wait3A_463 : memref<1x1x80xi32, #tpu.memory_space<vmem>> -> memref<80xi32, #tpu.memory_space<vmem>>
        %dma_wait3A_465 = arith.constant 0 : i32
        %dma_wait3A_466 = arith.constant 0 : i32
        %dma_wait3A_467 = tpu.memref_slice %arg13[%dma_wait3A_465, %dma_wait3A_466] : memref<10112x128xf32, #tpu.memory_space<vmem_shared>> -> memref<10112x128xf32, #tpu.memory_space<vmem_shared>>
        tpu.wait_indirect_dma semaphore(%arg19 : memref<!tpu.dma_semaphore, #tpu.memory_space<semaphore_mem>>) src(%arg10 : memref<80x128xf32, #tpu.memory_space<vmem>>) dst(%dma_wait3A_467 : memref<10112x128xf32, #tpu.memory_space<vmem_shared>>)
      } else {
      }
      %add3A_444 = arith.constant 1 : i32
      %add3A_445 = arith.addi %add3A_398, %add3A_444 : i32
      %sub3A_446 = arith.constant 1 : i32
      %sub3A_447 = arith.subi %select_n3A, %sub3A_446 : i32
      %le3A_448 = arith.cmpi sle, %add3A_445, %sub3A_447 : i32
      %convert_element_type3A_449 = arith.extui %le3A_448 : i1 to i32
      %cond3A_450 = arith.constant 0 : i32
      %cond3A_451 = arith.cmpi ne, %convert_element_type3A_449, %cond3A_450 : i32
      scf.if %cond3A_451 {
        %add3A_452 = arith.addi %mul3A_0, %add3A_398 : i32
        %add3A_453 = arith.constant 1 : i32
        %add3A_454 = arith.addi %add3A_452, %add3A_453 : i32
        %dma_wait3A_455 = arith.constant 0 : i32
        %dma_wait3A_456 = arith.constant 0 : i32
        %dma_wait3A_457 = arith.constant 0 : i32
        %dma_wait3A_458 = tpu.memref_slice %arg3[%arg1, %add3A_454, %dma_wait3A_455, %dma_wait3A_456, %dma_wait3A_457] : memref<16x128x2x2x80xi32, #tpu.memory_space<hbm>> -> memref<1x1x2x2x80xi32, #tpu.memory_space<hbm>>
        %dma_wait3A_459 = tpu.memref_squeeze %dma_wait3A_458 : memref<1x1x2x2x80xi32, #tpu.memory_space<hbm>> -> memref<2x2x80xi32, #tpu.memory_space<hbm>>
        %dma_wait3A_460 = arith.constant 0 : i32
        %dma_wait3A_461 = arith.constant 0 : i32
        %dma_wait3A_462 = arith.constant 0 : i32
        %dma_wait3A_463 = tpu.memref_slice %arg3[%arg1, %add3A_454, %dma_wait3A_460, %dma_wait3A_461, %dma_wait3A_462] : memref<16x128x2x2x80xi32, #tpu.memory_space<hbm>> -> memref<1x1x2x2x80xi32, #tpu.memory_space<hbm>>
        %dma_wait3A_464 = tpu.memref_squeeze %dma_wait3A_463 : memref<1x1x2x2x80xi32, #tpu.memory_space<hbm>> -> memref<2x2x80xi32, #tpu.memory_space<hbm>>
        tpu.wait_dma2 semaphore(%arg22 : memref<!tpu.dma_semaphore, #tpu.memory_space<semaphore_mem>>) src(%dma_wait3A_464 : memref<2x2x80xi32, #tpu.memory_space<hbm>>) dst(%arg5 : memref<2x2x80xi32, #tpu.memory_space<vmem>>)
        %dma_start3A_465 = arith.constant 0 : i32
        %dma_start3A_466 = arith.constant 0 : i32
        %dma_start3A_467 = arith.constant 0 : i32
        %dma_start3A_468 = tpu.memref_slice %arg5[%dma_start3A_465, %dma_start3A_466, %dma_start3A_467] : memref<2x2x80xi32, #tpu.memory_space<vmem>> -> memref<1x1x80xi32, #tpu.memory_space<vmem>>
        %dma_start3A_469 = tpu.memref_squeeze %dma_start3A_468 : memref<1x1x80xi32, #tpu.memory_space<vmem>> -> memref<80xi32, #tpu.memory_space<vmem>>
        %dma_start3A_470 = arith.constant 0 : i32
        %dma_start3A_471 = arith.constant 0 : i32
        %dma_start3A_472 = tpu.memref_slice %arg2[%dma_start3A_470, %dma_start3A_471] : memref<10000x128xf32, #tpu.memory_space<hbm>> -> memref<10000x128xf32, #tpu.memory_space<hbm>>
        tpu.enqueue_indirect_dma source(%dma_start3A_472 : memref<10000x128xf32, #tpu.memory_space<hbm>>) target(%arg9 : memref<80x128xf32, #tpu.memory_space<vmem>>) offsets(%dma_start3A_469 : memref<80xi32, #tpu.memory_space<vmem>>) semaphore(%arg14 : memref<!tpu.dma_semaphore, #tpu.memory_space<semaphore_mem>>)
        %dma_start3A_473 = arith.constant 0 : i32
        %dma_start3A_474 = arith.constant 1 : i32
        %dma_start3A_475 = arith.constant 0 : i32
        %dma_start3A_476 = tpu.memref_slice %arg5[%dma_start3A_473, %dma_start3A_474, %dma_start3A_475] : memref<2x2x80xi32, #tpu.memory_space<vmem>> -> memref<1x1x80xi32, #tpu.memory_space<vmem>>
        %dma_start3A_477 = tpu.memref_squeeze %dma_start3A_476 : memref<1x1x80xi32, #tpu.memory_space<vmem>> -> memref<80xi32, #tpu.memory_space<vmem>>
        %dma_start3A_478 = arith.constant 0 : i32
        %dma_start3A_479 = arith.constant 0 : i32
        %dma_start3A_480 = tpu.memref_slice %arg2[%dma_start3A_478, %dma_start3A_479] : memref<10000x128xf32, #tpu.memory_space<hbm>> -> memref<10000x128xf32, #tpu.memory_space<hbm>>
        tpu.enqueue_indirect_dma source(%dma_start3A_480 : memref<10000x128xf32, #tpu.memory_space<hbm>>) target(%arg10 : memref<80x128xf32, #tpu.memory_space<vmem>>) offsets(%dma_start3A_477 : memref<80xi32, #tpu.memory_space<vmem>>) semaphore(%arg15 : memref<!tpu.dma_semaphore, #tpu.memory_space<semaphore_mem>>)
      } else {
      }
    }
    %while3A_211 = arith.constant 1 : i32
    scf.for %while3A_233 = %while3A_209 to %while3A_205 step %while3A_211  : i32 {
      %mul3A_234 = arith.muli %while3A_233, %while3A : i32
      %add3A_235 = arith.addi %while3A_202, %mul3A_234 : i32
      %add3A_236 = arith.constant 0 : i32
      %add3A_237 = arith.addi %add3A_235, %add3A_236 : i32
      %dma_wait3A_238 = arith.constant 0 : i32
      %dma_wait3A_239 = arith.constant 0 : i32
      %dma_wait3A_240 = arith.constant 0 : i32
      %dma_wait3A_241 = tpu.memref_slice %arg5[%dma_wait3A_238, %dma_wait3A_239, %dma_wait3A_240] : memref<2x2x80xi32, #tpu.memory_space<vmem>> -> memref<1x1x80xi32, #tpu.memory_space<vmem>>
      %dma_wait3A_242 = tpu.memref_squeeze %dma_wait3A_241 : memref<1x1x80xi32, #tpu.memory_space<vmem>> -> memref<80xi32, #tpu.memory_space<vmem>>
      %dma_wait3A_243 = arith.constant 0 : i32
      %dma_wait3A_244 = arith.constant 0 : i32
      %dma_wait3A_245 = tpu.memref_slice %arg2[%dma_wait3A_243, %dma_wait3A_244] : memref<10000x128xf32, #tpu.memory_space<hbm>> -> memref<10000x128xf32, #tpu.memory_space<hbm>>
      tpu.wait_indirect_dma semaphore(%arg14 : memref<!tpu.dma_semaphore, #tpu.memory_space<semaphore_mem>>) src(%dma_wait3A_245 : memref<10000x128xf32, #tpu.memory_space<hbm>>) dst(%arg9 : memref<80x128xf32, #tpu.memory_space<vmem>>)
      %dma_start3A_246 = arith.constant 1 : i32
      %dma_start3A_247 = arith.constant 0 : i32
      %dma_start3A_248 = arith.constant 0 : i32
      %dma_start3A_249 = tpu.memref_slice %arg5[%dma_start3A_246, %dma_start3A_247, %dma_start3A_248] : memref<2x2x80xi32, #tpu.memory_space<vmem>> -> memref<1x1x80xi32, #tpu.memory_space<vmem>>
      %dma_start3A_250 = tpu.memref_squeeze %dma_start3A_249 : memref<1x1x80xi32, #tpu.memory_space<vmem>> -> memref<80xi32, #tpu.memory_space<vmem>>
      %dma_start3A_251 = arith.constant 0 : i32
      %dma_start3A_252 = arith.constant 0 : i32
      %dma_start3A_253 = tpu.memref_slice %arg13[%dma_start3A_251, %dma_start3A_252] : memref<10112x128xf32, #tpu.memory_space<vmem_shared>> -> memref<10112x128xf32, #tpu.memory_space<vmem_shared>>
      tpu.enqueue_indirect_dma source(%arg9 : memref<80x128xf32, #tpu.memory_space<vmem>>) target(%dma_start3A_253 : memref<10112x128xf32, #tpu.memory_space<vmem_shared>>) offsets(%dma_start3A_250 : memref<80xi32, #tpu.memory_space<vmem>>) semaphore(%arg18 : memref<!tpu.dma_semaphore, #tpu.memory_space<semaphore_mem>>) {add = true}
      %dma_wait3A_254 = arith.constant 0 : i32
      %dma_wait3A_255 = arith.constant 1 : i32
      %dma_wait3A_256 = arith.constant 0 : i32
      %dma_wait3A_257 = tpu.memref_slice %arg5[%dma_wait3A_254, %dma_wait3A_255, %dma_wait3A_256] : memref<2x2x80xi32, #tpu.memory_space<vmem>> -> memref<1x1x80xi32, #tpu.memory_space<vmem>>
      %dma_wait3A_258 = tpu.memref_squeeze %dma_wait3A_257 : memref<1x1x80xi32, #tpu.memory_space<vmem>> -> memref<80xi32, #tpu.memory_space<vmem>>
      %dma_wait3A_259 = arith.constant 0 : i32
      %dma_wait3A_260 = arith.constant 0 : i32
      %dma_wait3A_261 = tpu.memref_slice %arg2[%dma_wait3A_259, %dma_wait3A_260] : memref<10000x128xf32, #tpu.memory_space<hbm>> -> memref<10000x128xf32, #tpu.memory_space<hbm>>
      tpu.wait_indirect_dma semaphore(%arg15 : memref<!tpu.dma_semaphore, #tpu.memory_space<semaphore_mem>>) src(%dma_wait3A_261 : memref<10000x128xf32, #tpu.memory_space<hbm>>) dst(%arg10 : memref<80x128xf32, #tpu.memory_space<vmem>>)
      %dma_start3A_262 = arith.constant 1 : i32
      %dma_start3A_263 = arith.constant 1 : i32
      %dma_start3A_264 = arith.constant 0 : i32
      %dma_start3A_265 = tpu.memref_slice %arg5[%dma_start3A_262, %dma_start3A_263, %dma_start3A_264] : memref<2x2x80xi32, #tpu.memory_space<vmem>> -> memref<1x1x80xi32, #tpu.memory_space<vmem>>
      %dma_start3A_266 = tpu.memref_squeeze %dma_start3A_265 : memref<1x1x80xi32, #tpu.memory_space<vmem>> -> memref<80xi32, #tpu.memory_space<vmem>>
      %dma_start3A_267 = arith.constant 0 : i32
      %dma_start3A_268 = arith.constant 0 : i32
      %dma_start3A_269 = tpu.memref_slice %arg13[%dma_start3A_267, %dma_start3A_268] : memref<10112x128xf32, #tpu.memory_space<vmem_shared>> -> memref<10112x128xf32, #tpu.memory_space<vmem_shared>>
      tpu.enqueue_indirect_dma source(%arg10 : memref<80x128xf32, #tpu.memory_space<vmem>>) target(%dma_start3A_269 : memref<10112x128xf32, #tpu.memory_space<vmem_shared>>) offsets(%dma_start3A_266 : memref<80xi32, #tpu.memory_space<vmem>>) semaphore(%arg19 : memref<!tpu.dma_semaphore, #tpu.memory_space<semaphore_mem>>) {add = true}
      %add3A_270 = arith.constant 2 : i32
      %add3A_271 = arith.addi %add3A_237, %add3A_270 : i32
      %sub3A_272 = arith.constant 1 : i32
      %sub3A_273 = arith.subi %select_n3A, %sub3A_272 : i32
      %le3A = arith.cmpi sle, %add3A_271, %sub3A_273 : i32
      %convert_element_type3A = arith.extui %le3A : i1 to i32
      %cond3A = arith.constant 0 : i32
      %cond3A_274 = arith.cmpi ne, %convert_element_type3A, %cond3A : i32
      scf.if %cond3A_274 {
        %add3A_452 = arith.addi %mul3A_0, %add3A_237 : i32
        %add3A_453 = arith.constant 2 : i32
        %add3A_454 = arith.addi %add3A_452, %add3A_453 : i32
        %dma_start3A_455 = arith.constant 0 : i32
        %dma_start3A_456 = arith.constant 0 : i32
        %dma_start3A_457 = arith.constant 0 : i32
        %dma_start3A_458 = tpu.memref_slice %arg3[%arg1, %add3A_454, %dma_start3A_455, %dma_start3A_456, %dma_start3A_457] : memref<16x128x2x2x80xi32, #tpu.memory_space<hbm>> -> memref<1x1x2x2x80xi32, #tpu.memory_space<hbm>>
        %dma_start3A_459 = tpu.memref_squeeze %dma_start3A_458 : memref<1x1x2x2x80xi32, #tpu.memory_space<hbm>> -> memref<2x2x80xi32, #tpu.memory_space<hbm>>
        %dma_start3A_460 = arith.constant 0 : i32
        %dma_start3A_461 = arith.constant 0 : i32
        %dma_start3A_462 = arith.constant 0 : i32
        %dma_start3A_463 = tpu.memref_slice %arg3[%arg1, %add3A_454, %dma_start3A_460, %dma_start3A_461, %dma_start3A_462] : memref<16x128x2x2x80xi32, #tpu.memory_space<hbm>> -> memref<1x1x2x2x80xi32, #tpu.memory_space<hbm>>
        %dma_start3A_464 = tpu.memref_squeeze %dma_start3A_463 : memref<1x1x2x2x80xi32, #tpu.memory_space<hbm>> -> memref<2x2x80xi32, #tpu.memory_space<hbm>>
        tpu.enqueue_dma source(%dma_start3A_464 : memref<2x2x80xi32, #tpu.memory_space<hbm>>) target(%arg7 : memref<2x2x80xi32, #tpu.memory_space<vmem>>) target_semaphore(%arg24 : memref<!tpu.dma_semaphore, #tpu.memory_space<semaphore_mem>>)
      } else {
      }
      %ge3A = arith.constant 1 : i32
      %ge3A_275 = arith.cmpi sge, %add3A_237, %ge3A : i32
      %convert_element_type3A_276 = arith.extui %ge3A_275 : i1 to i32
      %cond3A_277 = arith.constant 0 : i32
      %cond3A_278 = arith.cmpi ne, %convert_element_type3A_276, %cond3A_277 : i32
      scf.if %cond3A_278 {
        %dma_wait3A_452 = arith.constant 1 : i32
        %dma_wait3A_453 = arith.constant 0 : i32
        %dma_wait3A_454 = arith.constant 0 : i32
        %dma_wait3A_455 = tpu.memref_slice %arg8[%dma_wait3A_452, %dma_wait3A_453, %dma_wait3A_454] : memref<2x2x80xi32, #tpu.memory_space<vmem>> -> memref<1x1x80xi32, #tpu.memory_space<vmem>>
        %dma_wait3A_456 = tpu.memref_squeeze %dma_wait3A_455 : memref<1x1x80xi32, #tpu.memory_space<vmem>> -> memref<80xi32, #tpu.memory_space<vmem>>
        %dma_wait3A_457 = arith.constant 0 : i32
        %dma_wait3A_458 = arith.constant 0 : i32
        %dma_wait3A_459 = tpu.memref_slice %arg13[%dma_wait3A_457, %dma_wait3A_458] : memref<10112x128xf32, #tpu.memory_space<vmem_shared>> -> memref<10112x128xf32, #tpu.memory_space<vmem_shared>>
        tpu.wait_indirect_dma semaphore(%arg20 : memref<!tpu.dma_semaphore, #tpu.memory_space<semaphore_mem>>) src(%arg11 : memref<80x128xf32, #tpu.memory_space<vmem>>) dst(%dma_wait3A_459 : memref<10112x128xf32, #tpu.memory_space<vmem_shared>>)
        %dma_wait3A_460 = arith.constant 1 : i32
        %dma_wait3A_461 = arith.constant 1 : i32
        %dma_wait3A_462 = arith.constant 0 : i32
        %dma_wait3A_463 = tpu.memref_slice %arg8[%dma_wait3A_460, %dma_wait3A_461, %dma_wait3A_462] : memref<2x2x80xi32, #tpu.memory_space<vmem>> -> memref<1x1x80xi32, #tpu.memory_space<vmem>>
        %dma_wait3A_464 = tpu.memref_squeeze %dma_wait3A_463 : memref<1x1x80xi32, #tpu.memory_space<vmem>> -> memref<80xi32, #tpu.memory_space<vmem>>
        %dma_wait3A_465 = arith.constant 0 : i32
        %dma_wait3A_466 = arith.constant 0 : i32
        %dma_wait3A_467 = tpu.memref_slice %arg13[%dma_wait3A_465, %dma_wait3A_466] : memref<10112x128xf32, #tpu.memory_space<vmem_shared>> -> memref<10112x128xf32, #tpu.memory_space<vmem_shared>>
        tpu.wait_indirect_dma semaphore(%arg21 : memref<!tpu.dma_semaphore, #tpu.memory_space<semaphore_mem>>) src(%arg12 : memref<80x128xf32, #tpu.memory_space<vmem>>) dst(%dma_wait3A_467 : memref<10112x128xf32, #tpu.memory_space<vmem_shared>>)
      } else {
      }
      %add3A_279 = arith.constant 1 : i32
      %add3A_280 = arith.addi %add3A_237, %add3A_279 : i32
      %sub3A_281 = arith.constant 1 : i32
      %sub3A_282 = arith.subi %select_n3A, %sub3A_281 : i32
      %le3A_283 = arith.cmpi sle, %add3A_280, %sub3A_282 : i32
      %convert_element_type3A_284 = arith.extui %le3A_283 : i1 to i32
      %cond3A_285 = arith.constant 0 : i32
      %cond3A_286 = arith.cmpi ne, %convert_element_type3A_284, %cond3A_285 : i32
      scf.if %cond3A_286 {
        %add3A_452 = arith.addi %mul3A_0, %add3A_237 : i32
        %add3A_453 = arith.constant 1 : i32
        %add3A_454 = arith.addi %add3A_452, %add3A_453 : i32
        %dma_wait3A_455 = arith.constant 0 : i32
        %dma_wait3A_456 = arith.constant 0 : i32
        %dma_wait3A_457 = arith.constant 0 : i32
        %dma_wait3A_458 = tpu.memref_slice %arg3[%arg1, %add3A_454, %dma_wait3A_455, %dma_wait3A_456, %dma_wait3A_457] : memref<16x128x2x2x80xi32, #tpu.memory_space<hbm>> -> memref<1x1x2x2x80xi32, #tpu.memory_space<hbm>>
        %dma_wait3A_459 = tpu.memref_squeeze %dma_wait3A_458 : memref<1x1x2x2x80xi32, #tpu.memory_space<hbm>> -> memref<2x2x80xi32, #tpu.memory_space<hbm>>
        %dma_wait3A_460 = arith.constant 0 : i32
        %dma_wait3A_461 = arith.constant 0 : i32
        %dma_wait3A_462 = arith.constant 0 : i32
        %dma_wait3A_463 = tpu.memref_slice %arg3[%arg1, %add3A_454, %dma_wait3A_460, %dma_wait3A_461, %dma_wait3A_462] : memref<16x128x2x2x80xi32, #tpu.memory_space<hbm>> -> memref<1x1x2x2x80xi32, #tpu.memory_space<hbm>>
        %dma_wait3A_464 = tpu.memref_squeeze %dma_wait3A_463 : memref<1x1x2x2x80xi32, #tpu.memory_space<hbm>> -> memref<2x2x80xi32, #tpu.memory_space<hbm>>
        tpu.wait_dma2 semaphore(%arg23 : memref<!tpu.dma_semaphore, #tpu.memory_space<semaphore_mem>>) src(%dma_wait3A_464 : memref<2x2x80xi32, #tpu.memory_space<hbm>>) dst(%arg6 : memref<2x2x80xi32, #tpu.memory_space<vmem>>)
        %dma_start3A_465 = arith.constant 0 : i32
        %dma_start3A_466 = arith.constant 0 : i32
        %dma_start3A_467 = arith.constant 0 : i32
        %dma_start3A_468 = tpu.memref_slice %arg6[%dma_start3A_465, %dma_start3A_466, %dma_start3A_467] : memref<2x2x80xi32, #tpu.memory_space<vmem>> -> memref<1x1x80xi32, #tpu.memory_space<vmem>>
        %dma_start3A_469 = tpu.memref_squeeze %dma_start3A_468 : memref<1x1x80xi32, #tpu.memory_space<vmem>> -> memref<80xi32, #tpu.memory_space<vmem>>
        %dma_start3A_470 = arith.constant 0 : i32
        %dma_start3A_471 = arith.constant 0 : i32
        %dma_start3A_472 = tpu.memref_slice %arg2[%dma_start3A_470, %dma_start3A_471] : memref<10000x128xf32, #tpu.memory_space<hbm>> -> memref<10000x128xf32, #tpu.memory_space<hbm>>
        tpu.enqueue_indirect_dma source(%dma_start3A_472 : memref<10000x128xf32, #tpu.memory_space<hbm>>) target(%arg11 : memref<80x128xf32, #tpu.memory_space<vmem>>) offsets(%dma_start3A_469 : memref<80xi32, #tpu.memory_space<vmem>>) semaphore(%arg16 : memref<!tpu.dma_semaphore, #tpu.memory_space<semaphore_mem>>)
        %dma_start3A_473 = arith.constant 0 : i32
        %dma_start3A_474 = arith.constant 1 : i32
        %dma_start3A_475 = arith.constant 0 : i32
        %dma_start3A_476 = tpu.memref_slice %arg6[%dma_start3A_473, %dma_start3A_474, %dma_start3A_475] : memref<2x2x80xi32, #tpu.memory_space<vmem>> -> memref<1x1x80xi32, #tpu.memory_space<vmem>>
        %dma_start3A_477 = tpu.memref_squeeze %dma_start3A_476 : memref<1x1x80xi32, #tpu.memory_space<vmem>> -> memref<80xi32, #tpu.memory_space<vmem>>
        %dma_start3A_478 = arith.constant 0 : i32
        %dma_start3A_479 = arith.constant 0 : i32
        %dma_start3A_480 = tpu.memref_slice %arg2[%dma_start3A_478, %dma_start3A_479] : memref<10000x128xf32, #tpu.memory_space<hbm>> -> memref<10000x128xf32, #tpu.memory_space<hbm>>
        tpu.enqueue_indirect_dma source(%dma_start3A_480 : memref<10000x128xf32, #tpu.memory_space<hbm>>) target(%arg12 : memref<80x128xf32, #tpu.memory_space<vmem>>) offsets(%dma_start3A_477 : memref<80xi32, #tpu.memory_space<vmem>>) semaphore(%arg17 : memref<!tpu.dma_semaphore, #tpu.memory_space<semaphore_mem>>)
      } else {
      }
      %add3A_287 = arith.constant 1 : i32
      %add3A_288 = arith.addi %add3A_235, %add3A_287 : i32
      %dma_wait3A_289 = arith.constant 0 : i32
      %dma_wait3A_290 = arith.constant 0 : i32
      %dma_wait3A_291 = arith.constant 0 : i32
      %dma_wait3A_292 = tpu.memref_slice %arg6[%dma_wait3A_289, %dma_wait3A_290, %dma_wait3A_291] : memref<2x2x80xi32, #tpu.memory_space<vmem>> -> memref<1x1x80xi32, #tpu.memory_space<vmem>>
      %dma_wait3A_293 = tpu.memref_squeeze %dma_wait3A_292 : memref<1x1x80xi32, #tpu.memory_space<vmem>> -> memref<80xi32, #tpu.memory_space<vmem>>
      %dma_wait3A_294 = arith.constant 0 : i32
      %dma_wait3A_295 = arith.constant 0 : i32
      %dma_wait3A_296 = tpu.memref_slice %arg2[%dma_wait3A_294, %dma_wait3A_295] : memref<10000x128xf32, #tpu.memory_space<hbm>> -> memref<10000x128xf32, #tpu.memory_space<hbm>>
      tpu.wait_indirect_dma semaphore(%arg16 : memref<!tpu.dma_semaphore, #tpu.memory_space<semaphore_mem>>) src(%dma_wait3A_296 : memref<10000x128xf32, #tpu.memory_space<hbm>>) dst(%arg11 : memref<80x128xf32, #tpu.memory_space<vmem>>)
      %dma_start3A_297 = arith.constant 1 : i32
      %dma_start3A_298 = arith.constant 0 : i32
      %dma_start3A_299 = arith.constant 0 : i32
      %dma_start3A_300 = tpu.memref_slice %arg6[%dma_start3A_297, %dma_start3A_298, %dma_start3A_299] : memref<2x2x80xi32, #tpu.memory_space<vmem>> -> memref<1x1x80xi32, #tpu.memory_space<vmem>>
      %dma_start3A_301 = tpu.memref_squeeze %dma_start3A_300 : memref<1x1x80xi32, #tpu.memory_space<vmem>> -> memref<80xi32, #tpu.memory_space<vmem>>
      %dma_start3A_302 = arith.constant 0 : i32
      %dma_start3A_303 = arith.constant 0 : i32
      %dma_start3A_304 = tpu.memref_slice %arg13[%dma_start3A_302, %dma_start3A_303] : memref<10112x128xf32, #tpu.memory_space<vmem_shared>> -> memref<10112x128xf32, #tpu.memory_space<vmem_shared>>
      tpu.enqueue_indirect_dma source(%arg11 : memref<80x128xf32, #tpu.memory_space<vmem>>) target(%dma_start3A_304 : memref<10112x128xf32, #tpu.memory_space<vmem_shared>>) offsets(%dma_start3A_301 : memref<80xi32, #tpu.memory_space<vmem>>) semaphore(%arg20 : memref<!tpu.dma_semaphore, #tpu.memory_space<semaphore_mem>>) {add = true}
      %dma_wait3A_305 = arith.constant 0 : i32
      %dma_wait3A_306 = arith.constant 1 : i32
      %dma_wait3A_307 = arith.constant 0 : i32
      %dma_wait3A_308 = tpu.memref_slice %arg6[%dma_wait3A_305, %dma_wait3A_306, %dma_wait3A_307] : memref<2x2x80xi32, #tpu.memory_space<vmem>> -> memref<1x1x80xi32, #tpu.memory_space<vmem>>
      %dma_wait3A_309 = tpu.memref_squeeze %dma_wait3A_308 : memref<1x1x80xi32, #tpu.memory_space<vmem>> -> memref<80xi32, #tpu.memory_space<vmem>>
      %dma_wait3A_310 = arith.constant 0 : i32
      %dma_wait3A_311 = arith.constant 0 : i32
      %dma_wait3A_312 = tpu.memref_slice %arg2[%dma_wait3A_310, %dma_wait3A_311] : memref<10000x128xf32, #tpu.memory_space<hbm>> -> memref<10000x128xf32, #tpu.memory_space<hbm>>
      tpu.wait_indirect_dma semaphore(%arg17 : memref<!tpu.dma_semaphore, #tpu.memory_space<semaphore_mem>>) src(%dma_wait3A_312 : memref<10000x128xf32, #tpu.memory_space<hbm>>) dst(%arg12 : memref<80x128xf32, #tpu.memory_space<vmem>>)
      %dma_start3A_313 = arith.constant 1 : i32
      %dma_start3A_314 = arith.constant 1 : i32
      %dma_start3A_315 = arith.constant 0 : i32
      %dma_start3A_316 = tpu.memref_slice %arg6[%dma_start3A_313, %dma_start3A_314, %dma_start3A_315] : memref<2x2x80xi32, #tpu.memory_space<vmem>> -> memref<1x1x80xi32, #tpu.memory_space<vmem>>
      %dma_start3A_317 = tpu.memref_squeeze %dma_start3A_316 : memref<1x1x80xi32, #tpu.memory_space<vmem>> -> memref<80xi32, #tpu.memory_space<vmem>>
      %dma_start3A_318 = arith.constant 0 : i32
      %dma_start3A_319 = arith.constant 0 : i32
      %dma_start3A_320 = tpu.memref_slice %arg13[%dma_start3A_318, %dma_start3A_319] : memref<10112x128xf32, #tpu.memory_space<vmem_shared>> -> memref<10112x128xf32, #tpu.memory_space<vmem_shared>>
      tpu.enqueue_indirect_dma source(%arg12 : memref<80x128xf32, #tpu.memory_space<vmem>>) target(%dma_start3A_320 : memref<10112x128xf32, #tpu.memory_space<vmem_shared>>) offsets(%dma_start3A_317 : memref<80xi32, #tpu.memory_space<vmem>>) semaphore(%arg21 : memref<!tpu.dma_semaphore, #tpu.memory_space<semaphore_mem>>) {add = true}
      %add3A_321 = arith.constant 2 : i32
      %add3A_322 = arith.addi %add3A_288, %add3A_321 : i32
      %sub3A_323 = arith.constant 1 : i32
      %sub3A_324 = arith.subi %select_n3A, %sub3A_323 : i32
      %le3A_325 = arith.cmpi sle, %add3A_322, %sub3A_324 : i32
      %convert_element_type3A_326 = arith.extui %le3A_325 : i1 to i32
      %cond3A_327 = arith.constant 0 : i32
      %cond3A_328 = arith.cmpi ne, %convert_element_type3A_326, %cond3A_327 : i32
      scf.if %cond3A_328 {
        %add3A_452 = arith.addi %mul3A_0, %add3A_288 : i32
        %add3A_453 = arith.constant 2 : i32
        %add3A_454 = arith.addi %add3A_452, %add3A_453 : i32
        %dma_start3A_455 = arith.constant 0 : i32
        %dma_start3A_456 = arith.constant 0 : i32
        %dma_start3A_457 = arith.constant 0 : i32
        %dma_start3A_458 = tpu.memref_slice %arg3[%arg1, %add3A_454, %dma_start3A_455, %dma_start3A_456, %dma_start3A_457] : memref<16x128x2x2x80xi32, #tpu.memory_space<hbm>> -> memref<1x1x2x2x80xi32, #tpu.memory_space<hbm>>
        %dma_start3A_459 = tpu.memref_squeeze %dma_start3A_458 : memref<1x1x2x2x80xi32, #tpu.memory_space<hbm>> -> memref<2x2x80xi32, #tpu.memory_space<hbm>>
        %dma_start3A_460 = arith.constant 0 : i32
        %dma_start3A_461 = arith.constant 0 : i32
        %dma_start3A_462 = arith.constant 0 : i32
        %dma_start3A_463 = tpu.memref_slice %arg3[%arg1, %add3A_454, %dma_start3A_460, %dma_start3A_461, %dma_start3A_462] : memref<16x128x2x2x80xi32, #tpu.memory_space<hbm>> -> memref<1x1x2x2x80xi32, #tpu.memory_space<hbm>>
        %dma_start3A_464 = tpu.memref_squeeze %dma_start3A_463 : memref<1x1x2x2x80xi32, #tpu.memory_space<hbm>> -> memref<2x2x80xi32, #tpu.memory_space<hbm>>
        tpu.enqueue_dma source(%dma_start3A_464 : memref<2x2x80xi32, #tpu.memory_space<hbm>>) target(%arg8 : memref<2x2x80xi32, #tpu.memory_space<vmem>>) target_semaphore(%arg25 : memref<!tpu.dma_semaphore, #tpu.memory_space<semaphore_mem>>)
      } else {
      }
      %ge3A_329 = arith.constant 1 : i32
      %ge3A_330 = arith.cmpi sge, %add3A_288, %ge3A_329 : i32
      %convert_element_type3A_331 = arith.extui %ge3A_330 : i1 to i32
      %cond3A_332 = arith.constant 0 : i32
      %cond3A_333 = arith.cmpi ne, %convert_element_type3A_331, %cond3A_332 : i32
      scf.if %cond3A_333 {
        %dma_wait3A_452 = arith.constant 1 : i32
        %dma_wait3A_453 = arith.constant 0 : i32
        %dma_wait3A_454 = arith.constant 0 : i32
        %dma_wait3A_455 = tpu.memref_slice %arg5[%dma_wait3A_452, %dma_wait3A_453, %dma_wait3A_454] : memref<2x2x80xi32, #tpu.memory_space<vmem>> -> memref<1x1x80xi32, #tpu.memory_space<vmem>>
        %dma_wait3A_456 = tpu.memref_squeeze %dma_wait3A_455 : memref<1x1x80xi32, #tpu.memory_space<vmem>> -> memref<80xi32, #tpu.memory_space<vmem>>
        %dma_wait3A_457 = arith.constant 0 : i32
        %dma_wait3A_458 = arith.constant 0 : i32
        %dma_wait3A_459 = tpu.memref_slice %arg13[%dma_wait3A_457, %dma_wait3A_458] : memref<10112x128xf32, #tpu.memory_space<vmem_shared>> -> memref<10112x128xf32, #tpu.memory_space<vmem_shared>>
        tpu.wait_indirect_dma semaphore(%arg18 : memref<!tpu.dma_semaphore, #tpu.memory_space<semaphore_mem>>) src(%arg9 : memref<80x128xf32, #tpu.memory_space<vmem>>) dst(%dma_wait3A_459 : memref<10112x128xf32, #tpu.memory_space<vmem_shared>>)
        %dma_wait3A_460 = arith.constant 1 : i32
        %dma_wait3A_461 = arith.constant 1 : i32
        %dma_wait3A_462 = arith.constant 0 : i32
        %dma_wait3A_463 = tpu.memref_slice %arg5[%dma_wait3A_460, %dma_wait3A_461, %dma_wait3A_462] : memref<2x2x80xi32, #tpu.memory_space<vmem>> -> memref<1x1x80xi32, #tpu.memory_space<vmem>>
        %dma_wait3A_464 = tpu.memref_squeeze %dma_wait3A_463 : memref<1x1x80xi32, #tpu.memory_space<vmem>> -> memref<80xi32, #tpu.memory_space<vmem>>
        %dma_wait3A_465 = arith.constant 0 : i32
        %dma_wait3A_466 = arith.constant 0 : i32
        %dma_wait3A_467 = tpu.memref_slice %arg13[%dma_wait3A_465, %dma_wait3A_466] : memref<10112x128xf32, #tpu.memory_space<vmem_shared>> -> memref<10112x128xf32, #tpu.memory_space<vmem_shared>>
        tpu.wait_indirect_dma semaphore(%arg19 : memref<!tpu.dma_semaphore, #tpu.memory_space<semaphore_mem>>) src(%arg10 : memref<80x128xf32, #tpu.memory_space<vmem>>) dst(%dma_wait3A_467 : memref<10112x128xf32, #tpu.memory_space<vmem_shared>>)
      } else {
      }
      %add3A_334 = arith.constant 1 : i32
      %add3A_335 = arith.addi %add3A_288, %add3A_334 : i32
      %sub3A_336 = arith.constant 1 : i32
      %sub3A_337 = arith.subi %select_n3A, %sub3A_336 : i32
      %le3A_338 = arith.cmpi sle, %add3A_335, %sub3A_337 : i32
      %convert_element_type3A_339 = arith.extui %le3A_338 : i1 to i32
      %cond3A_340 = arith.constant 0 : i32
      %cond3A_341 = arith.cmpi ne, %convert_element_type3A_339, %cond3A_340 : i32
      scf.if %cond3A_341 {
        %add3A_452 = arith.addi %mul3A_0, %add3A_288 : i32
        %add3A_453 = arith.constant 1 : i32
        %add3A_454 = arith.addi %add3A_452, %add3A_453 : i32
        %dma_wait3A_455 = arith.constant 0 : i32
        %dma_wait3A_456 = arith.constant 0 : i32
        %dma_wait3A_457 = arith.constant 0 : i32
        %dma_wait3A_458 = tpu.memref_slice %arg3[%arg1, %add3A_454, %dma_wait3A_455, %dma_wait3A_456, %dma_wait3A_457] : memref<16x128x2x2x80xi32, #tpu.memory_space<hbm>> -> memref<1x1x2x2x80xi32, #tpu.memory_space<hbm>>
        %dma_wait3A_459 = tpu.memref_squeeze %dma_wait3A_458 : memref<1x1x2x2x80xi32, #tpu.memory_space<hbm>> -> memref<2x2x80xi32, #tpu.memory_space<hbm>>
        %dma_wait3A_460 = arith.constant 0 : i32
        %dma_wait3A_461 = arith.constant 0 : i32
        %dma_wait3A_462 = arith.constant 0 : i32
        %dma_wait3A_463 = tpu.memref_slice %arg3[%arg1, %add3A_454, %dma_wait3A_460, %dma_wait3A_461, %dma_wait3A_462] : memref<16x128x2x2x80xi32, #tpu.memory_space<hbm>> -> memref<1x1x2x2x80xi32, #tpu.memory_space<hbm>>
        %dma_wait3A_464 = tpu.memref_squeeze %dma_wait3A_463 : memref<1x1x2x2x80xi32, #tpu.memory_space<hbm>> -> memref<2x2x80xi32, #tpu.memory_space<hbm>>
        tpu.wait_dma2 semaphore(%arg24 : memref<!tpu.dma_semaphore, #tpu.memory_space<semaphore_mem>>) src(%dma_wait3A_464 : memref<2x2x80xi32, #tpu.memory_space<hbm>>) dst(%arg7 : memref<2x2x80xi32, #tpu.memory_space<vmem>>)
        %dma_start3A_465 = arith.constant 0 : i32
        %dma_start3A_466 = arith.constant 0 : i32
        %dma_start3A_467 = arith.constant 0 : i32
        %dma_start3A_468 = tpu.memref_slice %arg7[%dma_start3A_465, %dma_start3A_466, %dma_start3A_467] : memref<2x2x80xi32, #tpu.memory_space<vmem>> -> memref<1x1x80xi32, #tpu.memory_space<vmem>>
        %dma_start3A_469 = tpu.memref_squeeze %dma_start3A_468 : memref<1x1x80xi32, #tpu.memory_space<vmem>> -> memref<80xi32, #tpu.memory_space<vmem>>
        %dma_start3A_470 = arith.constant 0 : i32
        %dma_start3A_471 = arith.constant 0 : i32
        %dma_start3A_472 = tpu.memref_slice %arg2[%dma_start3A_470, %dma_start3A_471] : memref<10000x128xf32, #tpu.memory_space<hbm>> -> memref<10000x128xf32, #tpu.memory_space<hbm>>
        tpu.enqueue_indirect_dma source(%dma_start3A_472 : memref<10000x128xf32, #tpu.memory_space<hbm>>) target(%arg9 : memref<80x128xf32, #tpu.memory_space<vmem>>) offsets(%dma_start3A_469 : memref<80xi32, #tpu.memory_space<vmem>>) semaphore(%arg14 : memref<!tpu.dma_semaphore, #tpu.memory_space<semaphore_mem>>)
        %dma_start3A_473 = arith.constant 0 : i32
        %dma_start3A_474 = arith.constant 1 : i32
        %dma_start3A_475 = arith.constant 0 : i32
        %dma_start3A_476 = tpu.memref_slice %arg7[%dma_start3A_473, %dma_start3A_474, %dma_start3A_475] : memref<2x2x80xi32, #tpu.memory_space<vmem>> -> memref<1x1x80xi32, #tpu.memory_space<vmem>>
        %dma_start3A_477 = tpu.memref_squeeze %dma_start3A_476 : memref<1x1x80xi32, #tpu.memory_space<vmem>> -> memref<80xi32, #tpu.memory_space<vmem>>
        %dma_start3A_478 = arith.constant 0 : i32
        %dma_start3A_479 = arith.constant 0 : i32
        %dma_start3A_480 = tpu.memref_slice %arg2[%dma_start3A_478, %dma_start3A_479] : memref<10000x128xf32, #tpu.memory_space<hbm>> -> memref<10000x128xf32, #tpu.memory_space<hbm>>
        tpu.enqueue_indirect_dma source(%dma_start3A_480 : memref<10000x128xf32, #tpu.memory_space<hbm>>) target(%arg10 : memref<80x128xf32, #tpu.memory_space<vmem>>) offsets(%dma_start3A_477 : memref<80xi32, #tpu.memory_space<vmem>>) semaphore(%arg15 : memref<!tpu.dma_semaphore, #tpu.memory_space<semaphore_mem>>)
      } else {
      }
      %add3A_342 = arith.constant 2 : i32
      %add3A_343 = arith.addi %add3A_235, %add3A_342 : i32
      %dma_wait3A_344 = arith.constant 0 : i32
      %dma_wait3A_345 = arith.constant 0 : i32
      %dma_wait3A_346 = arith.constant 0 : i32
      %dma_wait3A_347 = tpu.memref_slice %arg7[%dma_wait3A_344, %dma_wait3A_345, %dma_wait3A_346] : memref<2x2x80xi32, #tpu.memory_space<vmem>> -> memref<1x1x80xi32, #tpu.memory_space<vmem>>
      %dma_wait3A_348 = tpu.memref_squeeze %dma_wait3A_347 : memref<1x1x80xi32, #tpu.memory_space<vmem>> -> memref<80xi32, #tpu.memory_space<vmem>>
      %dma_wait3A_349 = arith.constant 0 : i32
      %dma_wait3A_350 = arith.constant 0 : i32
      %dma_wait3A_351 = tpu.memref_slice %arg2[%dma_wait3A_349, %dma_wait3A_350] : memref<10000x128xf32, #tpu.memory_space<hbm>> -> memref<10000x128xf32, #tpu.memory_space<hbm>>
      tpu.wait_indirect_dma semaphore(%arg14 : memref<!tpu.dma_semaphore, #tpu.memory_space<semaphore_mem>>) src(%dma_wait3A_351 : memref<10000x128xf32, #tpu.memory_space<hbm>>) dst(%arg9 : memref<80x128xf32, #tpu.memory_space<vmem>>)
      %dma_start3A_352 = arith.constant 1 : i32
      %dma_start3A_353 = arith.constant 0 : i32
      %dma_start3A_354 = arith.constant 0 : i32
      %dma_start3A_355 = tpu.memref_slice %arg7[%dma_start3A_352, %dma_start3A_353, %dma_start3A_354] : memref<2x2x80xi32, #tpu.memory_space<vmem>> -> memref<1x1x80xi32, #tpu.memory_space<vmem>>
      %dma_start3A_356 = tpu.memref_squeeze %dma_start3A_355 : memref<1x1x80xi32, #tpu.memory_space<vmem>> -> memref<80xi32, #tpu.memory_space<vmem>>
      %dma_start3A_357 = arith.constant 0 : i32
      %dma_start3A_358 = arith.constant 0 : i32
      %dma_start3A_359 = tpu.memref_slice %arg13[%dma_start3A_357, %dma_start3A_358] : memref<10112x128xf32, #tpu.memory_space<vmem_shared>> -> memref<10112x128xf32, #tpu.memory_space<vmem_shared>>
      tpu.enqueue_indirect_dma source(%arg9 : memref<80x128xf32, #tpu.memory_space<vmem>>) target(%dma_start3A_359 : memref<10112x128xf32, #tpu.memory_space<vmem_shared>>) offsets(%dma_start3A_356 : memref<80xi32, #tpu.memory_space<vmem>>) semaphore(%arg18 : memref<!tpu.dma_semaphore, #tpu.memory_space<semaphore_mem>>) {add = true}
      %dma_wait3A_360 = arith.constant 0 : i32
      %dma_wait3A_361 = arith.constant 1 : i32
      %dma_wait3A_362 = arith.constant 0 : i32
      %dma_wait3A_363 = tpu.memref_slice %arg7[%dma_wait3A_360, %dma_wait3A_361, %dma_wait3A_362] : memref<2x2x80xi32, #tpu.memory_space<vmem>> -> memref<1x1x80xi32, #tpu.memory_space<vmem>>
      %dma_wait3A_364 = tpu.memref_squeeze %dma_wait3A_363 : memref<1x1x80xi32, #tpu.memory_space<vmem>> -> memref<80xi32, #tpu.memory_space<vmem>>
      %dma_wait3A_365 = arith.constant 0 : i32
      %dma_wait3A_366 = arith.constant 0 : i32
      %dma_wait3A_367 = tpu.memref_slice %arg2[%dma_wait3A_365, %dma_wait3A_366] : memref<10000x128xf32, #tpu.memory_space<hbm>> -> memref<10000x128xf32, #tpu.memory_space<hbm>>
      tpu.wait_indirect_dma semaphore(%arg15 : memref<!tpu.dma_semaphore, #tpu.memory_space<semaphore_mem>>) src(%dma_wait3A_367 : memref<10000x128xf32, #tpu.memory_space<hbm>>) dst(%arg10 : memref<80x128xf32, #tpu.memory_space<vmem>>)
      %dma_start3A_368 = arith.constant 1 : i32
      %dma_start3A_369 = arith.constant 1 : i32
      %dma_start3A_370 = arith.constant 0 : i32
      %dma_start3A_371 = tpu.memref_slice %arg7[%dma_start3A_368, %dma_start3A_369, %dma_start3A_370] : memref<2x2x80xi32, #tpu.memory_space<vmem>> -> memref<1x1x80xi32, #tpu.memory_space<vmem>>
      %dma_start3A_372 = tpu.memref_squeeze %dma_start3A_371 : memref<1x1x80xi32, #tpu.memory_space<vmem>> -> memref<80xi32, #tpu.memory_space<vmem>>
      %dma_start3A_373 = arith.constant 0 : i32
      %dma_start3A_374 = arith.constant 0 : i32
      %dma_start3A_375 = tpu.memref_slice %arg13[%dma_start3A_373, %dma_start3A_374] : memref<10112x128xf32, #tpu.memory_space<vmem_shared>> -> memref<10112x128xf32, #tpu.memory_space<vmem_shared>>
      tpu.enqueue_indirect_dma source(%arg10 : memref<80x128xf32, #tpu.memory_space<vmem>>) target(%dma_start3A_375 : memref<10112x128xf32, #tpu.memory_space<vmem_shared>>) offsets(%dma_start3A_372 : memref<80xi32, #tpu.memory_space<vmem>>) semaphore(%arg19 : memref<!tpu.dma_semaphore, #tpu.memory_space<semaphore_mem>>) {add = true}
      %add3A_376 = arith.constant 2 : i32
      %add3A_377 = arith.addi %add3A_343, %add3A_376 : i32
      %sub3A_378 = arith.constant 1 : i32
      %sub3A_379 = arith.subi %select_n3A, %sub3A_378 : i32
      %le3A_380 = arith.cmpi sle, %add3A_377, %sub3A_379 : i32
      %convert_element_type3A_381 = arith.extui %le3A_380 : i1 to i32
      %cond3A_382 = arith.constant 0 : i32
      %cond3A_383 = arith.cmpi ne, %convert_element_type3A_381, %cond3A_382 : i32
      scf.if %cond3A_383 {
        %add3A_452 = arith.addi %mul3A_0, %add3A_343 : i32
        %add3A_453 = arith.constant 2 : i32
        %add3A_454 = arith.addi %add3A_452, %add3A_453 : i32
        %dma_start3A_455 = arith.constant 0 : i32
        %dma_start3A_456 = arith.constant 0 : i32
        %dma_start3A_457 = arith.constant 0 : i32
        %dma_start3A_458 = tpu.memref_slice %arg3[%arg1, %add3A_454, %dma_start3A_455, %dma_start3A_456, %dma_start3A_457] : memref<16x128x2x2x80xi32, #tpu.memory_space<hbm>> -> memref<1x1x2x2x80xi32, #tpu.memory_space<hbm>>
        %dma_start3A_459 = tpu.memref_squeeze %dma_start3A_458 : memref<1x1x2x2x80xi32, #tpu.memory_space<hbm>> -> memref<2x2x80xi32, #tpu.memory_space<hbm>>
        %dma_start3A_460 = arith.constant 0 : i32
        %dma_start3A_461 = arith.constant 0 : i32
        %dma_start3A_462 = arith.constant 0 : i32
        %dma_start3A_463 = tpu.memref_slice %arg3[%arg1, %add3A_454, %dma_start3A_460, %dma_start3A_461, %dma_start3A_462] : memref<16x128x2x2x80xi32, #tpu.memory_space<hbm>> -> memref<1x1x2x2x80xi32, #tpu.memory_space<hbm>>
        %dma_start3A_464 = tpu.memref_squeeze %dma_start3A_463 : memref<1x1x2x2x80xi32, #tpu.memory_space<hbm>> -> memref<2x2x80xi32, #tpu.memory_space<hbm>>
        tpu.enqueue_dma source(%dma_start3A_464 : memref<2x2x80xi32, #tpu.memory_space<hbm>>) target(%arg5 : memref<2x2x80xi32, #tpu.memory_space<vmem>>) target_semaphore(%arg22 : memref<!tpu.dma_semaphore, #tpu.memory_space<semaphore_mem>>)
      } else {
      }
      %ge3A_384 = arith.constant 1 : i32
      %ge3A_385 = arith.cmpi sge, %add3A_343, %ge3A_384 : i32
      %convert_element_type3A_386 = arith.extui %ge3A_385 : i1 to i32
      %cond3A_387 = arith.constant 0 : i32
      %cond3A_388 = arith.cmpi ne, %convert_element_type3A_386, %cond3A_387 : i32
      scf.if %cond3A_388 {
        %dma_wait3A_452 = arith.constant 1 : i32
        %dma_wait3A_453 = arith.constant 0 : i32
        %dma_wait3A_454 = arith.constant 0 : i32
        %dma_wait3A_455 = tpu.memref_slice %arg6[%dma_wait3A_452, %dma_wait3A_453, %dma_wait3A_454] : memref<2x2x80xi32, #tpu.memory_space<vmem>> -> memref<1x1x80xi32, #tpu.memory_space<vmem>>
        %dma_wait3A_456 = tpu.memref_squeeze %dma_wait3A_455 : memref<1x1x80xi32, #tpu.memory_space<vmem>> -> memref<80xi32, #tpu.memory_space<vmem>>
        %dma_wait3A_457 = arith.constant 0 : i32
        %dma_wait3A_458 = arith.constant 0 : i32
        %dma_wait3A_459 = tpu.memref_slice %arg13[%dma_wait3A_457, %dma_wait3A_458] : memref<10112x128xf32, #tpu.memory_space<vmem_shared>> -> memref<10112x128xf32, #tpu.memory_space<vmem_shared>>
        tpu.wait_indirect_dma semaphore(%arg20 : memref<!tpu.dma_semaphore, #tpu.memory_space<semaphore_mem>>) src(%arg11 : memref<80x128xf32, #tpu.memory_space<vmem>>) dst(%dma_wait3A_459 : memref<10112x128xf32, #tpu.memory_space<vmem_shared>>)
        %dma_wait3A_460 = arith.constant 1 : i32
        %dma_wait3A_461 = arith.constant 1 : i32
        %dma_wait3A_462 = arith.constant 0 : i32
        %dma_wait3A_463 = tpu.memref_slice %arg6[%dma_wait3A_460, %dma_wait3A_461, %dma_wait3A_462] : memref<2x2x80xi32, #tpu.memory_space<vmem>> -> memref<1x1x80xi32, #tpu.memory_space<vmem>>
        %dma_wait3A_464 = tpu.memref_squeeze %dma_wait3A_463 : memref<1x1x80xi32, #tpu.memory_space<vmem>> -> memref<80xi32, #tpu.memory_space<vmem>>
        %dma_wait3A_465 = arith.constant 0 : i32
        %dma_wait3A_466 = arith.constant 0 : i32
        %dma_wait3A_467 = tpu.memref_slice %arg13[%dma_wait3A_465, %dma_wait3A_466] : memref<10112x128xf32, #tpu.memory_space<vmem_shared>> -> memref<10112x128xf32, #tpu.memory_space<vmem_shared>>
        tpu.wait_indirect_dma semaphore(%arg21 : memref<!tpu.dma_semaphore, #tpu.memory_space<semaphore_mem>>) src(%arg12 : memref<80x128xf32, #tpu.memory_space<vmem>>) dst(%dma_wait3A_467 : memref<10112x128xf32, #tpu.memory_space<vmem_shared>>)
      } else {
      }
      %add3A_389 = arith.constant 1 : i32
      %add3A_390 = arith.addi %add3A_343, %add3A_389 : i32
      %sub3A_391 = arith.constant 1 : i32
      %sub3A_392 = arith.subi %select_n3A, %sub3A_391 : i32
      %le3A_393 = arith.cmpi sle, %add3A_390, %sub3A_392 : i32
      %convert_element_type3A_394 = arith.extui %le3A_393 : i1 to i32
      %cond3A_395 = arith.constant 0 : i32
      %cond3A_396 = arith.cmpi ne, %convert_element_type3A_394, %cond3A_395 : i32
      scf.if %cond3A_396 {
        %add3A_452 = arith.addi %mul3A_0, %add3A_343 : i32
        %add3A_453 = arith.constant 1 : i32
        %add3A_454 = arith.addi %add3A_452, %add3A_453 : i32
        %dma_wait3A_455 = arith.constant 0 : i32
        %dma_wait3A_456 = arith.constant 0 : i32
        %dma_wait3A_457 = arith.constant 0 : i32
        %dma_wait3A_458 = tpu.memref_slice %arg3[%arg1, %add3A_454, %dma_wait3A_455, %dma_wait3A_456, %dma_wait3A_457] : memref<16x128x2x2x80xi32, #tpu.memory_space<hbm>> -> memref<1x1x2x2x80xi32, #tpu.memory_space<hbm>>
        %dma_wait3A_459 = tpu.memref_squeeze %dma_wait3A_458 : memref<1x1x2x2x80xi32, #tpu.memory_space<hbm>> -> memref<2x2x80xi32, #tpu.memory_space<hbm>>
        %dma_wait3A_460 = arith.constant 0 : i32
        %dma_wait3A_461 = arith.constant 0 : i32
        %dma_wait3A_462 = arith.constant 0 : i32
        %dma_wait3A_463 = tpu.memref_slice %arg3[%arg1, %add3A_454, %dma_wait3A_460, %dma_wait3A_461, %dma_wait3A_462] : memref<16x128x2x2x80xi32, #tpu.memory_space<hbm>> -> memref<1x1x2x2x80xi32, #tpu.memory_space<hbm>>
        %dma_wait3A_464 = tpu.memref_squeeze %dma_wait3A_463 : memref<1x1x2x2x80xi32, #tpu.memory_space<hbm>> -> memref<2x2x80xi32, #tpu.memory_space<hbm>>
        tpu.wait_dma2 semaphore(%arg25 : memref<!tpu.dma_semaphore, #tpu.memory_space<semaphore_mem>>) src(%dma_wait3A_464 : memref<2x2x80xi32, #tpu.memory_space<hbm>>) dst(%arg8 : memref<2x2x80xi32, #tpu.memory_space<vmem>>)
        %dma_start3A_465 = arith.constant 0 : i32
        %dma_start3A_466 = arith.constant 0 : i32
        %dma_start3A_467 = arith.constant 0 : i32
        %dma_start3A_468 = tpu.memref_slice %arg8[%dma_start3A_465, %dma_start3A_466, %dma_start3A_467] : memref<2x2x80xi32, #tpu.memory_space<vmem>> -> memref<1x1x80xi32, #tpu.memory_space<vmem>>
        %dma_start3A_469 = tpu.memref_squeeze %dma_start3A_468 : memref<1x1x80xi32, #tpu.memory_space<vmem>> -> memref<80xi32, #tpu.memory_space<vmem>>
        %dma_start3A_470 = arith.constant 0 : i32
        %dma_start3A_471 = arith.constant 0 : i32
        %dma_start3A_472 = tpu.memref_slice %arg2[%dma_start3A_470, %dma_start3A_471] : memref<10000x128xf32, #tpu.memory_space<hbm>> -> memref<10000x128xf32, #tpu.memory_space<hbm>>
        tpu.enqueue_indirect_dma source(%dma_start3A_472 : memref<10000x128xf32, #tpu.memory_space<hbm>>) target(%arg11 : memref<80x128xf32, #tpu.memory_space<vmem>>) offsets(%dma_start3A_469 : memref<80xi32, #tpu.memory_space<vmem>>) semaphore(%arg16 : memref<!tpu.dma_semaphore, #tpu.memory_space<semaphore_mem>>)
        %dma_start3A_473 = arith.constant 0 : i32
        %dma_start3A_474 = arith.constant 1 : i32
        %dma_start3A_475 = arith.constant 0 : i32
        %dma_start3A_476 = tpu.memref_slice %arg8[%dma_start3A_473, %dma_start3A_474, %dma_start3A_475] : memref<2x2x80xi32, #tpu.memory_space<vmem>> -> memref<1x1x80xi32, #tpu.memory_space<vmem>>
        %dma_start3A_477 = tpu.memref_squeeze %dma_start3A_476 : memref<1x1x80xi32, #tpu.memory_space<vmem>> -> memref<80xi32, #tpu.memory_space<vmem>>
        %dma_start3A_478 = arith.constant 0 : i32
        %dma_start3A_479 = arith.constant 0 : i32
        %dma_start3A_480 = tpu.memref_slice %arg2[%dma_start3A_478, %dma_start3A_479] : memref<10000x128xf32, #tpu.memory_space<hbm>> -> memref<10000x128xf32, #tpu.memory_space<hbm>>
        tpu.enqueue_indirect_dma source(%dma_start3A_480 : memref<10000x128xf32, #tpu.memory_space<hbm>>) target(%arg12 : memref<80x128xf32, #tpu.memory_space<vmem>>) offsets(%dma_start3A_477 : memref<80xi32, #tpu.memory_space<vmem>>) semaphore(%arg17 : memref<!tpu.dma_semaphore, #tpu.memory_space<semaphore_mem>>)
      } else {
      }
      %add3A_397 = arith.constant 3 : i32
      %add3A_398 = arith.addi %add3A_235, %add3A_397 : i32
      %dma_wait3A_399 = arith.constant 0 : i32
      %dma_wait3A_400 = arith.constant 0 : i32
      %dma_wait3A_401 = arith.constant 0 : i32
      %dma_wait3A_402 = tpu.memref_slice %arg8[%dma_wait3A_399, %dma_wait3A_400, %dma_wait3A_401] : memref<2x2x80xi32, #tpu.memory_space<vmem>> -> memref<1x1x80xi32, #tpu.memory_space<vmem>>
      %dma_wait3A_403 = tpu.memref_squeeze %dma_wait3A_402 : memref<1x1x80xi32, #tpu.memory_space<vmem>> -> memref<80xi32, #tpu.memory_space<vmem>>
      %dma_wait3A_404 = arith.constant 0 : i32
      %dma_wait3A_405 = arith.constant 0 : i32
      %dma_wait3A_406 = tpu.memref_slice %arg2[%dma_wait3A_404, %dma_wait3A_405] : memref<10000x128xf32, #tpu.memory_space<hbm>> -> memref<10000x128xf32, #tpu.memory_space<hbm>>
      tpu.wait_indirect_dma semaphore(%arg16 : memref<!tpu.dma_semaphore, #tpu.memory_space<semaphore_mem>>) src(%dma_wait3A_406 : memref<10000x128xf32, #tpu.memory_space<hbm>>) dst(%arg11 : memref<80x128xf32, #tpu.memory_space<vmem>>)
      %dma_start3A_407 = arith.constant 1 : i32
      %dma_start3A_408 = arith.constant 0 : i32
      %dma_start3A_409 = arith.constant 0 : i32
      %dma_start3A_410 = tpu.memref_slice %arg8[%dma_start3A_407, %dma_start3A_408, %dma_start3A_409] : memref<2x2x80xi32, #tpu.memory_space<vmem>> -> memref<1x1x80xi32, #tpu.memory_space<vmem>>
      %dma_start3A_411 = tpu.memref_squeeze %dma_start3A_410 : memref<1x1x80xi32, #tpu.memory_space<vmem>> -> memref<80xi32, #tpu.memory_space<vmem>>
      %dma_start3A_412 = arith.constant 0 : i32
      %dma_start3A_413 = arith.constant 0 : i32
      %dma_start3A_414 = tpu.memref_slice %arg13[%dma_start3A_412, %dma_start3A_413] : memref<10112x128xf32, #tpu.memory_space<vmem_shared>> -> memref<10112x128xf32, #tpu.memory_space<vmem_shared>>
      tpu.enqueue_indirect_dma source(%arg11 : memref<80x128xf32, #tpu.memory_space<vmem>>) target(%dma_start3A_414 : memref<10112x128xf32, #tpu.memory_space<vmem_shared>>) offsets(%dma_start3A_411 : memref<80xi32, #tpu.memory_space<vmem>>) semaphore(%arg20 : memref<!tpu.dma_semaphore, #tpu.memory_space<semaphore_mem>>) {add = true}
      %dma_wait3A_415 = arith.constant 0 : i32
      %dma_wait3A_416 = arith.constant 1 : i32
      %dma_wait3A_417 = arith.constant 0 : i32
      %dma_wait3A_418 = tpu.memref_slice %arg8[%dma_wait3A_415, %dma_wait3A_416, %dma_wait3A_417] : memref<2x2x80xi32, #tpu.memory_space<vmem>> -> memref<1x1x80xi32, #tpu.memory_space<vmem>>
      %dma_wait3A_419 = tpu.memref_squeeze %dma_wait3A_418 : memref<1x1x80xi32, #tpu.memory_space<vmem>> -> memref<80xi32, #tpu.memory_space<vmem>>
      %dma_wait3A_420 = arith.constant 0 : i32
      %dma_wait3A_421 = arith.constant 0 : i32
      %dma_wait3A_422 = tpu.memref_slice %arg2[%dma_wait3A_420, %dma_wait3A_421] : memref<10000x128xf32, #tpu.memory_space<hbm>> -> memref<10000x128xf32, #tpu.memory_space<hbm>>
      tpu.wait_indirect_dma semaphore(%arg17 : memref<!tpu.dma_semaphore, #tpu.memory_space<semaphore_mem>>) src(%dma_wait3A_422 : memref<10000x128xf32, #tpu.memory_space<hbm>>) dst(%arg12 : memref<80x128xf32, #tpu.memory_space<vmem>>)
      %dma_start3A_423 = arith.constant 1 : i32
      %dma_start3A_424 = arith.constant 1 : i32
      %dma_start3A_425 = arith.constant 0 : i32
      %dma_start3A_426 = tpu.memref_slice %arg8[%dma_start3A_423, %dma_start3A_424, %dma_start3A_425] : memref<2x2x80xi32, #tpu.memory_space<vmem>> -> memref<1x1x80xi32, #tpu.memory_space<vmem>>
      %dma_start3A_427 = tpu.memref_squeeze %dma_start3A_426 : memref<1x1x80xi32, #tpu.memory_space<vmem>> -> memref<80xi32, #tpu.memory_space<vmem>>
      %dma_start3A_428 = arith.constant 0 : i32
      %dma_start3A_429 = arith.constant 0 : i32
      %dma_start3A_430 = tpu.memref_slice %arg13[%dma_start3A_428, %dma_start3A_429] : memref<10112x128xf32, #tpu.memory_space<vmem_shared>> -> memref<10112x128xf32, #tpu.memory_space<vmem_shared>>
      tpu.enqueue_indirect_dma source(%arg12 : memref<80x128xf32, #tpu.memory_space<vmem>>) target(%dma_start3A_430 : memref<10112x128xf32, #tpu.memory_space<vmem_shared>>) offsets(%dma_start3A_427 : memref<80xi32, #tpu.memory_space<vmem>>) semaphore(%arg21 : memref<!tpu.dma_semaphore, #tpu.memory_space<semaphore_mem>>) {add = true}
      %add3A_431 = arith.constant 2 : i32
      %add3A_432 = arith.addi %add3A_398, %add3A_431 : i32
      %sub3A_433 = arith.constant 1 : i32
      %sub3A_434 = arith.subi %select_n3A, %sub3A_433 : i32
      %le3A_435 = arith.cmpi sle, %add3A_432, %sub3A_434 : i32
      %convert_element_type3A_436 = arith.extui %le3A_435 : i1 to i32
      %cond3A_437 = arith.constant 0 : i32
      %cond3A_438 = arith.cmpi ne, %convert_element_type3A_436, %cond3A_437 : i32
      scf.if %cond3A_438 {
        %add3A_452 = arith.addi %mul3A_0, %add3A_398 : i32
        %add3A_453 = arith.constant 2 : i32
        %add3A_454 = arith.addi %add3A_452, %add3A_453 : i32
        %dma_start3A_455 = arith.constant 0 : i32
        %dma_start3A_456 = arith.constant 0 : i32
        %dma_start3A_457 = arith.constant 0 : i32
        %dma_start3A_458 = tpu.memref_slice %arg3[%arg1, %add3A_454, %dma_start3A_455, %dma_start3A_456, %dma_start3A_457] : memref<16x128x2x2x80xi32, #tpu.memory_space<hbm>> -> memref<1x1x2x2x80xi32, #tpu.memory_space<hbm>>
        %dma_start3A_459 = tpu.memref_squeeze %dma_start3A_458 : memref<1x1x2x2x80xi32, #tpu.memory_space<hbm>> -> memref<2x2x80xi32, #tpu.memory_space<hbm>>
        %dma_start3A_460 = arith.constant 0 : i32
        %dma_start3A_461 = arith.constant 0 : i32
        %dma_start3A_462 = arith.constant 0 : i32
        %dma_start3A_463 = tpu.memref_slice %arg3[%arg1, %add3A_454, %dma_start3A_460, %dma_start3A_461, %dma_start3A_462] : memref<16x128x2x2x80xi32, #tpu.memory_space<hbm>> -> memref<1x1x2x2x80xi32, #tpu.memory_space<hbm>>
        %dma_start3A_464 = tpu.memref_squeeze %dma_start3A_463 : memref<1x1x2x2x80xi32, #tpu.memory_space<hbm>> -> memref<2x2x80xi32, #tpu.memory_space<hbm>>
        tpu.enqueue_dma source(%dma_start3A_464 : memref<2x2x80xi32, #tpu.memory_space<hbm>>) target(%arg6 : memref<2x2x80xi32, #tpu.memory_space<vmem>>) target_semaphore(%arg23 : memref<!tpu.dma_semaphore, #tpu.memory_space<semaphore_mem>>)
      } else {
      }
      %ge3A_439 = arith.constant 1 : i32
      %ge3A_440 = arith.cmpi sge, %add3A_398, %ge3A_439 : i32
      %convert_element_type3A_441 = arith.extui %ge3A_440 : i1 to i32
      %cond3A_442 = arith.constant 0 : i32
      %cond3A_443 = arith.cmpi ne, %convert_element_type3A_441, %cond3A_442 : i32
      scf.if %cond3A_443 {
        %dma_wait3A_452 = arith.constant 1 : i32
        %dma_wait3A_453 = arith.constant 0 : i32
        %dma_wait3A_454 = arith.constant 0 : i32
        %dma_wait3A_455 = tpu.memref_slice %arg7[%dma_wait3A_452, %dma_wait3A_453, %dma_wait3A_454] : memref<2x2x80xi32, #tpu.memory_space<vmem>> -> memref<1x1x80xi32, #tpu.memory_space<vmem>>
        %dma_wait3A_456 = tpu.memref_squeeze %dma_wait3A_455 : memref<1x1x80xi32, #tpu.memory_space<vmem>> -> memref<80xi32, #tpu.memory_space<vmem>>
        %dma_wait3A_457 = arith.constant 0 : i32
        %dma_wait3A_458 = arith.constant 0 : i32
        %dma_wait3A_459 = tpu.memref_slice %arg13[%dma_wait3A_457, %dma_wait3A_458] : memref<10112x128xf32, #tpu.memory_space<vmem_shared>> -> memref<10112x128xf32, #tpu.memory_space<vmem_shared>>
        tpu.wait_indirect_dma semaphore(%arg18 : memref<!tpu.dma_semaphore, #tpu.memory_space<semaphore_mem>>) src(%arg9 : memref<80x128xf32, #tpu.memory_space<vmem>>) dst(%dma_wait3A_459 : memref<10112x128xf32, #tpu.memory_space<vmem_shared>>)
        %dma_wait3A_460 = arith.constant 1 : i32
        %dma_wait3A_461 = arith.constant 1 : i32
        %dma_wait3A_462 = arith.constant 0 : i32
        %dma_wait3A_463 = tpu.memref_slice %arg7[%dma_wait3A_460, %dma_wait3A_461, %dma_wait3A_462] : memref<2x2x80xi32, #tpu.memory_space<vmem>> -> memref<1x1x80xi32, #tpu.memory_space<vmem>>
        %dma_wait3A_464 = tpu.memref_squeeze %dma_wait3A_463 : memref<1x1x80xi32, #tpu.memory_space<vmem>> -> memref<80xi32, #tpu.memory_space<vmem>>
        %dma_wait3A_465 = arith.constant 0 : i32
        %dma_wait3A_466 = arith.constant 0 : i32
        %dma_wait3A_467 = tpu.memref_slice %arg13[%dma_wait3A_465, %dma_wait3A_466] : memref<10112x128xf32, #tpu.memory_space<vmem_shared>> -> memref<10112x128xf32, #tpu.memory_space<vmem_shared>>
        tpu.wait_indirect_dma semaphore(%arg19 : memref<!tpu.dma_semaphore, #tpu.memory_space<semaphore_mem>>) src(%arg10 : memref<80x128xf32, #tpu.memory_space<vmem>>) dst(%dma_wait3A_467 : memref<10112x128xf32, #tpu.memory_space<vmem_shared>>)
      } else {
      }
      %add3A_444 = arith.constant 1 : i32
      %add3A_445 = arith.addi %add3A_398, %add3A_444 : i32
      %sub3A_446 = arith.constant 1 : i32
      %sub3A_447 = arith.subi %select_n3A, %sub3A_446 : i32
      %le3A_448 = arith.cmpi sle, %add3A_445, %sub3A_447 : i32
      %convert_element_type3A_449 = arith.extui %le3A_448 : i1 to i32
      %cond3A_450 = arith.constant 0 : i32
      %cond3A_451 = arith.cmpi ne, %convert_element_type3A_449, %cond3A_450 : i32
      scf.if %cond3A_451 {
        %add3A_452 = arith.addi %mul3A_0, %add3A_398 : i32
        %add3A_453 = arith.constant 1 : i32
        %add3A_454 = arith.addi %add3A_452, %add3A_453 : i32
        %dma_wait3A_455 = arith.constant 0 : i32
        %dma_wait3A_456 = arith.constant 0 : i32
        %dma_wait3A_457 = arith.constant 0 : i32
        %dma_wait3A_458 = tpu.memref_slice %arg3[%arg1, %add3A_454, %dma_wait3A_455, %dma_wait3A_456, %dma_wait3A_457] : memref<16x128x2x2x80xi32, #tpu.memory_space<hbm>> -> memref<1x1x2x2x80xi32, #tpu.memory_space<hbm>>
        %dma_wait3A_459 = tpu.memref_squeeze %dma_wait3A_458 : memref<1x1x2x2x80xi32, #tpu.memory_space<hbm>> -> memref<2x2x80xi32, #tpu.memory_space<hbm>>
        %dma_wait3A_460 = arith.constant 0 : i32
        %dma_wait3A_461 = arith.constant 0 : i32
        %dma_wait3A_462 = arith.constant 0 : i32
        %dma_wait3A_463 = tpu.memref_slice %arg3[%arg1, %add3A_454, %dma_wait3A_460, %dma_wait3A_461, %dma_wait3A_462] : memref<16x128x2x2x80xi32, #tpu.memory_space<hbm>> -> memref<1x1x2x2x80xi32, #tpu.memory_space<hbm>>
        %dma_wait3A_464 = tpu.memref_squeeze %dma_wait3A_463 : memref<1x1x2x2x80xi32, #tpu.memory_space<hbm>> -> memref<2x2x80xi32, #tpu.memory_space<hbm>>
        tpu.wait_dma2 semaphore(%arg22 : memref<!tpu.dma_semaphore, #tpu.memory_space<semaphore_mem>>) src(%dma_wait3A_464 : memref<2x2x80xi32, #tpu.memory_space<hbm>>) dst(%arg5 : memref<2x2x80xi32, #tpu.memory_space<vmem>>)
        %dma_start3A_465 = arith.constant 0 : i32
        %dma_start3A_466 = arith.constant 0 : i32
        %dma_start3A_467 = arith.constant 0 : i32
        %dma_start3A_468 = tpu.memref_slice %arg5[%dma_start3A_465, %dma_start3A_466, %dma_start3A_467] : memref<2x2x80xi32, #tpu.memory_space<vmem>> -> memref<1x1x80xi32, #tpu.memory_space<vmem>>
        %dma_start3A_469 = tpu.memref_squeeze %dma_start3A_468 : memref<1x1x80xi32, #tpu.memory_space<vmem>> -> memref<80xi32, #tpu.memory_space<vmem>>
        %dma_start3A_470 = arith.constant 0 : i32
        %dma_start3A_471 = arith.constant 0 : i32
        %dma_start3A_472 = tpu.memref_slice %arg2[%dma_start3A_470, %dma_start3A_471] : memref<10000x128xf32, #tpu.memory_space<hbm>> -> memref<10000x128xf32, #tpu.memory_space<hbm>>
        tpu.enqueue_indirect_dma source(%dma_start3A_472 : memref<10000x128xf32, #tpu.memory_space<hbm>>) target(%arg9 : memref<80x128xf32, #tpu.memory_space<vmem>>) offsets(%dma_start3A_469 : memref<80xi32, #tpu.memory_space<vmem>>) semaphore(%arg14 : memref<!tpu.dma_semaphore, #tpu.memory_space<semaphore_mem>>)
        %dma_start3A_473 = arith.constant 0 : i32
        %dma_start3A_474 = arith.constant 1 : i32
        %dma_start3A_475 = arith.constant 0 : i32
        %dma_start3A_476 = tpu.memref_slice %arg5[%dma_start3A_473, %dma_start3A_474, %dma_start3A_475] : memref<2x2x80xi32, #tpu.memory_space<vmem>> -> memref<1x1x80xi32, #tpu.memory_space<vmem>>
        %dma_start3A_477 = tpu.memref_squeeze %dma_start3A_476 : memref<1x1x80xi32, #tpu.memory_space<vmem>> -> memref<80xi32, #tpu.memory_space<vmem>>
        %dma_start3A_478 = arith.constant 0 : i32
        %dma_start3A_479 = arith.constant 0 : i32
        %dma_start3A_480 = tpu.memref_slice %arg2[%dma_start3A_478, %dma_start3A_479] : memref<10000x128xf32, #tpu.memory_space<hbm>> -> memref<10000x128xf32, #tpu.memory_space<hbm>>
        tpu.enqueue_indirect_dma source(%dma_start3A_480 : memref<10000x128xf32, #tpu.memory_space<hbm>>) target(%arg10 : memref<80x128xf32, #tpu.memory_space<vmem>>) offsets(%dma_start3A_477 : memref<80xi32, #tpu.memory_space<vmem>>) semaphore(%arg15 : memref<!tpu.dma_semaphore, #tpu.memory_space<semaphore_mem>>)
      } else {
      }
    }
    %dma_wait3A_212 = arith.constant 1 : i32
    %dma_wait3A_213 = arith.constant 0 : i32
    %dma_wait3A_214 = arith.constant 0 : i32
    %dma_wait3A_215 = tpu.memref_slice %arg8[%dma_wait3A_212, %dma_wait3A_213, %dma_wait3A_214] : memref<2x2x80xi32, #tpu.memory_space<vmem>> -> memref<1x1x80xi32, #tpu.memory_space<vmem>>
    %dma_wait3A_216 = tpu.memref_squeeze %dma_wait3A_215 : memref<1x1x80xi32, #tpu.memory_space<vmem>> -> memref<80xi32, #tpu.memory_space<vmem>>
    %dma_wait3A_217 = arith.constant 0 : i32
    %dma_wait3A_218 = arith.constant 0 : i32
    %dma_wait3A_219 = tpu.memref_slice %arg13[%dma_wait3A_217, %dma_wait3A_218] : memref<10112x128xf32, #tpu.memory_space<vmem_shared>> -> memref<10112x128xf32, #tpu.memory_space<vmem_shared>>
    tpu.wait_indirect_dma semaphore(%arg20 : memref<!tpu.dma_semaphore, #tpu.memory_space<semaphore_mem>>) src(%arg11 : memref<80x128xf32, #tpu.memory_space<vmem>>) dst(%dma_wait3A_219 : memref<10112x128xf32, #tpu.memory_space<vmem_shared>>)
    %dma_wait3A_220 = arith.constant 1 : i32
    %dma_wait3A_221 = arith.constant 1 : i32
    %dma_wait3A_222 = arith.constant 0 : i32
    %dma_wait3A_223 = tpu.memref_slice %arg8[%dma_wait3A_220, %dma_wait3A_221, %dma_wait3A_222] : memref<2x2x80xi32, #tpu.memory_space<vmem>> -> memref<1x1x80xi32, #tpu.memory_space<vmem>>
    %dma_wait3A_224 = tpu.memref_squeeze %dma_wait3A_223 : memref<1x1x80xi32, #tpu.memory_space<vmem>> -> memref<80xi32, #tpu.memory_space<vmem>>
    %dma_wait3A_225 = arith.constant 0 : i32
    %dma_wait3A_226 = arith.constant 0 : i32
    %dma_wait3A_227 = tpu.memref_slice %arg13[%dma_wait3A_225, %dma_wait3A_226] : memref<10112x128xf32, #tpu.memory_space<vmem_shared>> -> memref<10112x128xf32, #tpu.memory_space<vmem_shared>>
    tpu.wait_indirect_dma semaphore(%arg21 : memref<!tpu.dma_semaphore, #tpu.memory_space<semaphore_mem>>) src(%arg12 : memref<80x128xf32, #tpu.memory_space<vmem>>) dst(%dma_wait3A_227 : memref<10112x128xf32, #tpu.memory_space<vmem_shared>>)
    %barrier3A_228 = arith.constant 0 : index
    tpu.barrier barrier_id(%barrier3A_228)
    %mul3A_229 = arith.constant 632 : i32
    %mul3A_230 = arith.muli %arg1, %mul3A_229 : i32
    %mul3A_231 = arith.constant 632 : i32
    %mul3A_232 = arith.muli %arg1, %mul3A_231 : i32
    "tpu.region"() ({
      %run_scoped3A = tpu.sem_alloc : memref<!tpu.dma_semaphore, #tpu.memory_space<semaphore_mem>>
      %dma_start3A_233 = arith.constant 0 : i32
      %dma_start3A_234 = tpu.memref_slice %arg4[%arg0, %mul3A_232, %dma_start3A_233] : memref<2x10112x128xf32, #tpu.memory_space<hbm>> -> memref<1x632x128xf32, #tpu.memory_space<hbm>>
      %dma_start3A_235 = tpu.memref_squeeze %dma_start3A_234 : memref<1x632x128xf32, #tpu.memory_space<hbm>> -> memref<632x128xf32, #tpu.memory_space<hbm>>
      %dma_start3A_236 = arith.constant 0 : i32
      %dma_start3A_237 = tpu.memref_slice %arg13[%mul3A_230, %dma_start3A_236] : memref<10112x128xf32, #tpu.memory_space<vmem_shared>> -> memref<632x128xf32, #tpu.memory_space<vmem_shared>>
      tpu.enqueue_dma source(%dma_start3A_237 : memref<632x128xf32, #tpu.memory_space<vmem_shared>>) target(%dma_start3A_235 : memref<632x128xf32, #tpu.memory_space<hbm>>) target_semaphore(%run_scoped3A : memref<!tpu.dma_semaphore, #tpu.memory_space<semaphore_mem>>)
      %dma_wait3A_238 = arith.constant 0 : i32
      %dma_wait3A_239 = tpu.memref_slice %arg4[%arg0, %mul3A_232, %dma_wait3A_238] : memref<2x10112x128xf32, #tpu.memory_space<hbm>> -> memref<1x632x128xf32, #tpu.memory_space<hbm>>
      %dma_wait3A_240 = tpu.memref_squeeze %dma_wait3A_239 : memref<1x632x128xf32, #tpu.memory_space<hbm>> -> memref<632x128xf32, #tpu.memory_space<hbm>>
      %dma_wait3A_241 = arith.constant 0 : i32
      %dma_wait3A_242 = tpu.memref_slice %arg13[%mul3A_230, %dma_wait3A_241] : memref<10112x128xf32, #tpu.memory_space<vmem_shared>> -> memref<632x128xf32, #tpu.memory_space<vmem_shared>>
      tpu.wait_dma2 semaphore(%run_scoped3A : memref<!tpu.dma_semaphore, #tpu.memory_space<semaphore_mem>>) src(%dma_wait3A_242 : memref<632x128xf32, #tpu.memory_space<vmem_shared>>) dst(%dma_wait3A_240 : memref<632x128xf32, #tpu.memory_space<hbm>>)
      tpu.yield
    }) : () -> ()
    return
  }
}

module attributes {stable_mosaic.version = 14 : i64} {
  func.func @_mm_body(%arg0: i32, %arg1: memref<1000x128xf32, #tpu.memory_space<vmem>>, %arg2: memref<128x128xf32, #tpu.memory_space<vmem>>, %arg3: memref<1000x128xf32, #tpu.memory_space<vmem>>) attributes {dimension_semantics = [#tpu.dimension_semantics<arbitrary>], iteration_bounds = array<i64: 10>, scalar_prefetch = 0 : i64, scratch_operands = 0 : i64, tpu.core_type = #tpu.core_type<tc>, window_params = [{transform_indices = @transform_0, window_bounds = array<i64: 1000, 128>}, {pipeline_mode = #tpu.pipeline_mode<synchronous>, transform_indices = @transform_1, window_bounds = array<i64: 128, 128>}, {transform_indices = @transform_2, window_bounds = array<i64: 1000, 128>}]} {
    %get3A = arith.constant 0 : index
    %get3A_0 = arith.constant 0 : index
    %get3A_1 = vector.load %arg1[%get3A, %get3A_0] : memref<1000x128xf32, #tpu.memory_space<vmem>>, vector<1000x128xf32>
    %get3A_2 = arith.constant 0 : index
    %get3A_3 = arith.constant 0 : index
    %get3A_4 = vector.load %arg2[%get3A_2, %get3A_3] : memref<128x128xf32, #tpu.memory_space<vmem>>, vector<128x128xf32>
    %dot_general3A = arith.constant dense<0.000000e+00> : vector<1000x128xf32>
    %dot_general3A_5 = tpu.matmul %get3A_1, %get3A_4, %dot_general3A {dimension_numbers = #tpu.dot_dimension_numbers<[1], [0], [0], [1], [0, 0, 1, 1], [], []>, transpose_lhs_hint = false} : vector<1000x128xf32>, vector<128x128xf32>, vector<1000x128xf32> -> vector<1000x128xf32>
    %swap3A = arith.constant 0 : index
    %swap3A_6 = arith.constant 0 : index
    %swap3A_7 = vector.load %arg3[%swap3A, %swap3A_6] : memref<1000x128xf32, #tpu.memory_space<vmem>>, vector<1000x128xf32>
    tpu.vector_store %arg3[%swap3A, %swap3A_6], %dot_general3A_5 {strides = array<i32>} : memref<1000x128xf32, #tpu.memory_space<vmem>>, vector<1000x128xf32>,
    return
  }
  func.func @transform_0(%arg0: i32) -> (i32, i32) {
    %c0_i32 = arith.constant 0 : i32
    %c0_i32_0 = arith.constant 0 : i32
    return %arg0, %c0_i32 : i32, i32
  }
  func.func @transform_1(%arg0: i32) -> (i32, i32) {
    %c0_i32 = arith.constant 0 : i32
    %c0_i32_0 = arith.constant 0 : i32
    %c0_i32_1 = arith.constant 0 : i32
    return %c0_i32, %c0_i32_0 : i32, i32
  }
  func.func @transform_2(%arg0: i32) -> (i32, i32) {
    %c0_i32 = arith.constant 0 : i32
    %c0_i32_0 = arith.constant 0 : i32
    return %arg0, %c0_i32 : i32, i32
  }
}

module attributes {stable_mosaic.version = 14 : i64} {
  func.func @_gh_body(%arg0: i32, %arg1: memref<1000x128xf32, #tpu.memory_space<vmem>>, %arg2: memref<128x384xf32, #tpu.memory_space<vmem>>, %arg3: memref<1x384xf32, #tpu.memory_space<vmem>>, %arg4: memref<1000x384xf32, #tpu.memory_space<vmem>>) attributes {dimension_semantics = [#tpu.dimension_semantics<arbitrary>], iteration_bounds = array<i64: 10>, scalar_prefetch = 0 : i64, scratch_operands = 0 : i64, tpu.core_type = #tpu.core_type<tc>, window_params = [{transform_indices = @transform_0, window_bounds = array<i64: 1000, 128>}, {pipeline_mode = #tpu.pipeline_mode<synchronous>, transform_indices = @transform_1, window_bounds = array<i64: 128, 384>}, {pipeline_mode = #tpu.pipeline_mode<synchronous>, transform_indices = @transform_2, window_bounds = array<i64: 1, 384>}, {transform_indices = @transform_3, window_bounds = array<i64: 1000, 384>}]} {
    %get3A = arith.constant 0 : index
    %get3A_0 = arith.constant 0 : index
    %get3A_1 = vector.load %arg1[%get3A, %get3A_0] : memref<1000x128xf32, #tpu.memory_space<vmem>>, vector<1000x128xf32>
    %get3A_2 = arith.constant 0 : index
    %get3A_3 = arith.constant 0 : index
    %get3A_4 = vector.load %arg2[%get3A_2, %get3A_3] : memref<128x384xf32, #tpu.memory_space<vmem>>, vector<128x384xf32>
    %dot_general3A = arith.constant dense<0.000000e+00> : vector<1000x384xf32>
    %dot_general3A_5 = tpu.matmul %get3A_1, %get3A_4, %dot_general3A {dimension_numbers = #tpu.dot_dimension_numbers<[1], [0], [0], [1], [0, 0, 1, 1], [], []>, transpose_lhs_hint = false} : vector<1000x128xf32>, vector<128x384xf32>, vector<1000x384xf32> -> vector<1000x384xf32>
    %get3A_6 = arith.constant 0 : index
    %get3A_7 = arith.constant 0 : index
    %get3A_8 = vector.load %arg3[%get3A_6, %get3A_7] : memref<1x384xf32, #tpu.memory_space<vmem>>, vector<1x384xf32>
    %add3A = vector.broadcast %get3A_8 : vector<1x384xf32> to vector<1000x384xf32>
    %add3A_9 = arith.addf %dot_general3A_5, %add3A : vector<1000x384xf32>
    %swap3A = arith.constant 0 : index
    %swap3A_10 = arith.constant 0 : index
    %swap3A_11 = vector.load %arg4[%swap3A, %swap3A_10] : memref<1000x384xf32, #tpu.memory_space<vmem>>, vector<1000x384xf32>
    tpu.vector_store %arg4[%swap3A, %swap3A_10], %add3A_9 {strides = array<i32>} : memref<1000x384xf32, #tpu.memory_space<vmem>>, vector<1000x384xf32>,
    return
  }
  func.func @transform_0(%arg0: i32) -> (i32, i32) {
    %c0_i32 = arith.constant 0 : i32
    %c0_i32_0 = arith.constant 0 : i32
    return %arg0, %c0_i32 : i32, i32
  }
  func.func @transform_1(%arg0: i32) -> (i32, i32) {
    %c0_i32 = arith.constant 0 : i32
    %c0_i32_0 = arith.constant 0 : i32
    %c0_i32_1 = arith.constant 0 : i32
    return %c0_i32, %c0_i32_0 : i32, i32
  }
  func.func @transform_2(%arg0: i32) -> (i32, i32) {
    %c0_i32 = arith.constant 0 : i32
    %c0_i32_0 = arith.constant 0 : i32
    %c0_i32_1 = arith.constant 0 : i32
    return %c0_i32, %c0_i32_0 : i32, i32
  }
  func.func @transform_3(%arg0: i32) -> (i32, i32) {
    %c0_i32 = arith.constant 0 : i32
    %c0_i32_0 = arith.constant 0 : i32
    return %arg0, %c0_i32 : i32, i32
  }
}

module attributes {stable_mosaic.version = 14 : i64} {
  func.func @_gru_body(%arg0: i32, %arg1: memref<2x1000x128xf32, #tpu.memory_space<vmem>>, %arg2: memref<1000x128xf32, #tpu.memory_space<vmem>>, %arg3: memref<1000x384xf32, #tpu.memory_space<vmem>>, %arg4: memref<128x384xf32, #tpu.memory_space<vmem>>, %arg5: memref<1x384xf32, #tpu.memory_space<vmem>>, %arg6: memref<1000x128xf32, #tpu.memory_space<vmem>>) attributes {dimension_semantics = [#tpu.dimension_semantics<arbitrary>], iteration_bounds = array<i64: 10>, scalar_prefetch = 0 : i64, scratch_operands = 0 : i64, tpu.core_type = #tpu.core_type<tc>, window_params = [{transform_indices = @transform_0, window_bounds = array<i64: 2, 1000, 128>}, {transform_indices = @transform_1, window_bounds = array<i64: 1000, 128>}, {transform_indices = @transform_2, window_bounds = array<i64: 1000, 384>}, {pipeline_mode = #tpu.pipeline_mode<synchronous>, transform_indices = @transform_3, window_bounds = array<i64: 128, 384>}, {pipeline_mode = #tpu.pipeline_mode<synchronous>, transform_indices = @transform_4, window_bounds = array<i64: 1, 384>}, {transform_indices = @transform_5, window_bounds = array<i64: 1000, 128>}]} {
    %get3A = arith.constant 0 : index
    %get3A_0 = arith.constant 0 : index
    %get3A_1 = arith.constant 0 : index
    %get3A_2 = vector.load %arg1[%get3A, %get3A_0, %get3A_1] : memref<2x1000x128xf32, #tpu.memory_space<vmem>>, vector<1x1000x128xf32>
    %get3A_3 = vector.shape_cast %get3A_2 : vector<1x1000x128xf32> to vector<1000x128xf32>
    %get3A_4 = arith.constant 1 : index
    %get3A_5 = arith.constant 0 : index
    %get3A_6 = arith.constant 0 : index
    %get3A_7 = vector.load %arg1[%get3A_4, %get3A_5, %get3A_6] : memref<2x1000x128xf32, #tpu.memory_space<vmem>>, vector<1x1000x128xf32>
    %get3A_8 = vector.shape_cast %get3A_7 : vector<1x1000x128xf32> to vector<1000x128xf32>
    %add3A = arith.addf %get3A_3, %get3A_8 : vector<1000x128xf32>
    %get3A_9 = arith.constant 0 : index
    %get3A_10 = arith.constant 0 : index
    %get3A_11 = vector.load %arg2[%get3A_9, %get3A_10] : memref<1000x128xf32, #tpu.memory_space<vmem>>, vector<1000x128xf32>
    %get3A_12 = arith.constant 0 : index
    %get3A_13 = arith.constant 0 : index
    %get3A_14 = vector.load %arg3[%get3A_12, %get3A_13] : memref<1000x384xf32, #tpu.memory_space<vmem>>, vector<1000x384xf32>
    %get3A_15 = arith.constant 0 : index
    %get3A_16 = arith.constant 0 : index
    %get3A_17 = vector.load %arg4[%get3A_15, %get3A_16] : memref<128x384xf32, #tpu.memory_space<vmem>>, vector<128x384xf32>
    %dot_general3A = arith.constant dense<0.000000e+00> : vector<1000x384xf32>
    %dot_general3A_18 = tpu.matmul %add3A, %get3A_17, %dot_general3A {dimension_numbers = #tpu.dot_dimension_numbers<[1], [0], [0], [1], [0, 0, 1, 1], [], []>, transpose_lhs_hint = false} : vector<1000x128xf32>, vector<128x384xf32>, vector<1000x384xf32> -> vector<1000x384xf32>
    %get3A_19 = arith.constant 0 : index
    %get3A_20 = arith.constant 0 : index
    %get3A_21 = vector.load %arg5[%get3A_19, %get3A_20] : memref<1x384xf32, #tpu.memory_space<vmem>>, vector<1x384xf32>
    %add3A_22 = vector.broadcast %get3A_21 : vector<1x384xf32> to vector<1000x384xf32>
    %add3A_23 = arith.addf %dot_general3A_18, %add3A_22 : vector<1000x384xf32>
    %slice3A = vector.extract_strided_slice %add3A_23 {offsets = [0, 0], sizes = [1000, 128], strides = [1, 1]} : vector<1000x384xf32> to vector<1000x128xf32>
    %slice3A_24 = vector.extract_strided_slice %get3A_14 {offsets = [0, 0], sizes = [1000, 128], strides = [1, 1]} : vector<1000x384xf32> to vector<1000x128xf32>
    %add3A_25 = arith.addf %slice3A, %slice3A_24 : vector<1000x128xf32>
    %logistic3A = arith.negf %add3A_25 : vector<1000x128xf32>
    %logistic3A_26 = math.exp %logistic3A : vector<1000x128xf32>
    %logistic3A_27 = arith.constant 1.000000e+00 : f32
    %logistic3A_28 = vector.broadcast %logistic3A_27 : f32 to vector<1000x128xf32>
    %logistic3A_29 = arith.addf %logistic3A_28, %logistic3A_26 : vector<1000x128xf32>
    %logistic3A_30 = arith.divf %logistic3A_28, %logistic3A_29 : vector<1000x128xf32>
    %slice3A_31 = vector.extract_strided_slice %add3A_23 {offsets = [0, 128], sizes = [1000, 128], strides = [1, 1]} : vector<1000x384xf32> to vector<1000x128xf32>
    %slice3A_32 = vector.extract_strided_slice %get3A_14 {offsets = [0, 128], sizes = [1000, 128], strides = [1, 1]} : vector<1000x384xf32> to vector<1000x128xf32>
    %add3A_33 = arith.addf %slice3A_31, %slice3A_32 : vector<1000x128xf32>
    %logistic3A_34 = arith.negf %add3A_33 : vector<1000x128xf32>
    %logistic3A_35 = math.exp %logistic3A_34 : vector<1000x128xf32>
    %logistic3A_36 = arith.constant 1.000000e+00 : f32
    %logistic3A_37 = vector.broadcast %logistic3A_36 : f32 to vector<1000x128xf32>
    %logistic3A_38 = arith.addf %logistic3A_37, %logistic3A_35 : vector<1000x128xf32>
    %logistic3A_39 = arith.divf %logistic3A_37, %logistic3A_38 : vector<1000x128xf32>
    %slice3A_40 = vector.extract_strided_slice %add3A_23 {offsets = [0, 256], sizes = [1000, 128], strides = [1, 1]} : vector<1000x384xf32> to vector<1000x128xf32>
    %slice3A_41 = vector.extract_strided_slice %get3A_14 {offsets = [0, 256], sizes = [1000, 128], strides = [1, 1]} : vector<1000x384xf32> to vector<1000x128xf32>
    %mul3A = arith.mulf %logistic3A_30, %slice3A_41 : vector<1000x128xf32>
    %add3A_42 = arith.addf %slice3A_40, %mul3A : vector<1000x128xf32>
    %tanh3A = math.tanh %add3A_42 : vector<1000x128xf32>
    %sub3A = arith.constant 1.000000e+00 : f32
    %sub3A_43 = vector.broadcast %sub3A : f32 to vector<1000x128xf32>
    %sub3A_44 = arith.subf %sub3A_43, %logistic3A_39 : vector<1000x128xf32>
    %mul3A_45 = arith.mulf %sub3A_44, %tanh3A : vector<1000x128xf32>
    %mul3A_46 = arith.mulf %logistic3A_39, %get3A_11 : vector<1000x128xf32>
    %add3A_47 = arith.addf %mul3A_45, %mul3A_46 : vector<1000x128xf32>
    %swap3A = arith.constant 0 : index
    %swap3A_48 = arith.constant 0 : index
    %swap3A_49 = vector.load %arg6[%swap3A, %swap3A_48] : memref<1000x128xf32, #tpu.memory_space<vmem>>, vector<1000x128xf32>
    tpu.vector_store %arg6[%swap3A, %swap3A_48], %add3A_47 {strides = array<i32>} : memref<1000x128xf32, #tpu.memory_space<vmem>>, vector<1000x128xf32>,
    return
  }
  func.func @transform_0(%arg0: i32) -> (i32, i32, i32) {
    %c0_i32 = arith.constant 0 : i32
    %c0_i32_0 = arith.constant 0 : i32
    %c0_i32_1 = arith.constant 0 : i32
    return %c0_i32, %arg0, %c0_i32_0 : i32, i32, i32
  }
  func.func @transform_1(%arg0: i32) -> (i32, i32) {
    %c0_i32 = arith.constant 0 : i32
    %c0_i32_0 = arith.constant 0 : i32
    return %arg0, %c0_i32 : i32, i32
  }
  func.func @transform_2(%arg0: i32) -> (i32, i32) {
    %c0_i32 = arith.constant 0 : i32
    %c0_i32_0 = arith.constant 0 : i32
    return %arg0, %c0_i32 : i32, i32
  }
  func.func @transform_3(%arg0: i32) -> (i32, i32) {
    %c0_i32 = arith.constant 0 : i32
    %c0_i32_0 = arith.constant 0 : i32
    %c0_i32_1 = arith.constant 0 : i32
    return %c0_i32, %c0_i32_0 : i32, i32
  }
  func.func @transform_4(%arg0: i32) -> (i32, i32) {
    %c0_i32 = arith.constant 0 : i32
    %c0_i32_0 = arith.constant 0 : i32
    %c0_i32_1 = arith.constant 0 : i32
    return %c0_i32, %c0_i32_0 : i32, i32
  }
  func.func @transform_5(%arg0: i32) -> (i32, i32) {
    %c0_i32 = arith.constant 0 : i32
    %c0_i32_0 = arith.constant 0 : i32
    return %arg0, %c0_i32 : i32, i32
  }
}

module attributes {stable_mosaic.version = 14 : i64} {
  func.func @_gru_body(%arg0: i32, %arg1: memref<2x1000x128xf32, #tpu.memory_space<vmem>>, %arg2: memref<1000x128xf32, #tpu.memory_space<vmem>>, %arg3: memref<1000x384xf32, #tpu.memory_space<vmem>>, %arg4: memref<128x384xf32, #tpu.memory_space<vmem>>, %arg5: memref<1x384xf32, #tpu.memory_space<vmem>>, %arg6: memref<1000x128xf32, #tpu.memory_space<vmem>>) attributes {dimension_semantics = [#tpu.dimension_semantics<arbitrary>], iteration_bounds = array<i64: 10>, scalar_prefetch = 0 : i64, scratch_operands = 0 : i64, tpu.core_type = #tpu.core_type<tc>, window_params = [{transform_indices = @transform_0, window_bounds = array<i64: 2, 1000, 128>}, {transform_indices = @transform_1, window_bounds = array<i64: 1000, 128>}, {transform_indices = @transform_2, window_bounds = array<i64: 1000, 384>}, {pipeline_mode = #tpu.pipeline_mode<synchronous>, transform_indices = @transform_3, window_bounds = array<i64: 128, 384>}, {pipeline_mode = #tpu.pipeline_mode<synchronous>, transform_indices = @transform_4, window_bounds = array<i64: 1, 384>}, {transform_indices = @transform_5, window_bounds = array<i64: 1000, 128>}]} {
    %get3A = arith.constant 0 : index
    %get3A_0 = arith.constant 0 : index
    %get3A_1 = arith.constant 0 : index
    %get3A_2 = vector.load %arg1[%get3A, %get3A_0, %get3A_1] : memref<2x1000x128xf32, #tpu.memory_space<vmem>>, vector<1x1000x128xf32>
    %get3A_3 = vector.shape_cast %get3A_2 : vector<1x1000x128xf32> to vector<1000x128xf32>
    %get3A_4 = arith.constant 1 : index
    %get3A_5 = arith.constant 0 : index
    %get3A_6 = arith.constant 0 : index
    %get3A_7 = vector.load %arg1[%get3A_4, %get3A_5, %get3A_6] : memref<2x1000x128xf32, #tpu.memory_space<vmem>>, vector<1x1000x128xf32>
    %get3A_8 = vector.shape_cast %get3A_7 : vector<1x1000x128xf32> to vector<1000x128xf32>
    %add3A = arith.addf %get3A_3, %get3A_8 : vector<1000x128xf32>
    %get3A_9 = arith.constant 0 : index
    %get3A_10 = arith.constant 0 : index
    %get3A_11 = vector.load %arg2[%get3A_9, %get3A_10] : memref<1000x128xf32, #tpu.memory_space<vmem>>, vector<1000x128xf32>
    %get3A_12 = arith.constant 0 : index
    %get3A_13 = arith.constant 0 : index
    %get3A_14 = vector.load %arg3[%get3A_12, %get3A_13] : memref<1000x384xf32, #tpu.memory_space<vmem>>, vector<1000x384xf32>
    %get3A_15 = arith.constant 0 : index
    %get3A_16 = arith.constant 0 : index
    %get3A_17 = vector.load %arg4[%get3A_15, %get3A_16] : memref<128x384xf32, #tpu.memory_space<vmem>>, vector<128x384xf32>
    %dot_general3A = arith.constant dense<0.000000e+00> : vector<1000x384xf32>
    %dot_general3A_18 = tpu.matmul %add3A, %get3A_17, %dot_general3A {dimension_numbers = #tpu.dot_dimension_numbers<[1], [0], [0], [1], [0, 0, 1, 1], [], []>, transpose_lhs_hint = false} : vector<1000x128xf32>, vector<128x384xf32>, vector<1000x384xf32> -> vector<1000x384xf32>
    %get3A_19 = arith.constant 0 : index
    %get3A_20 = arith.constant 0 : index
    %get3A_21 = vector.load %arg5[%get3A_19, %get3A_20] : memref<1x384xf32, #tpu.memory_space<vmem>>, vector<1x384xf32>
    %add3A_22 = vector.broadcast %get3A_21 : vector<1x384xf32> to vector<1000x384xf32>
    %add3A_23 = arith.addf %dot_general3A_18, %add3A_22 : vector<1000x384xf32>
    %slice3A = vector.extract_strided_slice %add3A_23 {offsets = [0, 0], sizes = [1000, 128], strides = [1, 1]} : vector<1000x384xf32> to vector<1000x128xf32>
    %slice3A_24 = vector.extract_strided_slice %get3A_14 {offsets = [0, 0], sizes = [1000, 128], strides = [1, 1]} : vector<1000x384xf32> to vector<1000x128xf32>
    %add3A_25 = arith.addf %slice3A, %slice3A_24 : vector<1000x128xf32>
    %logistic3A = arith.negf %add3A_25 : vector<1000x128xf32>
    %logistic3A_26 = math.exp %logistic3A : vector<1000x128xf32>
    %logistic3A_27 = arith.constant 1.000000e+00 : f32
    %logistic3A_28 = vector.broadcast %logistic3A_27 : f32 to vector<1000x128xf32>
    %logistic3A_29 = arith.addf %logistic3A_28, %logistic3A_26 : vector<1000x128xf32>
    %logistic3A_30 = arith.divf %logistic3A_28, %logistic3A_29 : vector<1000x128xf32>
    %slice3A_31 = vector.extract_strided_slice %add3A_23 {offsets = [0, 128], sizes = [1000, 128], strides = [1, 1]} : vector<1000x384xf32> to vector<1000x128xf32>
    %slice3A_32 = vector.extract_strided_slice %get3A_14 {offsets = [0, 128], sizes = [1000, 128], strides = [1, 1]} : vector<1000x384xf32> to vector<1000x128xf32>
    %add3A_33 = arith.addf %slice3A_31, %slice3A_32 : vector<1000x128xf32>
    %logistic3A_34 = arith.negf %add3A_33 : vector<1000x128xf32>
    %logistic3A_35 = math.exp %logistic3A_34 : vector<1000x128xf32>
    %logistic3A_36 = arith.constant 1.000000e+00 : f32
    %logistic3A_37 = vector.broadcast %logistic3A_36 : f32 to vector<1000x128xf32>
    %logistic3A_38 = arith.addf %logistic3A_37, %logistic3A_35 : vector<1000x128xf32>
    %logistic3A_39 = arith.divf %logistic3A_37, %logistic3A_38 : vector<1000x128xf32>
    %slice3A_40 = vector.extract_strided_slice %add3A_23 {offsets = [0, 256], sizes = [1000, 128], strides = [1, 1]} : vector<1000x384xf32> to vector<1000x128xf32>
    %slice3A_41 = vector.extract_strided_slice %get3A_14 {offsets = [0, 256], sizes = [1000, 128], strides = [1, 1]} : vector<1000x384xf32> to vector<1000x128xf32>
    %mul3A = arith.mulf %logistic3A_30, %slice3A_41 : vector<1000x128xf32>
    %add3A_42 = arith.addf %slice3A_40, %mul3A : vector<1000x128xf32>
    %tanh3A = math.tanh %add3A_42 : vector<1000x128xf32>
    %sub3A = arith.constant 1.000000e+00 : f32
    %sub3A_43 = vector.broadcast %sub3A : f32 to vector<1000x128xf32>
    %sub3A_44 = arith.subf %sub3A_43, %logistic3A_39 : vector<1000x128xf32>
    %mul3A_45 = arith.mulf %sub3A_44, %tanh3A : vector<1000x128xf32>
    %mul3A_46 = arith.mulf %logistic3A_39, %get3A_11 : vector<1000x128xf32>
    %add3A_47 = arith.addf %mul3A_45, %mul3A_46 : vector<1000x128xf32>
    %swap3A = arith.constant 0 : index
    %swap3A_48 = arith.constant 0 : index
    %swap3A_49 = vector.load %arg6[%swap3A, %swap3A_48] : memref<1000x128xf32, #tpu.memory_space<vmem>>, vector<1000x128xf32>
    tpu.vector_store %arg6[%swap3A, %swap3A_48], %add3A_47 {strides = array<i32>} : memref<1000x128xf32, #tpu.memory_space<vmem>>, vector<1000x128xf32>,
    return
  }
  func.func @transform_0(%arg0: i32) -> (i32, i32, i32) {
    %c0_i32 = arith.constant 0 : i32
    %c0_i32_0 = arith.constant 0 : i32
    %c0_i32_1 = arith.constant 0 : i32
    return %c0_i32, %arg0, %c0_i32_0 : i32, i32, i32
  }
  func.func @transform_1(%arg0: i32) -> (i32, i32) {
    %c0_i32 = arith.constant 0 : i32
    %c0_i32_0 = arith.constant 0 : i32
    return %arg0, %c0_i32 : i32, i32
  }
  func.func @transform_2(%arg0: i32) -> (i32, i32) {
    %c0_i32 = arith.constant 0 : i32
    %c0_i32_0 = arith.constant 0 : i32
    return %arg0, %c0_i32 : i32, i32
  }
  func.func @transform_3(%arg0: i32) -> (i32, i32) {
    %c0_i32 = arith.constant 0 : i32
    %c0_i32_0 = arith.constant 0 : i32
    %c0_i32_1 = arith.constant 0 : i32
    return %c0_i32, %c0_i32_0 : i32, i32
  }
  func.func @transform_4(%arg0: i32) -> (i32, i32) {
    %c0_i32 = arith.constant 0 : i32
    %c0_i32_0 = arith.constant 0 : i32
    %c0_i32_1 = arith.constant 0 : i32
    return %c0_i32, %c0_i32_0 : i32, i32
  }
  func.func @transform_5(%arg0: i32) -> (i32, i32) {
    %c0_i32 = arith.constant 0 : i32
    %c0_i32_0 = arith.constant 0 : i32
    return %arg0, %c0_i32 : i32, i32
  }
}

</mosaic_0001>

<sc_bundles>
// kernel: kernel.14.cloned.1.call-start
scs
__scs_entry_jumppad:
0x0: {  	(pc) =	sbr.rel $0x88, $3  }
0x1: {  	(tag) =	ssettag $0x0;
	lr =	simm.s32 $0x1  }
0x2: {  	[smem:$0x3F9A] =	sst lr;
	_ =	strace $0xD0000000  }
0x3: {  	_ = 	snop  }
0x4: {  	_ = 	snop  }
0x5: {  	_ = 	snop  }
0x6: {  	_ = 	snop  }
0x7: {  	_ = 	snop  }
__scs_overlays_trampoline_lowered:
0x8: {  	[smem:$0x3FA9] =	sst s0  }
0x9: {  	[smem:$0x3FAA] =	sst s1  }
0xa: {  	[smem:$0x3FAB] =	sst s2  }
0xb: {  	[smem:$0x3FAC] =	sst s3  }
0xc: {  	[smem:$0x3FAD] =	sst s4  }
0xd: {  	[smem:$0x3FAE] =	sst s5  }
0xe: {  	[smem:$0x3FAF] =	sst s6  }
0xf: {  	[smem:$0x3FB0] =	sst s7  }
0x10: {  	[smem:$0x3FB1] =	sst s8  }
0x11: {  	[smem:$0x3FB2] =	sst s9;
	s0 =	simm.s32 @!p0 $0x0  }
0x12: {  	s1 =	sld [smem:$0x3F98];
	s0 =	simm.s32 @p0 $0x1  }
0x13: {  	[smem:$0x3FB3] =	sst s0;
	s0 =	simm.s32 @!p1 $0x0  }
0x14: {  	s2 =	sld [smem:$0x3F97];
	s0 =	simm.s32 @p1 $0x1  }
0x15: {  	[smem:$0x3FB4] =	sst s0;
	s0 =	simm.s32 @!p2 $0x0  }
0x16: {  	s3 =	sld [smem:$0x3FDB];
	s0 =	simm.s32 @p2 $0x1  }
0x17: {  	s4 =	simm.s32 $0x1BF5;
	[smem:$0x3FB6] =	sst s0  }
0x18: {  	s0 =	sld [smem:$0x3F99];
	_ =	swait.ge [sflag:s4], $0x0  }
0x19: {  	s7 =	sld [smem:$0x3F9A]  }
0x1a: {  	s8 =	sadd.s32 $0xFFFFE003, lr  }
0x1b: {  	s9 =	sadd.s32 $0xFFFFFEF7, lr;
	s5 =	simm.s32 $0xFFFFFFFF;
	p2 =	slt.u32 s8, $0xFFFFF086  }
0x1c: {  	p1 =	slt.u32 s9, $0xF7A;
	s5 =	simm.s32 @!p2 $0x0  }
0x1d: {  	s5 =	simm.s32 @p1 $0x1;
	p0 =	seq.s32 s7, s2  }
0x1e: {  	s7 =	smul.u32 @!p0 $0xF7A, s2;
	p2 =	seq.s32 @!p0 s5, $0x0  }
0x1f: {  	s9 =	smul.u32 $0xF7A, s1;
	s8 =	simm.s32 @!p0 $0x1BF5;
	p2 =	por !p2, p0  }
0x20: {  	[sflag:s8] =	ssyncset.s32 @!p0 $0xFFFFF086;
	s6 =	sadd.s32 @!p0 s3, s7;
	s7 =	simm.s32 @!p0 $0x108  }
0x21: {  	s3 =	sadd.s32 s3, s9;
	s6 =	sadd.s32 @!p0 $0x88, s6;
	s7 =	simm.s32 @p2 $0x1082  }
0x22: {  	[simem:s7], [sflag:s8] =	dma.local @!p0 [hbm:s6], $0xF7A  }
0x23: {  	s9 =	sor.u32 $0xD0000000, s2;
	s6 =	simm.s32 $0x108;
	_ =	swait.ge @!p0 [sflag:s8], $0x0  }
0x24: {  	s3 =	sadd.s32 $0x88, s3;
	s6 =	simm.s32 @!p1 $0x1082;
	[sflag:s4] =	ssyncset.s32 $0xFFFFF086  }
0x25: {  	[simem:s6], [sflag:s4] =	dma.local [hbm:s3], $0xF7A  }
0x26: {  	[smem:$0x3F9A] =	sst s1;
	(tag) =	ssettag s2;
	_ =	strace s9  }
0x27: {  	s1 =	sld [smem:$0x3FAA]  }
0x28: {  	s2 =	sld [smem:$0x3FAB]  }
0x29: {  	s4 =	sld [smem:$0x3FAD]  }
0x2a: {  	p0 =	seq.s32 s5, $0x0;
	s5 =	sld [smem:$0x3FAE]  }
0x2b: {  	s6 =	sld [smem:$0x3FAF]  }
0x2c: {  	s7 =	sld [smem:$0x3FB0]  }
0x2d: {  	s3 =	simm.s32 $0x108;
	s8 =	sld [smem:$0x3FB1]  }
0x2e: {  	s3 =	simm.s32 @!p0 $0x1082;
	s9 =	sld [smem:$0x3FB2]  }
0x2f: {  	lr =	sadd.s32 s0, s3;
	s0 =	sld [smem:$0x3FA9]  }
0x30: {  	s3 =	sld [smem:$0x3FAC]  }
0x31: {  	[smem:$0x3FB5] =	sst s10  }
0x32: {  	s10 =	sld [smem:$0x3FB3];
	_ =	sdelay $0x3  }
0x33: {  	p0 =	seq.s32 s10, $0x1;
	s10 =	sld [smem:$0x3FB5];
	_ =	sdelay $0x3  }
0x34: {  	[smem:$0x3FB5] =	sst s10  }
0x35: {  	s10 =	sld [smem:$0x3FB4];
	_ =	sdelay $0x3  }
0x36: {  	p1 =	seq.s32 s10, $0x1;
	s10 =	sld [smem:$0x3FB5];
	_ =	sdelay $0x3  }
0x37: {  	[smem:$0x3FB5] =	sst s10  }
0x38: {  	s10 =	sld [smem:$0x3FB6]  }
0x39: {  	_ = 	snop;
	(pc) =	sbr.ind lr, $3  }
0x3a: {  	_ = 	snop  }
0x3b: {  	_ = 	snop  }
0x3c: {  	p2 =	seq.s32 s10, $0x1;
	s10 =	sld [smem:$0x3FB5]  }
0x3d: {  	_ =	shalt  }
0x3e: {  	_ =	shalt  }
0x3f: {  	_ =	shalt  }
0x40: {  	_ =	shalt  }
0x41: {  	_ =	shalt  }
0x42: {  	_ =	shalt  }
0x43: {  	_ =	shalt  }
0x44: {  	_ =	shalt  }
0x45: {  	_ =	shalt  }
0x46: {  	_ =	shalt  }
0x47: {  	_ =	shalt  }
0x48: {  	_ =	shalt  }
0x49: {  	_ =	shalt  }
0x4a: {  	_ =	shalt  }
0x4b: {  	_ =	shalt  }
0x4c: {  	_ =	shalt  }
0x4d: {  	_ =	shalt  }
0x4e: {  	_ =	shalt  }
0x4f: {  	_ =	shalt  }
0x50: {  	_ =	shalt  }
0x51: {  	_ =	shalt  }
0x52: {  	_ =	shalt  }
0x53: {  	_ =	shalt  }
0x54: {  	_ =	shalt  }
0x55: {  	_ =	shalt  }
0x56: {  	_ =	shalt  }
0x57: {  	_ =	shalt  }
0x58: {  	_ =	shalt  }
0x59: {  	_ =	shalt  }
0x5a: {  	_ =	shalt  }
0x5b: {  	_ =	shalt  }
0x5c: {  	_ =	shalt  }
0x5d: {  	_ =	shalt  }
0x5e: {  	_ =	shalt  }
0x5f: {  	_ =	shalt  }
0x60: {  	_ =	shalt  }
0x61: {  	_ =	shalt  }
0x62: {  	_ =	shalt  }
0x63: {  	_ =	shalt  }
0x64: {  	_ =	shalt  }
0x65: {  	_ =	shalt  }
0x66: {  	_ =	shalt  }
0x67: {  	_ =	shalt  }
0x68: {  	_ =	shalt  }
0x69: {  	_ =	shalt  }
0x6a: {  	_ =	shalt  }
0x6b: {  	_ =	shalt  }
0x6c: {  	_ =	shalt  }
0x6d: {  	_ =	shalt  }
0x6e: {  	_ =	shalt  }
0x6f: {  	_ =	shalt  }
0x70: {  	_ =	shalt  }
0x71: {  	_ =	shalt  }
0x72: {  	_ =	shalt  }
0x73: {  	_ =	shalt  }
0x74: {  	_ =	shalt  }
0x75: {  	_ =	shalt  }
0x76: {  	_ =	shalt  }
0x77: {  	_ =	shalt  }
0x78: {  	_ =	shalt  }
0x79: {  	_ =	shalt  }
0x7a: {  	_ =	shalt  }
0x7b: {  	_ =	shalt  }
0x7c: {  	_ =	shalt  }
0x7d: {  	_ =	shalt  }
0x7e: {  	_ =	shalt  }
0x7f: {  	_ =	shalt  }
0x80: {  	_ =	shalt  }
0x81: {  	_ =	shalt  }
0x82: {  	_ =	shalt  }
0x83: {  	_ =	shalt  }
0x84: {  	_ =	shalt  }
0x85: {  	_ =	shalt  }
0x86: {  	_ =	shalt  }
0x87: {  	_ =	shalt  }
.Lfunc_end0:
.L_simem_size_0:
called_computation_lowered:
.L_overlay_start_0:
0x88: {  	s2 =	sld [smem:$0x3FD9]  }
0x89: {  	s3 =	sld [smem:$0x3FFE];
	_ =	sdelay $0x1  }
0x8a: {  	s1 =	srdreg.scid  }
0x8b: {  	s0 =	sand.u32 $0x1, s1  }
0x8c: {  	s17 =	sshll.u32 s0, $0xA;
	s2 =	sadd.s32 s3, s2  }
0x8d: {  	s2 =	sadd.s32 s2, s17  }
0x8e: {  	[smem:$0x3FC1] =	sst s2  }
0x8f: {  	_ = 	snop  }
0x90: {  	s2 =	sld [smem:$0x3FD0];
	(tm) =	ssettm $0x1  }
0x91: {  	s18 =	sld [smem:$0x3FFB];
	_ =	sdelay $0x3  }
0x92: {  	_ =	strace s18  }
0x93: {  	s3 =	sld [smem:$0x3FFC];
	_ =	sdelay $0x3  }
0x94: {  	_ =	strace s3  }
0x95: {  	s3 =	sld [smem:$0x3FFD];
	_ =	sdelay $0x3  }
0x96: {  	_ =	strace s3  }
0x97: {  	_ =	strace $0x8FFFFFFF  }
0x98: {  	s19 =	sld [smem:$0x3FDB];
	_ =	sdelay $0x1  }
0x99: {  	s4 =	simm.s32 $_scs_section_size  }
0x9a: {  	s5 =	simm.s32 $_size__tile_overlayer_lowered;
	s6 =	simm.s32 $_tile_overlayer_lowered  }
0x9b: {  	s22 =	simm.s32 $0x1BFF;
	s21 =	sshll.u32 s6, $0x1;
	s3 =	sadd.s32 s4, s19  }
0x9c: {  	s7 =	simm.s32 $0x0;
	s20 =	sshll.u32 s5, $0x1;
	s5 =	sadd.s32 s21, s3  }
0x9d: {  	[timem:s7], [sflag:s22] =	dma.local [hbm:s5], s20  }
0x9e: {  	_ =	swait.ge [sflag:s22], s20  }
0x9f: {  	s4 =	ssub.s32 $0x0, s20;
	[sflag:s22] =	ssyncset.done $0x0  }
0xa0: {  	[sflag:s22] =	ssyncadd.s32 s4;
	_ =	sdelay $0x1  }
0xa1: {  	s23 =	simm.s32 $0x1B8B  }
0xa2: {  	_ =	swait.ge [sflag:s23], $0x1  }
0xa3: {  	[sflag:s23] =	ssyncset.done $0x0  }
0xa4: {  	s25 =	simm.s32 $0x1B8E;
	s24 =	sld [smem:$0x3FFE];
	[sflag:s23] =	ssyncadd.s32 $0xFFFFFFFF  }
0xa5: {  	s26 =	simm.s32 $execute0_lowered;
	[smem:$0x3FD2] =	sst s25  }
0xa6: {  	s5 =	sshll.u32 s26, $0x1;
	_ =	strace $0x80000046;
	[dreg:$0x1] =	wrdreg $0xFFFFFFFF  }
0xa7: {  	s28 =	simm.s32 $_size_execute0_lowered;
	s3 =	sadd.s32 s3, s5;
	[dreg:$0x0] =	wrdreg $0x0  }
0xa8: {  	s5 =	sshll.u32 s28, $0x1;
	[dreg:$0x2] =	wrdreg s3  }
0xa9: {  	[dreg:$0x3] =	wrdreg s5  }
0xaa: {  	[dreg:$0x4] =	wrdreg $0xC0  }
0xab: {  	_ =	task [dreg:s7], $0x5FFFF  }
0xac: {  	[dreg:$0x1] =	wrdreg $0xFFFFFFFF  }
0xad: {  	[dreg:$0x0] =	wrdreg $0x60  }
0xae: {  	[dreg:$0x2] =	wrdreg s2  }
0xaf: {  	[dreg:$0x3] =	wrdreg s24  }
0xb0: {  	[dreg:$0x4] =	wrdreg $0xA8000  }
0xb1: {  	[dreg:$0x5] =	wrdreg $0x9  }
0xb2: {  	_ =	task.clear_ibuf [dreg:s7], $0x6FFFF;
	_ =	strace $0x90000046  }
0xb3: {  	s29 =	simm.s32 $0x9;
	_ =	strace $0x80000048  }
0xb4: {  	_ =	swait.ge [sflag:s29], $0x1  }
0xb5: {  	[sflag:s29] =	ssyncadd.s32 $0xFFFFFFFF  }
0xb6: {  	_ =	strace $0x90000048  }
0xb7: {  	_ =	sfence  }
0xb8: {  	s30 =	sld [smem:$0x0];
	_ =	sdelay $0x2  }
0xb9: {  	s31 =	sshll.u32 s1, $0xD;
	s1 =	sshrl.u32 s1, $0x2  }
0xba: {  	s3 =	sand.u32 $0x4000, s31;
	s1 =	sadd.s32 s1, s30  }
0xbb: {  	s0 =	sor.u32 s3, s0;
	s1 =	sshll.u32 s1, $0x11  }
0xbc: {  	s0 =	sor.u32 s1, s0  }
0xbd: {  	s0 =	sadd.s32 $0x8F2B, s0  }
0xbe: {  	[sflag:s0] =	ssyncadd.remote.s32 $0x1  }
0xbf: {  	_ =	sfence.sel $0xFFFF  }
0xc0: {  	[dreg:$0x0] =	wrdreg $0xFFFFFFFF;
	(pc) =	sbr.abs _section_cstart, $3  }
0xc1: {  	[dreg:$0x1] =	wrdreg $0xFFFFFFFF  }
0xc2: {  	_ =	task.clear_ibuf [dreg:s7], $0x2FFFF;
	_ =	strace $0x9FFFFFFF  }
0xc3: {  	(tm) =	ssettm $0x7FFFFFFF  }
tec
execute0_lowered:
.L_overlay_start_1:
0x0: {  	(tag) =	ssettag $0x1  }
0x1: {  	s1 =	rddreg [dreg:$0x0]  }
0x2: {  	s0 =	srdreg.scid;
	s2 =	rddreg [dreg:$0x1]  }
0x3: {  	s9 =	stileid.u32;
	s3 =	rddreg [dreg:$0x2]  }
0x4: {  	s4 =	simm.s32 $0x0;
	s28 =	simm.s32 $0x3000;
	s30 =	simm.s32 $0x1  }
0x5: {  	s10 =	simm.s32 $0x8000;
	s31 =	simm.s32 $0x0;
	s6 =	smul.u32 $0x13C00, s9  }
0x6: {  	s0 =	sand.u32 $0x1, s0;
	s7 =	sshll.u32 s9, $0x10;
	s9 =	smul.u32 $0x4F000, s9  }
0x7: {  	[smem:$0x7FF] =	sst s4;
	s11 =	sadd.s32 $0x2A00, s2;
	s5 =	smul.u32 $0x13C000, s0  }
0x8: {  	_ =	strace $0x80000047;
	s8 =	sshll.u32 s0, $0xF;
	s0 =	ssub.s32 $0x2, s0  }
0x9: {  	s12 =	sor.u32 s8, s7;
	s13 =	sshrl.u32 s0, $0x1;
	s9 =	sshrl.u32 s9, $0x2  }
0xa: {  	s5 =	sadd.s32 s6, s5;
	s8 =	sshrl.u32 s12, $0x3;
	s0 =	ssub.s32 s0, s13  }
0xb: {  	s15 =	sadd.s32 s9, s3;
	s23 =	sor.u32 $0x400, s12;
	s25 =	sor.u32 $0xA00, s12  }
0xc: {  	s26 =	sor.u32 $0x600, s12;
	s14 =	sadd.s32 s11, s8;
	[dreg:$0x5] =	wrdreg s15  }
0xd: {  	s13 =	simm.s32 $0x4;
	s16 =	sadd.s32 $0x2800, s15;
	[dreg:$0x4] =	wrdreg s14  }
0xe: {  	s6 =	simm.s32 $0xB;
	s17 =	sadd.s32 $0x5000, s15;
	[dreg:$0x7] =	wrdreg s16  }
0xf: {  	s9 =	simm.s32 $0x8;
	s18 =	sadd.s32 $0x7800, s15;
	[dreg:$0x8] =	wrdreg s17  }
0x10: {  	s5 =	sshrl.u32 s5, $0x3;
	s19 =	sadd.s32 $0xA000, s15;
	[dreg:$0x9] =	wrdreg s18  }
0x11: {  	s20 =	sadd.s32 $0xC800, s15;
	s21 =	sadd.s32 $0xF000, s15;
	[dreg:$0xa] =	wrdreg s19  }
0x12: {  	s22 =	sadd.s32 $0x11800, s15;
	s0 =	smax.u32 s0, $0x1;
	[dreg:$0xb] =	wrdreg s20  }
0x13: {  	s24 =	sshrl.u32 s23, $0x3;
	s23 =	simm.s32 $0x9;
	[dreg:$0xc] =	wrdreg s21  }
0x14: {  	s8 =	simm.s32 $0xA;
	s15 =	simm.s32 $0x5;
	[dreg:$0xd] =	wrdreg s22  }
0x15: {  	s2 =	sadd.s32 s5, s2;
	s7 =	sadd.s32 $0x40, s14;
	[dreg:$0xf] =	wrdreg s0  }
0x16: {  	s17 =	sadd.s32 s24, s11;
	s0 =	sshrl.u32 s25, $0x3;
	s5 =	sor.u32 $0x800, s12  }
0x17: {  	s21 =	simm.s32 $0x200;
	s22 =	simm.s32 $0x5800;
	s24 =	simm.s32 $0x50  }
0x18: {  	s25 =	simm.s32 $0x800;
	s14 =	simm.s32 $0x600;
	s16 =	simm.s32 $0x6  }
.Ltmp0:
0x19: {  	s12 =	simm.s32 $0xC;
	[dreg:$0x6] =	wrdreg s7;
	(pc) =	sbr.rel .LBB2_1-.Ltmp0, $4  }
0x1a: {  	s2 =	sadd.s32 $0x22A00, s2;
	s18 =	sadd.s32 s0, s11;
	s29 =	sshrl.u32 s5, $0x3  }
0x1b: {  	s7 =	simm.s32 $0x400;
	s0 =	simm.s32 $0x7;
	[dreg:$0xe] =	wrdreg s2  }
0x1c: {  	s2 =	sshrl.u32 s26, $0x3;
	s20 =	sadd.s32 s29, s11;
	s26 =	simm.s32 $0x780  }
0x1d: {  	v0 =	vimm.f32 $0.0e+00;
	s19 =	sadd.s32 s2, s11;
	s2 =	simm.s32 $0x2;
	s11 =	simm.s32 $0x3  }
.LBB2_6:
0x1e: {  	_ =	swait.ge [sflag:s15], $0x2800  }
0x1f: {  	[sflag:s15] =	ssyncset.done $0x0  }
0x20: {  	[sflag:s15] =	ssyncadd.s32 $0xFFFFD800  }
0x21: {  	_ =	swait.ge [sflag:s16], $0x2800  }
0x22: {  	[sflag:s16] =	ssyncset.done $0x0  }
0x23: {  	[sflag:s16] =	ssyncadd.s32 $0xFFFFD800  }
0x24: {  	_ =	swait.ge [sflag:s0], $0x2800  }
0x25: {  	[sflag:s0] =	ssyncset.done $0x0  }
0x26: {  	[sflag:s0] =	ssyncadd.s32 $0xFFFFD800  }
0x27: {  	_ =	swait.ge [sflag:s9], $0x2800  }
0x28: {  	[sflag:s9] =	ssyncset.done $0x0  }
0x29: {  	[sflag:s9] =	ssyncadd.s32 $0xFFFFD800  }
0x2a: {  	s5 =	stileid.u32;
	[bflag:$0x0] =	sbarrier.arrive $0xFFFF  }
0x2b: {  	s5 =	sshll.u32 s5, $0x6;
	s29 =	rddreg [dreg:$0x5]  }
0x2c: {  	s5 =	sor.u32 $0x1C0E, s5;
	s31 =	rddreg [dreg:$0xe];
	s29 =	sshrl.u32 s29, $0x3  }
0x2d: {  	[hbm:s31], [sflag:s5] =	dma.local [spmem:s29], $0x2780  }
0x2e: {  	s29 =	simm.s32 $0xE  }
0x2f: {  	_ =	swait.ge [sflag:s29], $0x2780  }
0x30: {  	s31 =	rddreg [dreg:$0x10]  }
0x31: {  	s5 =	rddreg [dreg:$0xf];
	s31 =	sadd.s32 $0x1, s31  }
0x32: {  	p0 =	sne.s32 s31, s5  }
.Ltmp1:
0x33: {  	_ = 	snop;
	(pc) =	sbr.rel @!p0 .LBB2_7-.Ltmp1, $3  }
0x34: {  	_ =	sdelay $0x1  }
0x35: {  	[sflag:s29] =	ssyncset.done $0x0  }
0x36: {  	[sflag:s29] =	ssyncadd.s32 $0xFFFFD880  }
.LBB2_1:
0x37: {  	[dreg:$0x10] =	wrdreg s31  }
0x38: {  	s5 =	rddreg [dreg:$0x4]  }
0x39: {  	[tilespmem:s4], [sflag:$0x9] =	stream.linear.gather [hbm4b:s5+s4], $0x200, $0x38;
	[tilespmem:$0x1E400] =	vst v63  }
0x3a: {  	s29 =	rddreg [dreg:$0x6];
	s31 =	simm.s32 $0x70;
	s5 =	simm.s32 $0x3C0  }
0x3b: {  	[tilespmem:s21], [sflag:$0xA] =	stream.linear.gather [hbm4b:s29+s4], $0x200, $0x38;
	[tilespmem:$0x1E400] =	vst v63  }
.LBB2_2:
0x3c: {  	p0 =	sne.s32 s5, $0x9FC0;
	[tilespmem:s31+$0x5800] =	vst v0  }
0x3d: {  	[tilespmem:s31+$0x5790] =	vst v0  }
0x3e: {  	[tilespmem:s31+$0x57A0] =	vst v0  }
.Ltmp2:
0x3f: {  	[tilespmem:s31+$0x57B0] =	vst v0;
	(pc) =	sbr.rel @p0 .LBB2_2-.Ltmp2, $4  }
0x40: {  	[tilespmem:s31+$0x57C0] =	vst v0  }
0x41: {  	[tilespmem:s31+$0x57D0] =	vst v0  }
0x42: {  	[tilespmem:s31+$0x57E0] =	vst v0  }
0x43: {  	[tilespmem:s31+$0x57F0] =	vst v0;
	s31 =	sshra.s32 s5, $0x2;
	s5 =	sadd.s32 $0x200, s5  }
0x44: {  	[tilespmem:s31+$0x5800] =	vst v0  }
0x45: {  	[tilespmem:s31+$0x5790] =	vst v0  }
0x46: {  	[tilespmem:s31+$0x57A0] =	vst v0  }
0x47: {  	[tilespmem:s31+$0x57B0] =	vst v0  }
0x48: {  	[tilespmem:s31+$0x57C0] =	vst v0  }
0x49: {  	[tilespmem:s31+$0x57D0] =	vst v0  }
0x4a: {  	[tilespmem:s31+$0x57E0] =	vst v0  }
0x4b: {  	[tilespmem:s31+$0x57F0] =	vst v0;
	s5 =	rddreg [dreg:$0x5]  }
0x4c: {  	[spmem:s5] =	stream.linear.scatter [tilespmem:s22], [sflag:$0xD], $0x2800, $0x38;
	[tilespmem:$0x1E400] =	vst v63  }
0x4d: {  	s29 =	rddreg [dreg:$0x7]  }
0x4e: {  	[spmem:s29] =	stream.linear.scatter [tilespmem:s22], [sflag:$0xD], $0x2800, $0x38;
	[tilespmem:$0x1E400] =	vst v63  }
0x4f: {  	s29 =	rddreg [dreg:$0x8]  }
0x50: {  	[spmem:s29] =	stream.linear.scatter [tilespmem:s22], [sflag:$0xD], $0x2800, $0x38;
	[tilespmem:$0x1E400] =	vst v63  }
0x51: {  	s29 =	rddreg [dreg:$0x9]  }
0x52: {  	[spmem:s29] =	stream.linear.scatter [tilespmem:s22], [sflag:$0xD], $0x2800, $0x38;
	[tilespmem:$0x1E400] =	vst v63  }
0x53: {  	s29 =	rddreg [dreg:$0xa]  }
0x54: {  	[spmem:s29] =	stream.linear.scatter [tilespmem:s22], [sflag:$0xD], $0x2800, $0x38;
	[tilespmem:$0x1E400] =	vst v63  }
0x55: {  	s29 =	rddreg [dreg:$0xb]  }
0x56: {  	[spmem:s29] =	stream.linear.scatter [tilespmem:s22], [sflag:$0xD], $0x2800, $0x38;
	[tilespmem:$0x1E400] =	vst v63  }
0x57: {  	s29 =	rddreg [dreg:$0xc]  }
0x58: {  	[spmem:s29] =	stream.linear.scatter [tilespmem:s22], [sflag:$0xD], $0x2800, $0x38;
	[tilespmem:$0x1E400] =	vst v63  }
0x59: {  	s29 =	rddreg [dreg:$0xd]  }
0x5a: {  	[spmem:s29] =	stream.linear.scatter [tilespmem:s22], [sflag:$0xD], $0x2400, $0x38;
	[tilespmem:$0x1E400] =	vst v63  }
0x5b: {  	_ =	swait.ge [sflag:s23], $0x200  }
0x5c: {  	[sflag:s23] =	ssyncset.done $0x0  }
0x5d: {  	s31 =	simm.s32 $0x0;
	[sflag:s23] =	ssyncadd.s32 $0xFFFFFE00  }
0x5e: {  	[tilespmem:s25], [sflag:$0x1] =	stream.indirect.gather [hbm4b:s1+s24], $0x80, s31, s24, $0xb8;
	[tilespmem:$0x1E400] =	vst v63  }
0x5f: {  	s29 =	simm.s32 $0x80  }
0x60: {  	[tilespmem:s28], [sflag:$0x2] =	stream.indirect.gather [hbm4b:s1+s24], $0x80, s29, s24, $0xb8;
	[tilespmem:$0x1E400] =	vst v63  }
0x61: {  	s29 =	simm.s32 $0xD  }
0x62: {  	_ =	swait.ge [sflag:s29], $0x2800  }
0x63: {  	[sflag:s29] =	ssyncset.done $0x0  }
0x64: {  	[sflag:s29] =	ssyncadd.s32 $0xFFFFD800  }
0x65: {  	_ =	swait.ge [sflag:s29], $0x2800  }
0x66: {  	[sflag:s29] =	ssyncset.done $0x0  }
0x67: {  	[sflag:s29] =	ssyncadd.s32 $0xFFFFD800  }
0x68: {  	_ =	swait.ge [sflag:s29], $0x2800  }
0x69: {  	[sflag:s29] =	ssyncset.done $0x0  }
0x6a: {  	[sflag:s29] =	ssyncadd.s32 $0xFFFFD800  }
0x6b: {  	_ =	swait.ge [sflag:s29], $0x2800  }
0x6c: {  	[sflag:s29] =	ssyncset.done $0x0  }
0x6d: {  	[sflag:s29] =	ssyncadd.s32 $0xFFFFD800  }
0x6e: {  	_ =	swait.ge [sflag:s29], $0x2800  }
0x6f: {  	[sflag:s29] =	ssyncset.done $0x0  }
0x70: {  	[sflag:s29] =	ssyncadd.s32 $0xFFFFD800  }
0x71: {  	_ =	swait.ge [sflag:s29], $0x2800  }
0x72: {  	[sflag:s29] =	ssyncset.done $0x0  }
0x73: {  	[sflag:s29] =	ssyncadd.s32 $0xFFFFD800  }
0x74: {  	_ =	swait.ge [sflag:s29], $0x2800  }
0x75: {  	[sflag:s29] =	ssyncset.done $0x0  }
0x76: {  	[sflag:s29] =	ssyncadd.s32 $0xFFFFD800  }
0x77: {  	_ =	swait.ge [sflag:s29], $0x2400  }
0x78: {  	[sflag:s29] =	ssyncset.done $0x0  }
0x79: {  	[sflag:s29] =	ssyncadd.s32 $0xFFFFDC00  }
0x7a: {  	[bflag:$0x0] =	sbarrier.arrive $0xFFFF  }
.LBB2_4:
0x7b: {  	_ =	swait.ge [sflag:s30], $0x2800  }
0x7c: {  	[sflag:s30] =	ssyncset.done $0x0  }
0x7d: {  	s5 =	simm.s32 $0x100;
	[sflag:s30] =	ssyncadd.s32 $0xFFFFD800  }
0x7e: {  	[spmem:s3] =	stream.indirect.scatter.add.f32 [tilespmem:s25], [sflag:$0x5], $0x80, s5, s24, $0xb8;
	[tilespmem:$0x1E400] =	vst v63  }
0x7f: {  	_ =	swait.ge [sflag:s2], $0x2800  }
0x80: {  	[sflag:s2] =	ssyncset.done $0x0  }
0x81: {  	s29 =	simm.s32 $0x180;
	p0 =	seq.s32 s31, $0x0;
	[sflag:s2] =	ssyncadd.s32 $0xFFFFD800  }
0x82: {  	[spmem:s3] =	stream.indirect.scatter.add.f32 [tilespmem:s28], [sflag:$0x6], $0x80, s29, s24, $0xb8;
	[tilespmem:$0x1E400] =	vst v63  }
0x83: {  	s5 =	simm.s32 @!p0 $0x7;
	s29 =	sadd.s32 s31, s17  }
0x84: {  	[tilespmem:s7], [sflag:$0xB] =	stream.linear.gather [hbm4b:s29+s4], $0x200, $0x38;
	[tilespmem:$0x1E400] =	vst v63  }
0x85: {  	_ =	swait.ge @!p0 [sflag:s5], $0x2800  }
0x86: {  	[sflag:s5] =	ssyncset.done @!p0 $0x0  }
0x87: {  	[sflag:s5] =	ssyncadd.s32 @!p0 $0xFFFFD800;
	s5 =	simm.s32 @!p0 $0x8  }
0x88: {  	_ =	swait.ge @!p0 [sflag:s5], $0x2800  }
0x89: {  	[sflag:s5] =	ssyncset.done @!p0 $0x0  }
0x8a: {  	[sflag:s5] =	ssyncadd.s32 @!p0 $0xFFFFD800  }
0x8b: {  	_ =	swait.ge [sflag:s8], $0x200  }
0x8c: {  	[sflag:s8] =	ssyncset.done $0x0  }
0x8d: {  	[sflag:s8] =	ssyncadd.s32 $0xFFFFFE00  }
0x8e: {  	[tilespmem:s22], [sflag:$0x3] =	stream.indirect.gather [hbm4b:s1+s24], $0x80, s21, s24, $0xb8;
	[tilespmem:$0x1E400] =	vst v63  }
0x8f: {  	s29 =	simm.s32 $0x280  }
0x90: {  	[tilespmem:s10], [sflag:$0x4] =	stream.indirect.gather [hbm4b:s1+s24], $0x80, s29, s24, $0xb8;
	[tilespmem:$0x1E400] =	vst v63  }
0x91: {  	_ =	swait.ge [sflag:s11], $0x2800  }
0x92: {  	[sflag:s11] =	ssyncset.done $0x0  }
0x93: {  	s29 =	simm.s32 $0x300;
	[sflag:s11] =	ssyncadd.s32 $0xFFFFD800  }
0x94: {  	[spmem:s3] =	stream.indirect.scatter.add.f32 [tilespmem:s22], [sflag:$0x7], $0x80, s29, s24, $0xb8;
	[tilespmem:$0x1E400] =	vst v63  }
0x95: {  	_ =	swait.ge [sflag:s13], $0x2800  }
0x96: {  	[sflag:s13] =	ssyncset.done $0x0  }
0x97: {  	s29 =	simm.s32 $0x380;
	[sflag:s13] =	ssyncadd.s32 $0xFFFFD800  }
0x98: {  	[spmem:s3] =	stream.indirect.scatter.add.f32 [tilespmem:s10], [sflag:$0x8], $0x80, s29, s24, $0xb8;
	[tilespmem:$0x1E400] =	vst v63  }
0x99: {  	s29 =	sadd.s32 s31, s19  }
0x9a: {  	[tilespmem:s14], [sflag:$0xC] =	stream.linear.gather [hbm4b:s29+s4], $0x200, $0x38;
	[tilespmem:$0x1E400] =	vst v63  }
0x9b: {  	_ =	swait.ge [sflag:s15], $0x2800  }
0x9c: {  	[sflag:s15] =	ssyncset.done $0x0  }
0x9d: {  	[sflag:s15] =	ssyncadd.s32 $0xFFFFD800  }
0x9e: {  	_ =	swait.ge [sflag:s16], $0x2800  }
0x9f: {  	[sflag:s16] =	ssyncset.done $0x0  }
0xa0: {  	[sflag:s16] =	ssyncadd.s32 $0xFFFFD800  }
0xa1: {  	_ =	swait.ge [sflag:s6], $0x200  }
0xa2: {  	[sflag:s6] =	ssyncset.done $0x0  }
0xa3: {  	[sflag:s6] =	ssyncadd.s32 $0xFFFFFE00  }
0xa4: {  	[tilespmem:s25], [sflag:$0x1] =	stream.indirect.gather [hbm4b:s1+s24], $0x80, s7, s24, $0xb8;
	[tilespmem:$0x1E400] =	vst v63  }
0xa5: {  	s29 =	simm.s32 $0x480  }
0xa6: {  	[tilespmem:s28], [sflag:$0x2] =	stream.indirect.gather [hbm4b:s1+s24], $0x80, s29, s24, $0xb8;
	[tilespmem:$0x1E400] =	vst v63  }
0xa7: {  	_ =	swait.ge [sflag:s30], $0x2800  }
0xa8: {  	[sflag:s30] =	ssyncset.done $0x0  }
0xa9: {  	s29 =	simm.s32 $0x500;
	[sflag:s30] =	ssyncadd.s32 $0xFFFFD800  }
0xaa: {  	[spmem:s3] =	stream.indirect.scatter.add.f32 [tilespmem:s25], [sflag:$0x5], $0x80, s29, s24, $0xb8;
	[tilespmem:$0x1E400] =	vst v63  }
0xab: {  	_ =	swait.ge [sflag:s2], $0x2800  }
0xac: {  	[sflag:s2] =	ssyncset.done $0x0  }
0xad: {  	p0 =	seq.s32 s31, $0xF00;
	s29 =	simm.s32 $0x580;
	[sflag:s2] =	ssyncadd.s32 $0xFFFFD800  }
0xae: {  	[spmem:s3] =	stream.indirect.scatter.add.f32 [tilespmem:s28], [sflag:$0x6], $0x80, s29, s24, $0xb8;
	[tilespmem:$0x1E400] =	vst v63  }
0xaf: {  	s5 =	sadd.s32 @!p0 s31, s20;
	s29 =	simm.s32 @!p0 $0x0  }
0xb0: {  	[tilespmem:s29], [sflag:$0x9] =	stream.linear.gather @!p0 [hbm4b:s5+s29], $0x200, $0x38;
	[tilespmem:$0x1E400] =	vst v63  }
0xb1: {  	_ =	swait.ge [sflag:s0], $0x2800  }
0xb2: {  	[sflag:s0] =	ssyncset.done $0x0  }
0xb3: {  	[sflag:s0] =	ssyncadd.s32 $0xFFFFD800  }
0xb4: {  	_ =	swait.ge [sflag:s9], $0x2800  }
0xb5: {  	[sflag:s9] =	ssyncset.done $0x0  }
0xb6: {  	[sflag:s9] =	ssyncadd.s32 $0xFFFFD800  }
0xb7: {  	_ =	swait.ge [sflag:s12], $0x200  }
0xb8: {  	[sflag:s12] =	ssyncset.done $0x0  }
0xb9: {  	[sflag:s12] =	ssyncadd.s32 $0xFFFFFE00  }
0xba: {  	[tilespmem:s22], [sflag:$0x3] =	stream.indirect.gather [hbm4b:s1+s24], $0x80, s14, s24, $0xb8;
	[tilespmem:$0x1E400] =	vst v63  }
0xbb: {  	s29 =	simm.s32 $0x680  }
0xbc: {  	[tilespmem:s10], [sflag:$0x4] =	stream.indirect.gather [hbm4b:s1+s24], $0x80, s29, s24, $0xb8;
	[tilespmem:$0x1E400] =	vst v63  }
0xbd: {  	_ =	swait.ge [sflag:s11], $0x2800  }
0xbe: {  	[sflag:s11] =	ssyncset.done $0x0  }
0xbf: {  	s29 =	simm.s32 $0x700;
	[sflag:s11] =	ssyncadd.s32 $0xFFFFD800  }
0xc0: {  	[spmem:s3] =	stream.indirect.scatter.add.f32 [tilespmem:s22], [sflag:$0x7], $0x80, s29, s24, $0xb8;
	[tilespmem:$0x1E400] =	vst v63  }
.Ltmp3:
0xc1: {  	_ = 	snop;
	(pc) =	sbr.rel @p0 .LBB2_6-.Ltmp3, $4  }
0xc2: {  	_ =	swait.ge [sflag:s13], $0x2800  }
0xc3: {  	[sflag:s13] =	ssyncset.done $0x0  }
0xc4: {  	[sflag:s13] =	ssyncadd.s32 $0xFFFFD800  }
0xc5: {  	[spmem:s3] =	stream.indirect.scatter.add.f32 [tilespmem:s10], [sflag:$0x8], $0x80, s26, s24, $0xb8;
	[tilespmem:$0x1E400] =	vst v63  }
0xc6: {  	s5 =	sadd.s32 s31, s18  }
0xc7: {  	[tilespmem:s21], [sflag:$0xA] =	stream.linear.gather [hbm4b:s5+s4], $0x200, $0x38;
	[tilespmem:$0x1E400] =	vst v63  }
0xc8: {  	_ =	swait.ge [sflag:s15], $0x2800  }
0xc9: {  	[sflag:s15] =	ssyncset.done $0x0  }
0xca: {  	[sflag:s15] =	ssyncadd.s32 $0xFFFFD800  }
0xcb: {  	_ =	swait.ge [sflag:s16], $0x2800  }
0xcc: {  	[sflag:s16] =	ssyncset.done $0x0  }
0xcd: {  	[sflag:s16] =	ssyncadd.s32 $0xFFFFD800  }
0xce: {  	_ =	swait.ge [sflag:s23], $0x200  }
.Ltmp4:
0xcf: {  	[sflag:s23] =	ssyncset.done $0x0;
	(pc) =	sbr.rel .LBB2_4-.Ltmp4, $4  }
0xd0: {  	[sflag:s23] =	ssyncadd.s32 $0xFFFFFE00  }
0xd1: {  	[tilespmem:s25], [sflag:$0x1] =	stream.indirect.gather [hbm4b:s1+s24], $0x80, s4, s24, $0xb8;
	[tilespmem:$0x1E400] =	vst v63  }
0xd2: {  	s29 =	simm.s32 $0x80;
	s31 =	sadd.s32 $0x100, s31  }
0xd3: {  	[tilespmem:s28], [sflag:$0x2] =	stream.indirect.gather [hbm4b:s1+s24], $0x80, s29, s24, $0xb8;
	[tilespmem:$0x1E400] =	vst v63  }
.LBB2_7:
0xd4: {  	_ =	sfence.sel $0x180000  }
0xd5: {  	[bflag:$0x0] =	sbarrier.arrive $0xFFFF  }
0xd6: {  	_ =	strace $0x90000047  }
0xd7: {  	s0 =	stileid.u32;
	[bflag:$0x2] =	sbarrier.arrive $0xFFFF  }
0xd8: {  	p0 =	sne.s32 s0, $0x0;
	s0 =	rddreg [dreg:$0x3]  }
0xd9: {  	s0 =	sadd.s32 @!p0 $0x100000, s0  }
0xda: {  	[sflag:s0] =	ssyncadd.tile.s32 @!p0 $0x1;
	_ =	shalt  }
.Lfunc_end2:
_tile_overlayer_lowered:
.L_overlay_start_2:
0xdb: {  	(tag) =	ssettag $0x2  }
0xdc: {  	s0 =	rddreg [dreg:$0x0];
	s2 =	stileid.u32  }
0xdd: {  	s1 =	rddreg [dreg:$0x1];
	p0 =	sne.s32 s2, $0x0  }
0xde: {  	s3 =	rddreg [dreg:$0x2];
	[bflag:$0x3] =	sbarrier.arrive $0xFFFF;
	s2 =	simm.s32 @!p0 $0x1C0E  }
0xdf: {  	[timem:s3], [sflag:s2] =	dma.local @!p0 [hbm:s0], s1  }
0xe0: {  	s0 =	simm.s32 @!p0 $0xE  }
0xe1: {  	_ =	swait.ge @!p0 [sflag:s0], s1  }
0xe2: {  	s1 =	ssub.s32 @!p0 $0x0, s1;
	[sflag:s0] =	ssyncset.done @!p0 $0x0  }
0xe3: {  	[sflag:s0] =	ssyncadd.s32 @!p0 s1  }
0xe4: {  	[bflag:$0x3] =	sbarrier.arrive $0xFFFF  }
0xe5: {  	_ =	shalt  }

// kernel: kernel.17.cloned.1.call-start
scs
__scs_entry_jumppad:
0x0: {  	(pc) =	sbr.rel $0x88, $3  }
0x1: {  	(tag) =	ssettag $0x0;
	lr =	simm.s32 $0x1  }
0x2: {  	[smem:$0x3F9A] =	sst lr;
	_ =	strace $0xD0000000  }
0x3: {  	_ = 	snop  }
0x4: {  	_ = 	snop  }
0x5: {  	_ = 	snop  }
0x6: {  	_ = 	snop  }
0x7: {  	_ = 	snop  }
__scs_overlays_trampoline_lowered:
0x8: {  	[smem:$0x3FA9] =	sst s0  }
0x9: {  	[smem:$0x3FAA] =	sst s1  }
0xa: {  	[smem:$0x3FAB] =	sst s2  }
0xb: {  	[smem:$0x3FAC] =	sst s3  }
0xc: {  	[smem:$0x3FAD] =	sst s4  }
0xd: {  	[smem:$0x3FAE] =	sst s5  }
0xe: {  	[smem:$0x3FAF] =	sst s6  }
0xf: {  	[smem:$0x3FB0] =	sst s7  }
0x10: {  	[smem:$0x3FB1] =	sst s8  }
0x11: {  	[smem:$0x3FB2] =	sst s9;
	s0 =	simm.s32 @!p0 $0x0  }
0x12: {  	s1 =	sld [smem:$0x3F98];
	s0 =	simm.s32 @p0 $0x1  }
0x13: {  	[smem:$0x3FB3] =	sst s0;
	s0 =	simm.s32 @!p1 $0x0  }
0x14: {  	s2 =	sld [smem:$0x3F97];
	s0 =	simm.s32 @p1 $0x1  }
0x15: {  	[smem:$0x3FB4] =	sst s0;
	s0 =	simm.s32 @!p2 $0x0  }
0x16: {  	s3 =	sld [smem:$0x3FDB];
	s0 =	simm.s32 @p2 $0x1  }
0x17: {  	s4 =	simm.s32 $0x1BF5;
	[smem:$0x3FB6] =	sst s0  }
0x18: {  	s0 =	sld [smem:$0x3F99];
	_ =	swait.ge [sflag:s4], $0x0  }
0x19: {  	s7 =	sld [smem:$0x3F9A]  }
0x1a: {  	s8 =	sadd.s32 $0xFFFFE003, lr  }
0x1b: {  	s9 =	sadd.s32 $0xFFFFFEF7, lr;
	s5 =	simm.s32 $0xFFFFFFFF;
	p2 =	slt.u32 s8, $0xFFFFF086  }
0x1c: {  	p1 =	slt.u32 s9, $0xF7A;
	s5 =	simm.s32 @!p2 $0x0  }
0x1d: {  	s5 =	simm.s32 @p1 $0x1;
	p0 =	seq.s32 s7, s2  }
0x1e: {  	s7 =	smul.u32 @!p0 $0xF7A, s2;
	p2 =	seq.s32 @!p0 s5, $0x0  }
0x1f: {  	s9 =	smul.u32 $0xF7A, s1;
	s8 =	simm.s32 @!p0 $0x1BF5;
	p2 =	por !p2, p0  }
0x20: {  	[sflag:s8] =	ssyncset.s32 @!p0 $0xFFFFF086;
	s6 =	sadd.s32 @!p0 s3, s7;
	s7 =	simm.s32 @!p0 $0x108  }
0x21: {  	s3 =	sadd.s32 s3, s9;
	s6 =	sadd.s32 @!p0 $0x88, s6;
	s7 =	simm.s32 @p2 $0x1082  }
0x22: {  	[simem:s7], [sflag:s8] =	dma.local @!p0 [hbm:s6], $0xF7A  }
0x23: {  	s9 =	sor.u32 $0xD0000000, s2;
	s6 =	simm.s32 $0x108;
	_ =	swait.ge @!p0 [sflag:s8], $0x0  }
0x24: {  	s3 =	sadd.s32 $0x88, s3;
	s6 =	simm.s32 @!p1 $0x1082;
	[sflag:s4] =	ssyncset.s32 $0xFFFFF086  }
0x25: {  	[simem:s6], [sflag:s4] =	dma.local [hbm:s3], $0xF7A  }
0x26: {  	[smem:$0x3F9A] =	sst s1;
	(tag) =	ssettag s2;
	_ =	strace s9  }
0x27: {  	s1 =	sld [smem:$0x3FAA]  }
0x28: {  	s2 =	sld [smem:$0x3FAB]  }
0x29: {  	s4 =	sld [smem:$0x3FAD]  }
0x2a: {  	p0 =	seq.s32 s5, $0x0;
	s5 =	sld [smem:$0x3FAE]  }
0x2b: {  	s6 =	sld [smem:$0x3FAF]  }
0x2c: {  	s7 =	sld [smem:$0x3FB0]  }
0x2d: {  	s3 =	simm.s32 $0x108;
	s8 =	sld [smem:$0x3FB1]  }
0x2e: {  	s3 =	simm.s32 @!p0 $0x1082;
	s9 =	sld [smem:$0x3FB2]  }
0x2f: {  	lr =	sadd.s32 s0, s3;
	s0 =	sld [smem:$0x3FA9]  }
0x30: {  	s3 =	sld [smem:$0x3FAC]  }
0x31: {  	[smem:$0x3FB5] =	sst s10  }
0x32: {  	s10 =	sld [smem:$0x3FB3];
	_ =	sdelay $0x3  }
0x33: {  	p0 =	seq.s32 s10, $0x1;
	s10 =	sld [smem:$0x3FB5];
	_ =	sdelay $0x3  }
0x34: {  	[smem:$0x3FB5] =	sst s10  }
0x35: {  	s10 =	sld [smem:$0x3FB4];
	_ =	sdelay $0x3  }
0x36: {  	p1 =	seq.s32 s10, $0x1;
	s10 =	sld [smem:$0x3FB5];
	_ =	sdelay $0x3  }
0x37: {  	[smem:$0x3FB5] =	sst s10  }
0x38: {  	s10 =	sld [smem:$0x3FB6]  }
0x39: {  	_ = 	snop;
	(pc) =	sbr.ind lr, $3  }
0x3a: {  	_ = 	snop  }
0x3b: {  	_ = 	snop  }
0x3c: {  	p2 =	seq.s32 s10, $0x1;
	s10 =	sld [smem:$0x3FB5]  }
0x3d: {  	_ =	shalt  }
0x3e: {  	_ =	shalt  }
0x3f: {  	_ =	shalt  }
0x40: {  	_ =	shalt  }
0x41: {  	_ =	shalt  }
0x42: {  	_ =	shalt  }
0x43: {  	_ =	shalt  }
0x44: {  	_ =	shalt  }
0x45: {  	_ =	shalt  }
0x46: {  	_ =	shalt  }
0x47: {  	_ =	shalt  }
0x48: {  	_ =	shalt  }
0x49: {  	_ =	shalt  }
0x4a: {  	_ =	shalt  }
0x4b: {  	_ =	shalt  }
0x4c: {  	_ =	shalt  }
0x4d: {  	_ =	shalt  }
0x4e: {  	_ =	shalt  }
0x4f: {  	_ =	shalt  }
0x50: {  	_ =	shalt  }
0x51: {  	_ =	shalt  }
0x52: {  	_ =	shalt  }
0x53: {  	_ =	shalt  }
0x54: {  	_ =	shalt  }
0x55: {  	_ =	shalt  }
0x56: {  	_ =	shalt  }
0x57: {  	_ =	shalt  }
0x58: {  	_ =	shalt  }
0x59: {  	_ =	shalt  }
0x5a: {  	_ =	shalt  }
0x5b: {  	_ =	shalt  }
0x5c: {  	_ =	shalt  }
0x5d: {  	_ =	shalt  }
0x5e: {  	_ =	shalt  }
0x5f: {  	_ =	shalt  }
0x60: {  	_ =	shalt  }
0x61: {  	_ =	shalt  }
0x62: {  	_ =	shalt  }
0x63: {  	_ =	shalt  }
0x64: {  	_ =	shalt  }
0x65: {  	_ =	shalt  }
0x66: {  	_ =	shalt  }
0x67: {  	_ =	shalt  }
0x68: {  	_ =	shalt  }
0x69: {  	_ =	shalt  }
0x6a: {  	_ =	shalt  }
0x6b: {  	_ =	shalt  }
0x6c: {  	_ =	shalt  }
0x6d: {  	_ =	shalt  }
0x6e: {  	_ =	shalt  }
0x6f: {  	_ =	shalt  }
0x70: {  	_ =	shalt  }
0x71: {  	_ =	shalt  }
0x72: {  	_ =	shalt  }
0x73: {  	_ =	shalt  }
0x74: {  	_ =	shalt  }
0x75: {  	_ =	shalt  }
0x76: {  	_ =	shalt  }
0x77: {  	_ =	shalt  }
0x78: {  	_ =	shalt  }
0x79: {  	_ =	shalt  }
0x7a: {  	_ =	shalt  }
0x7b: {  	_ =	shalt  }
0x7c: {  	_ =	shalt  }
0x7d: {  	_ =	shalt  }
0x7e: {  	_ =	shalt  }
0x7f: {  	_ =	shalt  }
0x80: {  	_ =	shalt  }
0x81: {  	_ =	shalt  }
0x82: {  	_ =	shalt  }
0x83: {  	_ =	shalt  }
0x84: {  	_ =	shalt  }
0x85: {  	_ =	shalt  }
0x86: {  	_ =	shalt  }
0x87: {  	_ =	shalt  }
.Lfunc_end0:
.L_simem_size_0:
called_computation.1_lowered:
.L_overlay_start_0:
0x88: {  	s2 =	sld [smem:$0x3FD9]  }
0x89: {  	s3 =	sld [smem:$0x3FFE];
	_ =	sdelay $0x1  }
0x8a: {  	s1 =	srdreg.scid  }
0x8b: {  	s0 =	sand.u32 $0x1, s1  }
0x8c: {  	s17 =	sshll.u32 s0, $0xA;
	s2 =	sadd.s32 s3, s2  }
0x8d: {  	s2 =	sadd.s32 s2, s17  }
0x8e: {  	[smem:$0x3FC1] =	sst s2  }
0x8f: {  	_ = 	snop  }
0x90: {  	s2 =	sld [smem:$0x3FD0];
	(tm) =	ssettm $0x1  }
0x91: {  	s18 =	sld [smem:$0x3FFB];
	_ =	sdelay $0x3  }
0x92: {  	_ =	strace s18  }
0x93: {  	s3 =	sld [smem:$0x3FFC];
	_ =	sdelay $0x3  }
0x94: {  	_ =	strace s3  }
0x95: {  	s3 =	sld [smem:$0x3FFD];
	_ =	sdelay $0x3  }
0x96: {  	_ =	strace s3  }
0x97: {  	_ =	strace $0x8FFFFFFF  }
0x98: {  	s19 =	sld [smem:$0x3FDB];
	_ =	sdelay $0x1  }
0x99: {  	s4 =	simm.s32 $_scs_section_size  }
0x9a: {  	s5 =	simm.s32 $_size__tile_overlayer_lowered;
	s6 =	simm.s32 $_tile_overlayer_lowered  }
0x9b: {  	s22 =	simm.s32 $0x1BFF;
	s21 =	sshll.u32 s6, $0x1;
	s3 =	sadd.s32 s4, s19  }
0x9c: {  	s7 =	simm.s32 $0x0;
	s20 =	sshll.u32 s5, $0x1;
	s5 =	sadd.s32 s21, s3  }
0x9d: {  	[timem:s7], [sflag:s22] =	dma.local [hbm:s5], s20  }
0x9e: {  	_ =	swait.ge [sflag:s22], s20  }
0x9f: {  	s4 =	ssub.s32 $0x0, s20;
	[sflag:s22] =	ssyncset.done $0x0  }
0xa0: {  	[sflag:s22] =	ssyncadd.s32 s4;
	_ =	sdelay $0x1  }
0xa1: {  	s23 =	simm.s32 $0x1B8B  }
0xa2: {  	_ =	swait.ge [sflag:s23], $0x1  }
0xa3: {  	[sflag:s23] =	ssyncset.done $0x0  }
0xa4: {  	s25 =	simm.s32 $0x1B8E;
	s24 =	sld [smem:$0x3FFE];
	[sflag:s23] =	ssyncadd.s32 $0xFFFFFFFF  }
0xa5: {  	s26 =	simm.s32 $execute0_lowered;
	[smem:$0x3FD2] =	sst s25  }
0xa6: {  	s5 =	sshll.u32 s26, $0x1;
	_ =	strace $0x80000049;
	[dreg:$0x1] =	wrdreg $0xFFFFFFFF  }
0xa7: {  	s28 =	simm.s32 $_size_execute0_lowered;
	s3 =	sadd.s32 s3, s5;
	[dreg:$0x0] =	wrdreg $0x0  }
0xa8: {  	s5 =	sshll.u32 s28, $0x1;
	[dreg:$0x2] =	wrdreg s3  }
0xa9: {  	[dreg:$0x3] =	wrdreg s5  }
0xaa: {  	[dreg:$0x4] =	wrdreg $0xC0  }
0xab: {  	_ =	task [dreg:s7], $0x5FFFF  }
0xac: {  	[dreg:$0x1] =	wrdreg $0xFFFFFFFF  }
0xad: {  	[dreg:$0x0] =	wrdreg $0x60  }
0xae: {  	[dreg:$0x2] =	wrdreg s2  }
0xaf: {  	[dreg:$0x3] =	wrdreg s24  }
0xb0: {  	[dreg:$0x4] =	wrdreg $0xA8000  }
0xb1: {  	[dreg:$0x5] =	wrdreg $0x9  }
0xb2: {  	_ =	task.clear_ibuf [dreg:s7], $0x6FFFF;
	_ =	strace $0x90000049  }
0xb3: {  	s29 =	simm.s32 $0x9;
	_ =	strace $0x8000004B  }
0xb4: {  	_ =	swait.ge [sflag:s29], $0x1  }
0xb5: {  	[sflag:s29] =	ssyncadd.s32 $0xFFFFFFFF  }
0xb6: {  	_ =	strace $0x9000004B  }
0xb7: {  	_ =	sfence  }
0xb8: {  	s30 =	sld [smem:$0x0];
	_ =	sdelay $0x2  }
0xb9: {  	s31 =	sshll.u32 s1, $0xD;
	s1 =	sshrl.u32 s1, $0x2  }
0xba: {  	s3 =	sand.u32 $0x4000, s31;
	s1 =	sadd.s32 s1, s30  }
0xbb: {  	s0 =	sor.u32 s3, s0;
	s1 =	sshll.u32 s1, $0x11  }
0xbc: {  	s0 =	sor.u32 s1, s0  }
0xbd: {  	s0 =	sadd.s32 $0x8F2B, s0  }
0xbe: {  	[sflag:s0] =	ssyncadd.remote.s32 $0x1  }
0xbf: {  	_ =	sfence.sel $0xFFFF  }
0xc0: {  	[dreg:$0x0] =	wrdreg $0xFFFFFFFF;
	(pc) =	sbr.abs _section_cstart, $3  }
0xc1: {  	[dreg:$0x1] =	wrdreg $0xFFFFFFFF  }
0xc2: {  	_ =	task.clear_ibuf [dreg:s7], $0x2FFFF;
	_ =	strace $0x9FFFFFFF  }
0xc3: {  	(tm) =	ssettm $0x7FFFFFFF  }
tec
execute0_lowered:
.L_overlay_start_1:
0x0: {  	(tag) =	ssettag $0x1  }
0x1: {  	s1 =	rddreg [dreg:$0x0]  }
0x2: {  	s0 =	srdreg.scid;
	s2 =	rddreg [dreg:$0x1]  }
0x3: {  	s9 =	stileid.u32;
	s3 =	rddreg [dreg:$0x2]  }
0x4: {  	s4 =	simm.s32 $0x0;
	s28 =	simm.s32 $0x3000;
	s30 =	simm.s32 $0x1  }
0x5: {  	s10 =	simm.s32 $0x8000;
	s31 =	simm.s32 $0x0;
	s6 =	smul.u32 $0x13C00, s9  }
0x6: {  	s0 =	sand.u32 $0x1, s0;
	s7 =	sshll.u32 s9, $0x10;
	s9 =	smul.u32 $0x4F000, s9  }
0x7: {  	[smem:$0x7FF] =	sst s4;
	s11 =	sadd.s32 $0x2A00, s2;
	s5 =	smul.u32 $0x13C000, s0  }
0x8: {  	_ =	strace $0x8000004A;
	s8 =	sshll.u32 s0, $0xF;
	s0 =	ssub.s32 $0x2, s0  }
0x9: {  	s12 =	sor.u32 s8, s7;
	s13 =	sshrl.u32 s0, $0x1;
	s9 =	sshrl.u32 s9, $0x2  }
0xa: {  	s5 =	sadd.s32 s6, s5;
	s8 =	sshrl.u32 s12, $0x3;
	s0 =	ssub.s32 s0, s13  }
0xb: {  	s15 =	sadd.s32 s9, s3;
	s23 =	sor.u32 $0x400, s12;
	s25 =	sor.u32 $0xA00, s12  }
0xc: {  	s26 =	sor.u32 $0x600, s12;
	s14 =	sadd.s32 s11, s8;
	[dreg:$0x5] =	wrdreg s15  }
0xd: {  	s13 =	simm.s32 $0x4;
	s16 =	sadd.s32 $0x2800, s15;
	[dreg:$0x4] =	wrdreg s14  }
0xe: {  	s6 =	simm.s32 $0xB;
	s17 =	sadd.s32 $0x5000, s15;
	[dreg:$0x7] =	wrdreg s16  }
0xf: {  	s9 =	simm.s32 $0x8;
	s18 =	sadd.s32 $0x7800, s15;
	[dreg:$0x8] =	wrdreg s17  }
0x10: {  	s5 =	sshrl.u32 s5, $0x3;
	s19 =	sadd.s32 $0xA000, s15;
	[dreg:$0x9] =	wrdreg s18  }
0x11: {  	s20 =	sadd.s32 $0xC800, s15;
	s21 =	sadd.s32 $0xF000, s15;
	[dreg:$0xa] =	wrdreg s19  }
0x12: {  	s22 =	sadd.s32 $0x11800, s15;
	s0 =	smax.u32 s0, $0x1;
	[dreg:$0xb] =	wrdreg s20  }
0x13: {  	s24 =	sshrl.u32 s23, $0x3;
	s23 =	simm.s32 $0x9;
	[dreg:$0xc] =	wrdreg s21  }
0x14: {  	s8 =	simm.s32 $0xA;
	s15 =	simm.s32 $0x5;
	[dreg:$0xd] =	wrdreg s22  }
0x15: {  	s2 =	sadd.s32 s5, s2;
	s7 =	sadd.s32 $0x40, s14;
	[dreg:$0xf] =	wrdreg s0  }
0x16: {  	s17 =	sadd.s32 s24, s11;
	s0 =	sshrl.u32 s25, $0x3;
	s5 =	sor.u32 $0x800, s12  }
0x17: {  	s21 =	simm.s32 $0x200;
	s22 =	simm.s32 $0x5800;
	s24 =	simm.s32 $0x50  }
0x18: {  	s25 =	simm.s32 $0x800;
	s14 =	simm.s32 $0x600;
	s16 =	simm.s32 $0x6  }
.Ltmp0:
0x19: {  	s12 =	simm.s32 $0xC;
	[dreg:$0x6] =	wrdreg s7;
	(pc) =	sbr.rel .LBB2_1-.Ltmp0, $4  }
0x1a: {  	s2 =	sadd.s32 $0x22A00, s2;
	s18 =	sadd.s32 s0, s11;
	s29 =	sshrl.u32 s5, $0x3  }
0x1b: {  	s7 =	simm.s32 $0x400;
	s0 =	simm.s32 $0x7;
	[dreg:$0xe] =	wrdreg s2  }
0x1c: {  	s2 =	sshrl.u32 s26, $0x3;
	s20 =	sadd.s32 s29, s11;
	s26 =	simm.s32 $0x780  }
0x1d: {  	v0 =	vimm.f32 $0.0e+00;
	s19 =	sadd.s32 s2, s11;
	s2 =	simm.s32 $0x2;
	s11 =	simm.s32 $0x3  }
.LBB2_6:
0x1e: {  	_ =	swait.ge [sflag:s15], $0x2800  }
0x1f: {  	[sflag:s15] =	ssyncset.done $0x0  }
0x20: {  	[sflag:s15] =	ssyncadd.s32 $0xFFFFD800  }
0x21: {  	_ =	swait.ge [sflag:s16], $0x2800  }
0x22: {  	[sflag:s16] =	ssyncset.done $0x0  }
0x23: {  	[sflag:s16] =	ssyncadd.s32 $0xFFFFD800  }
0x24: {  	_ =	swait.ge [sflag:s0], $0x2800  }
0x25: {  	[sflag:s0] =	ssyncset.done $0x0  }
0x26: {  	[sflag:s0] =	ssyncadd.s32 $0xFFFFD800  }
0x27: {  	_ =	swait.ge [sflag:s9], $0x2800  }
0x28: {  	[sflag:s9] =	ssyncset.done $0x0  }
0x29: {  	[sflag:s9] =	ssyncadd.s32 $0xFFFFD800  }
0x2a: {  	s5 =	stileid.u32;
	[bflag:$0x0] =	sbarrier.arrive $0xFFFF  }
0x2b: {  	s5 =	sshll.u32 s5, $0x6;
	s29 =	rddreg [dreg:$0x5]  }
0x2c: {  	s5 =	sor.u32 $0x1C0E, s5;
	s31 =	rddreg [dreg:$0xe];
	s29 =	sshrl.u32 s29, $0x3  }
0x2d: {  	[hbm:s31], [sflag:s5] =	dma.local [spmem:s29], $0x2780  }
0x2e: {  	s29 =	simm.s32 $0xE  }
0x2f: {  	_ =	swait.ge [sflag:s29], $0x2780  }
0x30: {  	s31 =	rddreg [dreg:$0x10]  }
0x31: {  	s5 =	rddreg [dreg:$0xf];
	s31 =	sadd.s32 $0x1, s31  }
0x32: {  	p0 =	sne.s32 s31, s5  }
.Ltmp1:
0x33: {  	_ = 	snop;
	(pc) =	sbr.rel @!p0 .LBB2_7-.Ltmp1, $3  }
0x34: {  	_ =	sdelay $0x1  }
0x35: {  	[sflag:s29] =	ssyncset.done $0x0  }
0x36: {  	[sflag:s29] =	ssyncadd.s32 $0xFFFFD880  }
.LBB2_1:
0x37: {  	[dreg:$0x10] =	wrdreg s31  }
0x38: {  	s5 =	rddreg [dreg:$0x4]  }
0x39: {  	[tilespmem:s4], [sflag:$0x9] =	stream.linear.gather [hbm4b:s5+s4], $0x200, $0x38;
	[tilespmem:$0x1E400] =	vst v63  }
0x3a: {  	s29 =	rddreg [dreg:$0x6];
	s31 =	simm.s32 $0x70;
	s5 =	simm.s32 $0x3C0  }
0x3b: {  	[tilespmem:s21], [sflag:$0xA] =	stream.linear.gather [hbm4b:s29+s4], $0x200, $0x38;
	[tilespmem:$0x1E400] =	vst v63  }
.LBB2_2:
0x3c: {  	p0 =	sne.s32 s5, $0x9FC0;
	[tilespmem:s31+$0x5800] =	vst v0  }
0x3d: {  	[tilespmem:s31+$0x5790] =	vst v0  }
0x3e: {  	[tilespmem:s31+$0x57A0] =	vst v0  }
.Ltmp2:
0x3f: {  	[tilespmem:s31+$0x57B0] =	vst v0;
	(pc) =	sbr.rel @p0 .LBB2_2-.Ltmp2, $4  }
0x40: {  	[tilespmem:s31+$0x57C0] =	vst v0  }
0x41: {  	[tilespmem:s31+$0x57D0] =	vst v0  }
0x42: {  	[tilespmem:s31+$0x57E0] =	vst v0  }
0x43: {  	[tilespmem:s31+$0x57F0] =	vst v0;
	s31 =	sshra.s32 s5, $0x2;
	s5 =	sadd.s32 $0x200, s5  }
0x44: {  	[tilespmem:s31+$0x5800] =	vst v0  }
0x45: {  	[tilespmem:s31+$0x5790] =	vst v0  }
0x46: {  	[tilespmem:s31+$0x57A0] =	vst v0  }
0x47: {  	[tilespmem:s31+$0x57B0] =	vst v0  }
0x48: {  	[tilespmem:s31+$0x57C0] =	vst v0  }
0x49: {  	[tilespmem:s31+$0x57D0] =	vst v0  }
0x4a: {  	[tilespmem:s31+$0x57E0] =	vst v0  }
0x4b: {  	[tilespmem:s31+$0x57F0] =	vst v0;
	s5 =	rddreg [dreg:$0x5]  }
0x4c: {  	[spmem:s5] =	stream.linear.scatter [tilespmem:s22], [sflag:$0xD], $0x2800, $0x38;
	[tilespmem:$0x1E400] =	vst v63  }
0x4d: {  	s29 =	rddreg [dreg:$0x7]  }
0x4e: {  	[spmem:s29] =	stream.linear.scatter [tilespmem:s22], [sflag:$0xD], $0x2800, $0x38;
	[tilespmem:$0x1E400] =	vst v63  }
0x4f: {  	s29 =	rddreg [dreg:$0x8]  }
0x50: {  	[spmem:s29] =	stream.linear.scatter [tilespmem:s22], [sflag:$0xD], $0x2800, $0x38;
	[tilespmem:$0x1E400] =	vst v63  }
0x51: {  	s29 =	rddreg [dreg:$0x9]  }
0x52: {  	[spmem:s29] =	stream.linear.scatter [tilespmem:s22], [sflag:$0xD], $0x2800, $0x38;
	[tilespmem:$0x1E400] =	vst v63  }
0x53: {  	s29 =	rddreg [dreg:$0xa]  }
0x54: {  	[spmem:s29] =	stream.linear.scatter [tilespmem:s22], [sflag:$0xD], $0x2800, $0x38;
	[tilespmem:$0x1E400] =	vst v63  }
0x55: {  	s29 =	rddreg [dreg:$0xb]  }
0x56: {  	[spmem:s29] =	stream.linear.scatter [tilespmem:s22], [sflag:$0xD], $0x2800, $0x38;
	[tilespmem:$0x1E400] =	vst v63  }
0x57: {  	s29 =	rddreg [dreg:$0xc]  }
0x58: {  	[spmem:s29] =	stream.linear.scatter [tilespmem:s22], [sflag:$0xD], $0x2800, $0x38;
	[tilespmem:$0x1E400] =	vst v63  }
0x59: {  	s29 =	rddreg [dreg:$0xd]  }
0x5a: {  	[spmem:s29] =	stream.linear.scatter [tilespmem:s22], [sflag:$0xD], $0x2400, $0x38;
	[tilespmem:$0x1E400] =	vst v63  }
0x5b: {  	_ =	swait.ge [sflag:s23], $0x200  }
0x5c: {  	[sflag:s23] =	ssyncset.done $0x0  }
0x5d: {  	s31 =	simm.s32 $0x0;
	[sflag:s23] =	ssyncadd.s32 $0xFFFFFE00  }
0x5e: {  	[tilespmem:s25], [sflag:$0x1] =	stream.indirect.gather [hbm4b:s1+s24], $0x80, s31, s24, $0xb8;
	[tilespmem:$0x1E400] =	vst v63  }
0x5f: {  	s29 =	simm.s32 $0x80  }
0x60: {  	[tilespmem:s28], [sflag:$0x2] =	stream.indirect.gather [hbm4b:s1+s24], $0x80, s29, s24, $0xb8;
	[tilespmem:$0x1E400] =	vst v63  }
0x61: {  	s29 =	simm.s32 $0xD  }
0x62: {  	_ =	swait.ge [sflag:s29], $0x2800  }
0x63: {  	[sflag:s29] =	ssyncset.done $0x0  }
0x64: {  	[sflag:s29] =	ssyncadd.s32 $0xFFFFD800  }
0x65: {  	_ =	swait.ge [sflag:s29], $0x2800  }
0x66: {  	[sflag:s29] =	ssyncset.done $0x0  }
0x67: {  	[sflag:s29] =	ssyncadd.s32 $0xFFFFD800  }
0x68: {  	_ =	swait.ge [sflag:s29], $0x2800  }
0x69: {  	[sflag:s29] =	ssyncset.done $0x0  }
0x6a: {  	[sflag:s29] =	ssyncadd.s32 $0xFFFFD800  }
0x6b: {  	_ =	swait.ge [sflag:s29], $0x2800  }
0x6c: {  	[sflag:s29] =	ssyncset.done $0x0  }
0x6d: {  	[sflag:s29] =	ssyncadd.s32 $0xFFFFD800  }
0x6e: {  	_ =	swait.ge [sflag:s29], $0x2800  }
0x6f: {  	[sflag:s29] =	ssyncset.done $0x0  }
0x70: {  	[sflag:s29] =	ssyncadd.s32 $0xFFFFD800  }
0x71: {  	_ =	swait.ge [sflag:s29], $0x2800  }
0x72: {  	[sflag:s29] =	ssyncset.done $0x0  }
0x73: {  	[sflag:s29] =	ssyncadd.s32 $0xFFFFD800  }
0x74: {  	_ =	swait.ge [sflag:s29], $0x2800  }
0x75: {  	[sflag:s29] =	ssyncset.done $0x0  }
0x76: {  	[sflag:s29] =	ssyncadd.s32 $0xFFFFD800  }
0x77: {  	_ =	swait.ge [sflag:s29], $0x2400  }
0x78: {  	[sflag:s29] =	ssyncset.done $0x0  }
0x79: {  	[sflag:s29] =	ssyncadd.s32 $0xFFFFDC00  }
0x7a: {  	[bflag:$0x0] =	sbarrier.arrive $0xFFFF  }
.LBB2_4:
0x7b: {  	_ =	swait.ge [sflag:s30], $0x2800  }
0x7c: {  	[sflag:s30] =	ssyncset.done $0x0  }
0x7d: {  	s5 =	simm.s32 $0x100;
	[sflag:s30] =	ssyncadd.s32 $0xFFFFD800  }
0x7e: {  	[spmem:s3] =	stream.indirect.scatter.add.f32 [tilespmem:s25], [sflag:$0x5], $0x80, s5, s24, $0xb8;
	[tilespmem:$0x1E400] =	vst v63  }
0x7f: {  	_ =	swait.ge [sflag:s2], $0x2800  }
0x80: {  	[sflag:s2] =	ssyncset.done $0x0  }
0x81: {  	s29 =	simm.s32 $0x180;
	p0 =	seq.s32 s31, $0x0;
	[sflag:s2] =	ssyncadd.s32 $0xFFFFD800  }
0x82: {  	[spmem:s3] =	stream.indirect.scatter.add.f32 [tilespmem:s28], [sflag:$0x6], $0x80, s29, s24, $0xb8;
	[tilespmem:$0x1E400] =	vst v63  }
0x83: {  	s5 =	simm.s32 @!p0 $0x7;
	s29 =	sadd.s32 s31, s17  }
0x84: {  	[tilespmem:s7], [sflag:$0xB] =	stream.linear.gather [hbm4b:s29+s4], $0x200, $0x38;
	[tilespmem:$0x1E400] =	vst v63  }
0x85: {  	_ =	swait.ge @!p0 [sflag:s5], $0x2800  }
0x86: {  	[sflag:s5] =	ssyncset.done @!p0 $0x0  }
0x87: {  	[sflag:s5] =	ssyncadd.s32 @!p0 $0xFFFFD800;
	s5 =	simm.s32 @!p0 $0x8  }
0x88: {  	_ =	swait.ge @!p0 [sflag:s5], $0x2800  }
0x89: {  	[sflag:s5] =	ssyncset.done @!p0 $0x0  }
0x8a: {  	[sflag:s5] =	ssyncadd.s32 @!p0 $0xFFFFD800  }
0x8b: {  	_ =	swait.ge [sflag:s8], $0x200  }
0x8c: {  	[sflag:s8] =	ssyncset.done $0x0  }
0x8d: {  	[sflag:s8] =	ssyncadd.s32 $0xFFFFFE00  }
0x8e: {  	[tilespmem:s22], [sflag:$0x3] =	stream.indirect.gather [hbm4b:s1+s24], $0x80, s21, s24, $0xb8;
	[tilespmem:$0x1E400] =	vst v63  }
0x8f: {  	s29 =	simm.s32 $0x280  }
0x90: {  	[tilespmem:s10], [sflag:$0x4] =	stream.indirect.gather [hbm4b:s1+s24], $0x80, s29, s24, $0xb8;
	[tilespmem:$0x1E400] =	vst v63  }
0x91: {  	_ =	swait.ge [sflag:s11], $0x2800  }
0x92: {  	[sflag:s11] =	ssyncset.done $0x0  }
0x93: {  	s29 =	simm.s32 $0x300;
	[sflag:s11] =	ssyncadd.s32 $0xFFFFD800  }
0x94: {  	[spmem:s3] =	stream.indirect.scatter.add.f32 [tilespmem:s22], [sflag:$0x7], $0x80, s29, s24, $0xb8;
	[tilespmem:$0x1E400] =	vst v63  }
0x95: {  	_ =	swait.ge [sflag:s13], $0x2800  }
0x96: {  	[sflag:s13] =	ssyncset.done $0x0  }
0x97: {  	s29 =	simm.s32 $0x380;
	[sflag:s13] =	ssyncadd.s32 $0xFFFFD800  }
0x98: {  	[spmem:s3] =	stream.indirect.scatter.add.f32 [tilespmem:s10], [sflag:$0x8], $0x80, s29, s24, $0xb8;
	[tilespmem:$0x1E400] =	vst v63  }
0x99: {  	s29 =	sadd.s32 s31, s19  }
0x9a: {  	[tilespmem:s14], [sflag:$0xC] =	stream.linear.gather [hbm4b:s29+s4], $0x200, $0x38;
	[tilespmem:$0x1E400] =	vst v63  }
0x9b: {  	_ =	swait.ge [sflag:s15], $0x2800  }
0x9c: {  	[sflag:s15] =	ssyncset.done $0x0  }
0x9d: {  	[sflag:s15] =	ssyncadd.s32 $0xFFFFD800  }
0x9e: {  	_ =	swait.ge [sflag:s16], $0x2800  }
0x9f: {  	[sflag:s16] =	ssyncset.done $0x0  }
0xa0: {  	[sflag:s16] =	ssyncadd.s32 $0xFFFFD800  }
0xa1: {  	_ =	swait.ge [sflag:s6], $0x200  }
0xa2: {  	[sflag:s6] =	ssyncset.done $0x0  }
0xa3: {  	[sflag:s6] =	ssyncadd.s32 $0xFFFFFE00  }
0xa4: {  	[tilespmem:s25], [sflag:$0x1] =	stream.indirect.gather [hbm4b:s1+s24], $0x80, s7, s24, $0xb8;
	[tilespmem:$0x1E400] =	vst v63  }
0xa5: {  	s29 =	simm.s32 $0x480  }
0xa6: {  	[tilespmem:s28], [sflag:$0x2] =	stream.indirect.gather [hbm4b:s1+s24], $0x80, s29, s24, $0xb8;
	[tilespmem:$0x1E400] =	vst v63  }
0xa7: {  	_ =	swait.ge [sflag:s30], $0x2800  }
0xa8: {  	[sflag:s30] =	ssyncset.done $0x0  }
0xa9: {  	s29 =	simm.s32 $0x500;
	[sflag:s30] =	ssyncadd.s32 $0xFFFFD800  }
0xaa: {  	[spmem:s3] =	stream.indirect.scatter.add.f32 [tilespmem:s25], [sflag:$0x5], $0x80, s29, s24, $0xb8;
	[tilespmem:$0x1E400] =	vst v63  }
0xab: {  	_ =	swait.ge [sflag:s2], $0x2800  }
0xac: {  	[sflag:s2] =	ssyncset.done $0x0  }
0xad: {  	p0 =	seq.s32 s31, $0xF00;
	s29 =	simm.s32 $0x580;
	[sflag:s2] =	ssyncadd.s32 $0xFFFFD800  }
0xae: {  	[spmem:s3] =	stream.indirect.scatter.add.f32 [tilespmem:s28], [sflag:$0x6], $0x80, s29, s24, $0xb8;
	[tilespmem:$0x1E400] =	vst v63  }
0xaf: {  	s5 =	sadd.s32 @!p0 s31, s20;
	s29 =	simm.s32 @!p0 $0x0  }
0xb0: {  	[tilespmem:s29], [sflag:$0x9] =	stream.linear.gather @!p0 [hbm4b:s5+s29], $0x200, $0x38;
	[tilespmem:$0x1E400] =	vst v63  }
0xb1: {  	_ =	swait.ge [sflag:s0], $0x2800  }
0xb2: {  	[sflag:s0] =	ssyncset.done $0x0  }
0xb3: {  	[sflag:s0] =	ssyncadd.s32 $0xFFFFD800  }
0xb4: {  	_ =	swait.ge [sflag:s9], $0x2800  }
0xb5: {  	[sflag:s9] =	ssyncset.done $0x0  }
0xb6: {  	[sflag:s9] =	ssyncadd.s32 $0xFFFFD800  }
0xb7: {  	_ =	swait.ge [sflag:s12], $0x200  }
0xb8: {  	[sflag:s12] =	ssyncset.done $0x0  }
0xb9: {  	[sflag:s12] =	ssyncadd.s32 $0xFFFFFE00  }
0xba: {  	[tilespmem:s22], [sflag:$0x3] =	stream.indirect.gather [hbm4b:s1+s24], $0x80, s14, s24, $0xb8;
	[tilespmem:$0x1E400] =	vst v63  }
0xbb: {  	s29 =	simm.s32 $0x680  }
0xbc: {  	[tilespmem:s10], [sflag:$0x4] =	stream.indirect.gather [hbm4b:s1+s24], $0x80, s29, s24, $0xb8;
	[tilespmem:$0x1E400] =	vst v63  }
0xbd: {  	_ =	swait.ge [sflag:s11], $0x2800  }
0xbe: {  	[sflag:s11] =	ssyncset.done $0x0  }
0xbf: {  	s29 =	simm.s32 $0x700;
	[sflag:s11] =	ssyncadd.s32 $0xFFFFD800  }
0xc0: {  	[spmem:s3] =	stream.indirect.scatter.add.f32 [tilespmem:s22], [sflag:$0x7], $0x80, s29, s24, $0xb8;
	[tilespmem:$0x1E400] =	vst v63  }
.Ltmp3:
0xc1: {  	_ = 	snop;
	(pc) =	sbr.rel @p0 .LBB2_6-.Ltmp3, $4  }
0xc2: {  	_ =	swait.ge [sflag:s13], $0x2800  }
0xc3: {  	[sflag:s13] =	ssyncset.done $0x0  }
0xc4: {  	[sflag:s13] =	ssyncadd.s32 $0xFFFFD800  }
0xc5: {  	[spmem:s3] =	stream.indirect.scatter.add.f32 [tilespmem:s10], [sflag:$0x8], $0x80, s26, s24, $0xb8;
	[tilespmem:$0x1E400] =	vst v63  }
0xc6: {  	s5 =	sadd.s32 s31, s18  }
0xc7: {  	[tilespmem:s21], [sflag:$0xA] =	stream.linear.gather [hbm4b:s5+s4], $0x200, $0x38;
	[tilespmem:$0x1E400] =	vst v63  }
0xc8: {  	_ =	swait.ge [sflag:s15], $0x2800  }
0xc9: {  	[sflag:s15] =	ssyncset.done $0x0  }
0xca: {  	[sflag:s15] =	ssyncadd.s32 $0xFFFFD800  }
0xcb: {  	_ =	swait.ge [sflag:s16], $0x2800  }
0xcc: {  	[sflag:s16] =	ssyncset.done $0x0  }
0xcd: {  	[sflag:s16] =	ssyncadd.s32 $0xFFFFD800  }
0xce: {  	_ =	swait.ge [sflag:s23], $0x200  }
.Ltmp4:
0xcf: {  	[sflag:s23] =	ssyncset.done $0x0;
	(pc) =	sbr.rel .LBB2_4-.Ltmp4, $4  }
0xd0: {  	[sflag:s23] =	ssyncadd.s32 $0xFFFFFE00  }
0xd1: {  	[tilespmem:s25], [sflag:$0x1] =	stream.indirect.gather [hbm4b:s1+s24], $0x80, s4, s24, $0xb8;
	[tilespmem:$0x1E400] =	vst v63  }
0xd2: {  	s29 =	simm.s32 $0x80;
	s31 =	sadd.s32 $0x100, s31  }
0xd3: {  	[tilespmem:s28], [sflag:$0x2] =	stream.indirect.gather [hbm4b:s1+s24], $0x80, s29, s24, $0xb8;
	[tilespmem:$0x1E400] =	vst v63  }
.LBB2_7:
0xd4: {  	_ =	sfence.sel $0x180000  }
0xd5: {  	[bflag:$0x0] =	sbarrier.arrive $0xFFFF  }
0xd6: {  	_ =	strace $0x9000004A  }
0xd7: {  	s0 =	stileid.u32;
	[bflag:$0x2] =	sbarrier.arrive $0xFFFF  }
0xd8: {  	p0 =	sne.s32 s0, $0x0;
	s0 =	rddreg [dreg:$0x3]  }
0xd9: {  	s0 =	sadd.s32 @!p0 $0x100000, s0  }
0xda: {  	[sflag:s0] =	ssyncadd.tile.s32 @!p0 $0x1;
	_ =	shalt  }
.Lfunc_end2:
_tile_overlayer_lowered:
.L_overlay_start_2:
0xdb: {  	(tag) =	ssettag $0x2  }
0xdc: {  	s0 =	rddreg [dreg:$0x0];
	s2 =	stileid.u32  }
0xdd: {  	s1 =	rddreg [dreg:$0x1];
	p0 =	sne.s32 s2, $0x0  }
0xde: {  	s3 =	rddreg [dreg:$0x2];
	[bflag:$0x3] =	sbarrier.arrive $0xFFFF;
	s2 =	simm.s32 @!p0 $0x1C0E  }
0xdf: {  	[timem:s3], [sflag:s2] =	dma.local @!p0 [hbm:s0], s1  }
0xe0: {  	s0 =	simm.s32 @!p0 $0xE  }
0xe1: {  	_ =	swait.ge @!p0 [sflag:s0], s1  }
0xe2: {  	s1 =	ssub.s32 @!p0 $0x0, s1;
	[sflag:s0] =	ssyncset.done @!p0 $0x0  }
0xe3: {  	[sflag:s0] =	ssyncadd.s32 @!p0 s1  }
0xe4: {  	[bflag:$0x3] =	sbarrier.arrive $0xFFFF  }
0xe5: {  	_ =	shalt  }

// kernel: kernel.20.cloned.1.call-start
scs
__scs_entry_jumppad:
0x0: {  	(pc) =	sbr.rel $0x88, $3  }
0x1: {  	(tag) =	ssettag $0x0;
	lr =	simm.s32 $0x1  }
0x2: {  	[smem:$0x3F9A] =	sst lr;
	_ =	strace $0xD0000000  }
0x3: {  	_ = 	snop  }
0x4: {  	_ = 	snop  }
0x5: {  	_ = 	snop  }
0x6: {  	_ = 	snop  }
0x7: {  	_ = 	snop  }
__scs_overlays_trampoline_lowered:
0x8: {  	[smem:$0x3FA9] =	sst s0  }
0x9: {  	[smem:$0x3FAA] =	sst s1  }
0xa: {  	[smem:$0x3FAB] =	sst s2  }
0xb: {  	[smem:$0x3FAC] =	sst s3  }
0xc: {  	[smem:$0x3FAD] =	sst s4  }
0xd: {  	[smem:$0x3FAE] =	sst s5  }
0xe: {  	[smem:$0x3FAF] =	sst s6  }
0xf: {  	[smem:$0x3FB0] =	sst s7  }
0x10: {  	[smem:$0x3FB1] =	sst s8  }
0x11: {  	[smem:$0x3FB2] =	sst s9;
	s0 =	simm.s32 @!p0 $0x0  }
0x12: {  	s1 =	sld [smem:$0x3F98];
	s0 =	simm.s32 @p0 $0x1  }
0x13: {  	[smem:$0x3FB3] =	sst s0;
	s0 =	simm.s32 @!p1 $0x0  }
0x14: {  	s2 =	sld [smem:$0x3F97];
	s0 =	simm.s32 @p1 $0x1  }
0x15: {  	[smem:$0x3FB4] =	sst s0;
	s0 =	simm.s32 @!p2 $0x0  }
0x16: {  	s3 =	sld [smem:$0x3FDB];
	s0 =	simm.s32 @p2 $0x1  }
0x17: {  	s4 =	simm.s32 $0x1BF5;
	[smem:$0x3FB6] =	sst s0  }
0x18: {  	s0 =	sld [smem:$0x3F99];
	_ =	swait.ge [sflag:s4], $0x0  }
0x19: {  	s7 =	sld [smem:$0x3F9A]  }
0x1a: {  	s8 =	sadd.s32 $0xFFFFE003, lr  }
0x1b: {  	s9 =	sadd.s32 $0xFFFFFEF7, lr;
	s5 =	simm.s32 $0xFFFFFFFF;
	p2 =	slt.u32 s8, $0xFFFFF086  }
0x1c: {  	p1 =	slt.u32 s9, $0xF7A;
	s5 =	simm.s32 @!p2 $0x0  }
0x1d: {  	s5 =	simm.s32 @p1 $0x1;
	p0 =	seq.s32 s7, s2  }
0x1e: {  	s7 =	smul.u32 @!p0 $0xF7A, s2;
	p2 =	seq.s32 @!p0 s5, $0x0  }
0x1f: {  	s9 =	smul.u32 $0xF7A, s1;
	s8 =	simm.s32 @!p0 $0x1BF5;
	p2 =	por !p2, p0  }
0x20: {  	[sflag:s8] =	ssyncset.s32 @!p0 $0xFFFFF086;
	s6 =	sadd.s32 @!p0 s3, s7;
	s7 =	simm.s32 @!p0 $0x108  }
0x21: {  	s3 =	sadd.s32 s3, s9;
	s6 =	sadd.s32 @!p0 $0x88, s6;
	s7 =	simm.s32 @p2 $0x1082  }
0x22: {  	[simem:s7], [sflag:s8] =	dma.local @!p0 [hbm:s6], $0xF7A  }
0x23: {  	s9 =	sor.u32 $0xD0000000, s2;
	s6 =	simm.s32 $0x108;
	_ =	swait.ge @!p0 [sflag:s8], $0x0  }
0x24: {  	s3 =	sadd.s32 $0x88, s3;
	s6 =	simm.s32 @!p1 $0x1082;
	[sflag:s4] =	ssyncset.s32 $0xFFFFF086  }
0x25: {  	[simem:s6], [sflag:s4] =	dma.local [hbm:s3], $0xF7A  }
0x26: {  	[smem:$0x3F9A] =	sst s1;
	(tag) =	ssettag s2;
	_ =	strace s9  }
0x27: {  	s1 =	sld [smem:$0x3FAA]  }
0x28: {  	s2 =	sld [smem:$0x3FAB]  }
0x29: {  	s4 =	sld [smem:$0x3FAD]  }
0x2a: {  	p0 =	seq.s32 s5, $0x0;
	s5 =	sld [smem:$0x3FAE]  }
0x2b: {  	s6 =	sld [smem:$0x3FAF]  }
0x2c: {  	s7 =	sld [smem:$0x3FB0]  }
0x2d: {  	s3 =	simm.s32 $0x108;
	s8 =	sld [smem:$0x3FB1]  }
0x2e: {  	s3 =	simm.s32 @!p0 $0x1082;
	s9 =	sld [smem:$0x3FB2]  }
0x2f: {  	lr =	sadd.s32 s0, s3;
	s0 =	sld [smem:$0x3FA9]  }
0x30: {  	s3 =	sld [smem:$0x3FAC]  }
0x31: {  	[smem:$0x3FB5] =	sst s10  }
0x32: {  	s10 =	sld [smem:$0x3FB3];
	_ =	sdelay $0x3  }
0x33: {  	p0 =	seq.s32 s10, $0x1;
	s10 =	sld [smem:$0x3FB5];
	_ =	sdelay $0x3  }
0x34: {  	[smem:$0x3FB5] =	sst s10  }
0x35: {  	s10 =	sld [smem:$0x3FB4];
	_ =	sdelay $0x3  }
0x36: {  	p1 =	seq.s32 s10, $0x1;
	s10 =	sld [smem:$0x3FB5];
	_ =	sdelay $0x3  }
0x37: {  	[smem:$0x3FB5] =	sst s10  }
0x38: {  	s10 =	sld [smem:$0x3FB6]  }
0x39: {  	_ = 	snop;
	(pc) =	sbr.ind lr, $3  }
0x3a: {  	_ = 	snop  }
0x3b: {  	_ = 	snop  }
0x3c: {  	p2 =	seq.s32 s10, $0x1;
	s10 =	sld [smem:$0x3FB5]  }
0x3d: {  	_ =	shalt  }
0x3e: {  	_ =	shalt  }
0x3f: {  	_ =	shalt  }
0x40: {  	_ =	shalt  }
0x41: {  	_ =	shalt  }
0x42: {  	_ =	shalt  }
0x43: {  	_ =	shalt  }
0x44: {  	_ =	shalt  }
0x45: {  	_ =	shalt  }
0x46: {  	_ =	shalt  }
0x47: {  	_ =	shalt  }
0x48: {  	_ =	shalt  }
0x49: {  	_ =	shalt  }
0x4a: {  	_ =	shalt  }
0x4b: {  	_ =	shalt  }
0x4c: {  	_ =	shalt  }
0x4d: {  	_ =	shalt  }
0x4e: {  	_ =	shalt  }
0x4f: {  	_ =	shalt  }
0x50: {  	_ =	shalt  }
0x51: {  	_ =	shalt  }
0x52: {  	_ =	shalt  }
0x53: {  	_ =	shalt  }
0x54: {  	_ =	shalt  }
0x55: {  	_ =	shalt  }
0x56: {  	_ =	shalt  }
0x57: {  	_ =	shalt  }
0x58: {  	_ =	shalt  }
0x59: {  	_ =	shalt  }
0x5a: {  	_ =	shalt  }
0x5b: {  	_ =	shalt  }
0x5c: {  	_ =	shalt  }
0x5d: {  	_ =	shalt  }
0x5e: {  	_ =	shalt  }
0x5f: {  	_ =	shalt  }
0x60: {  	_ =	shalt  }
0x61: {  	_ =	shalt  }
0x62: {  	_ =	shalt  }
0x63: {  	_ =	shalt  }
0x64: {  	_ =	shalt  }
0x65: {  	_ =	shalt  }
0x66: {  	_ =	shalt  }
0x67: {  	_ =	shalt  }
0x68: {  	_ =	shalt  }
0x69: {  	_ =	shalt  }
0x6a: {  	_ =	shalt  }
0x6b: {  	_ =	shalt  }
0x6c: {  	_ =	shalt  }
0x6d: {  	_ =	shalt  }
0x6e: {  	_ =	shalt  }
0x6f: {  	_ =	shalt  }
0x70: {  	_ =	shalt  }
0x71: {  	_ =	shalt  }
0x72: {  	_ =	shalt  }
0x73: {  	_ =	shalt  }
0x74: {  	_ =	shalt  }
0x75: {  	_ =	shalt  }
0x76: {  	_ =	shalt  }
0x77: {  	_ =	shalt  }
0x78: {  	_ =	shalt  }
0x79: {  	_ =	shalt  }
0x7a: {  	_ =	shalt  }
0x7b: {  	_ =	shalt  }
0x7c: {  	_ =	shalt  }
0x7d: {  	_ =	shalt  }
0x7e: {  	_ =	shalt  }
0x7f: {  	_ =	shalt  }
0x80: {  	_ =	shalt  }
0x81: {  	_ =	shalt  }
0x82: {  	_ =	shalt  }
0x83: {  	_ =	shalt  }
0x84: {  	_ =	shalt  }
0x85: {  	_ =	shalt  }
0x86: {  	_ =	shalt  }
0x87: {  	_ =	shalt  }
.Lfunc_end0:
.L_simem_size_0:
called_computation.2_lowered:
.L_overlay_start_0:
0x88: {  	s2 =	sld [smem:$0x3FD9]  }
0x89: {  	s3 =	sld [smem:$0x3FFE];
	_ =	sdelay $0x1  }
0x8a: {  	s1 =	srdreg.scid  }
0x8b: {  	s0 =	sand.u32 $0x1, s1  }
0x8c: {  	s17 =	sshll.u32 s0, $0xA;
	s2 =	sadd.s32 s3, s2  }
0x8d: {  	s2 =	sadd.s32 s2, s17  }
0x8e: {  	[smem:$0x3FC1] =	sst s2  }
0x8f: {  	_ = 	snop  }
0x90: {  	s2 =	sld [smem:$0x3FD0];
	(tm) =	ssettm $0x1  }
0x91: {  	s18 =	sld [smem:$0x3FFB];
	_ =	sdelay $0x3  }
0x92: {  	_ =	strace s18  }
0x93: {  	s3 =	sld [smem:$0x3FFC];
	_ =	sdelay $0x3  }
0x94: {  	_ =	strace s3  }
0x95: {  	s3 =	sld [smem:$0x3FFD];
	_ =	sdelay $0x3  }
0x96: {  	_ =	strace s3  }
0x97: {  	_ =	strace $0x8FFFFFFF  }
0x98: {  	s19 =	sld [smem:$0x3FDB];
	_ =	sdelay $0x1  }
0x99: {  	s4 =	simm.s32 $_scs_section_size  }
0x9a: {  	s5 =	simm.s32 $_size__tile_overlayer_lowered;
	s6 =	simm.s32 $_tile_overlayer_lowered  }
0x9b: {  	s22 =	simm.s32 $0x1BFF;
	s21 =	sshll.u32 s6, $0x1;
	s3 =	sadd.s32 s4, s19  }
0x9c: {  	s7 =	simm.s32 $0x0;
	s20 =	sshll.u32 s5, $0x1;
	s5 =	sadd.s32 s21, s3  }
0x9d: {  	[timem:s7], [sflag:s22] =	dma.local [hbm:s5], s20  }
0x9e: {  	_ =	swait.ge [sflag:s22], s20  }
0x9f: {  	s4 =	ssub.s32 $0x0, s20;
	[sflag:s22] =	ssyncset.done $0x0  }
0xa0: {  	[sflag:s22] =	ssyncadd.s32 s4;
	_ =	sdelay $0x1  }
0xa1: {  	s23 =	simm.s32 $0x1B8B  }
0xa2: {  	_ =	swait.ge [sflag:s23], $0x1  }
0xa3: {  	[sflag:s23] =	ssyncset.done $0x0  }
0xa4: {  	s25 =	simm.s32 $0x1B8E;
	s24 =	sld [smem:$0x3FFE];
	[sflag:s23] =	ssyncadd.s32 $0xFFFFFFFF  }
0xa5: {  	s26 =	simm.s32 $execute0_lowered;
	[smem:$0x3FD2] =	sst s25  }
0xa6: {  	s5 =	sshll.u32 s26, $0x1;
	_ =	strace $0x8000004C;
	[dreg:$0x1] =	wrdreg $0xFFFFFFFF  }
0xa7: {  	s28 =	simm.s32 $_size_execute0_lowered;
	s3 =	sadd.s32 s3, s5;
	[dreg:$0x0] =	wrdreg $0x0  }
0xa8: {  	s5 =	sshll.u32 s28, $0x1;
	[dreg:$0x2] =	wrdreg s3  }
0xa9: {  	[dreg:$0x3] =	wrdreg s5  }
0xaa: {  	[dreg:$0x4] =	wrdreg $0xC0  }
0xab: {  	_ =	task [dreg:s7], $0x5FFFF  }
0xac: {  	[dreg:$0x1] =	wrdreg $0xFFFFFFFF  }
0xad: {  	[dreg:$0x0] =	wrdreg $0x60  }
0xae: {  	[dreg:$0x2] =	wrdreg s2  }
0xaf: {  	[dreg:$0x3] =	wrdreg s24  }
0xb0: {  	[dreg:$0x4] =	wrdreg $0xA8000  }
0xb1: {  	[dreg:$0x5] =	wrdreg $0x9  }
0xb2: {  	_ =	task.clear_ibuf [dreg:s7], $0x6FFFF;
	_ =	strace $0x9000004C  }
0xb3: {  	s29 =	simm.s32 $0x9;
	_ =	strace $0x8000004E  }
0xb4: {  	_ =	swait.ge [sflag:s29], $0x1  }
0xb5: {  	[sflag:s29] =	ssyncadd.s32 $0xFFFFFFFF  }
0xb6: {  	_ =	strace $0x9000004E  }
0xb7: {  	_ =	sfence  }
0xb8: {  	s30 =	sld [smem:$0x0];
	_ =	sdelay $0x2  }
0xb9: {  	s31 =	sshll.u32 s1, $0xD;
	s1 =	sshrl.u32 s1, $0x2  }
0xba: {  	s3 =	sand.u32 $0x4000, s31;
	s1 =	sadd.s32 s1, s30  }
0xbb: {  	s0 =	sor.u32 s3, s0;
	s1 =	sshll.u32 s1, $0x11  }
0xbc: {  	s0 =	sor.u32 s1, s0  }
0xbd: {  	s0 =	sadd.s32 $0x8F2B, s0  }
0xbe: {  	[sflag:s0] =	ssyncadd.remote.s32 $0x1  }
0xbf: {  	_ =	sfence.sel $0xFFFF  }
0xc0: {  	[dreg:$0x0] =	wrdreg $0xFFFFFFFF;
	(pc) =	sbr.abs _section_cstart, $3  }
0xc1: {  	[dreg:$0x1] =	wrdreg $0xFFFFFFFF  }
0xc2: {  	_ =	task.clear_ibuf [dreg:s7], $0x2FFFF;
	_ =	strace $0x9FFFFFFF  }
0xc3: {  	(tm) =	ssettm $0x7FFFFFFF  }
tec
execute0_lowered:
.L_overlay_start_1:
0x0: {  	(tag) =	ssettag $0x1  }
0x1: {  	s1 =	rddreg [dreg:$0x0]  }
0x2: {  	s0 =	srdreg.scid;
	s2 =	rddreg [dreg:$0x1]  }
0x3: {  	s9 =	stileid.u32;
	s3 =	rddreg [dreg:$0x2]  }
0x4: {  	s4 =	simm.s32 $0x0;
	s28 =	simm.s32 $0x3000;
	s30 =	simm.s32 $0x1  }
0x5: {  	s10 =	simm.s32 $0x8000;
	s31 =	simm.s32 $0x0;
	s6 =	smul.u32 $0x13C00, s9  }
0x6: {  	s0 =	sand.u32 $0x1, s0;
	s7 =	sshll.u32 s9, $0x10;
	s9 =	smul.u32 $0x4F000, s9  }
0x7: {  	[smem:$0x7FF] =	sst s4;
	s11 =	sadd.s32 $0x2A00, s2;
	s5 =	smul.u32 $0x13C000, s0  }
0x8: {  	_ =	strace $0x8000004D;
	s8 =	sshll.u32 s0, $0xF;
	s0 =	ssub.s32 $0x2, s0  }
0x9: {  	s12 =	sor.u32 s8, s7;
	s13 =	sshrl.u32 s0, $0x1;
	s9 =	sshrl.u32 s9, $0x2  }
0xa: {  	s5 =	sadd.s32 s6, s5;
	s8 =	sshrl.u32 s12, $0x3;
	s0 =	ssub.s32 s0, s13  }
0xb: {  	s15 =	sadd.s32 s9, s3;
	s23 =	sor.u32 $0x400, s12;
	s25 =	sor.u32 $0xA00, s12  }
0xc: {  	s26 =	sor.u32 $0x600, s12;
	s14 =	sadd.s32 s11, s8;
	[dreg:$0x5] =	wrdreg s15  }
0xd: {  	s13 =	simm.s32 $0x4;
	s16 =	sadd.s32 $0x2800, s15;
	[dreg:$0x4] =	wrdreg s14  }
0xe: {  	s6 =	simm.s32 $0xB;
	s17 =	sadd.s32 $0x5000, s15;
	[dreg:$0x7] =	wrdreg s16  }
0xf: {  	s9 =	simm.s32 $0x8;
	s18 =	sadd.s32 $0x7800, s15;
	[dreg:$0x8] =	wrdreg s17  }
0x10: {  	s5 =	sshrl.u32 s5, $0x3;
	s19 =	sadd.s32 $0xA000, s15;
	[dreg:$0x9] =	wrdreg s18  }
0x11: {  	s20 =	sadd.s32 $0xC800, s15;
	s21 =	sadd.s32 $0xF000, s15;
	[dreg:$0xa] =	wrdreg s19  }
0x12: {  	s22 =	sadd.s32 $0x11800, s15;
	s0 =	smax.u32 s0, $0x1;
	[dreg:$0xb] =	wrdreg s20  }
0x13: {  	s24 =	sshrl.u32 s23, $0x3;
	s23 =	simm.s32 $0x9;
	[dreg:$0xc] =	wrdreg s21  }
0x14: {  	s8 =	simm.s32 $0xA;
	s15 =	simm.s32 $0x5;
	[dreg:$0xd] =	wrdreg s22  }
0x15: {  	s2 =	sadd.s32 s5, s2;
	s7 =	sadd.s32 $0x40, s14;
	[dreg:$0xf] =	wrdreg s0  }
0x16: {  	s17 =	sadd.s32 s24, s11;
	s0 =	sshrl.u32 s25, $0x3;
	s5 =	sor.u32 $0x800, s12  }
0x17: {  	s21 =	simm.s32 $0x200;
	s22 =	simm.s32 $0x5800;
	s24 =	simm.s32 $0x50  }
0x18: {  	s25 =	simm.s32 $0x800;
	s14 =	simm.s32 $0x600;
	s16 =	simm.s32 $0x6  }
.Ltmp0:
0x19: {  	s12 =	simm.s32 $0xC;
	[dreg:$0x6] =	wrdreg s7;
	(pc) =	sbr.rel .LBB2_1-.Ltmp0, $4  }
0x1a: {  	s2 =	sadd.s32 $0x22A00, s2;
	s18 =	sadd.s32 s0, s11;
	s29 =	sshrl.u32 s5, $0x3  }
0x1b: {  	s7 =	simm.s32 $0x400;
	s0 =	simm.s32 $0x7;
	[dreg:$0xe] =	wrdreg s2  }
0x1c: {  	s2 =	sshrl.u32 s26, $0x3;
	s20 =	sadd.s32 s29, s11;
	s26 =	simm.s32 $0x780  }
0x1d: {  	v0 =	vimm.f32 $0.0e+00;
	s19 =	sadd.s32 s2, s11;
	s2 =	simm.s32 $0x2;
	s11 =	simm.s32 $0x3  }
.LBB2_6:
0x1e: {  	_ =	swait.ge [sflag:s15], $0x2800  }
0x1f: {  	[sflag:s15] =	ssyncset.done $0x0  }
0x20: {  	[sflag:s15] =	ssyncadd.s32 $0xFFFFD800  }
0x21: {  	_ =	swait.ge [sflag:s16], $0x2800  }
0x22: {  	[sflag:s16] =	ssyncset.done $0x0  }
0x23: {  	[sflag:s16] =	ssyncadd.s32 $0xFFFFD800  }
0x24: {  	_ =	swait.ge [sflag:s0], $0x2800  }
0x25: {  	[sflag:s0] =	ssyncset.done $0x0  }
0x26: {  	[sflag:s0] =	ssyncadd.s32 $0xFFFFD800  }
0x27: {  	_ =	swait.ge [sflag:s9], $0x2800  }
0x28: {  	[sflag:s9] =	ssyncset.done $0x0  }
0x29: {  	[sflag:s9] =	ssyncadd.s32 $0xFFFFD800  }
0x2a: {  	s5 =	stileid.u32;
	[bflag:$0x0] =	sbarrier.arrive $0xFFFF  }
0x2b: {  	s5 =	sshll.u32 s5, $0x6;
	s29 =	rddreg [dreg:$0x5]  }
0x2c: {  	s5 =	sor.u32 $0x1C0E, s5;
	s31 =	rddreg [dreg:$0xe];
	s29 =	sshrl.u32 s29, $0x3  }
0x2d: {  	[hbm:s31], [sflag:s5] =	dma.local [spmem:s29], $0x2780  }
0x2e: {  	s29 =	simm.s32 $0xE  }
0x2f: {  	_ =	swait.ge [sflag:s29], $0x2780  }
0x30: {  	s31 =	rddreg [dreg:$0x10]  }
0x31: {  	s5 =	rddreg [dreg:$0xf];
	s31 =	sadd.s32 $0x1, s31  }
0x32: {  	p0 =	sne.s32 s31, s5  }
.Ltmp1:
0x33: {  	_ = 	snop;
	(pc) =	sbr.rel @!p0 .LBB2_7-.Ltmp1, $3  }
0x34: {  	_ =	sdelay $0x1  }
0x35: {  	[sflag:s29] =	ssyncset.done $0x0  }
0x36: {  	[sflag:s29] =	ssyncadd.s32 $0xFFFFD880  }
.LBB2_1:
0x37: {  	[dreg:$0x10] =	wrdreg s31  }
0x38: {  	s5 =	rddreg [dreg:$0x4]  }
0x39: {  	[tilespmem:s4], [sflag:$0x9] =	stream.linear.gather [hbm4b:s5+s4], $0x200, $0x38;
	[tilespmem:$0x1E400] =	vst v63  }
0x3a: {  	s29 =	rddreg [dreg:$0x6];
	s31 =	simm.s32 $0x70;
	s5 =	simm.s32 $0x3C0  }
0x3b: {  	[tilespmem:s21], [sflag:$0xA] =	stream.linear.gather [hbm4b:s29+s4], $0x200, $0x38;
	[tilespmem:$0x1E400] =	vst v63  }
.LBB2_2:
0x3c: {  	p0 =	sne.s32 s5, $0x9FC0;
	[tilespmem:s31+$0x5800] =	vst v0  }
0x3d: {  	[tilespmem:s31+$0x5790] =	vst v0  }
0x3e: {  	[tilespmem:s31+$0x57A0] =	vst v0  }
.Ltmp2:
0x3f: {  	[tilespmem:s31+$0x57B0] =	vst v0;
	(pc) =	sbr.rel @p0 .LBB2_2-.Ltmp2, $4  }
0x40: {  	[tilespmem:s31+$0x57C0] =	vst v0  }
0x41: {  	[tilespmem:s31+$0x57D0] =	vst v0  }
0x42: {  	[tilespmem:s31+$0x57E0] =	vst v0  }
0x43: {  	[tilespmem:s31+$0x57F0] =	vst v0;
	s31 =	sshra.s32 s5, $0x2;
	s5 =	sadd.s32 $0x200, s5  }
0x44: {  	[tilespmem:s31+$0x5800] =	vst v0  }
0x45: {  	[tilespmem:s31+$0x5790] =	vst v0  }
0x46: {  	[tilespmem:s31+$0x57A0] =	vst v0  }
0x47: {  	[tilespmem:s31+$0x57B0] =	vst v0  }
0x48: {  	[tilespmem:s31+$0x57C0] =	vst v0  }
0x49: {  	[tilespmem:s31+$0x57D0] =	vst v0  }
0x4a: {  	[tilespmem:s31+$0x57E0] =	vst v0  }
0x4b: {  	[tilespmem:s31+$0x57F0] =	vst v0;
	s5 =	rddreg [dreg:$0x5]  }
0x4c: {  	[spmem:s5] =	stream.linear.scatter [tilespmem:s22], [sflag:$0xD], $0x2800, $0x38;
	[tilespmem:$0x1E400] =	vst v63  }
0x4d: {  	s29 =	rddreg [dreg:$0x7]  }
0x4e: {  	[spmem:s29] =	stream.linear.scatter [tilespmem:s22], [sflag:$0xD], $0x2800, $0x38;
	[tilespmem:$0x1E400] =	vst v63  }
0x4f: {  	s29 =	rddreg [dreg:$0x8]  }
0x50: {  	[spmem:s29] =	stream.linear.scatter [tilespmem:s22], [sflag:$0xD], $0x2800, $0x38;
	[tilespmem:$0x1E400] =	vst v63  }
0x51: {  	s29 =	rddreg [dreg:$0x9]  }
0x52: {  	[spmem:s29] =	stream.linear.scatter [tilespmem:s22], [sflag:$0xD], $0x2800, $0x38;
	[tilespmem:$0x1E400] =	vst v63  }
0x53: {  	s29 =	rddreg [dreg:$0xa]  }
0x54: {  	[spmem:s29] =	stream.linear.scatter [tilespmem:s22], [sflag:$0xD], $0x2800, $0x38;
	[tilespmem:$0x1E400] =	vst v63  }
0x55: {  	s29 =	rddreg [dreg:$0xb]  }
0x56: {  	[spmem:s29] =	stream.linear.scatter [tilespmem:s22], [sflag:$0xD], $0x2800, $0x38;
	[tilespmem:$0x1E400] =	vst v63  }
0x57: {  	s29 =	rddreg [dreg:$0xc]  }
0x58: {  	[spmem:s29] =	stream.linear.scatter [tilespmem:s22], [sflag:$0xD], $0x2800, $0x38;
	[tilespmem:$0x1E400] =	vst v63  }
0x59: {  	s29 =	rddreg [dreg:$0xd]  }
0x5a: {  	[spmem:s29] =	stream.linear.scatter [tilespmem:s22], [sflag:$0xD], $0x2400, $0x38;
	[tilespmem:$0x1E400] =	vst v63  }
0x5b: {  	_ =	swait.ge [sflag:s23], $0x200  }
0x5c: {  	[sflag:s23] =	ssyncset.done $0x0  }
0x5d: {  	s31 =	simm.s32 $0x0;
	[sflag:s23] =	ssyncadd.s32 $0xFFFFFE00  }
0x5e: {  	[tilespmem:s25], [sflag:$0x1] =	stream.indirect.gather [hbm4b:s1+s24], $0x80, s31, s24, $0xb8;
	[tilespmem:$0x1E400] =	vst v63  }
0x5f: {  	s29 =	simm.s32 $0x80  }
0x60: {  	[tilespmem:s28], [sflag:$0x2] =	stream.indirect.gather [hbm4b:s1+s24], $0x80, s29, s24, $0xb8;
	[tilespmem:$0x1E400] =	vst v63  }
0x61: {  	s29 =	simm.s32 $0xD  }
0x62: {  	_ =	swait.ge [sflag:s29], $0x2800  }
0x63: {  	[sflag:s29] =	ssyncset.done $0x0  }
0x64: {  	[sflag:s29] =	ssyncadd.s32 $0xFFFFD800  }
0x65: {  	_ =	swait.ge [sflag:s29], $0x2800  }
0x66: {  	[sflag:s29] =	ssyncset.done $0x0  }
0x67: {  	[sflag:s29] =	ssyncadd.s32 $0xFFFFD800  }
0x68: {  	_ =	swait.ge [sflag:s29], $0x2800  }
0x69: {  	[sflag:s29] =	ssyncset.done $0x0  }
0x6a: {  	[sflag:s29] =	ssyncadd.s32 $0xFFFFD800  }
0x6b: {  	_ =	swait.ge [sflag:s29], $0x2800  }
0x6c: {  	[sflag:s29] =	ssyncset.done $0x0  }
0x6d: {  	[sflag:s29] =	ssyncadd.s32 $0xFFFFD800  }
0x6e: {  	_ =	swait.ge [sflag:s29], $0x2800  }
0x6f: {  	[sflag:s29] =	ssyncset.done $0x0  }
0x70: {  	[sflag:s29] =	ssyncadd.s32 $0xFFFFD800  }
0x71: {  	_ =	swait.ge [sflag:s29], $0x2800  }
0x72: {  	[sflag:s29] =	ssyncset.done $0x0  }
0x73: {  	[sflag:s29] =	ssyncadd.s32 $0xFFFFD800  }
0x74: {  	_ =	swait.ge [sflag:s29], $0x2800  }
0x75: {  	[sflag:s29] =	ssyncset.done $0x0  }
0x76: {  	[sflag:s29] =	ssyncadd.s32 $0xFFFFD800  }
0x77: {  	_ =	swait.ge [sflag:s29], $0x2400  }
0x78: {  	[sflag:s29] =	ssyncset.done $0x0  }
0x79: {  	[sflag:s29] =	ssyncadd.s32 $0xFFFFDC00  }
0x7a: {  	[bflag:$0x0] =	sbarrier.arrive $0xFFFF  }
.LBB2_4:
0x7b: {  	_ =	swait.ge [sflag:s30], $0x2800  }
0x7c: {  	[sflag:s30] =	ssyncset.done $0x0  }
0x7d: {  	s5 =	simm.s32 $0x100;
	[sflag:s30] =	ssyncadd.s32 $0xFFFFD800  }
0x7e: {  	[spmem:s3] =	stream.indirect.scatter.add.f32 [tilespmem:s25], [sflag:$0x5], $0x80, s5, s24, $0xb8;
	[tilespmem:$0x1E400] =	vst v63  }
0x7f: {  	_ =	swait.ge [sflag:s2], $0x2800  }
0x80: {  	[sflag:s2] =	ssyncset.done $0x0  }
0x81: {  	s29 =	simm.s32 $0x180;
	p0 =	seq.s32 s31, $0x0;
	[sflag:s2] =	ssyncadd.s32 $0xFFFFD800  }
0x82: {  	[spmem:s3] =	stream.indirect.scatter.add.f32 [tilespmem:s28], [sflag:$0x6], $0x80, s29, s24, $0xb8;
	[tilespmem:$0x1E400] =	vst v63  }
0x83: {  	s5 =	simm.s32 @!p0 $0x7;
	s29 =	sadd.s32 s31, s17  }
0x84: {  	[tilespmem:s7], [sflag:$0xB] =	stream.linear.gather [hbm4b:s29+s4], $0x200, $0x38;
	[tilespmem:$0x1E400] =	vst v63  }
0x85: {  	_ =	swait.ge @!p0 [sflag:s5], $0x2800  }
0x86: {  	[sflag:s5] =	ssyncset.done @!p0 $0x0  }
0x87: {  	[sflag:s5] =	ssyncadd.s32 @!p0 $0xFFFFD800;
	s5 =	simm.s32 @!p0 $0x8  }
0x88: {  	_ =	swait.ge @!p0 [sflag:s5], $0x2800  }
0x89: {  	[sflag:s5] =	ssyncset.done @!p0 $0x0  }
0x8a: {  	[sflag:s5] =	ssyncadd.s32 @!p0 $0xFFFFD800  }
0x8b: {  	_ =	swait.ge [sflag:s8], $0x200  }
0x8c: {  	[sflag:s8] =	ssyncset.done $0x0  }
0x8d: {  	[sflag:s8] =	ssyncadd.s32 $0xFFFFFE00  }
0x8e: {  	[tilespmem:s22], [sflag:$0x3] =	stream.indirect.gather [hbm4b:s1+s24], $0x80, s21, s24, $0xb8;
	[tilespmem:$0x1E400] =	vst v63  }
0x8f: {  	s29 =	simm.s32 $0x280  }
0x90: {  	[tilespmem:s10], [sflag:$0x4] =	stream.indirect.gather [hbm4b:s1+s24], $0x80, s29, s24, $0xb8;
	[tilespmem:$0x1E400] =	vst v63  }
0x91: {  	_ =	swait.ge [sflag:s11], $0x2800  }
0x92: {  	[sflag:s11] =	ssyncset.done $0x0  }
0x93: {  	s29 =	simm.s32 $0x300;
	[sflag:s11] =	ssyncadd.s32 $0xFFFFD800  }
0x94: {  	[spmem:s3] =	stream.indirect.scatter.add.f32 [tilespmem:s22], [sflag:$0x7], $0x80, s29, s24, $0xb8;
	[tilespmem:$0x1E400] =	vst v63  }
0x95: {  	_ =	swait.ge [sflag:s13], $0x2800  }
0x96: {  	[sflag:s13] =	ssyncset.done $0x0  }
0x97: {  	s29 =	simm.s32 $0x380;
	[sflag:s13] =	ssyncadd.s32 $0xFFFFD800  }
0x98: {  	[spmem:s3] =	stream.indirect.scatter.add.f32 [tilespmem:s10], [sflag:$0x8], $0x80, s29, s24, $0xb8;
	[tilespmem:$0x1E400] =	vst v63  }
0x99: {  	s29 =	sadd.s32 s31, s19  }
0x9a: {  	[tilespmem:s14], [sflag:$0xC] =	stream.linear.gather [hbm4b:s29+s4], $0x200, $0x38;
	[tilespmem:$0x1E400] =	vst v63  }
0x9b: {  	_ =	swait.ge [sflag:s15], $0x2800  }
0x9c: {  	[sflag:s15] =	ssyncset.done $0x0  }
0x9d: {  	[sflag:s15] =	ssyncadd.s32 $0xFFFFD800  }
0x9e: {  	_ =	swait.ge [sflag:s16], $0x2800  }
0x9f: {  	[sflag:s16] =	ssyncset.done $0x0  }
0xa0: {  	[sflag:s16] =	ssyncadd.s32 $0xFFFFD800  }
0xa1: {  	_ =	swait.ge [sflag:s6], $0x200  }
0xa2: {  	[sflag:s6] =	ssyncset.done $0x0  }
0xa3: {  	[sflag:s6] =	ssyncadd.s32 $0xFFFFFE00  }
0xa4: {  	[tilespmem:s25], [sflag:$0x1] =	stream.indirect.gather [hbm4b:s1+s24], $0x80, s7, s24, $0xb8;
	[tilespmem:$0x1E400] =	vst v63  }
0xa5: {  	s29 =	simm.s32 $0x480  }
0xa6: {  	[tilespmem:s28], [sflag:$0x2] =	stream.indirect.gather [hbm4b:s1+s24], $0x80, s29, s24, $0xb8;
	[tilespmem:$0x1E400] =	vst v63  }
0xa7: {  	_ =	swait.ge [sflag:s30], $0x2800  }
0xa8: {  	[sflag:s30] =	ssyncset.done $0x0  }
0xa9: {  	s29 =	simm.s32 $0x500;
	[sflag:s30] =	ssyncadd.s32 $0xFFFFD800  }
0xaa: {  	[spmem:s3] =	stream.indirect.scatter.add.f32 [tilespmem:s25], [sflag:$0x5], $0x80, s29, s24, $0xb8;
	[tilespmem:$0x1E400] =	vst v63  }
0xab: {  	_ =	swait.ge [sflag:s2], $0x2800  }
0xac: {  	[sflag:s2] =	ssyncset.done $0x0  }
0xad: {  	p0 =	seq.s32 s31, $0xF00;
	s29 =	simm.s32 $0x580;
	[sflag:s2] =	ssyncadd.s32 $0xFFFFD800  }
0xae: {  	[spmem:s3] =	stream.indirect.scatter.add.f32 [tilespmem:s28], [sflag:$0x6], $0x80, s29, s24, $0xb8;
	[tilespmem:$0x1E400] =	vst v63  }
0xaf: {  	s5 =	sadd.s32 @!p0 s31, s20;
	s29 =	simm.s32 @!p0 $0x0  }
0xb0: {  	[tilespmem:s29], [sflag:$0x9] =	stream.linear.gather @!p0 [hbm4b:s5+s29], $0x200, $0x38;
	[tilespmem:$0x1E400] =	vst v63  }
0xb1: {  	_ =	swait.ge [sflag:s0], $0x2800  }
0xb2: {  	[sflag:s0] =	ssyncset.done $0x0  }
0xb3: {  	[sflag:s0] =	ssyncadd.s32 $0xFFFFD800  }
0xb4: {  	_ =	swait.ge [sflag:s9], $0x2800  }
0xb5: {  	[sflag:s9] =	ssyncset.done $0x0  }
0xb6: {  	[sflag:s9] =	ssyncadd.s32 $0xFFFFD800  }
0xb7: {  	_ =	swait.ge [sflag:s12], $0x200  }
0xb8: {  	[sflag:s12] =	ssyncset.done $0x0  }
0xb9: {  	[sflag:s12] =	ssyncadd.s32 $0xFFFFFE00  }
0xba: {  	[tilespmem:s22], [sflag:$0x3] =	stream.indirect.gather [hbm4b:s1+s24], $0x80, s14, s24, $0xb8;
	[tilespmem:$0x1E400] =	vst v63  }
0xbb: {  	s29 =	simm.s32 $0x680  }
0xbc: {  	[tilespmem:s10], [sflag:$0x4] =	stream.indirect.gather [hbm4b:s1+s24], $0x80, s29, s24, $0xb8;
	[tilespmem:$0x1E400] =	vst v63  }
0xbd: {  	_ =	swait.ge [sflag:s11], $0x2800  }
0xbe: {  	[sflag:s11] =	ssyncset.done $0x0  }
0xbf: {  	s29 =	simm.s32 $0x700;
	[sflag:s11] =	ssyncadd.s32 $0xFFFFD800  }
0xc0: {  	[spmem:s3] =	stream.indirect.scatter.add.f32 [tilespmem:s22], [sflag:$0x7], $0x80, s29, s24, $0xb8;
	[tilespmem:$0x1E400] =	vst v63  }
.Ltmp3:
0xc1: {  	_ = 	snop;
	(pc) =	sbr.rel @p0 .LBB2_6-.Ltmp3, $4  }
0xc2: {  	_ =	swait.ge [sflag:s13], $0x2800  }
0xc3: {  	[sflag:s13] =	ssyncset.done $0x0  }
0xc4: {  	[sflag:s13] =	ssyncadd.s32 $0xFFFFD800  }
0xc5: {  	[spmem:s3] =	stream.indirect.scatter.add.f32 [tilespmem:s10], [sflag:$0x8], $0x80, s26, s24, $0xb8;
	[tilespmem:$0x1E400] =	vst v63  }
0xc6: {  	s5 =	sadd.s32 s31, s18  }
0xc7: {  	[tilespmem:s21], [sflag:$0xA] =	stream.linear.gather [hbm4b:s5+s4], $0x200, $0x38;
	[tilespmem:$0x1E400] =	vst v63  }
0xc8: {  	_ =	swait.ge [sflag:s15], $0x2800  }
0xc9: {  	[sflag:s15] =	ssyncset.done $0x0  }
0xca: {  	[sflag:s15] =	ssyncadd.s32 $0xFFFFD800  }
0xcb: {  	_ =	swait.ge [sflag:s16], $0x2800  }
0xcc: {  	[sflag:s16] =	ssyncset.done $0x0  }
0xcd: {  	[sflag:s16] =	ssyncadd.s32 $0xFFFFD800  }
0xce: {  	_ =	swait.ge [sflag:s23], $0x200  }
.Ltmp4:
0xcf: {  	[sflag:s23] =	ssyncset.done $0x0;
	(pc) =	sbr.rel .LBB2_4-.Ltmp4, $4  }
0xd0: {  	[sflag:s23] =	ssyncadd.s32 $0xFFFFFE00  }
0xd1: {  	[tilespmem:s25], [sflag:$0x1] =	stream.indirect.gather [hbm4b:s1+s24], $0x80, s4, s24, $0xb8;
	[tilespmem:$0x1E400] =	vst v63  }
0xd2: {  	s29 =	simm.s32 $0x80;
	s31 =	sadd.s32 $0x100, s31  }
0xd3: {  	[tilespmem:s28], [sflag:$0x2] =	stream.indirect.gather [hbm4b:s1+s24], $0x80, s29, s24, $0xb8;
	[tilespmem:$0x1E400] =	vst v63  }
.LBB2_7:
0xd4: {  	_ =	sfence.sel $0x180000  }
0xd5: {  	[bflag:$0x0] =	sbarrier.arrive $0xFFFF  }
0xd6: {  	_ =	strace $0x9000004D  }
0xd7: {  	s0 =	stileid.u32;
	[bflag:$0x2] =	sbarrier.arrive $0xFFFF  }
0xd8: {  	p0 =	sne.s32 s0, $0x0;
	s0 =	rddreg [dreg:$0x3]  }
0xd9: {  	s0 =	sadd.s32 @!p0 $0x100000, s0  }
0xda: {  	[sflag:s0] =	ssyncadd.tile.s32 @!p0 $0x1;
	_ =	shalt  }
.Lfunc_end2:
_tile_overlayer_lowered:
.L_overlay_start_2:
0xdb: {  	(tag) =	ssettag $0x2  }
0xdc: {  	s0 =	rddreg [dreg:$0x0];
	s2 =	stileid.u32  }
0xdd: {  	s1 =	rddreg [dreg:$0x1];
	p0 =	sne.s32 s2, $0x0  }
0xde: {  	s3 =	rddreg [dreg:$0x2];
	[bflag:$0x3] =	sbarrier.arrive $0xFFFF;
	s2 =	simm.s32 @!p0 $0x1C0E  }
0xdf: {  	[timem:s3], [sflag:s2] =	dma.local @!p0 [hbm:s0], s1  }
0xe0: {  	s0 =	simm.s32 @!p0 $0xE  }
0xe1: {  	_ =	swait.ge @!p0 [sflag:s0], s1  }
0xe2: {  	s1 =	ssub.s32 @!p0 $0x0, s1;
	[sflag:s0] =	ssyncset.done @!p0 $0x0  }
0xe3: {  	[sflag:s0] =	ssyncadd.s32 @!p0 s1  }
0xe4: {  	[bflag:$0x3] =	sbarrier.arrive $0xFFFF  }
0xe5: {  	_ =	shalt  }

</sc_bundles>
